<compile_context>
chip_gen: v7x
topology: tpu7x:2x2x1
jax: 0.10.2.dev20260603
libtpu: 0.0.44.dev20260713+nightly
codegen_flags: <defaults>
</compile_context>

<pallas_src>
import functools

import jax
import jax.numpy as jnp
from jax import lax
from jax.experimental import pallas as pl
from jax.experimental.pallas import tpu as pltpu
from jax.experimental.pallas import tpu_sc as plsc

_NC = 2
_NS = 16
_NW = _NC * _NS

_F32 = jnp.float32


_BF16 = jnp.bfloat16


def _proj_body(nf_ref, w1_ref, b1_ref, w2_ref, b2_ref, o_ref):
    x = jnp.dot(nf_ref[...].astype(_BF16), w1_ref[...],
                preferred_element_type=_F32)
    x = jnp.maximum(x + b1_ref[...], 0.0)
    o_ref[...] = jnp.dot(x.astype(_BF16), w2_ref[...],
                         preferred_element_type=_F32) + b2_ref[...]


def _edge1_body(ef_ref, we1_ref, be1_ref, o_ref):
    x = jnp.dot(ef_ref[...].astype(_BF16), we1_ref[...],
                preferred_element_type=_F32)
    o_ref[...] = jnp.maximum(x + be1_ref[...], 0.0)


def _msg_body(h_dim, a_ref, hs_ref, we2_ref, be2_ref, o_ref):
    ew = jnp.dot(a_ref[...].astype(_BF16), we2_ref[...],
                 preferred_element_type=_F32) + be2_ref[...]
    ew = ew.astype(_BF16).astype(_F32)
    hs = hs_ref[...].astype(_BF16).astype(_F32)
    accs = [None] * 4
    for i in range(h_dim):
        t = hs[:, i : i + 1] * ew[:, i * h_dim : (i + 1) * h_dim]
        r = i % 4
        accs[r] = t if accs[r] is None else accs[r] + t
    o_ref[...] = (accs[0] + accs[1]) + (accs[2] + accs[3])


def _gru_body(agg2_ref, cb_ref, hid_ref, wi_ref, bi_ref, wh_ref, bh_ref, o_ref):
    node = jnp.maximum(agg2_ref[0] + agg2_ref[1] + cb_ref[...], 0.0)
    hid = hid_ref[...]
    nb = node.astype(_BF16)
    hb = hid.astype(_BF16)
    gi_r = jnp.dot(nb, wi_ref[0], preferred_element_type=_F32) + bi_ref[0]
    gi_z = jnp.dot(nb, wi_ref[1], preferred_element_type=_F32) + bi_ref[1]
    gi_n = jnp.dot(nb, wi_ref[2], preferred_element_type=_F32) + bi_ref[2]
    gh_r = jnp.dot(hb, wh_ref[0], preferred_element_type=_F32) + bh_ref[0]
    gh_z = jnp.dot(hb, wh_ref[1], preferred_element_type=_F32) + bh_ref[1]
    gh_n = jnp.dot(hb, wh_ref[2], preferred_element_type=_F32) + bh_ref[2]
    r = jax.nn.sigmoid(gi_r + gh_r)
    z = jax.nn.sigmoid(gi_z + gh_z)
    n = jnp.tanh(gi_n + r * gh_n)
    o_ref[...] = (1.0 - z) * n + z * hid


def _gather_body(chunk, nchunk, h_hbm, src_hbm, out_hbm, idx_v, rows_v, sem):
    c = lax.axis_index("c")
    s = lax.axis_index("s")
    wid = s * _NC + c
    base = wid * (chunk * nchunk)
    for j in range(nchunk):
        off = base + j * chunk
        pltpu.sync_copy(src_hbm.at[pl.ds(off, chunk)], idx_v)
        pltpu.async_copy(h_hbm.at[idx_v], rows_v, sem).wait()
        pltpu.sync_copy(rows_v, out_hbm.at[pl.ds(off, chunk)])


def _scatter_body(chunk, nchunk, msg_hbm, dst_hbm, zero_hbm, out_hbm,
                  idx_v, rows_v, acc_sh):
    c = lax.axis_index("c")
    s = lax.axis_index("s")
    base = (c * _NS + s) * (chunk * nchunk)

    @pl.when(s == 0)
    def _zero():
        pltpu.sync_copy(zero_hbm, acc_sh)

    plsc.subcore_barrier()
    for j in range(nchunk):
        off = base + j * chunk
        pltpu.sync_copy(dst_hbm.at[pl.ds(off, chunk)], idx_v)
        pltpu.sync_copy(msg_hbm.at[pl.ds(off, chunk)], rows_v)
        pltpu.sync_copy(rows_v, acc_sh.at[idx_v], add=True)
    plsc.subcore_barrier()

    @pl.when(s == 0)
    def _flush():
        pltpu.sync_copy(acc_sh, out_hbm.at[c])


def kernel(node_feats, edge_feats, edge_index, W1, b1, W2, b2,
           We1, be1, We2, be2, conv_b, Wih, bih, Whh, bhh):
    n_nodes, node_in = node_feats.shape
    n_edges, edge_in = edge_feats.shape
    eh = We1.shape[1]
    h_dim = W1.shape[1]
    steps = 3

    src = edge_index[0]
    dst = edge_index[1]

    W1b = W1.astype(_BF16)
    W2b = W2.astype(_BF16)
    We1b = We1.astype(_BF16)
    We2b = We2.astype(_BF16)
    be2r = be2.reshape(1, h_dim * h_dim)
    b1r = b1.reshape(1, h_dim)
    b2r = b2.reshape(1, h_dim)
    be1r = be1.reshape(1, eh)
    cbr = conv_b.reshape(1, h_dim)
    Wi3 = Wih.reshape(h_dim, 3, h_dim).transpose(1, 0, 2).astype(_BF16)
    Wh3 = Whh.reshape(h_dim, 3, h_dim).transpose(1, 0, 2).astype(_BF16)
    bi3 = bih.reshape(3, 1, h_dim)
    bh3 = bhh.reshape(3, 1, h_dim)
    zeros_nh = jnp.zeros((n_nodes, h_dim), _F32)

    proj = pl.pallas_call(
        _proj_body,
        out_shape=jax.ShapeDtypeStruct((n_nodes, h_dim), _F32),
    )

    ba = 8000
    edge1 = pl.pallas_call(
        _edge1_body,
        grid=(n_edges // ba,),
        in_specs=[
            pl.BlockSpec((ba, edge_in), lambda i: (i, 0)),
            pl.BlockSpec((edge_in, eh), lambda i: (0, 0)),
            pl.BlockSpec((1, eh), lambda i: (0, 0)),
        ],
        out_specs=pl.BlockSpec((ba, eh), lambda i: (i, 0)),
        out_shape=jax.ShapeDtypeStruct((n_edges, eh), _F32),
    )

    bm = 2000
    msgk = pl.pallas_call(
        functools.partial(_msg_body, h_dim),
        grid=(n_edges // bm,),
        in_specs=[
            pl.BlockSpec((bm, eh), lambda i: (i, 0)),
            pl.BlockSpec((bm, h_dim), lambda i: (i, 0)),
            pl.BlockSpec((eh, h_dim * h_dim), lambda i: (0, 0)),
            pl.BlockSpec((1, h_dim * h_dim), lambda i: (0, 0)),
        ],
        out_specs=pl.BlockSpec((bm, h_dim), lambda i: (i, 0)),
        out_shape=jax.ShapeDtypeStruct((n_edges, h_dim), _F32),
    )

    gru = pl.pallas_call(
        _gru_body,
        out_shape=jax.ShapeDtypeStruct((n_nodes, h_dim), _F32),
    )

    chunk = 1000
    nchunk = n_edges // (_NW * chunk)
    mesh = plsc.VectorSubcoreMesh(core_axis_name="c", subcore_axis_name="s")
    sc_params = pltpu.CompilerParams(use_tc_tiling_on_sc=False)
    gather = pl.kernel(
        functools.partial(_gather_body, chunk, nchunk),
        out_type=jax.ShapeDtypeStruct((n_edges, h_dim), _F32),
        mesh=mesh,
        compiler_params=sc_params,
        scratch_types=[
            pltpu.VMEM((chunk,), jnp.int32),
            pltpu.VMEM((chunk, h_dim), _F32),
            pltpu.SemaphoreType.DMA,
        ],
    )

    scatter = pl.kernel(
        functools.partial(_scatter_body, chunk, nchunk),
        out_type=jax.ShapeDtypeStruct((_NC, n_nodes, h_dim), _F32),
        mesh=mesh,
        compiler_params=sc_params,
        scratch_types=[
            pltpu.VMEM((chunk,), jnp.int32),
            pltpu.VMEM((chunk, h_dim), _F32),
            pltpu.VMEM_SHARED((n_nodes, h_dim), _F32),
        ],
    )

    h = proj(node_feats, W1b, b1r, W2b, b2r)
    a = edge1(edge_feats, We1b, be1r)
    hidden = h
    for _ in range(steps):
        hs = gather(h, src)
        msg = msgk(a, hs, We2b, be2r)
        agg2 = scatter(msg, dst, zeros_nh)
        hidden = gru(agg2, cbr, hidden, Wi3, bi3, Wh3, bh3)
        h = hidden
    return h

# --- scband reference (transcript-rebuilt; emitter-appended) ---
"""Pipeline reference for scband-mpnngnn-41412074668361 (READ-ONLY COPY).

The authoritative reference and input builder live on the scoring server;
editing this copy changes nothing except your own understanding.
"""

import jax, jax.numpy as jnp
import numpy as np

N = 10000
E = 160000
NODE_IN = 128
EDGE_IN = 16
H = 32
EH = 128
STEPS = 3


def _lin(key, fan_in, fan_out):
    return (jax.random.normal(key, (fan_in, fan_out), dtype=jnp.float32) / np.sqrt(fan_in)).astype(jnp.float32)


def setup_inputs(seed: int = 0) -> dict:
    key = jax.random.key(seed)
    ks = jax.random.split(key, 16)
    inp = {}
    inp["node_feats"] = jax.random.normal(ks[0], (N, NODE_IN), dtype=jnp.float32)
    inp["edge_feats"] = jax.random.normal(ks[1], (E, EDGE_IN), dtype=jnp.float32)
    inp["edge_index"] = jax.random.randint(ks[2], (2, E), 0, N, dtype=jnp.int32)
    # project_node_feats: Linear(NODE_IN,H) -> ReLU -> Linear(H,H)
    inp["W1"] = _lin(ks[3], NODE_IN, H)
    inp["b1"] = jnp.zeros((H,), jnp.float32)
    inp["W2"] = _lin(ks[4], H, H)
    inp["b2"] = jnp.zeros((H,), jnp.float32)
    # edge network: Linear(EDGE_IN,EH) -> ReLU -> Linear(EH, H*H)
    inp["We1"] = _lin(ks[5], EDGE_IN, EH)
    inp["be1"] = jnp.zeros((EH,), jnp.float32)
    inp["We2"] = _lin(ks[6], EH, H * H)
    inp["be2"] = jnp.zeros((H * H,), jnp.float32)
    # NNConv bias
    inp["conv_b"] = jnp.zeros((H,), jnp.float32)
    # GRU params (PyTorch layout; gates ordered r,z,n), stored transposed for x @ W
    inp["Wih"] = _lin(ks[7], H, 3 * H)
    inp["bih"] = jnp.zeros((3 * H,), jnp.float32)
    inp["Whh"] = _lin(ks[8], H, 3 * H)
    inp["bhh"] = jnp.zeros((3 * H,), jnp.float32)
    return inp


def reference(node_feats, edge_feats, edge_index, W1, b1, W2, b2, We1, be1, We2, be2, conv_b, Wih, bih, Whh, bhh):
    src = edge_index[0]
    dst = edge_index[1]
    # project node feats
    h = jax.nn.relu(node_feats @ W1 + b1) @ W2 + b2
    hidden = h
    for _ in range(STEPS):
        # NNConv: per-edge weight matrix from edge network
        ew = jax.nn.relu(edge_feats @ We1 + be1) @ We2 + be2
        ew = ew.reshape(E, H, H)
        msg = jnp.einsum('eh,eho->eo', h[src], ew)
        agg = jax.ops.segment_sum(msg, dst, num_segments=N) + conv_b
        node = jax.nn.relu(agg)
        # single GRU step (seq_len=1), PyTorch gate math
        gi = node @ Wih + bih
        gh = hidden @ Whh + bhh
        i_r, i_z, i_n = jnp.split(gi, 3, axis=-1)
        h_r, h_z, h_n = jnp.split(gh, 3, axis=-1)
        r = jax.nn.sigmoid(i_r + h_r)
        z = jax.nn.sigmoid(i_z + h_z)
        n = jnp.tanh(i_n + r * h_n)
        hidden = (1.0 - z) * n + z * hidden
        h = hidden
    return h

if __name__ == "__main__":
    import jax
    _d = setup_inputs()
    print(jax.jit(kernel)(*tuple(_d.values())))

</pallas_src>

<mosaic_0001>
#map = affine_map<(d0, d1) -> (0, 0)>
#map1 = affine_map<(d0, d1) -> (0)>
module attributes {stable_mosaic.version = 14 : i64} {
  func.func @_gather_body(%arg0: i32, %arg1: i32, %arg2: memref<10000x32xf32, #tpu.memory_space<hbm>>, %arg3: memref<160000xi32, #tpu.memory_space<hbm>>, %arg4: memref<160000x32xf32, #tpu.memory_space<hbm>>, %arg5: memref<1000xi32, #tpu.memory_space<vmem>>, %arg6: memref<1000x32xf32, #tpu.memory_space<vmem>>, %arg7: memref<!tpu.dma_semaphore, #tpu.memory_space<semaphore_mem>>) attributes {dimension_semantics = [#tpu.dimension_semantics<core_parallel>, #tpu.dimension_semantics<subcore_parallel>], iteration_bounds = array<i64: 2, 16>, scalar_prefetch = 0 : i64, scratch_operands = 3 : i64, tpu.core_type = #tpu.core_type<sc_vector_subcore>, window_params = [{transform_indices = #map}, {transform_indices = #map1}, {transform_indices = #map}]} {
    %mul3A = arith.constant 2 : i32
    %mul3A_0 = arith.muli %arg1, %mul3A : i32
    %add3A = arith.addi %mul3A_0, %arg0 : i32
    %mul3A_1 = arith.constant 5000 : i32
    %mul3A_2 = arith.muli %add3A, %mul3A_1 : i32
    %add3A_3 = arith.constant 0 : i32
    %add3A_4 = arith.addi %mul3A_2, %add3A_3 : i32
    "tpu.region"() ({
      %run_scoped3A = tpu.sem_alloc : memref<!tpu.dma_semaphore, #tpu.memory_space<semaphore_mem>>
      %dma_start3A_41 = tpu.memref_slice %arg3[%add3A_4] : memref<160000xi32, #tpu.memory_space<hbm>> -> memref<1000xi32, #tpu.memory_space<hbm>>
      %dma_start3A_42 = tpu.memref_slice %arg3[%add3A_4] : memref<160000xi32, #tpu.memory_space<hbm>> -> memref<1000xi32, #tpu.memory_space<hbm>>
      tpu.enqueue_dma source(%dma_start3A_42 : memref<1000xi32, #tpu.memory_space<hbm>>) target(%arg5 : memref<1000xi32, #tpu.memory_space<vmem>>) target_semaphore(%run_scoped3A : memref<!tpu.dma_semaphore, #tpu.memory_space<semaphore_mem>>)
      %dma_wait3A_43 = tpu.memref_slice %arg3[%add3A_4] : memref<160000xi32, #tpu.memory_space<hbm>> -> memref<1000xi32, #tpu.memory_space<hbm>>
      %dma_wait3A_44 = tpu.memref_slice %arg3[%add3A_4] : memref<160000xi32, #tpu.memory_space<hbm>> -> memref<1000xi32, #tpu.memory_space<hbm>>
      tpu.wait_dma2 semaphore(%run_scoped3A : memref<!tpu.dma_semaphore, #tpu.memory_space<semaphore_mem>>) src(%dma_wait3A_44 : memref<1000xi32, #tpu.memory_space<hbm>>) dst(%arg5 : memref<1000xi32, #tpu.memory_space<vmem>>)
      tpu.yield
    }) : () -> ()
    %dma_start3A = arith.constant 0 : i32
    %dma_start3A_5 = arith.constant 0 : i32
    %dma_start3A_6 = tpu.memref_slice %arg2[%dma_start3A, %dma_start3A_5] : memref<10000x32xf32, #tpu.memory_space<hbm>> -> memref<10000x32xf32, #tpu.memory_space<hbm>>
    tpu.enqueue_indirect_dma source(%dma_start3A_6 : memref<10000x32xf32, #tpu.memory_space<hbm>>) target(%arg6 : memref<1000x32xf32, #tpu.memory_space<vmem>>) offsets(%arg5 : memref<1000xi32, #tpu.memory_space<vmem>>) semaphore(%arg7 : memref<!tpu.dma_semaphore, #tpu.memory_space<semaphore_mem>>)
    %dma_wait3A = arith.constant 0 : i32
    %dma_wait3A_7 = arith.constant 0 : i32
    %dma_wait3A_8 = tpu.memref_slice %arg2[%dma_wait3A, %dma_wait3A_7] : memref<10000x32xf32, #tpu.memory_space<hbm>> -> memref<10000x32xf32, #tpu.memory_space<hbm>>
    tpu.wait_indirect_dma semaphore(%arg7 : memref<!tpu.dma_semaphore, #tpu.memory_space<semaphore_mem>>) src(%dma_wait3A_8 : memref<10000x32xf32, #tpu.memory_space<hbm>>) dst(%arg6 : memref<1000x32xf32, #tpu.memory_space<vmem>>)
    "tpu.region"() ({
      %run_scoped3A = tpu.sem_alloc : memref<!tpu.dma_semaphore, #tpu.memory_space<semaphore_mem>>
      %dma_start3A_41 = arith.constant 0 : i32
      %dma_start3A_42 = tpu.memref_slice %arg4[%add3A_4, %dma_start3A_41] : memref<160000x32xf32, #tpu.memory_space<hbm>> -> memref<1000x32xf32, #tpu.memory_space<hbm>>
      %dma_start3A_43 = arith.constant 0 : i32
      %dma_start3A_44 = tpu.memref_slice %arg4[%add3A_4, %dma_start3A_43] : memref<160000x32xf32, #tpu.memory_space<hbm>> -> memref<1000x32xf32, #tpu.memory_space<hbm>>
      tpu.enqueue_dma source(%arg6 : memref<1000x32xf32, #tpu.memory_space<vmem>>) target(%dma_start3A_44 : memref<1000x32xf32, #tpu.memory_space<hbm>>) target_semaphore(%run_scoped3A : memref<!tpu.dma_semaphore, #tpu.memory_space<semaphore_mem>>)
      %dma_wait3A_45 = arith.constant 0 : i32
      %dma_wait3A_46 = tpu.memref_slice %arg4[%add3A_4, %dma_wait3A_45] : memref<160000x32xf32, #tpu.memory_space<hbm>> -> memref<1000x32xf32, #tpu.memory_space<hbm>>
      %dma_wait3A_47 = arith.constant 0 : i32
      %dma_wait3A_48 = tpu.memref_slice %arg4[%add3A_4, %dma_wait3A_47] : memref<160000x32xf32, #tpu.memory_space<hbm>> -> memref<1000x32xf32, #tpu.memory_space<hbm>>
      tpu.wait_dma2 semaphore(%run_scoped3A : memref<!tpu.dma_semaphore, #tpu.memory_space<semaphore_mem>>) src(%arg6 : memref<1000x32xf32, #tpu.memory_space<vmem>>) dst(%dma_wait3A_48 : memref<1000x32xf32, #tpu.memory_space<hbm>>)
      tpu.yield
    }) : () -> ()
    %add3A_9 = arith.constant 1000 : i32
    %add3A_10 = arith.addi %mul3A_2, %add3A_9 : i32
    "tpu.region"() ({
      %run_scoped3A = tpu.sem_alloc : memref<!tpu.dma_semaphore, #tpu.memory_space<semaphore_mem>>
      %dma_start3A_41 = tpu.memref_slice %arg3[%add3A_10] : memref<160000xi32, #tpu.memory_space<hbm>> -> memref<1000xi32, #tpu.memory_space<hbm>>
      %dma_start3A_42 = tpu.memref_slice %arg3[%add3A_10] : memref<160000xi32, #tpu.memory_space<hbm>> -> memref<1000xi32, #tpu.memory_space<hbm>>
      tpu.enqueue_dma source(%dma_start3A_42 : memref<1000xi32, #tpu.memory_space<hbm>>) target(%arg5 : memref<1000xi32, #tpu.memory_space<vmem>>) target_semaphore(%run_scoped3A : memref<!tpu.dma_semaphore, #tpu.memory_space<semaphore_mem>>)
      %dma_wait3A_43 = tpu.memref_slice %arg3[%add3A_10] : memref<160000xi32, #tpu.memory_space<hbm>> -> memref<1000xi32, #tpu.memory_space<hbm>>
      %dma_wait3A_44 = tpu.memref_slice %arg3[%add3A_10] : memref<160000xi32, #tpu.memory_space<hbm>> -> memref<1000xi32, #tpu.memory_space<hbm>>
      tpu.wait_dma2 semaphore(%run_scoped3A : memref<!tpu.dma_semaphore, #tpu.memory_space<semaphore_mem>>) src(%dma_wait3A_44 : memref<1000xi32, #tpu.memory_space<hbm>>) dst(%arg5 : memref<1000xi32, #tpu.memory_space<vmem>>)
      tpu.yield
    }) : () -> ()
    %dma_start3A_11 = arith.constant 0 : i32
    %dma_start3A_12 = arith.constant 0 : i32
    %dma_start3A_13 = tpu.memref_slice %arg2[%dma_start3A_11, %dma_start3A_12] : memref<10000x32xf32, #tpu.memory_space<hbm>> -> memref<10000x32xf32, #tpu.memory_space<hbm>>
    tpu.enqueue_indirect_dma source(%dma_start3A_13 : memref<10000x32xf32, #tpu.memory_space<hbm>>) target(%arg6 : memref<1000x32xf32, #tpu.memory_space<vmem>>) offsets(%arg5 : memref<1000xi32, #tpu.memory_space<vmem>>) semaphore(%arg7 : memref<!tpu.dma_semaphore, #tpu.memory_space<semaphore_mem>>)
    %dma_wait3A_14 = arith.constant 0 : i32
    %dma_wait3A_15 = arith.constant 0 : i32
    %dma_wait3A_16 = tpu.memref_slice %arg2[%dma_wait3A_14, %dma_wait3A_15] : memref<10000x32xf32, #tpu.memory_space<hbm>> -> memref<10000x32xf32, #tpu.memory_space<hbm>>
    tpu.wait_indirect_dma semaphore(%arg7 : memref<!tpu.dma_semaphore, #tpu.memory_space<semaphore_mem>>) src(%dma_wait3A_16 : memref<10000x32xf32, #tpu.memory_space<hbm>>) dst(%arg6 : memref<1000x32xf32, #tpu.memory_space<vmem>>)
    "tpu.region"() ({
      %run_scoped3A = tpu.sem_alloc : memref<!tpu.dma_semaphore, #tpu.memory_space<semaphore_mem>>
      %dma_start3A_41 = arith.constant 0 : i32
      %dma_start3A_42 = tpu.memref_slice %arg4[%add3A_10, %dma_start3A_41] : memref<160000x32xf32, #tpu.memory_space<hbm>> -> memref<1000x32xf32, #tpu.memory_space<hbm>>
      %dma_start3A_43 = arith.constant 0 : i32
      %dma_start3A_44 = tpu.memref_slice %arg4[%add3A_10, %dma_start3A_43] : memref<160000x32xf32, #tpu.memory_space<hbm>> -> memref<1000x32xf32, #tpu.memory_space<hbm>>
      tpu.enqueue_dma source(%arg6 : memref<1000x32xf32, #tpu.memory_space<vmem>>) target(%dma_start3A_44 : memref<1000x32xf32, #tpu.memory_space<hbm>>) target_semaphore(%run_scoped3A : memref<!tpu.dma_semaphore, #tpu.memory_space<semaphore_mem>>)
      %dma_wait3A_45 = arith.constant 0 : i32
      %dma_wait3A_46 = tpu.memref_slice %arg4[%add3A_10, %dma_wait3A_45] : memref<160000x32xf32, #tpu.memory_space<hbm>> -> memref<1000x32xf32, #tpu.memory_space<hbm>>
      %dma_wait3A_47 = arith.constant 0 : i32
      %dma_wait3A_48 = tpu.memref_slice %arg4[%add3A_10, %dma_wait3A_47] : memref<160000x32xf32, #tpu.memory_space<hbm>> -> memref<1000x32xf32, #tpu.memory_space<hbm>>
      tpu.wait_dma2 semaphore(%run_scoped3A : memref<!tpu.dma_semaphore, #tpu.memory_space<semaphore_mem>>) src(%arg6 : memref<1000x32xf32, #tpu.memory_space<vmem>>) dst(%dma_wait3A_48 : memref<1000x32xf32, #tpu.memory_space<hbm>>)
      tpu.yield
    }) : () -> ()
    %add3A_17 = arith.constant 2000 : i32
    %add3A_18 = arith.addi %mul3A_2, %add3A_17 : i32
    "tpu.region"() ({
      %run_scoped3A = tpu.sem_alloc : memref<!tpu.dma_semaphore, #tpu.memory_space<semaphore_mem>>
      %dma_start3A_41 = tpu.memref_slice %arg3[%add3A_18] : memref<160000xi32, #tpu.memory_space<hbm>> -> memref<1000xi32, #tpu.memory_space<hbm>>
      %dma_start3A_42 = tpu.memref_slice %arg3[%add3A_18] : memref<160000xi32, #tpu.memory_space<hbm>> -> memref<1000xi32, #tpu.memory_space<hbm>>
      tpu.enqueue_dma source(%dma_start3A_42 : memref<1000xi32, #tpu.memory_space<hbm>>) target(%arg5 : memref<1000xi32, #tpu.memory_space<vmem>>) target_semaphore(%run_scoped3A : memref<!tpu.dma_semaphore, #tpu.memory_space<semaphore_mem>>)
      %dma_wait3A_43 = tpu.memref_slice %arg3[%add3A_18] : memref<160000xi32, #tpu.memory_space<hbm>> -> memref<1000xi32, #tpu.memory_space<hbm>>
      %dma_wait3A_44 = tpu.memref_slice %arg3[%add3A_18] : memref<160000xi32, #tpu.memory_space<hbm>> -> memref<1000xi32, #tpu.memory_space<hbm>>
      tpu.wait_dma2 semaphore(%run_scoped3A : memref<!tpu.dma_semaphore, #tpu.memory_space<semaphore_mem>>) src(%dma_wait3A_44 : memref<1000xi32, #tpu.memory_space<hbm>>) dst(%arg5 : memref<1000xi32, #tpu.memory_space<vmem>>)
      tpu.yield
    }) : () -> ()
    %dma_start3A_19 = arith.constant 0 : i32
    %dma_start3A_20 = arith.constant 0 : i32
    %dma_start3A_21 = tpu.memref_slice %arg2[%dma_start3A_19, %dma_start3A_20] : memref<10000x32xf32, #tpu.memory_space<hbm>> -> memref<10000x32xf32, #tpu.memory_space<hbm>>
    tpu.enqueue_indirect_dma source(%dma_start3A_21 : memref<10000x32xf32, #tpu.memory_space<hbm>>) target(%arg6 : memref<1000x32xf32, #tpu.memory_space<vmem>>) offsets(%arg5 : memref<1000xi32, #tpu.memory_space<vmem>>) semaphore(%arg7 : memref<!tpu.dma_semaphore, #tpu.memory_space<semaphore_mem>>)
    %dma_wait3A_22 = arith.constant 0 : i32
    %dma_wait3A_23 = arith.constant 0 : i32
    %dma_wait3A_24 = tpu.memref_slice %arg2[%dma_wait3A_22, %dma_wait3A_23] : memref<10000x32xf32, #tpu.memory_space<hbm>> -> memref<10000x32xf32, #tpu.memory_space<hbm>>
    tpu.wait_indirect_dma semaphore(%arg7 : memref<!tpu.dma_semaphore, #tpu.memory_space<semaphore_mem>>) src(%dma_wait3A_24 : memref<10000x32xf32, #tpu.memory_space<hbm>>) dst(%arg6 : memref<1000x32xf32, #tpu.memory_space<vmem>>)
    "tpu.region"() ({
      %run_scoped3A = tpu.sem_alloc : memref<!tpu.dma_semaphore, #tpu.memory_space<semaphore_mem>>
      %dma_start3A_41 = arith.constant 0 : i32
      %dma_start3A_42 = tpu.memref_slice %arg4[%add3A_18, %dma_start3A_41] : memref<160000x32xf32, #tpu.memory_space<hbm>> -> memref<1000x32xf32, #tpu.memory_space<hbm>>
      %dma_start3A_43 = arith.constant 0 : i32
      %dma_start3A_44 = tpu.memref_slice %arg4[%add3A_18, %dma_start3A_43] : memref<160000x32xf32, #tpu.memory_space<hbm>> -> memref<1000x32xf32, #tpu.memory_space<hbm>>
      tpu.enqueue_dma source(%arg6 : memref<1000x32xf32, #tpu.memory_space<vmem>>) target(%dma_start3A_44 : memref<1000x32xf32, #tpu.memory_space<hbm>>) target_semaphore(%run_scoped3A : memref<!tpu.dma_semaphore, #tpu.memory_space<semaphore_mem>>)
      %dma_wait3A_45 = arith.constant 0 : i32
      %dma_wait3A_46 = tpu.memref_slice %arg4[%add3A_18, %dma_wait3A_45] : memref<160000x32xf32, #tpu.memory_space<hbm>> -> memref<1000x32xf32, #tpu.memory_space<hbm>>
      %dma_wait3A_47 = arith.constant 0 : i32
      %dma_wait3A_48 = tpu.memref_slice %arg4[%add3A_18, %dma_wait3A_47] : memref<160000x32xf32, #tpu.memory_space<hbm>> -> memref<1000x32xf32, #tpu.memory_space<hbm>>
      tpu.wait_dma2 semaphore(%run_scoped3A : memref<!tpu.dma_semaphore, #tpu.memory_space<semaphore_mem>>) src(%arg6 : memref<1000x32xf32, #tpu.memory_space<vmem>>) dst(%dma_wait3A_48 : memref<1000x32xf32, #tpu.memory_space<hbm>>)
      tpu.yield
    }) : () -> ()
    %add3A_25 = arith.constant 3000 : i32
    %add3A_26 = arith.addi %mul3A_2, %add3A_25 : i32
    "tpu.region"() ({
      %run_scoped3A = tpu.sem_alloc : memref<!tpu.dma_semaphore, #tpu.memory_space<semaphore_mem>>
      %dma_start3A_41 = tpu.memref_slice %arg3[%add3A_26] : memref<160000xi32, #tpu.memory_space<hbm>> -> memref<1000xi32, #tpu.memory_space<hbm>>
      %dma_start3A_42 = tpu.memref_slice %arg3[%add3A_26] : memref<160000xi32, #tpu.memory_space<hbm>> -> memref<1000xi32, #tpu.memory_space<hbm>>
      tpu.enqueue_dma source(%dma_start3A_42 : memref<1000xi32, #tpu.memory_space<hbm>>) target(%arg5 : memref<1000xi32, #tpu.memory_space<vmem>>) target_semaphore(%run_scoped3A : memref<!tpu.dma_semaphore, #tpu.memory_space<semaphore_mem>>)
      %dma_wait3A_43 = tpu.memref_slice %arg3[%add3A_26] : memref<160000xi32, #tpu.memory_space<hbm>> -> memref<1000xi32, #tpu.memory_space<hbm>>
      %dma_wait3A_44 = tpu.memref_slice %arg3[%add3A_26] : memref<160000xi32, #tpu.memory_space<hbm>> -> memref<1000xi32, #tpu.memory_space<hbm>>
      tpu.wait_dma2 semaphore(%run_scoped3A : memref<!tpu.dma_semaphore, #tpu.memory_space<semaphore_mem>>) src(%dma_wait3A_44 : memref<1000xi32, #tpu.memory_space<hbm>>) dst(%arg5 : memref<1000xi32, #tpu.memory_space<vmem>>)
      tpu.yield
    }) : () -> ()
    %dma_start3A_27 = arith.constant 0 : i32
    %dma_start3A_28 = arith.constant 0 : i32
    %dma_start3A_29 = tpu.memref_slice %arg2[%dma_start3A_27, %dma_start3A_28] : memref<10000x32xf32, #tpu.memory_space<hbm>> -> memref<10000x32xf32, #tpu.memory_space<hbm>>
    tpu.enqueue_indirect_dma source(%dma_start3A_29 : memref<10000x32xf32, #tpu.memory_space<hbm>>) target(%arg6 : memref<1000x32xf32, #tpu.memory_space<vmem>>) offsets(%arg5 : memref<1000xi32, #tpu.memory_space<vmem>>) semaphore(%arg7 : memref<!tpu.dma_semaphore, #tpu.memory_space<semaphore_mem>>)
    %dma_wait3A_30 = arith.constant 0 : i32
    %dma_wait3A_31 = arith.constant 0 : i32
    %dma_wait3A_32 = tpu.memref_slice %arg2[%dma_wait3A_30, %dma_wait3A_31] : memref<10000x32xf32, #tpu.memory_space<hbm>> -> memref<10000x32xf32, #tpu.memory_space<hbm>>
    tpu.wait_indirect_dma semaphore(%arg7 : memref<!tpu.dma_semaphore, #tpu.memory_space<semaphore_mem>>) src(%dma_wait3A_32 : memref<10000x32xf32, #tpu.memory_space<hbm>>) dst(%arg6 : memref<1000x32xf32, #tpu.memory_space<vmem>>)
    "tpu.region"() ({
      %run_scoped3A = tpu.sem_alloc : memref<!tpu.dma_semaphore, #tpu.memory_space<semaphore_mem>>
      %dma_start3A_41 = arith.constant 0 : i32
      %dma_start3A_42 = tpu.memref_slice %arg4[%add3A_26, %dma_start3A_41] : memref<160000x32xf32, #tpu.memory_space<hbm>> -> memref<1000x32xf32, #tpu.memory_space<hbm>>
      %dma_start3A_43 = arith.constant 0 : i32
      %dma_start3A_44 = tpu.memref_slice %arg4[%add3A_26, %dma_start3A_43] : memref<160000x32xf32, #tpu.memory_space<hbm>> -> memref<1000x32xf32, #tpu.memory_space<hbm>>
      tpu.enqueue_dma source(%arg6 : memref<1000x32xf32, #tpu.memory_space<vmem>>) target(%dma_start3A_44 : memref<1000x32xf32, #tpu.memory_space<hbm>>) target_semaphore(%run_scoped3A : memref<!tpu.dma_semaphore, #tpu.memory_space<semaphore_mem>>)
      %dma_wait3A_45 = arith.constant 0 : i32
      %dma_wait3A_46 = tpu.memref_slice %arg4[%add3A_26, %dma_wait3A_45] : memref<160000x32xf32, #tpu.memory_space<hbm>> -> memref<1000x32xf32, #tpu.memory_space<hbm>>
      %dma_wait3A_47 = arith.constant 0 : i32
      %dma_wait3A_48 = tpu.memref_slice %arg4[%add3A_26, %dma_wait3A_47] : memref<160000x32xf32, #tpu.memory_space<hbm>> -> memref<1000x32xf32, #tpu.memory_space<hbm>>
      tpu.wait_dma2 semaphore(%run_scoped3A : memref<!tpu.dma_semaphore, #tpu.memory_space<semaphore_mem>>) src(%arg6 : memref<1000x32xf32, #tpu.memory_space<vmem>>) dst(%dma_wait3A_48 : memref<1000x32xf32, #tpu.memory_space<hbm>>)
      tpu.yield
    }) : () -> ()
    %add3A_33 = arith.constant 4000 : i32
    %add3A_34 = arith.addi %mul3A_2, %add3A_33 : i32
    "tpu.region"() ({
      %run_scoped3A = tpu.sem_alloc : memref<!tpu.dma_semaphore, #tpu.memory_space<semaphore_mem>>
      %dma_start3A_41 = tpu.memref_slice %arg3[%add3A_34] : memref<160000xi32, #tpu.memory_space<hbm>> -> memref<1000xi32, #tpu.memory_space<hbm>>
      %dma_start3A_42 = tpu.memref_slice %arg3[%add3A_34] : memref<160000xi32, #tpu.memory_space<hbm>> -> memref<1000xi32, #tpu.memory_space<hbm>>
      tpu.enqueue_dma source(%dma_start3A_42 : memref<1000xi32, #tpu.memory_space<hbm>>) target(%arg5 : memref<1000xi32, #tpu.memory_space<vmem>>) target_semaphore(%run_scoped3A : memref<!tpu.dma_semaphore, #tpu.memory_space<semaphore_mem>>)
      %dma_wait3A_43 = tpu.memref_slice %arg3[%add3A_34] : memref<160000xi32, #tpu.memory_space<hbm>> -> memref<1000xi32, #tpu.memory_space<hbm>>
      %dma_wait3A_44 = tpu.memref_slice %arg3[%add3A_34] : memref<160000xi32, #tpu.memory_space<hbm>> -> memref<1000xi32, #tpu.memory_space<hbm>>
      tpu.wait_dma2 semaphore(%run_scoped3A : memref<!tpu.dma_semaphore, #tpu.memory_space<semaphore_mem>>) src(%dma_wait3A_44 : memref<1000xi32, #tpu.memory_space<hbm>>) dst(%arg5 : memref<1000xi32, #tpu.memory_space<vmem>>)
      tpu.yield
    }) : () -> ()
    %dma_start3A_35 = arith.constant 0 : i32
    %dma_start3A_36 = arith.constant 0 : i32
    %dma_start3A_37 = tpu.memref_slice %arg2[%dma_start3A_35, %dma_start3A_36] : memref<10000x32xf32, #tpu.memory_space<hbm>> -> memref<10000x32xf32, #tpu.memory_space<hbm>>
    tpu.enqueue_indirect_dma source(%dma_start3A_37 : memref<10000x32xf32, #tpu.memory_space<hbm>>) target(%arg6 : memref<1000x32xf32, #tpu.memory_space<vmem>>) offsets(%arg5 : memref<1000xi32, #tpu.memory_space<vmem>>) semaphore(%arg7 : memref<!tpu.dma_semaphore, #tpu.memory_space<semaphore_mem>>)
    %dma_wait3A_38 = arith.constant 0 : i32
    %dma_wait3A_39 = arith.constant 0 : i32
    %dma_wait3A_40 = tpu.memref_slice %arg2[%dma_wait3A_38, %dma_wait3A_39] : memref<10000x32xf32, #tpu.memory_space<hbm>> -> memref<10000x32xf32, #tpu.memory_space<hbm>>
    tpu.wait_indirect_dma semaphore(%arg7 : memref<!tpu.dma_semaphore, #tpu.memory_space<semaphore_mem>>) src(%dma_wait3A_40 : memref<10000x32xf32, #tpu.memory_space<hbm>>) dst(%arg6 : memref<1000x32xf32, #tpu.memory_space<vmem>>)
    "tpu.region"() ({
      %run_scoped3A = tpu.sem_alloc : memref<!tpu.dma_semaphore, #tpu.memory_space<semaphore_mem>>
      %dma_start3A_41 = arith.constant 0 : i32
      %dma_start3A_42 = tpu.memref_slice %arg4[%add3A_34, %dma_start3A_41] : memref<160000x32xf32, #tpu.memory_space<hbm>> -> memref<1000x32xf32, #tpu.memory_space<hbm>>
      %dma_start3A_43 = arith.constant 0 : i32
      %dma_start3A_44 = tpu.memref_slice %arg4[%add3A_34, %dma_start3A_43] : memref<160000x32xf32, #tpu.memory_space<hbm>> -> memref<1000x32xf32, #tpu.memory_space<hbm>>
      tpu.enqueue_dma source(%arg6 : memref<1000x32xf32, #tpu.memory_space<vmem>>) target(%dma_start3A_44 : memref<1000x32xf32, #tpu.memory_space<hbm>>) target_semaphore(%run_scoped3A : memref<!tpu.dma_semaphore, #tpu.memory_space<semaphore_mem>>)
      %dma_wait3A_45 = arith.constant 0 : i32
      %dma_wait3A_46 = tpu.memref_slice %arg4[%add3A_34, %dma_wait3A_45] : memref<160000x32xf32, #tpu.memory_space<hbm>> -> memref<1000x32xf32, #tpu.memory_space<hbm>>
      %dma_wait3A_47 = arith.constant 0 : i32
      %dma_wait3A_48 = tpu.memref_slice %arg4[%add3A_34, %dma_wait3A_47] : memref<160000x32xf32, #tpu.memory_space<hbm>> -> memref<1000x32xf32, #tpu.memory_space<hbm>>
      tpu.wait_dma2 semaphore(%run_scoped3A : memref<!tpu.dma_semaphore, #tpu.memory_space<semaphore_mem>>) src(%arg6 : memref<1000x32xf32, #tpu.memory_space<vmem>>) dst(%dma_wait3A_48 : memref<1000x32xf32, #tpu.memory_space<hbm>>)
      tpu.yield
    }) : () -> ()
    return
  }
}

#map = affine_map<(d0, d1) -> (0, 0)>
#map1 = affine_map<(d0, d1) -> (0)>
#map2 = affine_map<(d0, d1) -> (0, 0, 0)>
module attributes {stable_mosaic.version = 14 : i64} {
  func.func @_scatter_body(%arg0: i32, %arg1: i32, %arg2: memref<160000x32xf32, #tpu.memory_space<hbm>>, %arg3: memref<160000xi32, #tpu.memory_space<hbm>>, %arg4: memref<10000x32xf32, #tpu.memory_space<hbm>>, %arg5: memref<2x10000x32xf32, #tpu.memory_space<hbm>>, %arg6: memref<1000xi32, #tpu.memory_space<vmem>>, %arg7: memref<1000x32xf32, #tpu.memory_space<vmem>>, %arg8: memref<10000x32xf32, #tpu.memory_space<vmem_shared>>) attributes {dimension_semantics = [#tpu.dimension_semantics<core_parallel>, #tpu.dimension_semantics<subcore_parallel>], iteration_bounds = array<i64: 2, 16>, scalar_prefetch = 0 : i64, scratch_operands = 3 : i64, tpu.core_type = #tpu.core_type<sc_vector_subcore>, window_params = [{transform_indices = #map}, {transform_indices = #map1}, {transform_indices = #map}, {transform_indices = #map2}]} {
    %mul3A = arith.constant 16 : i32
    %mul3A_0 = arith.muli %arg0, %mul3A : i32
    %add3A = arith.addi %mul3A_0, %arg1 : i32
    %mul3A_1 = arith.constant 5000 : i32
    %mul3A_2 = arith.muli %add3A, %mul3A_1 : i32
    %eq3A = arith.constant 0 : i32
    %eq3A_3 = arith.cmpi eq, %arg1, %eq3A : i32
    %convert_element_type3A = arith.extui %eq3A_3 : i1 to i32
    %cond3A = arith.constant 0 : i32
    %cond3A_4 = arith.cmpi ne, %convert_element_type3A, %cond3A : i32
    scf.if %cond3A_4 {
      "tpu.region"() ({
        %run_scoped3A = tpu.sem_alloc : memref<!tpu.dma_semaphore, #tpu.memory_space<semaphore_mem>>
        tpu.enqueue_dma source(%arg4 : memref<10000x32xf32, #tpu.memory_space<hbm>>) target(%arg8 : memref<10000x32xf32, #tpu.memory_space<vmem_shared>>) target_semaphore(%run_scoped3A : memref<!tpu.dma_semaphore, #tpu.memory_space<semaphore_mem>>)
        tpu.wait_dma2 semaphore(%run_scoped3A : memref<!tpu.dma_semaphore, #tpu.memory_space<semaphore_mem>>) src(%arg4 : memref<10000x32xf32, #tpu.memory_space<hbm>>) dst(%arg8 : memref<10000x32xf32, #tpu.memory_space<vmem_shared>>)
        tpu.yield
      }) : () -> ()
    } else {
    }
    %barrier3A = arith.constant 0 : index
    tpu.barrier barrier_id(%barrier3A)
    %add3A_5 = arith.constant 0 : i32
    %add3A_6 = arith.addi %mul3A_2, %add3A_5 : i32
    "tpu.region"() ({
      %run_scoped3A = tpu.sem_alloc : memref<!tpu.dma_semaphore, #tpu.memory_space<semaphore_mem>>
      %dma_start3A = tpu.memref_slice %arg3[%add3A_6] : memref<160000xi32, #tpu.memory_space<hbm>> -> memref<1000xi32, #tpu.memory_space<hbm>>
      %dma_start3A_21 = tpu.memref_slice %arg3[%add3A_6] : memref<160000xi32, #tpu.memory_space<hbm>> -> memref<1000xi32, #tpu.memory_space<hbm>>
      tpu.enqueue_dma source(%dma_start3A_21 : memref<1000xi32, #tpu.memory_space<hbm>>) target(%arg6 : memref<1000xi32, #tpu.memory_space<vmem>>) target_semaphore(%run_scoped3A : memref<!tpu.dma_semaphore, #tpu.memory_space<semaphore_mem>>)
      %dma_wait3A = tpu.memref_slice %arg3[%add3A_6] : memref<160000xi32, #tpu.memory_space<hbm>> -> memref<1000xi32, #tpu.memory_space<hbm>>
      %dma_wait3A_22 = tpu.memref_slice %arg3[%add3A_6] : memref<160000xi32, #tpu.memory_space<hbm>> -> memref<1000xi32, #tpu.memory_space<hbm>>
      tpu.wait_dma2 semaphore(%run_scoped3A : memref<!tpu.dma_semaphore, #tpu.memory_space<semaphore_mem>>) src(%dma_wait3A_22 : memref<1000xi32, #tpu.memory_space<hbm>>) dst(%arg6 : memref<1000xi32, #tpu.memory_space<vmem>>)
      tpu.yield
    }) : () -> ()
    "tpu.region"() ({
      %run_scoped3A = tpu.sem_alloc : memref<!tpu.dma_semaphore, #tpu.memory_space<semaphore_mem>>
      %dma_start3A = arith.constant 0 : i32
      %dma_start3A_21 = tpu.memref_slice %arg2[%add3A_6, %dma_start3A] : memref<160000x32xf32, #tpu.memory_space<hbm>> -> memref<1000x32xf32, #tpu.memory_space<hbm>>
      %dma_start3A_22 = arith.constant 0 : i32
      %dma_start3A_23 = tpu.memref_slice %arg2[%add3A_6, %dma_start3A_22] : memref<160000x32xf32, #tpu.memory_space<hbm>> -> memref<1000x32xf32, #tpu.memory_space<hbm>>
      tpu.enqueue_dma source(%dma_start3A_23 : memref<1000x32xf32, #tpu.memory_space<hbm>>) target(%arg7 : memref<1000x32xf32, #tpu.memory_space<vmem>>) target_semaphore(%run_scoped3A : memref<!tpu.dma_semaphore, #tpu.memory_space<semaphore_mem>>)
      %dma_wait3A = arith.constant 0 : i32
      %dma_wait3A_24 = tpu.memref_slice %arg2[%add3A_6, %dma_wait3A] : memref<160000x32xf32, #tpu.memory_space<hbm>> -> memref<1000x32xf32, #tpu.memory_space<hbm>>
      %dma_wait3A_25 = arith.constant 0 : i32
      %dma_wait3A_26 = tpu.memref_slice %arg2[%add3A_6, %dma_wait3A_25] : memref<160000x32xf32, #tpu.memory_space<hbm>> -> memref<1000x32xf32, #tpu.memory_space<hbm>>
      tpu.wait_dma2 semaphore(%run_scoped3A : memref<!tpu.dma_semaphore, #tpu.memory_space<semaphore_mem>>) src(%dma_wait3A_26 : memref<1000x32xf32, #tpu.memory_space<hbm>>) dst(%arg7 : memref<1000x32xf32, #tpu.memory_space<vmem>>)
      tpu.yield
    }) : () -> ()
    "tpu.region"() ({
      %run_scoped3A = tpu.sem_alloc : memref<!tpu.dma_semaphore, #tpu.memory_space<semaphore_mem>>
      %dma_start3A = arith.constant 0 : i32
      %dma_start3A_21 = arith.constant 0 : i32
      %dma_start3A_22 = tpu.memref_slice %arg8[%dma_start3A, %dma_start3A_21] : memref<10000x32xf32, #tpu.memory_space<vmem_shared>> -> memref<10000x32xf32, #tpu.memory_space<vmem_shared>>
      tpu.enqueue_indirect_dma source(%arg7 : memref<1000x32xf32, #tpu.memory_space<vmem>>) target(%dma_start3A_22 : memref<10000x32xf32, #tpu.memory_space<vmem_shared>>) offsets(%arg6 : memref<1000xi32, #tpu.memory_space<vmem>>) semaphore(%run_scoped3A : memref<!tpu.dma_semaphore, #tpu.memory_space<semaphore_mem>>) {add = true}
      %dma_wait3A = arith.constant 0 : i32
      %dma_wait3A_23 = arith.constant 0 : i32
      %dma_wait3A_24 = tpu.memref_slice %arg8[%dma_wait3A, %dma_wait3A_23] : memref<10000x32xf32, #tpu.memory_space<vmem_shared>> -> memref<10000x32xf32, #tpu.memory_space<vmem_shared>>
      tpu.wait_indirect_dma semaphore(%run_scoped3A : memref<!tpu.dma_semaphore, #tpu.memory_space<semaphore_mem>>) src(%arg7 : memref<1000x32xf32, #tpu.memory_space<vmem>>) dst(%dma_wait3A_24 : memref<10000x32xf32, #tpu.memory_space<vmem_shared>>)
      tpu.yield
    }) : () -> ()
    %add3A_7 = arith.constant 1000 : i32
    %add3A_8 = arith.addi %mul3A_2, %add3A_7 : i32
    "tpu.region"() ({
      %run_scoped3A = tpu.sem_alloc : memref<!tpu.dma_semaphore, #tpu.memory_space<semaphore_mem>>
      %dma_start3A = tpu.memref_slice %arg3[%add3A_8] : memref<160000xi32, #tpu.memory_space<hbm>> -> memref<1000xi32, #tpu.memory_space<hbm>>
      %dma_start3A_21 = tpu.memref_slice %arg3[%add3A_8] : memref<160000xi32, #tpu.memory_space<hbm>> -> memref<1000xi32, #tpu.memory_space<hbm>>
      tpu.enqueue_dma source(%dma_start3A_21 : memref<1000xi32, #tpu.memory_space<hbm>>) target(%arg6 : memref<1000xi32, #tpu.memory_space<vmem>>) target_semaphore(%run_scoped3A : memref<!tpu.dma_semaphore, #tpu.memory_space<semaphore_mem>>)
      %dma_wait3A = tpu.memref_slice %arg3[%add3A_8] : memref<160000xi32, #tpu.memory_space<hbm>> -> memref<1000xi32, #tpu.memory_space<hbm>>
      %dma_wait3A_22 = tpu.memref_slice %arg3[%add3A_8] : memref<160000xi32, #tpu.memory_space<hbm>> -> memref<1000xi32, #tpu.memory_space<hbm>>
      tpu.wait_dma2 semaphore(%run_scoped3A : memref<!tpu.dma_semaphore, #tpu.memory_space<semaphore_mem>>) src(%dma_wait3A_22 : memref<1000xi32, #tpu.memory_space<hbm>>) dst(%arg6 : memref<1000xi32, #tpu.memory_space<vmem>>)
      tpu.yield
    }) : () -> ()
    "tpu.region"() ({
      %run_scoped3A = tpu.sem_alloc : memref<!tpu.dma_semaphore, #tpu.memory_space<semaphore_mem>>
      %dma_start3A = arith.constant 0 : i32
      %dma_start3A_21 = tpu.memref_slice %arg2[%add3A_8, %dma_start3A] : memref<160000x32xf32, #tpu.memory_space<hbm>> -> memref<1000x32xf32, #tpu.memory_space<hbm>>
      %dma_start3A_22 = arith.constant 0 : i32
      %dma_start3A_23 = tpu.memref_slice %arg2[%add3A_8, %dma_start3A_22] : memref<160000x32xf32, #tpu.memory_space<hbm>> -> memref<1000x32xf32, #tpu.memory_space<hbm>>
      tpu.enqueue_dma source(%dma_start3A_23 : memref<1000x32xf32, #tpu.memory_space<hbm>>) target(%arg7 : memref<1000x32xf32, #tpu.memory_space<vmem>>) target_semaphore(%run_scoped3A : memref<!tpu.dma_semaphore, #tpu.memory_space<semaphore_mem>>)
      %dma_wait3A = arith.constant 0 : i32
      %dma_wait3A_24 = tpu.memref_slice %arg2[%add3A_8, %dma_wait3A] : memref<160000x32xf32, #tpu.memory_space<hbm>> -> memref<1000x32xf32, #tpu.memory_space<hbm>>
      %dma_wait3A_25 = arith.constant 0 : i32
      %dma_wait3A_26 = tpu.memref_slice %arg2[%add3A_8, %dma_wait3A_25] : memref<160000x32xf32, #tpu.memory_space<hbm>> -> memref<1000x32xf32, #tpu.memory_space<hbm>>
      tpu.wait_dma2 semaphore(%run_scoped3A : memref<!tpu.dma_semaphore, #tpu.memory_space<semaphore_mem>>) src(%dma_wait3A_26 : memref<1000x32xf32, #tpu.memory_space<hbm>>) dst(%arg7 : memref<1000x32xf32, #tpu.memory_space<vmem>>)
      tpu.yield
    }) : () -> ()
    "tpu.region"() ({
      %run_scoped3A = tpu.sem_alloc : memref<!tpu.dma_semaphore, #tpu.memory_space<semaphore_mem>>
      %dma_start3A = arith.constant 0 : i32
      %dma_start3A_21 = arith.constant 0 : i32
      %dma_start3A_22 = tpu.memref_slice %arg8[%dma_start3A, %dma_start3A_21] : memref<10000x32xf32, #tpu.memory_space<vmem_shared>> -> memref<10000x32xf32, #tpu.memory_space<vmem_shared>>
      tpu.enqueue_indirect_dma source(%arg7 : memref<1000x32xf32, #tpu.memory_space<vmem>>) target(%dma_start3A_22 : memref<10000x32xf32, #tpu.memory_space<vmem_shared>>) offsets(%arg6 : memref<1000xi32, #tpu.memory_space<vmem>>) semaphore(%run_scoped3A : memref<!tpu.dma_semaphore, #tpu.memory_space<semaphore_mem>>) {add = true}
      %dma_wait3A = arith.constant 0 : i32
      %dma_wait3A_23 = arith.constant 0 : i32
      %dma_wait3A_24 = tpu.memref_slice %arg8[%dma_wait3A, %dma_wait3A_23] : memref<10000x32xf32, #tpu.memory_space<vmem_shared>> -> memref<10000x32xf32, #tpu.memory_space<vmem_shared>>
      tpu.wait_indirect_dma semaphore(%run_scoped3A : memref<!tpu.dma_semaphore, #tpu.memory_space<semaphore_mem>>) src(%arg7 : memref<1000x32xf32, #tpu.memory_space<vmem>>) dst(%dma_wait3A_24 : memref<10000x32xf32, #tpu.memory_space<vmem_shared>>)
      tpu.yield
    }) : () -> ()
    %add3A_9 = arith.constant 2000 : i32
    %add3A_10 = arith.addi %mul3A_2, %add3A_9 : i32
    "tpu.region"() ({
      %run_scoped3A = tpu.sem_alloc : memref<!tpu.dma_semaphore, #tpu.memory_space<semaphore_mem>>
      %dma_start3A = tpu.memref_slice %arg3[%add3A_10] : memref<160000xi32, #tpu.memory_space<hbm>> -> memref<1000xi32, #tpu.memory_space<hbm>>
      %dma_start3A_21 = tpu.memref_slice %arg3[%add3A_10] : memref<160000xi32, #tpu.memory_space<hbm>> -> memref<1000xi32, #tpu.memory_space<hbm>>
      tpu.enqueue_dma source(%dma_start3A_21 : memref<1000xi32, #tpu.memory_space<hbm>>) target(%arg6 : memref<1000xi32, #tpu.memory_space<vmem>>) target_semaphore(%run_scoped3A : memref<!tpu.dma_semaphore, #tpu.memory_space<semaphore_mem>>)
      %dma_wait3A = tpu.memref_slice %arg3[%add3A_10] : memref<160000xi32, #tpu.memory_space<hbm>> -> memref<1000xi32, #tpu.memory_space<hbm>>
      %dma_wait3A_22 = tpu.memref_slice %arg3[%add3A_10] : memref<160000xi32, #tpu.memory_space<hbm>> -> memref<1000xi32, #tpu.memory_space<hbm>>
      tpu.wait_dma2 semaphore(%run_scoped3A : memref<!tpu.dma_semaphore, #tpu.memory_space<semaphore_mem>>) src(%dma_wait3A_22 : memref<1000xi32, #tpu.memory_space<hbm>>) dst(%arg6 : memref<1000xi32, #tpu.memory_space<vmem>>)
      tpu.yield
    }) : () -> ()
    "tpu.region"() ({
      %run_scoped3A = tpu.sem_alloc : memref<!tpu.dma_semaphore, #tpu.memory_space<semaphore_mem>>
      %dma_start3A = arith.constant 0 : i32
      %dma_start3A_21 = tpu.memref_slice %arg2[%add3A_10, %dma_start3A] : memref<160000x32xf32, #tpu.memory_space<hbm>> -> memref<1000x32xf32, #tpu.memory_space<hbm>>
      %dma_start3A_22 = arith.constant 0 : i32
      %dma_start3A_23 = tpu.memref_slice %arg2[%add3A_10, %dma_start3A_22] : memref<160000x32xf32, #tpu.memory_space<hbm>> -> memref<1000x32xf32, #tpu.memory_space<hbm>>
      tpu.enqueue_dma source(%dma_start3A_23 : memref<1000x32xf32, #tpu.memory_space<hbm>>) target(%arg7 : memref<1000x32xf32, #tpu.memory_space<vmem>>) target_semaphore(%run_scoped3A : memref<!tpu.dma_semaphore, #tpu.memory_space<semaphore_mem>>)
      %dma_wait3A = arith.constant 0 : i32
      %dma_wait3A_24 = tpu.memref_slice %arg2[%add3A_10, %dma_wait3A] : memref<160000x32xf32, #tpu.memory_space<hbm>> -> memref<1000x32xf32, #tpu.memory_space<hbm>>
      %dma_wait3A_25 = arith.constant 0 : i32
      %dma_wait3A_26 = tpu.memref_slice %arg2[%add3A_10, %dma_wait3A_25] : memref<160000x32xf32, #tpu.memory_space<hbm>> -> memref<1000x32xf32, #tpu.memory_space<hbm>>
      tpu.wait_dma2 semaphore(%run_scoped3A : memref<!tpu.dma_semaphore, #tpu.memory_space<semaphore_mem>>) src(%dma_wait3A_26 : memref<1000x32xf32, #tpu.memory_space<hbm>>) dst(%arg7 : memref<1000x32xf32, #tpu.memory_space<vmem>>)
      tpu.yield
    }) : () -> ()
    "tpu.region"() ({
      %run_scoped3A = tpu.sem_alloc : memref<!tpu.dma_semaphore, #tpu.memory_space<semaphore_mem>>
      %dma_start3A = arith.constant 0 : i32
      %dma_start3A_21 = arith.constant 0 : i32
      %dma_start3A_22 = tpu.memref_slice %arg8[%dma_start3A, %dma_start3A_21] : memref<10000x32xf32, #tpu.memory_space<vmem_shared>> -> memref<10000x32xf32, #tpu.memory_space<vmem_shared>>
      tpu.enqueue_indirect_dma source(%arg7 : memref<1000x32xf32, #tpu.memory_space<vmem>>) target(%dma_start3A_22 : memref<10000x32xf32, #tpu.memory_space<vmem_shared>>) offsets(%arg6 : memref<1000xi32, #tpu.memory_space<vmem>>) semaphore(%run_scoped3A : memref<!tpu.dma_semaphore, #tpu.memory_space<semaphore_mem>>) {add = true}
      %dma_wait3A = arith.constant 0 : i32
      %dma_wait3A_23 = arith.constant 0 : i32
      %dma_wait3A_24 = tpu.memref_slice %arg8[%dma_wait3A, %dma_wait3A_23] : memref<10000x32xf32, #tpu.memory_space<vmem_shared>> -> memref<10000x32xf32, #tpu.memory_space<vmem_shared>>
      tpu.wait_indirect_dma semaphore(%run_scoped3A : memref<!tpu.dma_semaphore, #tpu.memory_space<semaphore_mem>>) src(%arg7 : memref<1000x32xf32, #tpu.memory_space<vmem>>) dst(%dma_wait3A_24 : memref<10000x32xf32, #tpu.memory_space<vmem_shared>>)
      tpu.yield
    }) : () -> ()
    %add3A_11 = arith.constant 3000 : i32
    %add3A_12 = arith.addi %mul3A_2, %add3A_11 : i32
    "tpu.region"() ({
      %run_scoped3A = tpu.sem_alloc : memref<!tpu.dma_semaphore, #tpu.memory_space<semaphore_mem>>
      %dma_start3A = tpu.memref_slice %arg3[%add3A_12] : memref<160000xi32, #tpu.memory_space<hbm>> -> memref<1000xi32, #tpu.memory_space<hbm>>
      %dma_start3A_21 = tpu.memref_slice %arg3[%add3A_12] : memref<160000xi32, #tpu.memory_space<hbm>> -> memref<1000xi32, #tpu.memory_space<hbm>>
      tpu.enqueue_dma source(%dma_start3A_21 : memref<1000xi32, #tpu.memory_space<hbm>>) target(%arg6 : memref<1000xi32, #tpu.memory_space<vmem>>) target_semaphore(%run_scoped3A : memref<!tpu.dma_semaphore, #tpu.memory_space<semaphore_mem>>)
      %dma_wait3A = tpu.memref_slice %arg3[%add3A_12] : memref<160000xi32, #tpu.memory_space<hbm>> -> memref<1000xi32, #tpu.memory_space<hbm>>
      %dma_wait3A_22 = tpu.memref_slice %arg3[%add3A_12] : memref<160000xi32, #tpu.memory_space<hbm>> -> memref<1000xi32, #tpu.memory_space<hbm>>
      tpu.wait_dma2 semaphore(%run_scoped3A : memref<!tpu.dma_semaphore, #tpu.memory_space<semaphore_mem>>) src(%dma_wait3A_22 : memref<1000xi32, #tpu.memory_space<hbm>>) dst(%arg6 : memref<1000xi32, #tpu.memory_space<vmem>>)
      tpu.yield
    }) : () -> ()
    "tpu.region"() ({
      %run_scoped3A = tpu.sem_alloc : memref<!tpu.dma_semaphore, #tpu.memory_space<semaphore_mem>>
      %dma_start3A = arith.constant 0 : i32
      %dma_start3A_21 = tpu.memref_slice %arg2[%add3A_12, %dma_start3A] : memref<160000x32xf32, #tpu.memory_space<hbm>> -> memref<1000x32xf32, #tpu.memory_space<hbm>>
      %dma_start3A_22 = arith.constant 0 : i32
      %dma_start3A_23 = tpu.memref_slice %arg2[%add3A_12, %dma_start3A_22] : memref<160000x32xf32, #tpu.memory_space<hbm>> -> memref<1000x32xf32, #tpu.memory_space<hbm>>
      tpu.enqueue_dma source(%dma_start3A_23 : memref<1000x32xf32, #tpu.memory_space<hbm>>) target(%arg7 : memref<1000x32xf32, #tpu.memory_space<vmem>>) target_semaphore(%run_scoped3A : memref<!tpu.dma_semaphore, #tpu.memory_space<semaphore_mem>>)
      %dma_wait3A = arith.constant 0 : i32
      %dma_wait3A_24 = tpu.memref_slice %arg2[%add3A_12, %dma_wait3A] : memref<160000x32xf32, #tpu.memory_space<hbm>> -> memref<1000x32xf32, #tpu.memory_space<hbm>>
      %dma_wait3A_25 = arith.constant 0 : i32
      %dma_wait3A_26 = tpu.memref_slice %arg2[%add3A_12, %dma_wait3A_25] : memref<160000x32xf32, #tpu.memory_space<hbm>> -> memref<1000x32xf32, #tpu.memory_space<hbm>>
      tpu.wait_dma2 semaphore(%run_scoped3A : memref<!tpu.dma_semaphore, #tpu.memory_space<semaphore_mem>>) src(%dma_wait3A_26 : memref<1000x32xf32, #tpu.memory_space<hbm>>) dst(%arg7 : memref<1000x32xf32, #tpu.memory_space<vmem>>)
      tpu.yield
    }) : () -> ()
    "tpu.region"() ({
      %run_scoped3A = tpu.sem_alloc : memref<!tpu.dma_semaphore, #tpu.memory_space<semaphore_mem>>
      %dma_start3A = arith.constant 0 : i32
      %dma_start3A_21 = arith.constant 0 : i32
      %dma_start3A_22 = tpu.memref_slice %arg8[%dma_start3A, %dma_start3A_21] : memref<10000x32xf32, #tpu.memory_space<vmem_shared>> -> memref<10000x32xf32, #tpu.memory_space<vmem_shared>>
      tpu.enqueue_indirect_dma source(%arg7 : memref<1000x32xf32, #tpu.memory_space<vmem>>) target(%dma_start3A_22 : memref<10000x32xf32, #tpu.memory_space<vmem_shared>>) offsets(%arg6 : memref<1000xi32, #tpu.memory_space<vmem>>) semaphore(%run_scoped3A : memref<!tpu.dma_semaphore, #tpu.memory_space<semaphore_mem>>) {add = true}
      %dma_wait3A = arith.constant 0 : i32
      %dma_wait3A_23 = arith.constant 0 : i32
      %dma_wait3A_24 = tpu.memref_slice %arg8[%dma_wait3A, %dma_wait3A_23] : memref<10000x32xf32, #tpu.memory_space<vmem_shared>> -> memref<10000x32xf32, #tpu.memory_space<vmem_shared>>
      tpu.wait_indirect_dma semaphore(%run_scoped3A : memref<!tpu.dma_semaphore, #tpu.memory_space<semaphore_mem>>) src(%arg7 : memref<1000x32xf32, #tpu.memory_space<vmem>>) dst(%dma_wait3A_24 : memref<10000x32xf32, #tpu.memory_space<vmem_shared>>)
      tpu.yield
    }) : () -> ()
    %add3A_13 = arith.constant 4000 : i32
    %add3A_14 = arith.addi %mul3A_2, %add3A_13 : i32
    "tpu.region"() ({
      %run_scoped3A = tpu.sem_alloc : memref<!tpu.dma_semaphore, #tpu.memory_space<semaphore_mem>>
      %dma_start3A = tpu.memref_slice %arg3[%add3A_14] : memref<160000xi32, #tpu.memory_space<hbm>> -> memref<1000xi32, #tpu.memory_space<hbm>>
      %dma_start3A_21 = tpu.memref_slice %arg3[%add3A_14] : memref<160000xi32, #tpu.memory_space<hbm>> -> memref<1000xi32, #tpu.memory_space<hbm>>
      tpu.enqueue_dma source(%dma_start3A_21 : memref<1000xi32, #tpu.memory_space<hbm>>) target(%arg6 : memref<1000xi32, #tpu.memory_space<vmem>>) target_semaphore(%run_scoped3A : memref<!tpu.dma_semaphore, #tpu.memory_space<semaphore_mem>>)
      %dma_wait3A = tpu.memref_slice %arg3[%add3A_14] : memref<160000xi32, #tpu.memory_space<hbm>> -> memref<1000xi32, #tpu.memory_space<hbm>>
      %dma_wait3A_22 = tpu.memref_slice %arg3[%add3A_14] : memref<160000xi32, #tpu.memory_space<hbm>> -> memref<1000xi32, #tpu.memory_space<hbm>>
      tpu.wait_dma2 semaphore(%run_scoped3A : memref<!tpu.dma_semaphore, #tpu.memory_space<semaphore_mem>>) src(%dma_wait3A_22 : memref<1000xi32, #tpu.memory_space<hbm>>) dst(%arg6 : memref<1000xi32, #tpu.memory_space<vmem>>)
      tpu.yield
    }) : () -> ()
    "tpu.region"() ({
      %run_scoped3A = tpu.sem_alloc : memref<!tpu.dma_semaphore, #tpu.memory_space<semaphore_mem>>
      %dma_start3A = arith.constant 0 : i32
      %dma_start3A_21 = tpu.memref_slice %arg2[%add3A_14, %dma_start3A] : memref<160000x32xf32, #tpu.memory_space<hbm>> -> memref<1000x32xf32, #tpu.memory_space<hbm>>
      %dma_start3A_22 = arith.constant 0 : i32
      %dma_start3A_23 = tpu.memref_slice %arg2[%add3A_14, %dma_start3A_22] : memref<160000x32xf32, #tpu.memory_space<hbm>> -> memref<1000x32xf32, #tpu.memory_space<hbm>>
      tpu.enqueue_dma source(%dma_start3A_23 : memref<1000x32xf32, #tpu.memory_space<hbm>>) target(%arg7 : memref<1000x32xf32, #tpu.memory_space<vmem>>) target_semaphore(%run_scoped3A : memref<!tpu.dma_semaphore, #tpu.memory_space<semaphore_mem>>)
      %dma_wait3A = arith.constant 0 : i32
      %dma_wait3A_24 = tpu.memref_slice %arg2[%add3A_14, %dma_wait3A] : memref<160000x32xf32, #tpu.memory_space<hbm>> -> memref<1000x32xf32, #tpu.memory_space<hbm>>
      %dma_wait3A_25 = arith.constant 0 : i32
      %dma_wait3A_26 = tpu.memref_slice %arg2[%add3A_14, %dma_wait3A_25] : memref<160000x32xf32, #tpu.memory_space<hbm>> -> memref<1000x32xf32, #tpu.memory_space<hbm>>
      tpu.wait_dma2 semaphore(%run_scoped3A : memref<!tpu.dma_semaphore, #tpu.memory_space<semaphore_mem>>) src(%dma_wait3A_26 : memref<1000x32xf32, #tpu.memory_space<hbm>>) dst(%arg7 : memref<1000x32xf32, #tpu.memory_space<vmem>>)
      tpu.yield
    }) : () -> ()
    "tpu.region"() ({
      %run_scoped3A = tpu.sem_alloc : memref<!tpu.dma_semaphore, #tpu.memory_space<semaphore_mem>>
      %dma_start3A = arith.constant 0 : i32
      %dma_start3A_21 = arith.constant 0 : i32
      %dma_start3A_22 = tpu.memref_slice %arg8[%dma_start3A, %dma_start3A_21] : memref<10000x32xf32, #tpu.memory_space<vmem_shared>> -> memref<10000x32xf32, #tpu.memory_space<vmem_shared>>
      tpu.enqueue_indirect_dma source(%arg7 : memref<1000x32xf32, #tpu.memory_space<vmem>>) target(%dma_start3A_22 : memref<10000x32xf32, #tpu.memory_space<vmem_shared>>) offsets(%arg6 : memref<1000xi32, #tpu.memory_space<vmem>>) semaphore(%run_scoped3A : memref<!tpu.dma_semaphore, #tpu.memory_space<semaphore_mem>>) {add = true}
      %dma_wait3A = arith.constant 0 : i32
      %dma_wait3A_23 = arith.constant 0 : i32
      %dma_wait3A_24 = tpu.memref_slice %arg8[%dma_wait3A, %dma_wait3A_23] : memref<10000x32xf32, #tpu.memory_space<vmem_shared>> -> memref<10000x32xf32, #tpu.memory_space<vmem_shared>>
      tpu.wait_indirect_dma semaphore(%run_scoped3A : memref<!tpu.dma_semaphore, #tpu.memory_space<semaphore_mem>>) src(%arg7 : memref<1000x32xf32, #tpu.memory_space<vmem>>) dst(%dma_wait3A_24 : memref<10000x32xf32, #tpu.memory_space<vmem_shared>>)
      tpu.yield
    }) : () -> ()
    %barrier3A_15 = arith.constant 0 : index
    tpu.barrier barrier_id(%barrier3A_15)
    %eq3A_16 = arith.constant 0 : i32
    %eq3A_17 = arith.cmpi eq, %arg1, %eq3A_16 : i32
    %convert_element_type3A_18 = arith.extui %eq3A_17 : i1 to i32
    %cond3A_19 = arith.constant 0 : i32
    %cond3A_20 = arith.cmpi ne, %convert_element_type3A_18, %cond3A_19 : i32
    scf.if %cond3A_20 {
      "tpu.region"() ({
        %run_scoped3A = tpu.sem_alloc : memref<!tpu.dma_semaphore, #tpu.memory_space<semaphore_mem>>
        %dma_start3A = arith.constant 0 : i32
        %dma_start3A_21 = arith.constant 0 : i32
        %dma_start3A_22 = tpu.memref_slice %arg5[%arg0, %dma_start3A, %dma_start3A_21] : memref<2x10000x32xf32, #tpu.memory_space<hbm>> -> memref<1x10000x32xf32, #tpu.memory_space<hbm>>
        %dma_start3A_23 = tpu.memref_squeeze %dma_start3A_22 : memref<1x10000x32xf32, #tpu.memory_space<hbm>> -> memref<10000x32xf32, #tpu.memory_space<hbm>>
        tpu.enqueue_dma source(%arg8 : memref<10000x32xf32, #tpu.memory_space<vmem_shared>>) target(%dma_start3A_23 : memref<10000x32xf32, #tpu.memory_space<hbm>>) target_semaphore(%run_scoped3A : memref<!tpu.dma_semaphore, #tpu.memory_space<semaphore_mem>>)
        %dma_wait3A = arith.constant 0 : i32
        %dma_wait3A_24 = arith.constant 0 : i32
        %dma_wait3A_25 = tpu.memref_slice %arg5[%arg0, %dma_wait3A, %dma_wait3A_24] : memref<2x10000x32xf32, #tpu.memory_space<hbm>> -> memref<1x10000x32xf32, #tpu.memory_space<hbm>>
        %dma_wait3A_26 = tpu.memref_squeeze %dma_wait3A_25 : memref<1x10000x32xf32, #tpu.memory_space<hbm>> -> memref<10000x32xf32, #tpu.memory_space<hbm>>
        tpu.wait_dma2 semaphore(%run_scoped3A : memref<!tpu.dma_semaphore, #tpu.memory_space<semaphore_mem>>) src(%arg8 : memref<10000x32xf32, #tpu.memory_space<vmem_shared>>) dst(%dma_wait3A_26 : memref<10000x32xf32, #tpu.memory_space<hbm>>)
        tpu.yield
      }) : () -> ()
    } else {
    }
    return
  }
}

#map = affine_map<(d0, d1) -> (0, 0)>
#map1 = affine_map<(d0, d1) -> (0)>
#map2 = affine_map<(d0, d1) -> (0, 0, 0)>
module attributes {stable_mosaic.version = 14 : i64} {
  func.func @_scatter_body(%arg0: i32, %arg1: i32, %arg2: memref<160000x32xf32, #tpu.memory_space<hbm>>, %arg3: memref<160000xi32, #tpu.memory_space<hbm>>, %arg4: memref<10000x32xf32, #tpu.memory_space<hbm>>, %arg5: memref<2x10000x32xf32, #tpu.memory_space<hbm>>, %arg6: memref<1000xi32, #tpu.memory_space<vmem>>, %arg7: memref<1000x32xf32, #tpu.memory_space<vmem>>, %arg8: memref<10000x32xf32, #tpu.memory_space<vmem_shared>>) attributes {dimension_semantics = [#tpu.dimension_semantics<core_parallel>, #tpu.dimension_semantics<subcore_parallel>], iteration_bounds = array<i64: 2, 16>, scalar_prefetch = 0 : i64, scratch_operands = 3 : i64, tpu.core_type = #tpu.core_type<sc_vector_subcore>, window_params = [{transform_indices = #map}, {transform_indices = #map1}, {transform_indices = #map}, {transform_indices = #map2}]} {
    %mul3A = arith.constant 16 : i32
    %mul3A_0 = arith.muli %arg0, %mul3A : i32
    %add3A = arith.addi %mul3A_0, %arg1 : i32
    %mul3A_1 = arith.constant 5000 : i32
    %mul3A_2 = arith.muli %add3A, %mul3A_1 : i32
    %eq3A = arith.constant 0 : i32
    %eq3A_3 = arith.cmpi eq, %arg1, %eq3A : i32
    %convert_element_type3A = arith.extui %eq3A_3 : i1 to i32
    %cond3A = arith.constant 0 : i32
    %cond3A_4 = arith.cmpi ne, %convert_element_type3A, %cond3A : i32
    scf.if %cond3A_4 {
      "tpu.region"() ({
        %run_scoped3A = tpu.sem_alloc : memref<!tpu.dma_semaphore, #tpu.memory_space<semaphore_mem>>
        tpu.enqueue_dma source(%arg4 : memref<10000x32xf32, #tpu.memory_space<hbm>>) target(%arg8 : memref<10000x32xf32, #tpu.memory_space<vmem_shared>>) target_semaphore(%run_scoped3A : memref<!tpu.dma_semaphore, #tpu.memory_space<semaphore_mem>>)
        tpu.wait_dma2 semaphore(%run_scoped3A : memref<!tpu.dma_semaphore, #tpu.memory_space<semaphore_mem>>) src(%arg4 : memref<10000x32xf32, #tpu.memory_space<hbm>>) dst(%arg8 : memref<10000x32xf32, #tpu.memory_space<vmem_shared>>)
        tpu.yield
      }) : () -> ()
    } else {
    }
    %barrier3A = arith.constant 0 : index
    tpu.barrier barrier_id(%barrier3A)
    %add3A_5 = arith.constant 0 : i32
    %add3A_6 = arith.addi %mul3A_2, %add3A_5 : i32
    "tpu.region"() ({
      %run_scoped3A = tpu.sem_alloc : memref<!tpu.dma_semaphore, #tpu.memory_space<semaphore_mem>>
      %dma_start3A = tpu.memref_slice %arg3[%add3A_6] : memref<160000xi32, #tpu.memory_space<hbm>> -> memref<1000xi32, #tpu.memory_space<hbm>>
      %dma_start3A_21 = tpu.memref_slice %arg3[%add3A_6] : memref<160000xi32, #tpu.memory_space<hbm>> -> memref<1000xi32, #tpu.memory_space<hbm>>
      tpu.enqueue_dma source(%dma_start3A_21 : memref<1000xi32, #tpu.memory_space<hbm>>) target(%arg6 : memref<1000xi32, #tpu.memory_space<vmem>>) target_semaphore(%run_scoped3A : memref<!tpu.dma_semaphore, #tpu.memory_space<semaphore_mem>>)
      %dma_wait3A = tpu.memref_slice %arg3[%add3A_6] : memref<160000xi32, #tpu.memory_space<hbm>> -> memref<1000xi32, #tpu.memory_space<hbm>>
      %dma_wait3A_22 = tpu.memref_slice %arg3[%add3A_6] : memref<160000xi32, #tpu.memory_space<hbm>> -> memref<1000xi32, #tpu.memory_space<hbm>>
      tpu.wait_dma2 semaphore(%run_scoped3A : memref<!tpu.dma_semaphore, #tpu.memory_space<semaphore_mem>>) src(%dma_wait3A_22 : memref<1000xi32, #tpu.memory_space<hbm>>) dst(%arg6 : memref<1000xi32, #tpu.memory_space<vmem>>)
      tpu.yield
    }) : () -> ()
    "tpu.region"() ({
      %run_scoped3A = tpu.sem_alloc : memref<!tpu.dma_semaphore, #tpu.memory_space<semaphore_mem>>
      %dma_start3A = arith.constant 0 : i32
      %dma_start3A_21 = tpu.memref_slice %arg2[%add3A_6, %dma_start3A] : memref<160000x32xf32, #tpu.memory_space<hbm>> -> memref<1000x32xf32, #tpu.memory_space<hbm>>
      %dma_start3A_22 = arith.constant 0 : i32
      %dma_start3A_23 = tpu.memref_slice %arg2[%add3A_6, %dma_start3A_22] : memref<160000x32xf32, #tpu.memory_space<hbm>> -> memref<1000x32xf32, #tpu.memory_space<hbm>>
      tpu.enqueue_dma source(%dma_start3A_23 : memref<1000x32xf32, #tpu.memory_space<hbm>>) target(%arg7 : memref<1000x32xf32, #tpu.memory_space<vmem>>) target_semaphore(%run_scoped3A : memref<!tpu.dma_semaphore, #tpu.memory_space<semaphore_mem>>)
      %dma_wait3A = arith.constant 0 : i32
      %dma_wait3A_24 = tpu.memref_slice %arg2[%add3A_6, %dma_wait3A] : memref<160000x32xf32, #tpu.memory_space<hbm>> -> memref<1000x32xf32, #tpu.memory_space<hbm>>
      %dma_wait3A_25 = arith.constant 0 : i32
      %dma_wait3A_26 = tpu.memref_slice %arg2[%add3A_6, %dma_wait3A_25] : memref<160000x32xf32, #tpu.memory_space<hbm>> -> memref<1000x32xf32, #tpu.memory_space<hbm>>
      tpu.wait_dma2 semaphore(%run_scoped3A : memref<!tpu.dma_semaphore, #tpu.memory_space<semaphore_mem>>) src(%dma_wait3A_26 : memref<1000x32xf32, #tpu.memory_space<hbm>>) dst(%arg7 : memref<1000x32xf32, #tpu.memory_space<vmem>>)
      tpu.yield
    }) : () -> ()
    "tpu.region"() ({
      %run_scoped3A = tpu.sem_alloc : memref<!tpu.dma_semaphore, #tpu.memory_space<semaphore_mem>>
      %dma_start3A = arith.constant 0 : i32
      %dma_start3A_21 = arith.constant 0 : i32
      %dma_start3A_22 = tpu.memref_slice %arg8[%dma_start3A, %dma_start3A_21] : memref<10000x32xf32, #tpu.memory_space<vmem_shared>> -> memref<10000x32xf32, #tpu.memory_space<vmem_shared>>
      tpu.enqueue_indirect_dma source(%arg7 : memref<1000x32xf32, #tpu.memory_space<vmem>>) target(%dma_start3A_22 : memref<10000x32xf32, #tpu.memory_space<vmem_shared>>) offsets(%arg6 : memref<1000xi32, #tpu.memory_space<vmem>>) semaphore(%run_scoped3A : memref<!tpu.dma_semaphore, #tpu.memory_space<semaphore_mem>>) {add = true}
      %dma_wait3A = arith.constant 0 : i32
      %dma_wait3A_23 = arith.constant 0 : i32
      %dma_wait3A_24 = tpu.memref_slice %arg8[%dma_wait3A, %dma_wait3A_23] : memref<10000x32xf32, #tpu.memory_space<vmem_shared>> -> memref<10000x32xf32, #tpu.memory_space<vmem_shared>>
      tpu.wait_indirect_dma semaphore(%run_scoped3A : memref<!tpu.dma_semaphore, #tpu.memory_space<semaphore_mem>>) src(%arg7 : memref<1000x32xf32, #tpu.memory_space<vmem>>) dst(%dma_wait3A_24 : memref<10000x32xf32, #tpu.memory_space<vmem_shared>>)
      tpu.yield
    }) : () -> ()
    %add3A_7 = arith.constant 1000 : i32
    %add3A_8 = arith.addi %mul3A_2, %add3A_7 : i32
    "tpu.region"() ({
      %run_scoped3A = tpu.sem_alloc : memref<!tpu.dma_semaphore, #tpu.memory_space<semaphore_mem>>
      %dma_start3A = tpu.memref_slice %arg3[%add3A_8] : memref<160000xi32, #tpu.memory_space<hbm>> -> memref<1000xi32, #tpu.memory_space<hbm>>
      %dma_start3A_21 = tpu.memref_slice %arg3[%add3A_8] : memref<160000xi32, #tpu.memory_space<hbm>> -> memref<1000xi32, #tpu.memory_space<hbm>>
      tpu.enqueue_dma source(%dma_start3A_21 : memref<1000xi32, #tpu.memory_space<hbm>>) target(%arg6 : memref<1000xi32, #tpu.memory_space<vmem>>) target_semaphore(%run_scoped3A : memref<!tpu.dma_semaphore, #tpu.memory_space<semaphore_mem>>)
      %dma_wait3A = tpu.memref_slice %arg3[%add3A_8] : memref<160000xi32, #tpu.memory_space<hbm>> -> memref<1000xi32, #tpu.memory_space<hbm>>
      %dma_wait3A_22 = tpu.memref_slice %arg3[%add3A_8] : memref<160000xi32, #tpu.memory_space<hbm>> -> memref<1000xi32, #tpu.memory_space<hbm>>
      tpu.wait_dma2 semaphore(%run_scoped3A : memref<!tpu.dma_semaphore, #tpu.memory_space<semaphore_mem>>) src(%dma_wait3A_22 : memref<1000xi32, #tpu.memory_space<hbm>>) dst(%arg6 : memref<1000xi32, #tpu.memory_space<vmem>>)
      tpu.yield
    }) : () -> ()
    "tpu.region"() ({
      %run_scoped3A = tpu.sem_alloc : memref<!tpu.dma_semaphore, #tpu.memory_space<semaphore_mem>>
      %dma_start3A = arith.constant 0 : i32
      %dma_start3A_21 = tpu.memref_slice %arg2[%add3A_8, %dma_start3A] : memref<160000x32xf32, #tpu.memory_space<hbm>> -> memref<1000x32xf32, #tpu.memory_space<hbm>>
      %dma_start3A_22 = arith.constant 0 : i32
      %dma_start3A_23 = tpu.memref_slice %arg2[%add3A_8, %dma_start3A_22] : memref<160000x32xf32, #tpu.memory_space<hbm>> -> memref<1000x32xf32, #tpu.memory_space<hbm>>
      tpu.enqueue_dma source(%dma_start3A_23 : memref<1000x32xf32, #tpu.memory_space<hbm>>) target(%arg7 : memref<1000x32xf32, #tpu.memory_space<vmem>>) target_semaphore(%run_scoped3A : memref<!tpu.dma_semaphore, #tpu.memory_space<semaphore_mem>>)
      %dma_wait3A = arith.constant 0 : i32
      %dma_wait3A_24 = tpu.memref_slice %arg2[%add3A_8, %dma_wait3A] : memref<160000x32xf32, #tpu.memory_space<hbm>> -> memref<1000x32xf32, #tpu.memory_space<hbm>>
      %dma_wait3A_25 = arith.constant 0 : i32
      %dma_wait3A_26 = tpu.memref_slice %arg2[%add3A_8, %dma_wait3A_25] : memref<160000x32xf32, #tpu.memory_space<hbm>> -> memref<1000x32xf32, #tpu.memory_space<hbm>>
      tpu.wait_dma2 semaphore(%run_scoped3A : memref<!tpu.dma_semaphore, #tpu.memory_space<semaphore_mem>>) src(%dma_wait3A_26 : memref<1000x32xf32, #tpu.memory_space<hbm>>) dst(%arg7 : memref<1000x32xf32, #tpu.memory_space<vmem>>)
      tpu.yield
    }) : () -> ()
    "tpu.region"() ({
      %run_scoped3A = tpu.sem_alloc : memref<!tpu.dma_semaphore, #tpu.memory_space<semaphore_mem>>
      %dma_start3A = arith.constant 0 : i32
      %dma_start3A_21 = arith.constant 0 : i32
      %dma_start3A_22 = tpu.memref_slice %arg8[%dma_start3A, %dma_start3A_21] : memref<10000x32xf32, #tpu.memory_space<vmem_shared>> -> memref<10000x32xf32, #tpu.memory_space<vmem_shared>>
      tpu.enqueue_indirect_dma source(%arg7 : memref<1000x32xf32, #tpu.memory_space<vmem>>) target(%dma_start3A_22 : memref<10000x32xf32, #tpu.memory_space<vmem_shared>>) offsets(%arg6 : memref<1000xi32, #tpu.memory_space<vmem>>) semaphore(%run_scoped3A : memref<!tpu.dma_semaphore, #tpu.memory_space<semaphore_mem>>) {add = true}
      %dma_wait3A = arith.constant 0 : i32
      %dma_wait3A_23 = arith.constant 0 : i32
      %dma_wait3A_24 = tpu.memref_slice %arg8[%dma_wait3A, %dma_wait3A_23] : memref<10000x32xf32, #tpu.memory_space<vmem_shared>> -> memref<10000x32xf32, #tpu.memory_space<vmem_shared>>
      tpu.wait_indirect_dma semaphore(%run_scoped3A : memref<!tpu.dma_semaphore, #tpu.memory_space<semaphore_mem>>) src(%arg7 : memref<1000x32xf32, #tpu.memory_space<vmem>>) dst(%dma_wait3A_24 : memref<10000x32xf32, #tpu.memory_space<vmem_shared>>)
      tpu.yield
    }) : () -> ()
    %add3A_9 = arith.constant 2000 : i32
    %add3A_10 = arith.addi %mul3A_2, %add3A_9 : i32
    "tpu.region"() ({
      %run_scoped3A = tpu.sem_alloc : memref<!tpu.dma_semaphore, #tpu.memory_space<semaphore_mem>>
      %dma_start3A = tpu.memref_slice %arg3[%add3A_10] : memref<160000xi32, #tpu.memory_space<hbm>> -> memref<1000xi32, #tpu.memory_space<hbm>>
      %dma_start3A_21 = tpu.memref_slice %arg3[%add3A_10] : memref<160000xi32, #tpu.memory_space<hbm>> -> memref<1000xi32, #tpu.memory_space<hbm>>
      tpu.enqueue_dma source(%dma_start3A_21 : memref<1000xi32, #tpu.memory_space<hbm>>) target(%arg6 : memref<1000xi32, #tpu.memory_space<vmem>>) target_semaphore(%run_scoped3A : memref<!tpu.dma_semaphore, #tpu.memory_space<semaphore_mem>>)
      %dma_wait3A = tpu.memref_slice %arg3[%add3A_10] : memref<160000xi32, #tpu.memory_space<hbm>> -> memref<1000xi32, #tpu.memory_space<hbm>>
      %dma_wait3A_22 = tpu.memref_slice %arg3[%add3A_10] : memref<160000xi32, #tpu.memory_space<hbm>> -> memref<1000xi32, #tpu.memory_space<hbm>>
      tpu.wait_dma2 semaphore(%run_scoped3A : memref<!tpu.dma_semaphore, #tpu.memory_space<semaphore_mem>>) src(%dma_wait3A_22 : memref<1000xi32, #tpu.memory_space<hbm>>) dst(%arg6 : memref<1000xi32, #tpu.memory_space<vmem>>)
      tpu.yield
    }) : () -> ()
    "tpu.region"() ({
      %run_scoped3A = tpu.sem_alloc : memref<!tpu.dma_semaphore, #tpu.memory_space<semaphore_mem>>
      %dma_start3A = arith.constant 0 : i32
      %dma_start3A_21 = tpu.memref_slice %arg2[%add3A_10, %dma_start3A] : memref<160000x32xf32, #tpu.memory_space<hbm>> -> memref<1000x32xf32, #tpu.memory_space<hbm>>
      %dma_start3A_22 = arith.constant 0 : i32
      %dma_start3A_23 = tpu.memref_slice %arg2[%add3A_10, %dma_start3A_22] : memref<160000x32xf32, #tpu.memory_space<hbm>> -> memref<1000x32xf32, #tpu.memory_space<hbm>>
      tpu.enqueue_dma source(%dma_start3A_23 : memref<1000x32xf32, #tpu.memory_space<hbm>>) target(%arg7 : memref<1000x32xf32, #tpu.memory_space<vmem>>) target_semaphore(%run_scoped3A : memref<!tpu.dma_semaphore, #tpu.memory_space<semaphore_mem>>)
      %dma_wait3A = arith.constant 0 : i32
      %dma_wait3A_24 = tpu.memref_slice %arg2[%add3A_10, %dma_wait3A] : memref<160000x32xf32, #tpu.memory_space<hbm>> -> memref<1000x32xf32, #tpu.memory_space<hbm>>
      %dma_wait3A_25 = arith.constant 0 : i32
      %dma_wait3A_26 = tpu.memref_slice %arg2[%add3A_10, %dma_wait3A_25] : memref<160000x32xf32, #tpu.memory_space<hbm>> -> memref<1000x32xf32, #tpu.memory_space<hbm>>
      tpu.wait_dma2 semaphore(%run_scoped3A : memref<!tpu.dma_semaphore, #tpu.memory_space<semaphore_mem>>) src(%dma_wait3A_26 : memref<1000x32xf32, #tpu.memory_space<hbm>>) dst(%arg7 : memref<1000x32xf32, #tpu.memory_space<vmem>>)
      tpu.yield
    }) : () -> ()
    "tpu.region"() ({
      %run_scoped3A = tpu.sem_alloc : memref<!tpu.dma_semaphore, #tpu.memory_space<semaphore_mem>>
      %dma_start3A = arith.constant 0 : i32
      %dma_start3A_21 = arith.constant 0 : i32
      %dma_start3A_22 = tpu.memref_slice %arg8[%dma_start3A, %dma_start3A_21] : memref<10000x32xf32, #tpu.memory_space<vmem_shared>> -> memref<10000x32xf32, #tpu.memory_space<vmem_shared>>
      tpu.enqueue_indirect_dma source(%arg7 : memref<1000x32xf32, #tpu.memory_space<vmem>>) target(%dma_start3A_22 : memref<10000x32xf32, #tpu.memory_space<vmem_shared>>) offsets(%arg6 : memref<1000xi32, #tpu.memory_space<vmem>>) semaphore(%run_scoped3A : memref<!tpu.dma_semaphore, #tpu.memory_space<semaphore_mem>>) {add = true}
      %dma_wait3A = arith.constant 0 : i32
      %dma_wait3A_23 = arith.constant 0 : i32
      %dma_wait3A_24 = tpu.memref_slice %arg8[%dma_wait3A, %dma_wait3A_23] : memref<10000x32xf32, #tpu.memory_space<vmem_shared>> -> memref<10000x32xf32, #tpu.memory_space<vmem_shared>>
      tpu.wait_indirect_dma semaphore(%run_scoped3A : memref<!tpu.dma_semaphore, #tpu.memory_space<semaphore_mem>>) src(%arg7 : memref<1000x32xf32, #tpu.memory_space<vmem>>) dst(%dma_wait3A_24 : memref<10000x32xf32, #tpu.memory_space<vmem_shared>>)
      tpu.yield
    }) : () -> ()
    %add3A_11 = arith.constant 3000 : i32
    %add3A_12 = arith.addi %mul3A_2, %add3A_11 : i32
    "tpu.region"() ({
      %run_scoped3A = tpu.sem_alloc : memref<!tpu.dma_semaphore, #tpu.memory_space<semaphore_mem>>
      %dma_start3A = tpu.memref_slice %arg3[%add3A_12] : memref<160000xi32, #tpu.memory_space<hbm>> -> memref<1000xi32, #tpu.memory_space<hbm>>
      %dma_start3A_21 = tpu.memref_slice %arg3[%add3A_12] : memref<160000xi32, #tpu.memory_space<hbm>> -> memref<1000xi32, #tpu.memory_space<hbm>>
      tpu.enqueue_dma source(%dma_start3A_21 : memref<1000xi32, #tpu.memory_space<hbm>>) target(%arg6 : memref<1000xi32, #tpu.memory_space<vmem>>) target_semaphore(%run_scoped3A : memref<!tpu.dma_semaphore, #tpu.memory_space<semaphore_mem>>)
      %dma_wait3A = tpu.memref_slice %arg3[%add3A_12] : memref<160000xi32, #tpu.memory_space<hbm>> -> memref<1000xi32, #tpu.memory_space<hbm>>
      %dma_wait3A_22 = tpu.memref_slice %arg3[%add3A_12] : memref<160000xi32, #tpu.memory_space<hbm>> -> memref<1000xi32, #tpu.memory_space<hbm>>
      tpu.wait_dma2 semaphore(%run_scoped3A : memref<!tpu.dma_semaphore, #tpu.memory_space<semaphore_mem>>) src(%dma_wait3A_22 : memref<1000xi32, #tpu.memory_space<hbm>>) dst(%arg6 : memref<1000xi32, #tpu.memory_space<vmem>>)
      tpu.yield
    }) : () -> ()
    "tpu.region"() ({
      %run_scoped3A = tpu.sem_alloc : memref<!tpu.dma_semaphore, #tpu.memory_space<semaphore_mem>>
      %dma_start3A = arith.constant 0 : i32
      %dma_start3A_21 = tpu.memref_slice %arg2[%add3A_12, %dma_start3A] : memref<160000x32xf32, #tpu.memory_space<hbm>> -> memref<1000x32xf32, #tpu.memory_space<hbm>>
      %dma_start3A_22 = arith.constant 0 : i32
      %dma_start3A_23 = tpu.memref_slice %arg2[%add3A_12, %dma_start3A_22] : memref<160000x32xf32, #tpu.memory_space<hbm>> -> memref<1000x32xf32, #tpu.memory_space<hbm>>
      tpu.enqueue_dma source(%dma_start3A_23 : memref<1000x32xf32, #tpu.memory_space<hbm>>) target(%arg7 : memref<1000x32xf32, #tpu.memory_space<vmem>>) target_semaphore(%run_scoped3A : memref<!tpu.dma_semaphore, #tpu.memory_space<semaphore_mem>>)
      %dma_wait3A = arith.constant 0 : i32
      %dma_wait3A_24 = tpu.memref_slice %arg2[%add3A_12, %dma_wait3A] : memref<160000x32xf32, #tpu.memory_space<hbm>> -> memref<1000x32xf32, #tpu.memory_space<hbm>>
      %dma_wait3A_25 = arith.constant 0 : i32
      %dma_wait3A_26 = tpu.memref_slice %arg2[%add3A_12, %dma_wait3A_25] : memref<160000x32xf32, #tpu.memory_space<hbm>> -> memref<1000x32xf32, #tpu.memory_space<hbm>>
      tpu.wait_dma2 semaphore(%run_scoped3A : memref<!tpu.dma_semaphore, #tpu.memory_space<semaphore_mem>>) src(%dma_wait3A_26 : memref<1000x32xf32, #tpu.memory_space<hbm>>) dst(%arg7 : memref<1000x32xf32, #tpu.memory_space<vmem>>)
      tpu.yield
    }) : () -> ()
    "tpu.region"() ({
      %run_scoped3A = tpu.sem_alloc : memref<!tpu.dma_semaphore, #tpu.memory_space<semaphore_mem>>
      %dma_start3A = arith.constant 0 : i32
      %dma_start3A_21 = arith.constant 0 : i32
      %dma_start3A_22 = tpu.memref_slice %arg8[%dma_start3A, %dma_start3A_21] : memref<10000x32xf32, #tpu.memory_space<vmem_shared>> -> memref<10000x32xf32, #tpu.memory_space<vmem_shared>>
      tpu.enqueue_indirect_dma source(%arg7 : memref<1000x32xf32, #tpu.memory_space<vmem>>) target(%dma_start3A_22 : memref<10000x32xf32, #tpu.memory_space<vmem_shared>>) offsets(%arg6 : memref<1000xi32, #tpu.memory_space<vmem>>) semaphore(%run_scoped3A : memref<!tpu.dma_semaphore, #tpu.memory_space<semaphore_mem>>) {add = true}
      %dma_wait3A = arith.constant 0 : i32
      %dma_wait3A_23 = arith.constant 0 : i32
      %dma_wait3A_24 = tpu.memref_slice %arg8[%dma_wait3A, %dma_wait3A_23] : memref<10000x32xf32, #tpu.memory_space<vmem_shared>> -> memref<10000x32xf32, #tpu.memory_space<vmem_shared>>
      tpu.wait_indirect_dma semaphore(%run_scoped3A : memref<!tpu.dma_semaphore, #tpu.memory_space<semaphore_mem>>) src(%arg7 : memref<1000x32xf32, #tpu.memory_space<vmem>>) dst(%dma_wait3A_24 : memref<10000x32xf32, #tpu.memory_space<vmem_shared>>)
      tpu.yield
    }) : () -> ()
    %add3A_13 = arith.constant 4000 : i32
    %add3A_14 = arith.addi %mul3A_2, %add3A_13 : i32
    "tpu.region"() ({
      %run_scoped3A = tpu.sem_alloc : memref<!tpu.dma_semaphore, #tpu.memory_space<semaphore_mem>>
      %dma_start3A = tpu.memref_slice %arg3[%add3A_14] : memref<160000xi32, #tpu.memory_space<hbm>> -> memref<1000xi32, #tpu.memory_space<hbm>>
      %dma_start3A_21 = tpu.memref_slice %arg3[%add3A_14] : memref<160000xi32, #tpu.memory_space<hbm>> -> memref<1000xi32, #tpu.memory_space<hbm>>
      tpu.enqueue_dma source(%dma_start3A_21 : memref<1000xi32, #tpu.memory_space<hbm>>) target(%arg6 : memref<1000xi32, #tpu.memory_space<vmem>>) target_semaphore(%run_scoped3A : memref<!tpu.dma_semaphore, #tpu.memory_space<semaphore_mem>>)
      %dma_wait3A = tpu.memref_slice %arg3[%add3A_14] : memref<160000xi32, #tpu.memory_space<hbm>> -> memref<1000xi32, #tpu.memory_space<hbm>>
      %dma_wait3A_22 = tpu.memref_slice %arg3[%add3A_14] : memref<160000xi32, #tpu.memory_space<hbm>> -> memref<1000xi32, #tpu.memory_space<hbm>>
      tpu.wait_dma2 semaphore(%run_scoped3A : memref<!tpu.dma_semaphore, #tpu.memory_space<semaphore_mem>>) src(%dma_wait3A_22 : memref<1000xi32, #tpu.memory_space<hbm>>) dst(%arg6 : memref<1000xi32, #tpu.memory_space<vmem>>)
      tpu.yield
    }) : () -> ()
    "tpu.region"() ({
      %run_scoped3A = tpu.sem_alloc : memref<!tpu.dma_semaphore, #tpu.memory_space<semaphore_mem>>
      %dma_start3A = arith.constant 0 : i32
      %dma_start3A_21 = tpu.memref_slice %arg2[%add3A_14, %dma_start3A] : memref<160000x32xf32, #tpu.memory_space<hbm>> -> memref<1000x32xf32, #tpu.memory_space<hbm>>
      %dma_start3A_22 = arith.constant 0 : i32
      %dma_start3A_23 = tpu.memref_slice %arg2[%add3A_14, %dma_start3A_22] : memref<160000x32xf32, #tpu.memory_space<hbm>> -> memref<1000x32xf32, #tpu.memory_space<hbm>>
      tpu.enqueue_dma source(%dma_start3A_23 : memref<1000x32xf32, #tpu.memory_space<hbm>>) target(%arg7 : memref<1000x32xf32, #tpu.memory_space<vmem>>) target_semaphore(%run_scoped3A : memref<!tpu.dma_semaphore, #tpu.memory_space<semaphore_mem>>)
      %dma_wait3A = arith.constant 0 : i32
      %dma_wait3A_24 = tpu.memref_slice %arg2[%add3A_14, %dma_wait3A] : memref<160000x32xf32, #tpu.memory_space<hbm>> -> memref<1000x32xf32, #tpu.memory_space<hbm>>
      %dma_wait3A_25 = arith.constant 0 : i32
      %dma_wait3A_26 = tpu.memref_slice %arg2[%add3A_14, %dma_wait3A_25] : memref<160000x32xf32, #tpu.memory_space<hbm>> -> memref<1000x32xf32, #tpu.memory_space<hbm>>
      tpu.wait_dma2 semaphore(%run_scoped3A : memref<!tpu.dma_semaphore, #tpu.memory_space<semaphore_mem>>) src(%dma_wait3A_26 : memref<1000x32xf32, #tpu.memory_space<hbm>>) dst(%arg7 : memref<1000x32xf32, #tpu.memory_space<vmem>>)
      tpu.yield
    }) : () -> ()
    "tpu.region"() ({
      %run_scoped3A = tpu.sem_alloc : memref<!tpu.dma_semaphore, #tpu.memory_space<semaphore_mem>>
      %dma_start3A = arith.constant 0 : i32
      %dma_start3A_21 = arith.constant 0 : i32
      %dma_start3A_22 = tpu.memref_slice %arg8[%dma_start3A, %dma_start3A_21] : memref<10000x32xf32, #tpu.memory_space<vmem_shared>> -> memref<10000x32xf32, #tpu.memory_space<vmem_shared>>
      tpu.enqueue_indirect_dma source(%arg7 : memref<1000x32xf32, #tpu.memory_space<vmem>>) target(%dma_start3A_22 : memref<10000x32xf32, #tpu.memory_space<vmem_shared>>) offsets(%arg6 : memref<1000xi32, #tpu.memory_space<vmem>>) semaphore(%run_scoped3A : memref<!tpu.dma_semaphore, #tpu.memory_space<semaphore_mem>>) {add = true}
      %dma_wait3A = arith.constant 0 : i32
      %dma_wait3A_23 = arith.constant 0 : i32
      %dma_wait3A_24 = tpu.memref_slice %arg8[%dma_wait3A, %dma_wait3A_23] : memref<10000x32xf32, #tpu.memory_space<vmem_shared>> -> memref<10000x32xf32, #tpu.memory_space<vmem_shared>>
      tpu.wait_indirect_dma semaphore(%run_scoped3A : memref<!tpu.dma_semaphore, #tpu.memory_space<semaphore_mem>>) src(%arg7 : memref<1000x32xf32, #tpu.memory_space<vmem>>) dst(%dma_wait3A_24 : memref<10000x32xf32, #tpu.memory_space<vmem_shared>>)
      tpu.yield
    }) : () -> ()
    %barrier3A_15 = arith.constant 0 : index
    tpu.barrier barrier_id(%barrier3A_15)
    %eq3A_16 = arith.constant 0 : i32
    %eq3A_17 = arith.cmpi eq, %arg1, %eq3A_16 : i32
    %convert_element_type3A_18 = arith.extui %eq3A_17 : i1 to i32
    %cond3A_19 = arith.constant 0 : i32
    %cond3A_20 = arith.cmpi ne, %convert_element_type3A_18, %cond3A_19 : i32
    scf.if %cond3A_20 {
      "tpu.region"() ({
        %run_scoped3A = tpu.sem_alloc : memref<!tpu.dma_semaphore, #tpu.memory_space<semaphore_mem>>
        %dma_start3A = arith.constant 0 : i32
        %dma_start3A_21 = arith.constant 0 : i32
        %dma_start3A_22 = tpu.memref_slice %arg5[%arg0, %dma_start3A, %dma_start3A_21] : memref<2x10000x32xf32, #tpu.memory_space<hbm>> -> memref<1x10000x32xf32, #tpu.memory_space<hbm>>
        %dma_start3A_23 = tpu.memref_squeeze %dma_start3A_22 : memref<1x10000x32xf32, #tpu.memory_space<hbm>> -> memref<10000x32xf32, #tpu.memory_space<hbm>>
        tpu.enqueue_dma source(%arg8 : memref<10000x32xf32, #tpu.memory_space<vmem_shared>>) target(%dma_start3A_23 : memref<10000x32xf32, #tpu.memory_space<hbm>>) target_semaphore(%run_scoped3A : memref<!tpu.dma_semaphore, #tpu.memory_space<semaphore_mem>>)
        %dma_wait3A = arith.constant 0 : i32
        %dma_wait3A_24 = arith.constant 0 : i32
        %dma_wait3A_25 = tpu.memref_slice %arg5[%arg0, %dma_wait3A, %dma_wait3A_24] : memref<2x10000x32xf32, #tpu.memory_space<hbm>> -> memref<1x10000x32xf32, #tpu.memory_space<hbm>>
        %dma_wait3A_26 = tpu.memref_squeeze %dma_wait3A_25 : memref<1x10000x32xf32, #tpu.memory_space<hbm>> -> memref<10000x32xf32, #tpu.memory_space<hbm>>
        tpu.wait_dma2 semaphore(%run_scoped3A : memref<!tpu.dma_semaphore, #tpu.memory_space<semaphore_mem>>) src(%arg8 : memref<10000x32xf32, #tpu.memory_space<vmem_shared>>) dst(%dma_wait3A_26 : memref<10000x32xf32, #tpu.memory_space<hbm>>)
        tpu.yield
      }) : () -> ()
    } else {
    }
    return
  }
}

#map = affine_map<(d0, d1) -> (0, 0)>
#map1 = affine_map<(d0, d1) -> (0)>
module attributes {stable_mosaic.version = 14 : i64} {
  func.func @_gather_body(%arg0: i32, %arg1: i32, %arg2: memref<10000x32xf32, #tpu.memory_space<hbm>>, %arg3: memref<160000xi32, #tpu.memory_space<hbm>>, %arg4: memref<160000x32xf32, #tpu.memory_space<hbm>>, %arg5: memref<1000xi32, #tpu.memory_space<vmem>>, %arg6: memref<1000x32xf32, #tpu.memory_space<vmem>>, %arg7: memref<!tpu.dma_semaphore, #tpu.memory_space<semaphore_mem>>) attributes {dimension_semantics = [#tpu.dimension_semantics<core_parallel>, #tpu.dimension_semantics<subcore_parallel>], iteration_bounds = array<i64: 2, 16>, scalar_prefetch = 0 : i64, scratch_operands = 3 : i64, tpu.core_type = #tpu.core_type<sc_vector_subcore>, window_params = [{transform_indices = #map}, {transform_indices = #map1}, {transform_indices = #map}]} {
    %mul3A = arith.constant 2 : i32
    %mul3A_0 = arith.muli %arg1, %mul3A : i32
    %add3A = arith.addi %mul3A_0, %arg0 : i32
    %mul3A_1 = arith.constant 5000 : i32
    %mul3A_2 = arith.muli %add3A, %mul3A_1 : i32
    %add3A_3 = arith.constant 0 : i32
    %add3A_4 = arith.addi %mul3A_2, %add3A_3 : i32
    "tpu.region"() ({
      %run_scoped3A = tpu.sem_alloc : memref<!tpu.dma_semaphore, #tpu.memory_space<semaphore_mem>>
      %dma_start3A_41 = tpu.memref_slice %arg3[%add3A_4] : memref<160000xi32, #tpu.memory_space<hbm>> -> memref<1000xi32, #tpu.memory_space<hbm>>
      %dma_start3A_42 = tpu.memref_slice %arg3[%add3A_4] : memref<160000xi32, #tpu.memory_space<hbm>> -> memref<1000xi32, #tpu.memory_space<hbm>>
      tpu.enqueue_dma source(%dma_start3A_42 : memref<1000xi32, #tpu.memory_space<hbm>>) target(%arg5 : memref<1000xi32, #tpu.memory_space<vmem>>) target_semaphore(%run_scoped3A : memref<!tpu.dma_semaphore, #tpu.memory_space<semaphore_mem>>)
      %dma_wait3A_43 = tpu.memref_slice %arg3[%add3A_4] : memref<160000xi32, #tpu.memory_space<hbm>> -> memref<1000xi32, #tpu.memory_space<hbm>>
      %dma_wait3A_44 = tpu.memref_slice %arg3[%add3A_4] : memref<160000xi32, #tpu.memory_space<hbm>> -> memref<1000xi32, #tpu.memory_space<hbm>>
      tpu.wait_dma2 semaphore(%run_scoped3A : memref<!tpu.dma_semaphore, #tpu.memory_space<semaphore_mem>>) src(%dma_wait3A_44 : memref<1000xi32, #tpu.memory_space<hbm>>) dst(%arg5 : memref<1000xi32, #tpu.memory_space<vmem>>)
      tpu.yield
    }) : () -> ()
    %dma_start3A = arith.constant 0 : i32
    %dma_start3A_5 = arith.constant 0 : i32
    %dma_start3A_6 = tpu.memref_slice %arg2[%dma_start3A, %dma_start3A_5] : memref<10000x32xf32, #tpu.memory_space<hbm>> -> memref<10000x32xf32, #tpu.memory_space<hbm>>
    tpu.enqueue_indirect_dma source(%dma_start3A_6 : memref<10000x32xf32, #tpu.memory_space<hbm>>) target(%arg6 : memref<1000x32xf32, #tpu.memory_space<vmem>>) offsets(%arg5 : memref<1000xi32, #tpu.memory_space<vmem>>) semaphore(%arg7 : memref<!tpu.dma_semaphore, #tpu.memory_space<semaphore_mem>>)
    %dma_wait3A = arith.constant 0 : i32
    %dma_wait3A_7 = arith.constant 0 : i32
    %dma_wait3A_8 = tpu.memref_slice %arg2[%dma_wait3A, %dma_wait3A_7] : memref<10000x32xf32, #tpu.memory_space<hbm>> -> memref<10000x32xf32, #tpu.memory_space<hbm>>
    tpu.wait_indirect_dma semaphore(%arg7 : memref<!tpu.dma_semaphore, #tpu.memory_space<semaphore_mem>>) src(%dma_wait3A_8 : memref<10000x32xf32, #tpu.memory_space<hbm>>) dst(%arg6 : memref<1000x32xf32, #tpu.memory_space<vmem>>)
    "tpu.region"() ({
      %run_scoped3A = tpu.sem_alloc : memref<!tpu.dma_semaphore, #tpu.memory_space<semaphore_mem>>
      %dma_start3A_41 = arith.constant 0 : i32
      %dma_start3A_42 = tpu.memref_slice %arg4[%add3A_4, %dma_start3A_41] : memref<160000x32xf32, #tpu.memory_space<hbm>> -> memref<1000x32xf32, #tpu.memory_space<hbm>>
      %dma_start3A_43 = arith.constant 0 : i32
      %dma_start3A_44 = tpu.memref_slice %arg4[%add3A_4, %dma_start3A_43] : memref<160000x32xf32, #tpu.memory_space<hbm>> -> memref<1000x32xf32, #tpu.memory_space<hbm>>
      tpu.enqueue_dma source(%arg6 : memref<1000x32xf32, #tpu.memory_space<vmem>>) target(%dma_start3A_44 : memref<1000x32xf32, #tpu.memory_space<hbm>>) target_semaphore(%run_scoped3A : memref<!tpu.dma_semaphore, #tpu.memory_space<semaphore_mem>>)
      %dma_wait3A_45 = arith.constant 0 : i32
      %dma_wait3A_46 = tpu.memref_slice %arg4[%add3A_4, %dma_wait3A_45] : memref<160000x32xf32, #tpu.memory_space<hbm>> -> memref<1000x32xf32, #tpu.memory_space<hbm>>
      %dma_wait3A_47 = arith.constant 0 : i32
      %dma_wait3A_48 = tpu.memref_slice %arg4[%add3A_4, %dma_wait3A_47] : memref<160000x32xf32, #tpu.memory_space<hbm>> -> memref<1000x32xf32, #tpu.memory_space<hbm>>
      tpu.wait_dma2 semaphore(%run_scoped3A : memref<!tpu.dma_semaphore, #tpu.memory_space<semaphore_mem>>) src(%arg6 : memref<1000x32xf32, #tpu.memory_space<vmem>>) dst(%dma_wait3A_48 : memref<1000x32xf32, #tpu.memory_space<hbm>>)
      tpu.yield
    }) : () -> ()
    %add3A_9 = arith.constant 1000 : i32
    %add3A_10 = arith.addi %mul3A_2, %add3A_9 : i32
    "tpu.region"() ({
      %run_scoped3A = tpu.sem_alloc : memref<!tpu.dma_semaphore, #tpu.memory_space<semaphore_mem>>
      %dma_start3A_41 = tpu.memref_slice %arg3[%add3A_10] : memref<160000xi32, #tpu.memory_space<hbm>> -> memref<1000xi32, #tpu.memory_space<hbm>>
      %dma_start3A_42 = tpu.memref_slice %arg3[%add3A_10] : memref<160000xi32, #tpu.memory_space<hbm>> -> memref<1000xi32, #tpu.memory_space<hbm>>
      tpu.enqueue_dma source(%dma_start3A_42 : memref<1000xi32, #tpu.memory_space<hbm>>) target(%arg5 : memref<1000xi32, #tpu.memory_space<vmem>>) target_semaphore(%run_scoped3A : memref<!tpu.dma_semaphore, #tpu.memory_space<semaphore_mem>>)
      %dma_wait3A_43 = tpu.memref_slice %arg3[%add3A_10] : memref<160000xi32, #tpu.memory_space<hbm>> -> memref<1000xi32, #tpu.memory_space<hbm>>
      %dma_wait3A_44 = tpu.memref_slice %arg3[%add3A_10] : memref<160000xi32, #tpu.memory_space<hbm>> -> memref<1000xi32, #tpu.memory_space<hbm>>
      tpu.wait_dma2 semaphore(%run_scoped3A : memref<!tpu.dma_semaphore, #tpu.memory_space<semaphore_mem>>) src(%dma_wait3A_44 : memref<1000xi32, #tpu.memory_space<hbm>>) dst(%arg5 : memref<1000xi32, #tpu.memory_space<vmem>>)
      tpu.yield
    }) : () -> ()
    %dma_start3A_11 = arith.constant 0 : i32
    %dma_start3A_12 = arith.constant 0 : i32
    %dma_start3A_13 = tpu.memref_slice %arg2[%dma_start3A_11, %dma_start3A_12] : memref<10000x32xf32, #tpu.memory_space<hbm>> -> memref<10000x32xf32, #tpu.memory_space<hbm>>
    tpu.enqueue_indirect_dma source(%dma_start3A_13 : memref<10000x32xf32, #tpu.memory_space<hbm>>) target(%arg6 : memref<1000x32xf32, #tpu.memory_space<vmem>>) offsets(%arg5 : memref<1000xi32, #tpu.memory_space<vmem>>) semaphore(%arg7 : memref<!tpu.dma_semaphore, #tpu.memory_space<semaphore_mem>>)
    %dma_wait3A_14 = arith.constant 0 : i32
    %dma_wait3A_15 = arith.constant 0 : i32
    %dma_wait3A_16 = tpu.memref_slice %arg2[%dma_wait3A_14, %dma_wait3A_15] : memref<10000x32xf32, #tpu.memory_space<hbm>> -> memref<10000x32xf32, #tpu.memory_space<hbm>>
    tpu.wait_indirect_dma semaphore(%arg7 : memref<!tpu.dma_semaphore, #tpu.memory_space<semaphore_mem>>) src(%dma_wait3A_16 : memref<10000x32xf32, #tpu.memory_space<hbm>>) dst(%arg6 : memref<1000x32xf32, #tpu.memory_space<vmem>>)
    "tpu.region"() ({
      %run_scoped3A = tpu.sem_alloc : memref<!tpu.dma_semaphore, #tpu.memory_space<semaphore_mem>>
      %dma_start3A_41 = arith.constant 0 : i32
      %dma_start3A_42 = tpu.memref_slice %arg4[%add3A_10, %dma_start3A_41] : memref<160000x32xf32, #tpu.memory_space<hbm>> -> memref<1000x32xf32, #tpu.memory_space<hbm>>
      %dma_start3A_43 = arith.constant 0 : i32
      %dma_start3A_44 = tpu.memref_slice %arg4[%add3A_10, %dma_start3A_43] : memref<160000x32xf32, #tpu.memory_space<hbm>> -> memref<1000x32xf32, #tpu.memory_space<hbm>>
      tpu.enqueue_dma source(%arg6 : memref<1000x32xf32, #tpu.memory_space<vmem>>) target(%dma_start3A_44 : memref<1000x32xf32, #tpu.memory_space<hbm>>) target_semaphore(%run_scoped3A : memref<!tpu.dma_semaphore, #tpu.memory_space<semaphore_mem>>)
      %dma_wait3A_45 = arith.constant 0 : i32
      %dma_wait3A_46 = tpu.memref_slice %arg4[%add3A_10, %dma_wait3A_45] : memref<160000x32xf32, #tpu.memory_space<hbm>> -> memref<1000x32xf32, #tpu.memory_space<hbm>>
      %dma_wait3A_47 = arith.constant 0 : i32
      %dma_wait3A_48 = tpu.memref_slice %arg4[%add3A_10, %dma_wait3A_47] : memref<160000x32xf32, #tpu.memory_space<hbm>> -> memref<1000x32xf32, #tpu.memory_space<hbm>>
      tpu.wait_dma2 semaphore(%run_scoped3A : memref<!tpu.dma_semaphore, #tpu.memory_space<semaphore_mem>>) src(%arg6 : memref<1000x32xf32, #tpu.memory_space<vmem>>) dst(%dma_wait3A_48 : memref<1000x32xf32, #tpu.memory_space<hbm>>)
      tpu.yield
    }) : () -> ()
    %add3A_17 = arith.constant 2000 : i32
    %add3A_18 = arith.addi %mul3A_2, %add3A_17 : i32
    "tpu.region"() ({
      %run_scoped3A = tpu.sem_alloc : memref<!tpu.dma_semaphore, #tpu.memory_space<semaphore_mem>>
      %dma_start3A_41 = tpu.memref_slice %arg3[%add3A_18] : memref<160000xi32, #tpu.memory_space<hbm>> -> memref<1000xi32, #tpu.memory_space<hbm>>
      %dma_start3A_42 = tpu.memref_slice %arg3[%add3A_18] : memref<160000xi32, #tpu.memory_space<hbm>> -> memref<1000xi32, #tpu.memory_space<hbm>>
      tpu.enqueue_dma source(%dma_start3A_42 : memref<1000xi32, #tpu.memory_space<hbm>>) target(%arg5 : memref<1000xi32, #tpu.memory_space<vmem>>) target_semaphore(%run_scoped3A : memref<!tpu.dma_semaphore, #tpu.memory_space<semaphore_mem>>)
      %dma_wait3A_43 = tpu.memref_slice %arg3[%add3A_18] : memref<160000xi32, #tpu.memory_space<hbm>> -> memref<1000xi32, #tpu.memory_space<hbm>>
      %dma_wait3A_44 = tpu.memref_slice %arg3[%add3A_18] : memref<160000xi32, #tpu.memory_space<hbm>> -> memref<1000xi32, #tpu.memory_space<hbm>>
      tpu.wait_dma2 semaphore(%run_scoped3A : memref<!tpu.dma_semaphore, #tpu.memory_space<semaphore_mem>>) src(%dma_wait3A_44 : memref<1000xi32, #tpu.memory_space<hbm>>) dst(%arg5 : memref<1000xi32, #tpu.memory_space<vmem>>)
      tpu.yield
    }) : () -> ()
    %dma_start3A_19 = arith.constant 0 : i32
    %dma_start3A_20 = arith.constant 0 : i32
    %dma_start3A_21 = tpu.memref_slice %arg2[%dma_start3A_19, %dma_start3A_20] : memref<10000x32xf32, #tpu.memory_space<hbm>> -> memref<10000x32xf32, #tpu.memory_space<hbm>>
    tpu.enqueue_indirect_dma source(%dma_start3A_21 : memref<10000x32xf32, #tpu.memory_space<hbm>>) target(%arg6 : memref<1000x32xf32, #tpu.memory_space<vmem>>) offsets(%arg5 : memref<1000xi32, #tpu.memory_space<vmem>>) semaphore(%arg7 : memref<!tpu.dma_semaphore, #tpu.memory_space<semaphore_mem>>)
    %dma_wait3A_22 = arith.constant 0 : i32
    %dma_wait3A_23 = arith.constant 0 : i32
    %dma_wait3A_24 = tpu.memref_slice %arg2[%dma_wait3A_22, %dma_wait3A_23] : memref<10000x32xf32, #tpu.memory_space<hbm>> -> memref<10000x32xf32, #tpu.memory_space<hbm>>
    tpu.wait_indirect_dma semaphore(%arg7 : memref<!tpu.dma_semaphore, #tpu.memory_space<semaphore_mem>>) src(%dma_wait3A_24 : memref<10000x32xf32, #tpu.memory_space<hbm>>) dst(%arg6 : memref<1000x32xf32, #tpu.memory_space<vmem>>)
    "tpu.region"() ({
      %run_scoped3A = tpu.sem_alloc : memref<!tpu.dma_semaphore, #tpu.memory_space<semaphore_mem>>
      %dma_start3A_41 = arith.constant 0 : i32
      %dma_start3A_42 = tpu.memref_slice %arg4[%add3A_18, %dma_start3A_41] : memref<160000x32xf32, #tpu.memory_space<hbm>> -> memref<1000x32xf32, #tpu.memory_space<hbm>>
      %dma_start3A_43 = arith.constant 0 : i32
      %dma_start3A_44 = tpu.memref_slice %arg4[%add3A_18, %dma_start3A_43] : memref<160000x32xf32, #tpu.memory_space<hbm>> -> memref<1000x32xf32, #tpu.memory_space<hbm>>
      tpu.enqueue_dma source(%arg6 : memref<1000x32xf32, #tpu.memory_space<vmem>>) target(%dma_start3A_44 : memref<1000x32xf32, #tpu.memory_space<hbm>>) target_semaphore(%run_scoped3A : memref<!tpu.dma_semaphore, #tpu.memory_space<semaphore_mem>>)
      %dma_wait3A_45 = arith.constant 0 : i32
      %dma_wait3A_46 = tpu.memref_slice %arg4[%add3A_18, %dma_wait3A_45] : memref<160000x32xf32, #tpu.memory_space<hbm>> -> memref<1000x32xf32, #tpu.memory_space<hbm>>
      %dma_wait3A_47 = arith.constant 0 : i32
      %dma_wait3A_48 = tpu.memref_slice %arg4[%add3A_18, %dma_wait3A_47] : memref<160000x32xf32, #tpu.memory_space<hbm>> -> memref<1000x32xf32, #tpu.memory_space<hbm>>
      tpu.wait_dma2 semaphore(%run_scoped3A : memref<!tpu.dma_semaphore, #tpu.memory_space<semaphore_mem>>) src(%arg6 : memref<1000x32xf32, #tpu.memory_space<vmem>>) dst(%dma_wait3A_48 : memref<1000x32xf32, #tpu.memory_space<hbm>>)
      tpu.yield
    }) : () -> ()
    %add3A_25 = arith.constant 3000 : i32
    %add3A_26 = arith.addi %mul3A_2, %add3A_25 : i32
    "tpu.region"() ({
      %run_scoped3A = tpu.sem_alloc : memref<!tpu.dma_semaphore, #tpu.memory_space<semaphore_mem>>
      %dma_start3A_41 = tpu.memref_slice %arg3[%add3A_26] : memref<160000xi32, #tpu.memory_space<hbm>> -> memref<1000xi32, #tpu.memory_space<hbm>>
      %dma_start3A_42 = tpu.memref_slice %arg3[%add3A_26] : memref<160000xi32, #tpu.memory_space<hbm>> -> memref<1000xi32, #tpu.memory_space<hbm>>
      tpu.enqueue_dma source(%dma_start3A_42 : memref<1000xi32, #tpu.memory_space<hbm>>) target(%arg5 : memref<1000xi32, #tpu.memory_space<vmem>>) target_semaphore(%run_scoped3A : memref<!tpu.dma_semaphore, #tpu.memory_space<semaphore_mem>>)
      %dma_wait3A_43 = tpu.memref_slice %arg3[%add3A_26] : memref<160000xi32, #tpu.memory_space<hbm>> -> memref<1000xi32, #tpu.memory_space<hbm>>
      %dma_wait3A_44 = tpu.memref_slice %arg3[%add3A_26] : memref<160000xi32, #tpu.memory_space<hbm>> -> memref<1000xi32, #tpu.memory_space<hbm>>
      tpu.wait_dma2 semaphore(%run_scoped3A : memref<!tpu.dma_semaphore, #tpu.memory_space<semaphore_mem>>) src(%dma_wait3A_44 : memref<1000xi32, #tpu.memory_space<hbm>>) dst(%arg5 : memref<1000xi32, #tpu.memory_space<vmem>>)
      tpu.yield
    }) : () -> ()
    %dma_start3A_27 = arith.constant 0 : i32
    %dma_start3A_28 = arith.constant 0 : i32
    %dma_start3A_29 = tpu.memref_slice %arg2[%dma_start3A_27, %dma_start3A_28] : memref<10000x32xf32, #tpu.memory_space<hbm>> -> memref<10000x32xf32, #tpu.memory_space<hbm>>
    tpu.enqueue_indirect_dma source(%dma_start3A_29 : memref<10000x32xf32, #tpu.memory_space<hbm>>) target(%arg6 : memref<1000x32xf32, #tpu.memory_space<vmem>>) offsets(%arg5 : memref<1000xi32, #tpu.memory_space<vmem>>) semaphore(%arg7 : memref<!tpu.dma_semaphore, #tpu.memory_space<semaphore_mem>>)
    %dma_wait3A_30 = arith.constant 0 : i32
    %dma_wait3A_31 = arith.constant 0 : i32
    %dma_wait3A_32 = tpu.memref_slice %arg2[%dma_wait3A_30, %dma_wait3A_31] : memref<10000x32xf32, #tpu.memory_space<hbm>> -> memref<10000x32xf32, #tpu.memory_space<hbm>>
    tpu.wait_indirect_dma semaphore(%arg7 : memref<!tpu.dma_semaphore, #tpu.memory_space<semaphore_mem>>) src(%dma_wait3A_32 : memref<10000x32xf32, #tpu.memory_space<hbm>>) dst(%arg6 : memref<1000x32xf32, #tpu.memory_space<vmem>>)
    "tpu.region"() ({
      %run_scoped3A = tpu.sem_alloc : memref<!tpu.dma_semaphore, #tpu.memory_space<semaphore_mem>>
      %dma_start3A_41 = arith.constant 0 : i32
      %dma_start3A_42 = tpu.memref_slice %arg4[%add3A_26, %dma_start3A_41] : memref<160000x32xf32, #tpu.memory_space<hbm>> -> memref<1000x32xf32, #tpu.memory_space<hbm>>
      %dma_start3A_43 = arith.constant 0 : i32
      %dma_start3A_44 = tpu.memref_slice %arg4[%add3A_26, %dma_start3A_43] : memref<160000x32xf32, #tpu.memory_space<hbm>> -> memref<1000x32xf32, #tpu.memory_space<hbm>>
      tpu.enqueue_dma source(%arg6 : memref<1000x32xf32, #tpu.memory_space<vmem>>) target(%dma_start3A_44 : memref<1000x32xf32, #tpu.memory_space<hbm>>) target_semaphore(%run_scoped3A : memref<!tpu.dma_semaphore, #tpu.memory_space<semaphore_mem>>)
      %dma_wait3A_45 = arith.constant 0 : i32
      %dma_wait3A_46 = tpu.memref_slice %arg4[%add3A_26, %dma_wait3A_45] : memref<160000x32xf32, #tpu.memory_space<hbm>> -> memref<1000x32xf32, #tpu.memory_space<hbm>>
      %dma_wait3A_47 = arith.constant 0 : i32
      %dma_wait3A_48 = tpu.memref_slice %arg4[%add3A_26, %dma_wait3A_47] : memref<160000x32xf32, #tpu.memory_space<hbm>> -> memref<1000x32xf32, #tpu.memory_space<hbm>>
      tpu.wait_dma2 semaphore(%run_scoped3A : memref<!tpu.dma_semaphore, #tpu.memory_space<semaphore_mem>>) src(%arg6 : memref<1000x32xf32, #tpu.memory_space<vmem>>) dst(%dma_wait3A_48 : memref<1000x32xf32, #tpu.memory_space<hbm>>)
      tpu.yield
    }) : () -> ()
    %add3A_33 = arith.constant 4000 : i32
    %add3A_34 = arith.addi %mul3A_2, %add3A_33 : i32
    "tpu.region"() ({
      %run_scoped3A = tpu.sem_alloc : memref<!tpu.dma_semaphore, #tpu.memory_space<semaphore_mem>>
      %dma_start3A_41 = tpu.memref_slice %arg3[%add3A_34] : memref<160000xi32, #tpu.memory_space<hbm>> -> memref<1000xi32, #tpu.memory_space<hbm>>
      %dma_start3A_42 = tpu.memref_slice %arg3[%add3A_34] : memref<160000xi32, #tpu.memory_space<hbm>> -> memref<1000xi32, #tpu.memory_space<hbm>>
      tpu.enqueue_dma source(%dma_start3A_42 : memref<1000xi32, #tpu.memory_space<hbm>>) target(%arg5 : memref<1000xi32, #tpu.memory_space<vmem>>) target_semaphore(%run_scoped3A : memref<!tpu.dma_semaphore, #tpu.memory_space<semaphore_mem>>)
      %dma_wait3A_43 = tpu.memref_slice %arg3[%add3A_34] : memref<160000xi32, #tpu.memory_space<hbm>> -> memref<1000xi32, #tpu.memory_space<hbm>>
      %dma_wait3A_44 = tpu.memref_slice %arg3[%add3A_34] : memref<160000xi32, #tpu.memory_space<hbm>> -> memref<1000xi32, #tpu.memory_space<hbm>>
      tpu.wait_dma2 semaphore(%run_scoped3A : memref<!tpu.dma_semaphore, #tpu.memory_space<semaphore_mem>>) src(%dma_wait3A_44 : memref<1000xi32, #tpu.memory_space<hbm>>) dst(%arg5 : memref<1000xi32, #tpu.memory_space<vmem>>)
      tpu.yield
    }) : () -> ()
    %dma_start3A_35 = arith.constant 0 : i32
    %dma_start3A_36 = arith.constant 0 : i32
    %dma_start3A_37 = tpu.memref_slice %arg2[%dma_start3A_35, %dma_start3A_36] : memref<10000x32xf32, #tpu.memory_space<hbm>> -> memref<10000x32xf32, #tpu.memory_space<hbm>>
    tpu.enqueue_indirect_dma source(%dma_start3A_37 : memref<10000x32xf32, #tpu.memory_space<hbm>>) target(%arg6 : memref<1000x32xf32, #tpu.memory_space<vmem>>) offsets(%arg5 : memref<1000xi32, #tpu.memory_space<vmem>>) semaphore(%arg7 : memref<!tpu.dma_semaphore, #tpu.memory_space<semaphore_mem>>)
    %dma_wait3A_38 = arith.constant 0 : i32
    %dma_wait3A_39 = arith.constant 0 : i32
    %dma_wait3A_40 = tpu.memref_slice %arg2[%dma_wait3A_38, %dma_wait3A_39] : memref<10000x32xf32, #tpu.memory_space<hbm>> -> memref<10000x32xf32, #tpu.memory_space<hbm>>
    tpu.wait_indirect_dma semaphore(%arg7 : memref<!tpu.dma_semaphore, #tpu.memory_space<semaphore_mem>>) src(%dma_wait3A_40 : memref<10000x32xf32, #tpu.memory_space<hbm>>) dst(%arg6 : memref<1000x32xf32, #tpu.memory_space<vmem>>)
    "tpu.region"() ({
      %run_scoped3A = tpu.sem_alloc : memref<!tpu.dma_semaphore, #tpu.memory_space<semaphore_mem>>
      %dma_start3A_41 = arith.constant 0 : i32
      %dma_start3A_42 = tpu.memref_slice %arg4[%add3A_34, %dma_start3A_41] : memref<160000x32xf32, #tpu.memory_space<hbm>> -> memref<1000x32xf32, #tpu.memory_space<hbm>>
      %dma_start3A_43 = arith.constant 0 : i32
      %dma_start3A_44 = tpu.memref_slice %arg4[%add3A_34, %dma_start3A_43] : memref<160000x32xf32, #tpu.memory_space<hbm>> -> memref<1000x32xf32, #tpu.memory_space<hbm>>
      tpu.enqueue_dma source(%arg6 : memref<1000x32xf32, #tpu.memory_space<vmem>>) target(%dma_start3A_44 : memref<1000x32xf32, #tpu.memory_space<hbm>>) target_semaphore(%run_scoped3A : memref<!tpu.dma_semaphore, #tpu.memory_space<semaphore_mem>>)
      %dma_wait3A_45 = arith.constant 0 : i32
      %dma_wait3A_46 = tpu.memref_slice %arg4[%add3A_34, %dma_wait3A_45] : memref<160000x32xf32, #tpu.memory_space<hbm>> -> memref<1000x32xf32, #tpu.memory_space<hbm>>
      %dma_wait3A_47 = arith.constant 0 : i32
      %dma_wait3A_48 = tpu.memref_slice %arg4[%add3A_34, %dma_wait3A_47] : memref<160000x32xf32, #tpu.memory_space<hbm>> -> memref<1000x32xf32, #tpu.memory_space<hbm>>
      tpu.wait_dma2 semaphore(%run_scoped3A : memref<!tpu.dma_semaphore, #tpu.memory_space<semaphore_mem>>) src(%arg6 : memref<1000x32xf32, #tpu.memory_space<vmem>>) dst(%dma_wait3A_48 : memref<1000x32xf32, #tpu.memory_space<hbm>>)
      tpu.yield
    }) : () -> ()
    return
  }
}

#map = affine_map<(d0, d1) -> (0, 0)>
#map1 = affine_map<(d0, d1) -> (0)>
module attributes {stable_mosaic.version = 14 : i64} {
  func.func @_gather_body(%arg0: i32, %arg1: i32, %arg2: memref<10000x32xf32, #tpu.memory_space<hbm>>, %arg3: memref<160000xi32, #tpu.memory_space<hbm>>, %arg4: memref<160000x32xf32, #tpu.memory_space<hbm>>, %arg5: memref<1000xi32, #tpu.memory_space<vmem>>, %arg6: memref<1000x32xf32, #tpu.memory_space<vmem>>, %arg7: memref<!tpu.dma_semaphore, #tpu.memory_space<semaphore_mem>>) attributes {dimension_semantics = [#tpu.dimension_semantics<core_parallel>, #tpu.dimension_semantics<subcore_parallel>], iteration_bounds = array<i64: 2, 16>, scalar_prefetch = 0 : i64, scratch_operands = 3 : i64, tpu.core_type = #tpu.core_type<sc_vector_subcore>, window_params = [{transform_indices = #map}, {transform_indices = #map1}, {transform_indices = #map}]} {
    %mul3A = arith.constant 2 : i32
    %mul3A_0 = arith.muli %arg1, %mul3A : i32
    %add3A = arith.addi %mul3A_0, %arg0 : i32
    %mul3A_1 = arith.constant 5000 : i32
    %mul3A_2 = arith.muli %add3A, %mul3A_1 : i32
    %add3A_3 = arith.constant 0 : i32
    %add3A_4 = arith.addi %mul3A_2, %add3A_3 : i32
    "tpu.region"() ({
      %run_scoped3A = tpu.sem_alloc : memref<!tpu.dma_semaphore, #tpu.memory_space<semaphore_mem>>
      %dma_start3A_41 = tpu.memref_slice %arg3[%add3A_4] : memref<160000xi32, #tpu.memory_space<hbm>> -> memref<1000xi32, #tpu.memory_space<hbm>>
      %dma_start3A_42 = tpu.memref_slice %arg3[%add3A_4] : memref<160000xi32, #tpu.memory_space<hbm>> -> memref<1000xi32, #tpu.memory_space<hbm>>
      tpu.enqueue_dma source(%dma_start3A_42 : memref<1000xi32, #tpu.memory_space<hbm>>) target(%arg5 : memref<1000xi32, #tpu.memory_space<vmem>>) target_semaphore(%run_scoped3A : memref<!tpu.dma_semaphore, #tpu.memory_space<semaphore_mem>>)
      %dma_wait3A_43 = tpu.memref_slice %arg3[%add3A_4] : memref<160000xi32, #tpu.memory_space<hbm>> -> memref<1000xi32, #tpu.memory_space<hbm>>
      %dma_wait3A_44 = tpu.memref_slice %arg3[%add3A_4] : memref<160000xi32, #tpu.memory_space<hbm>> -> memref<1000xi32, #tpu.memory_space<hbm>>
      tpu.wait_dma2 semaphore(%run_scoped3A : memref<!tpu.dma_semaphore, #tpu.memory_space<semaphore_mem>>) src(%dma_wait3A_44 : memref<1000xi32, #tpu.memory_space<hbm>>) dst(%arg5 : memref<1000xi32, #tpu.memory_space<vmem>>)
      tpu.yield
    }) : () -> ()
    %dma_start3A = arith.constant 0 : i32
    %dma_start3A_5 = arith.constant 0 : i32
    %dma_start3A_6 = tpu.memref_slice %arg2[%dma_start3A, %dma_start3A_5] : memref<10000x32xf32, #tpu.memory_space<hbm>> -> memref<10000x32xf32, #tpu.memory_space<hbm>>
    tpu.enqueue_indirect_dma source(%dma_start3A_6 : memref<10000x32xf32, #tpu.memory_space<hbm>>) target(%arg6 : memref<1000x32xf32, #tpu.memory_space<vmem>>) offsets(%arg5 : memref<1000xi32, #tpu.memory_space<vmem>>) semaphore(%arg7 : memref<!tpu.dma_semaphore, #tpu.memory_space<semaphore_mem>>)
    %dma_wait3A = arith.constant 0 : i32
    %dma_wait3A_7 = arith.constant 0 : i32
    %dma_wait3A_8 = tpu.memref_slice %arg2[%dma_wait3A, %dma_wait3A_7] : memref<10000x32xf32, #tpu.memory_space<hbm>> -> memref<10000x32xf32, #tpu.memory_space<hbm>>
    tpu.wait_indirect_dma semaphore(%arg7 : memref<!tpu.dma_semaphore, #tpu.memory_space<semaphore_mem>>) src(%dma_wait3A_8 : memref<10000x32xf32, #tpu.memory_space<hbm>>) dst(%arg6 : memref<1000x32xf32, #tpu.memory_space<vmem>>)
    "tpu.region"() ({
      %run_scoped3A = tpu.sem_alloc : memref<!tpu.dma_semaphore, #tpu.memory_space<semaphore_mem>>
      %dma_start3A_41 = arith.constant 0 : i32
      %dma_start3A_42 = tpu.memref_slice %arg4[%add3A_4, %dma_start3A_41] : memref<160000x32xf32, #tpu.memory_space<hbm>> -> memref<1000x32xf32, #tpu.memory_space<hbm>>
      %dma_start3A_43 = arith.constant 0 : i32
      %dma_start3A_44 = tpu.memref_slice %arg4[%add3A_4, %dma_start3A_43] : memref<160000x32xf32, #tpu.memory_space<hbm>> -> memref<1000x32xf32, #tpu.memory_space<hbm>>
      tpu.enqueue_dma source(%arg6 : memref<1000x32xf32, #tpu.memory_space<vmem>>) target(%dma_start3A_44 : memref<1000x32xf32, #tpu.memory_space<hbm>>) target_semaphore(%run_scoped3A : memref<!tpu.dma_semaphore, #tpu.memory_space<semaphore_mem>>)
      %dma_wait3A_45 = arith.constant 0 : i32
      %dma_wait3A_46 = tpu.memref_slice %arg4[%add3A_4, %dma_wait3A_45] : memref<160000x32xf32, #tpu.memory_space<hbm>> -> memref<1000x32xf32, #tpu.memory_space<hbm>>
      %dma_wait3A_47 = arith.constant 0 : i32
      %dma_wait3A_48 = tpu.memref_slice %arg4[%add3A_4, %dma_wait3A_47] : memref<160000x32xf32, #tpu.memory_space<hbm>> -> memref<1000x32xf32, #tpu.memory_space<hbm>>
      tpu.wait_dma2 semaphore(%run_scoped3A : memref<!tpu.dma_semaphore, #tpu.memory_space<semaphore_mem>>) src(%arg6 : memref<1000x32xf32, #tpu.memory_space<vmem>>) dst(%dma_wait3A_48 : memref<1000x32xf32, #tpu.memory_space<hbm>>)
      tpu.yield
    }) : () -> ()
    %add3A_9 = arith.constant 1000 : i32
    %add3A_10 = arith.addi %mul3A_2, %add3A_9 : i32
    "tpu.region"() ({
      %run_scoped3A = tpu.sem_alloc : memref<!tpu.dma_semaphore, #tpu.memory_space<semaphore_mem>>
      %dma_start3A_41 = tpu.memref_slice %arg3[%add3A_10] : memref<160000xi32, #tpu.memory_space<hbm>> -> memref<1000xi32, #tpu.memory_space<hbm>>
      %dma_start3A_42 = tpu.memref_slice %arg3[%add3A_10] : memref<160000xi32, #tpu.memory_space<hbm>> -> memref<1000xi32, #tpu.memory_space<hbm>>
      tpu.enqueue_dma source(%dma_start3A_42 : memref<1000xi32, #tpu.memory_space<hbm>>) target(%arg5 : memref<1000xi32, #tpu.memory_space<vmem>>) target_semaphore(%run_scoped3A : memref<!tpu.dma_semaphore, #tpu.memory_space<semaphore_mem>>)
      %dma_wait3A_43 = tpu.memref_slice %arg3[%add3A_10] : memref<160000xi32, #tpu.memory_space<hbm>> -> memref<1000xi32, #tpu.memory_space<hbm>>
      %dma_wait3A_44 = tpu.memref_slice %arg3[%add3A_10] : memref<160000xi32, #tpu.memory_space<hbm>> -> memref<1000xi32, #tpu.memory_space<hbm>>
      tpu.wait_dma2 semaphore(%run_scoped3A : memref<!tpu.dma_semaphore, #tpu.memory_space<semaphore_mem>>) src(%dma_wait3A_44 : memref<1000xi32, #tpu.memory_space<hbm>>) dst(%arg5 : memref<1000xi32, #tpu.memory_space<vmem>>)
      tpu.yield
    }) : () -> ()
    %dma_start3A_11 = arith.constant 0 : i32
    %dma_start3A_12 = arith.constant 0 : i32
    %dma_start3A_13 = tpu.memref_slice %arg2[%dma_start3A_11, %dma_start3A_12] : memref<10000x32xf32, #tpu.memory_space<hbm>> -> memref<10000x32xf32, #tpu.memory_space<hbm>>
    tpu.enqueue_indirect_dma source(%dma_start3A_13 : memref<10000x32xf32, #tpu.memory_space<hbm>>) target(%arg6 : memref<1000x32xf32, #tpu.memory_space<vmem>>) offsets(%arg5 : memref<1000xi32, #tpu.memory_space<vmem>>) semaphore(%arg7 : memref<!tpu.dma_semaphore, #tpu.memory_space<semaphore_mem>>)
    %dma_wait3A_14 = arith.constant 0 : i32
    %dma_wait3A_15 = arith.constant 0 : i32
    %dma_wait3A_16 = tpu.memref_slice %arg2[%dma_wait3A_14, %dma_wait3A_15] : memref<10000x32xf32, #tpu.memory_space<hbm>> -> memref<10000x32xf32, #tpu.memory_space<hbm>>
    tpu.wait_indirect_dma semaphore(%arg7 : memref<!tpu.dma_semaphore, #tpu.memory_space<semaphore_mem>>) src(%dma_wait3A_16 : memref<10000x32xf32, #tpu.memory_space<hbm>>) dst(%arg6 : memref<1000x32xf32, #tpu.memory_space<vmem>>)
    "tpu.region"() ({
      %run_scoped3A = tpu.sem_alloc : memref<!tpu.dma_semaphore, #tpu.memory_space<semaphore_mem>>
      %dma_start3A_41 = arith.constant 0 : i32
      %dma_start3A_42 = tpu.memref_slice %arg4[%add3A_10, %dma_start3A_41] : memref<160000x32xf32, #tpu.memory_space<hbm>> -> memref<1000x32xf32, #tpu.memory_space<hbm>>
      %dma_start3A_43 = arith.constant 0 : i32
      %dma_start3A_44 = tpu.memref_slice %arg4[%add3A_10, %dma_start3A_43] : memref<160000x32xf32, #tpu.memory_space<hbm>> -> memref<1000x32xf32, #tpu.memory_space<hbm>>
      tpu.enqueue_dma source(%arg6 : memref<1000x32xf32, #tpu.memory_space<vmem>>) target(%dma_start3A_44 : memref<1000x32xf32, #tpu.memory_space<hbm>>) target_semaphore(%run_scoped3A : memref<!tpu.dma_semaphore, #tpu.memory_space<semaphore_mem>>)
      %dma_wait3A_45 = arith.constant 0 : i32
      %dma_wait3A_46 = tpu.memref_slice %arg4[%add3A_10, %dma_wait3A_45] : memref<160000x32xf32, #tpu.memory_space<hbm>> -> memref<1000x32xf32, #tpu.memory_space<hbm>>
      %dma_wait3A_47 = arith.constant 0 : i32
      %dma_wait3A_48 = tpu.memref_slice %arg4[%add3A_10, %dma_wait3A_47] : memref<160000x32xf32, #tpu.memory_space<hbm>> -> memref<1000x32xf32, #tpu.memory_space<hbm>>
      tpu.wait_dma2 semaphore(%run_scoped3A : memref<!tpu.dma_semaphore, #tpu.memory_space<semaphore_mem>>) src(%arg6 : memref<1000x32xf32, #tpu.memory_space<vmem>>) dst(%dma_wait3A_48 : memref<1000x32xf32, #tpu.memory_space<hbm>>)
      tpu.yield
    }) : () -> ()
    %add3A_17 = arith.constant 2000 : i32
    %add3A_18 = arith.addi %mul3A_2, %add3A_17 : i32
    "tpu.region"() ({
      %run_scoped3A = tpu.sem_alloc : memref<!tpu.dma_semaphore, #tpu.memory_space<semaphore_mem>>
      %dma_start3A_41 = tpu.memref_slice %arg3[%add3A_18] : memref<160000xi32, #tpu.memory_space<hbm>> -> memref<1000xi32, #tpu.memory_space<hbm>>
      %dma_start3A_42 = tpu.memref_slice %arg3[%add3A_18] : memref<160000xi32, #tpu.memory_space<hbm>> -> memref<1000xi32, #tpu.memory_space<hbm>>
      tpu.enqueue_dma source(%dma_start3A_42 : memref<1000xi32, #tpu.memory_space<hbm>>) target(%arg5 : memref<1000xi32, #tpu.memory_space<vmem>>) target_semaphore(%run_scoped3A : memref<!tpu.dma_semaphore, #tpu.memory_space<semaphore_mem>>)
      %dma_wait3A_43 = tpu.memref_slice %arg3[%add3A_18] : memref<160000xi32, #tpu.memory_space<hbm>> -> memref<1000xi32, #tpu.memory_space<hbm>>
      %dma_wait3A_44 = tpu.memref_slice %arg3[%add3A_18] : memref<160000xi32, #tpu.memory_space<hbm>> -> memref<1000xi32, #tpu.memory_space<hbm>>
      tpu.wait_dma2 semaphore(%run_scoped3A : memref<!tpu.dma_semaphore, #tpu.memory_space<semaphore_mem>>) src(%dma_wait3A_44 : memref<1000xi32, #tpu.memory_space<hbm>>) dst(%arg5 : memref<1000xi32, #tpu.memory_space<vmem>>)
      tpu.yield
    }) : () -> ()
    %dma_start3A_19 = arith.constant 0 : i32
    %dma_start3A_20 = arith.constant 0 : i32
    %dma_start3A_21 = tpu.memref_slice %arg2[%dma_start3A_19, %dma_start3A_20] : memref<10000x32xf32, #tpu.memory_space<hbm>> -> memref<10000x32xf32, #tpu.memory_space<hbm>>
    tpu.enqueue_indirect_dma source(%dma_start3A_21 : memref<10000x32xf32, #tpu.memory_space<hbm>>) target(%arg6 : memref<1000x32xf32, #tpu.memory_space<vmem>>) offsets(%arg5 : memref<1000xi32, #tpu.memory_space<vmem>>) semaphore(%arg7 : memref<!tpu.dma_semaphore, #tpu.memory_space<semaphore_mem>>)
    %dma_wait3A_22 = arith.constant 0 : i32
    %dma_wait3A_23 = arith.constant 0 : i32
    %dma_wait3A_24 = tpu.memref_slice %arg2[%dma_wait3A_22, %dma_wait3A_23] : memref<10000x32xf32, #tpu.memory_space<hbm>> -> memref<10000x32xf32, #tpu.memory_space<hbm>>
    tpu.wait_indirect_dma semaphore(%arg7 : memref<!tpu.dma_semaphore, #tpu.memory_space<semaphore_mem>>) src(%dma_wait3A_24 : memref<10000x32xf32, #tpu.memory_space<hbm>>) dst(%arg6 : memref<1000x32xf32, #tpu.memory_space<vmem>>)
    "tpu.region"() ({
      %run_scoped3A = tpu.sem_alloc : memref<!tpu.dma_semaphore, #tpu.memory_space<semaphore_mem>>
      %dma_start3A_41 = arith.constant 0 : i32
      %dma_start3A_42 = tpu.memref_slice %arg4[%add3A_18, %dma_start3A_41] : memref<160000x32xf32, #tpu.memory_space<hbm>> -> memref<1000x32xf32, #tpu.memory_space<hbm>>
      %dma_start3A_43 = arith.constant 0 : i32
      %dma_start3A_44 = tpu.memref_slice %arg4[%add3A_18, %dma_start3A_43] : memref<160000x32xf32, #tpu.memory_space<hbm>> -> memref<1000x32xf32, #tpu.memory_space<hbm>>
      tpu.enqueue_dma source(%arg6 : memref<1000x32xf32, #tpu.memory_space<vmem>>) target(%dma_start3A_44 : memref<1000x32xf32, #tpu.memory_space<hbm>>) target_semaphore(%run_scoped3A : memref<!tpu.dma_semaphore, #tpu.memory_space<semaphore_mem>>)
      %dma_wait3A_45 = arith.constant 0 : i32
      %dma_wait3A_46 = tpu.memref_slice %arg4[%add3A_18, %dma_wait3A_45] : memref<160000x32xf32, #tpu.memory_space<hbm>> -> memref<1000x32xf32, #tpu.memory_space<hbm>>
      %dma_wait3A_47 = arith.constant 0 : i32
      %dma_wait3A_48 = tpu.memref_slice %arg4[%add3A_18, %dma_wait3A_47] : memref<160000x32xf32, #tpu.memory_space<hbm>> -> memref<1000x32xf32, #tpu.memory_space<hbm>>
      tpu.wait_dma2 semaphore(%run_scoped3A : memref<!tpu.dma_semaphore, #tpu.memory_space<semaphore_mem>>) src(%arg6 : memref<1000x32xf32, #tpu.memory_space<vmem>>) dst(%dma_wait3A_48 : memref<1000x32xf32, #tpu.memory_space<hbm>>)
      tpu.yield
    }) : () -> ()
    %add3A_25 = arith.constant 3000 : i32
    %add3A_26 = arith.addi %mul3A_2, %add3A_25 : i32
    "tpu.region"() ({
      %run_scoped3A = tpu.sem_alloc : memref<!tpu.dma_semaphore, #tpu.memory_space<semaphore_mem>>
      %dma_start3A_41 = tpu.memref_slice %arg3[%add3A_26] : memref<160000xi32, #tpu.memory_space<hbm>> -> memref<1000xi32, #tpu.memory_space<hbm>>
      %dma_start3A_42 = tpu.memref_slice %arg3[%add3A_26] : memref<160000xi32, #tpu.memory_space<hbm>> -> memref<1000xi32, #tpu.memory_space<hbm>>
      tpu.enqueue_dma source(%dma_start3A_42 : memref<1000xi32, #tpu.memory_space<hbm>>) target(%arg5 : memref<1000xi32, #tpu.memory_space<vmem>>) target_semaphore(%run_scoped3A : memref<!tpu.dma_semaphore, #tpu.memory_space<semaphore_mem>>)
      %dma_wait3A_43 = tpu.memref_slice %arg3[%add3A_26] : memref<160000xi32, #tpu.memory_space<hbm>> -> memref<1000xi32, #tpu.memory_space<hbm>>
      %dma_wait3A_44 = tpu.memref_slice %arg3[%add3A_26] : memref<160000xi32, #tpu.memory_space<hbm>> -> memref<1000xi32, #tpu.memory_space<hbm>>
      tpu.wait_dma2 semaphore(%run_scoped3A : memref<!tpu.dma_semaphore, #tpu.memory_space<semaphore_mem>>) src(%dma_wait3A_44 : memref<1000xi32, #tpu.memory_space<hbm>>) dst(%arg5 : memref<1000xi32, #tpu.memory_space<vmem>>)
      tpu.yield
    }) : () -> ()
    %dma_start3A_27 = arith.constant 0 : i32
    %dma_start3A_28 = arith.constant 0 : i32
    %dma_start3A_29 = tpu.memref_slice %arg2[%dma_start3A_27, %dma_start3A_28] : memref<10000x32xf32, #tpu.memory_space<hbm>> -> memref<10000x32xf32, #tpu.memory_space<hbm>>
    tpu.enqueue_indirect_dma source(%dma_start3A_29 : memref<10000x32xf32, #tpu.memory_space<hbm>>) target(%arg6 : memref<1000x32xf32, #tpu.memory_space<vmem>>) offsets(%arg5 : memref<1000xi32, #tpu.memory_space<vmem>>) semaphore(%arg7 : memref<!tpu.dma_semaphore, #tpu.memory_space<semaphore_mem>>)
    %dma_wait3A_30 = arith.constant 0 : i32
    %dma_wait3A_31 = arith.constant 0 : i32
    %dma_wait3A_32 = tpu.memref_slice %arg2[%dma_wait3A_30, %dma_wait3A_31] : memref<10000x32xf32, #tpu.memory_space<hbm>> -> memref<10000x32xf32, #tpu.memory_space<hbm>>
    tpu.wait_indirect_dma semaphore(%arg7 : memref<!tpu.dma_semaphore, #tpu.memory_space<semaphore_mem>>) src(%dma_wait3A_32 : memref<10000x32xf32, #tpu.memory_space<hbm>>) dst(%arg6 : memref<1000x32xf32, #tpu.memory_space<vmem>>)
    "tpu.region"() ({
      %run_scoped3A = tpu.sem_alloc : memref<!tpu.dma_semaphore, #tpu.memory_space<semaphore_mem>>
      %dma_start3A_41 = arith.constant 0 : i32
      %dma_start3A_42 = tpu.memref_slice %arg4[%add3A_26, %dma_start3A_41] : memref<160000x32xf32, #tpu.memory_space<hbm>> -> memref<1000x32xf32, #tpu.memory_space<hbm>>
      %dma_start3A_43 = arith.constant 0 : i32
      %dma_start3A_44 = tpu.memref_slice %arg4[%add3A_26, %dma_start3A_43] : memref<160000x32xf32, #tpu.memory_space<hbm>> -> memref<1000x32xf32, #tpu.memory_space<hbm>>
      tpu.enqueue_dma source(%arg6 : memref<1000x32xf32, #tpu.memory_space<vmem>>) target(%dma_start3A_44 : memref<1000x32xf32, #tpu.memory_space<hbm>>) target_semaphore(%run_scoped3A : memref<!tpu.dma_semaphore, #tpu.memory_space<semaphore_mem>>)
      %dma_wait3A_45 = arith.constant 0 : i32
      %dma_wait3A_46 = tpu.memref_slice %arg4[%add3A_26, %dma_wait3A_45] : memref<160000x32xf32, #tpu.memory_space<hbm>> -> memref<1000x32xf32, #tpu.memory_space<hbm>>
      %dma_wait3A_47 = arith.constant 0 : i32
      %dma_wait3A_48 = tpu.memref_slice %arg4[%add3A_26, %dma_wait3A_47] : memref<160000x32xf32, #tpu.memory_space<hbm>> -> memref<1000x32xf32, #tpu.memory_space<hbm>>
      tpu.wait_dma2 semaphore(%run_scoped3A : memref<!tpu.dma_semaphore, #tpu.memory_space<semaphore_mem>>) src(%arg6 : memref<1000x32xf32, #tpu.memory_space<vmem>>) dst(%dma_wait3A_48 : memref<1000x32xf32, #tpu.memory_space<hbm>>)
      tpu.yield
    }) : () -> ()
    %add3A_33 = arith.constant 4000 : i32
    %add3A_34 = arith.addi %mul3A_2, %add3A_33 : i32
    "tpu.region"() ({
      %run_scoped3A = tpu.sem_alloc : memref<!tpu.dma_semaphore, #tpu.memory_space<semaphore_mem>>
      %dma_start3A_41 = tpu.memref_slice %arg3[%add3A_34] : memref<160000xi32, #tpu.memory_space<hbm>> -> memref<1000xi32, #tpu.memory_space<hbm>>
      %dma_start3A_42 = tpu.memref_slice %arg3[%add3A_34] : memref<160000xi32, #tpu.memory_space<hbm>> -> memref<1000xi32, #tpu.memory_space<hbm>>
      tpu.enqueue_dma source(%dma_start3A_42 : memref<1000xi32, #tpu.memory_space<hbm>>) target(%arg5 : memref<1000xi32, #tpu.memory_space<vmem>>) target_semaphore(%run_scoped3A : memref<!tpu.dma_semaphore, #tpu.memory_space<semaphore_mem>>)
      %dma_wait3A_43 = tpu.memref_slice %arg3[%add3A_34] : memref<160000xi32, #tpu.memory_space<hbm>> -> memref<1000xi32, #tpu.memory_space<hbm>>
      %dma_wait3A_44 = tpu.memref_slice %arg3[%add3A_34] : memref<160000xi32, #tpu.memory_space<hbm>> -> memref<1000xi32, #tpu.memory_space<hbm>>
      tpu.wait_dma2 semaphore(%run_scoped3A : memref<!tpu.dma_semaphore, #tpu.memory_space<semaphore_mem>>) src(%dma_wait3A_44 : memref<1000xi32, #tpu.memory_space<hbm>>) dst(%arg5 : memref<1000xi32, #tpu.memory_space<vmem>>)
      tpu.yield
    }) : () -> ()
    %dma_start3A_35 = arith.constant 0 : i32
    %dma_start3A_36 = arith.constant 0 : i32
    %dma_start3A_37 = tpu.memref_slice %arg2[%dma_start3A_35, %dma_start3A_36] : memref<10000x32xf32, #tpu.memory_space<hbm>> -> memref<10000x32xf32, #tpu.memory_space<hbm>>
    tpu.enqueue_indirect_dma source(%dma_start3A_37 : memref<10000x32xf32, #tpu.memory_space<hbm>>) target(%arg6 : memref<1000x32xf32, #tpu.memory_space<vmem>>) offsets(%arg5 : memref<1000xi32, #tpu.memory_space<vmem>>) semaphore(%arg7 : memref<!tpu.dma_semaphore, #tpu.memory_space<semaphore_mem>>)
    %dma_wait3A_38 = arith.constant 0 : i32
    %dma_wait3A_39 = arith.constant 0 : i32
    %dma_wait3A_40 = tpu.memref_slice %arg2[%dma_wait3A_38, %dma_wait3A_39] : memref<10000x32xf32, #tpu.memory_space<hbm>> -> memref<10000x32xf32, #tpu.memory_space<hbm>>
    tpu.wait_indirect_dma semaphore(%arg7 : memref<!tpu.dma_semaphore, #tpu.memory_space<semaphore_mem>>) src(%dma_wait3A_40 : memref<10000x32xf32, #tpu.memory_space<hbm>>) dst(%arg6 : memref<1000x32xf32, #tpu.memory_space<vmem>>)
    "tpu.region"() ({
      %run_scoped3A = tpu.sem_alloc : memref<!tpu.dma_semaphore, #tpu.memory_space<semaphore_mem>>
      %dma_start3A_41 = arith.constant 0 : i32
      %dma_start3A_42 = tpu.memref_slice %arg4[%add3A_34, %dma_start3A_41] : memref<160000x32xf32, #tpu.memory_space<hbm>> -> memref<1000x32xf32, #tpu.memory_space<hbm>>
      %dma_start3A_43 = arith.constant 0 : i32
      %dma_start3A_44 = tpu.memref_slice %arg4[%add3A_34, %dma_start3A_43] : memref<160000x32xf32, #tpu.memory_space<hbm>> -> memref<1000x32xf32, #tpu.memory_space<hbm>>
      tpu.enqueue_dma source(%arg6 : memref<1000x32xf32, #tpu.memory_space<vmem>>) target(%dma_start3A_44 : memref<1000x32xf32, #tpu.memory_space<hbm>>) target_semaphore(%run_scoped3A : memref<!tpu.dma_semaphore, #tpu.memory_space<semaphore_mem>>)
      %dma_wait3A_45 = arith.constant 0 : i32
      %dma_wait3A_46 = tpu.memref_slice %arg4[%add3A_34, %dma_wait3A_45] : memref<160000x32xf32, #tpu.memory_space<hbm>> -> memref<1000x32xf32, #tpu.memory_space<hbm>>
      %dma_wait3A_47 = arith.constant 0 : i32
      %dma_wait3A_48 = tpu.memref_slice %arg4[%add3A_34, %dma_wait3A_47] : memref<160000x32xf32, #tpu.memory_space<hbm>> -> memref<1000x32xf32, #tpu.memory_space<hbm>>
      tpu.wait_dma2 semaphore(%run_scoped3A : memref<!tpu.dma_semaphore, #tpu.memory_space<semaphore_mem>>) src(%arg6 : memref<1000x32xf32, #tpu.memory_space<vmem>>) dst(%dma_wait3A_48 : memref<1000x32xf32, #tpu.memory_space<hbm>>)
      tpu.yield
    }) : () -> ()
    return
  }
}

#map = affine_map<(d0, d1) -> (0, 0)>
#map1 = affine_map<(d0, d1) -> (0)>
#map2 = affine_map<(d0, d1) -> (0, 0, 0)>
module attributes {stable_mosaic.version = 14 : i64} {
  func.func @_scatter_body(%arg0: i32, %arg1: i32, %arg2: memref<160000x32xf32, #tpu.memory_space<hbm>>, %arg3: memref<160000xi32, #tpu.memory_space<hbm>>, %arg4: memref<10000x32xf32, #tpu.memory_space<hbm>>, %arg5: memref<2x10000x32xf32, #tpu.memory_space<hbm>>, %arg6: memref<1000xi32, #tpu.memory_space<vmem>>, %arg7: memref<1000x32xf32, #tpu.memory_space<vmem>>, %arg8: memref<10000x32xf32, #tpu.memory_space<vmem_shared>>) attributes {dimension_semantics = [#tpu.dimension_semantics<core_parallel>, #tpu.dimension_semantics<subcore_parallel>], iteration_bounds = array<i64: 2, 16>, scalar_prefetch = 0 : i64, scratch_operands = 3 : i64, tpu.core_type = #tpu.core_type<sc_vector_subcore>, window_params = [{transform_indices = #map}, {transform_indices = #map1}, {transform_indices = #map}, {transform_indices = #map2}]} {
    %mul3A = arith.constant 16 : i32
    %mul3A_0 = arith.muli %arg0, %mul3A : i32
    %add3A = arith.addi %mul3A_0, %arg1 : i32
    %mul3A_1 = arith.constant 5000 : i32
    %mul3A_2 = arith.muli %add3A, %mul3A_1 : i32
    %eq3A = arith.constant 0 : i32
    %eq3A_3 = arith.cmpi eq, %arg1, %eq3A : i32
    %convert_element_type3A = arith.extui %eq3A_3 : i1 to i32
    %cond3A = arith.constant 0 : i32
    %cond3A_4 = arith.cmpi ne, %convert_element_type3A, %cond3A : i32
    scf.if %cond3A_4 {
      "tpu.region"() ({
        %run_scoped3A = tpu.sem_alloc : memref<!tpu.dma_semaphore, #tpu.memory_space<semaphore_mem>>
        tpu.enqueue_dma source(%arg4 : memref<10000x32xf32, #tpu.memory_space<hbm>>) target(%arg8 : memref<10000x32xf32, #tpu.memory_space<vmem_shared>>) target_semaphore(%run_scoped3A : memref<!tpu.dma_semaphore, #tpu.memory_space<semaphore_mem>>)
        tpu.wait_dma2 semaphore(%run_scoped3A : memref<!tpu.dma_semaphore, #tpu.memory_space<semaphore_mem>>) src(%arg4 : memref<10000x32xf32, #tpu.memory_space<hbm>>) dst(%arg8 : memref<10000x32xf32, #tpu.memory_space<vmem_shared>>)
        tpu.yield
      }) : () -> ()
    } else {
    }
    %barrier3A = arith.constant 0 : index
    tpu.barrier barrier_id(%barrier3A)
    %add3A_5 = arith.constant 0 : i32
    %add3A_6 = arith.addi %mul3A_2, %add3A_5 : i32
    "tpu.region"() ({
      %run_scoped3A = tpu.sem_alloc : memref<!tpu.dma_semaphore, #tpu.memory_space<semaphore_mem>>
      %dma_start3A = tpu.memref_slice %arg3[%add3A_6] : memref<160000xi32, #tpu.memory_space<hbm>> -> memref<1000xi32, #tpu.memory_space<hbm>>
      %dma_start3A_21 = tpu.memref_slice %arg3[%add3A_6] : memref<160000xi32, #tpu.memory_space<hbm>> -> memref<1000xi32, #tpu.memory_space<hbm>>
      tpu.enqueue_dma source(%dma_start3A_21 : memref<1000xi32, #tpu.memory_space<hbm>>) target(%arg6 : memref<1000xi32, #tpu.memory_space<vmem>>) target_semaphore(%run_scoped3A : memref<!tpu.dma_semaphore, #tpu.memory_space<semaphore_mem>>)
      %dma_wait3A = tpu.memref_slice %arg3[%add3A_6] : memref<160000xi32, #tpu.memory_space<hbm>> -> memref<1000xi32, #tpu.memory_space<hbm>>
      %dma_wait3A_22 = tpu.memref_slice %arg3[%add3A_6] : memref<160000xi32, #tpu.memory_space<hbm>> -> memref<1000xi32, #tpu.memory_space<hbm>>
      tpu.wait_dma2 semaphore(%run_scoped3A : memref<!tpu.dma_semaphore, #tpu.memory_space<semaphore_mem>>) src(%dma_wait3A_22 : memref<1000xi32, #tpu.memory_space<hbm>>) dst(%arg6 : memref<1000xi32, #tpu.memory_space<vmem>>)
      tpu.yield
    }) : () -> ()
    "tpu.region"() ({
      %run_scoped3A = tpu.sem_alloc : memref<!tpu.dma_semaphore, #tpu.memory_space<semaphore_mem>>
      %dma_start3A = arith.constant 0 : i32
      %dma_start3A_21 = tpu.memref_slice %arg2[%add3A_6, %dma_start3A] : memref<160000x32xf32, #tpu.memory_space<hbm>> -> memref<1000x32xf32, #tpu.memory_space<hbm>>
      %dma_start3A_22 = arith.constant 0 : i32
      %dma_start3A_23 = tpu.memref_slice %arg2[%add3A_6, %dma_start3A_22] : memref<160000x32xf32, #tpu.memory_space<hbm>> -> memref<1000x32xf32, #tpu.memory_space<hbm>>
      tpu.enqueue_dma source(%dma_start3A_23 : memref<1000x32xf32, #tpu.memory_space<hbm>>) target(%arg7 : memref<1000x32xf32, #tpu.memory_space<vmem>>) target_semaphore(%run_scoped3A : memref<!tpu.dma_semaphore, #tpu.memory_space<semaphore_mem>>)
      %dma_wait3A = arith.constant 0 : i32
      %dma_wait3A_24 = tpu.memref_slice %arg2[%add3A_6, %dma_wait3A] : memref<160000x32xf32, #tpu.memory_space<hbm>> -> memref<1000x32xf32, #tpu.memory_space<hbm>>
      %dma_wait3A_25 = arith.constant 0 : i32
      %dma_wait3A_26 = tpu.memref_slice %arg2[%add3A_6, %dma_wait3A_25] : memref<160000x32xf32, #tpu.memory_space<hbm>> -> memref<1000x32xf32, #tpu.memory_space<hbm>>
      tpu.wait_dma2 semaphore(%run_scoped3A : memref<!tpu.dma_semaphore, #tpu.memory_space<semaphore_mem>>) src(%dma_wait3A_26 : memref<1000x32xf32, #tpu.memory_space<hbm>>) dst(%arg7 : memref<1000x32xf32, #tpu.memory_space<vmem>>)
      tpu.yield
    }) : () -> ()
    "tpu.region"() ({
      %run_scoped3A = tpu.sem_alloc : memref<!tpu.dma_semaphore, #tpu.memory_space<semaphore_mem>>
      %dma_start3A = arith.constant 0 : i32
      %dma_start3A_21 = arith.constant 0 : i32
      %dma_start3A_22 = tpu.memref_slice %arg8[%dma_start3A, %dma_start3A_21] : memref<10000x32xf32, #tpu.memory_space<vmem_shared>> -> memref<10000x32xf32, #tpu.memory_space<vmem_shared>>
      tpu.enqueue_indirect_dma source(%arg7 : memref<1000x32xf32, #tpu.memory_space<vmem>>) target(%dma_start3A_22 : memref<10000x32xf32, #tpu.memory_space<vmem_shared>>) offsets(%arg6 : memref<1000xi32, #tpu.memory_space<vmem>>) semaphore(%run_scoped3A : memref<!tpu.dma_semaphore, #tpu.memory_space<semaphore_mem>>) {add = true}
      %dma_wait3A = arith.constant 0 : i32
      %dma_wait3A_23 = arith.constant 0 : i32
      %dma_wait3A_24 = tpu.memref_slice %arg8[%dma_wait3A, %dma_wait3A_23] : memref<10000x32xf32, #tpu.memory_space<vmem_shared>> -> memref<10000x32xf32, #tpu.memory_space<vmem_shared>>
      tpu.wait_indirect_dma semaphore(%run_scoped3A : memref<!tpu.dma_semaphore, #tpu.memory_space<semaphore_mem>>) src(%arg7 : memref<1000x32xf32, #tpu.memory_space<vmem>>) dst(%dma_wait3A_24 : memref<10000x32xf32, #tpu.memory_space<vmem_shared>>)
      tpu.yield
    }) : () -> ()
    %add3A_7 = arith.constant 1000 : i32
    %add3A_8 = arith.addi %mul3A_2, %add3A_7 : i32
    "tpu.region"() ({
      %run_scoped3A = tpu.sem_alloc : memref<!tpu.dma_semaphore, #tpu.memory_space<semaphore_mem>>
      %dma_start3A = tpu.memref_slice %arg3[%add3A_8] : memref<160000xi32, #tpu.memory_space<hbm>> -> memref<1000xi32, #tpu.memory_space<hbm>>
      %dma_start3A_21 = tpu.memref_slice %arg3[%add3A_8] : memref<160000xi32, #tpu.memory_space<hbm>> -> memref<1000xi32, #tpu.memory_space<hbm>>
      tpu.enqueue_dma source(%dma_start3A_21 : memref<1000xi32, #tpu.memory_space<hbm>>) target(%arg6 : memref<1000xi32, #tpu.memory_space<vmem>>) target_semaphore(%run_scoped3A : memref<!tpu.dma_semaphore, #tpu.memory_space<semaphore_mem>>)
      %dma_wait3A = tpu.memref_slice %arg3[%add3A_8] : memref<160000xi32, #tpu.memory_space<hbm>> -> memref<1000xi32, #tpu.memory_space<hbm>>
      %dma_wait3A_22 = tpu.memref_slice %arg3[%add3A_8] : memref<160000xi32, #tpu.memory_space<hbm>> -> memref<1000xi32, #tpu.memory_space<hbm>>
      tpu.wait_dma2 semaphore(%run_scoped3A : memref<!tpu.dma_semaphore, #tpu.memory_space<semaphore_mem>>) src(%dma_wait3A_22 : memref<1000xi32, #tpu.memory_space<hbm>>) dst(%arg6 : memref<1000xi32, #tpu.memory_space<vmem>>)
      tpu.yield
    }) : () -> ()
    "tpu.region"() ({
      %run_scoped3A = tpu.sem_alloc : memref<!tpu.dma_semaphore, #tpu.memory_space<semaphore_mem>>
      %dma_start3A = arith.constant 0 : i32
      %dma_start3A_21 = tpu.memref_slice %arg2[%add3A_8, %dma_start3A] : memref<160000x32xf32, #tpu.memory_space<hbm>> -> memref<1000x32xf32, #tpu.memory_space<hbm>>
      %dma_start3A_22 = arith.constant 0 : i32
      %dma_start3A_23 = tpu.memref_slice %arg2[%add3A_8, %dma_start3A_22] : memref<160000x32xf32, #tpu.memory_space<hbm>> -> memref<1000x32xf32, #tpu.memory_space<hbm>>
      tpu.enqueue_dma source(%dma_start3A_23 : memref<1000x32xf32, #tpu.memory_space<hbm>>) target(%arg7 : memref<1000x32xf32, #tpu.memory_space<vmem>>) target_semaphore(%run_scoped3A : memref<!tpu.dma_semaphore, #tpu.memory_space<semaphore_mem>>)
      %dma_wait3A = arith.constant 0 : i32
      %dma_wait3A_24 = tpu.memref_slice %arg2[%add3A_8, %dma_wait3A] : memref<160000x32xf32, #tpu.memory_space<hbm>> -> memref<1000x32xf32, #tpu.memory_space<hbm>>
      %dma_wait3A_25 = arith.constant 0 : i32
      %dma_wait3A_26 = tpu.memref_slice %arg2[%add3A_8, %dma_wait3A_25] : memref<160000x32xf32, #tpu.memory_space<hbm>> -> memref<1000x32xf32, #tpu.memory_space<hbm>>
      tpu.wait_dma2 semaphore(%run_scoped3A : memref<!tpu.dma_semaphore, #tpu.memory_space<semaphore_mem>>) src(%dma_wait3A_26 : memref<1000x32xf32, #tpu.memory_space<hbm>>) dst(%arg7 : memref<1000x32xf32, #tpu.memory_space<vmem>>)
      tpu.yield
    }) : () -> ()
    "tpu.region"() ({
      %run_scoped3A = tpu.sem_alloc : memref<!tpu.dma_semaphore, #tpu.memory_space<semaphore_mem>>
      %dma_start3A = arith.constant 0 : i32
      %dma_start3A_21 = arith.constant 0 : i32
      %dma_start3A_22 = tpu.memref_slice %arg8[%dma_start3A, %dma_start3A_21] : memref<10000x32xf32, #tpu.memory_space<vmem_shared>> -> memref<10000x32xf32, #tpu.memory_space<vmem_shared>>
      tpu.enqueue_indirect_dma source(%arg7 : memref<1000x32xf32, #tpu.memory_space<vmem>>) target(%dma_start3A_22 : memref<10000x32xf32, #tpu.memory_space<vmem_shared>>) offsets(%arg6 : memref<1000xi32, #tpu.memory_space<vmem>>) semaphore(%run_scoped3A : memref<!tpu.dma_semaphore, #tpu.memory_space<semaphore_mem>>) {add = true}
      %dma_wait3A = arith.constant 0 : i32
      %dma_wait3A_23 = arith.constant 0 : i32
      %dma_wait3A_24 = tpu.memref_slice %arg8[%dma_wait3A, %dma_wait3A_23] : memref<10000x32xf32, #tpu.memory_space<vmem_shared>> -> memref<10000x32xf32, #tpu.memory_space<vmem_shared>>
      tpu.wait_indirect_dma semaphore(%run_scoped3A : memref<!tpu.dma_semaphore, #tpu.memory_space<semaphore_mem>>) src(%arg7 : memref<1000x32xf32, #tpu.memory_space<vmem>>) dst(%dma_wait3A_24 : memref<10000x32xf32, #tpu.memory_space<vmem_shared>>)
      tpu.yield
    }) : () -> ()
    %add3A_9 = arith.constant 2000 : i32
    %add3A_10 = arith.addi %mul3A_2, %add3A_9 : i32
    "tpu.region"() ({
      %run_scoped3A = tpu.sem_alloc : memref<!tpu.dma_semaphore, #tpu.memory_space<semaphore_mem>>
      %dma_start3A = tpu.memref_slice %arg3[%add3A_10] : memref<160000xi32, #tpu.memory_space<hbm>> -> memref<1000xi32, #tpu.memory_space<hbm>>
      %dma_start3A_21 = tpu.memref_slice %arg3[%add3A_10] : memref<160000xi32, #tpu.memory_space<hbm>> -> memref<1000xi32, #tpu.memory_space<hbm>>
      tpu.enqueue_dma source(%dma_start3A_21 : memref<1000xi32, #tpu.memory_space<hbm>>) target(%arg6 : memref<1000xi32, #tpu.memory_space<vmem>>) target_semaphore(%run_scoped3A : memref<!tpu.dma_semaphore, #tpu.memory_space<semaphore_mem>>)
      %dma_wait3A = tpu.memref_slice %arg3[%add3A_10] : memref<160000xi32, #tpu.memory_space<hbm>> -> memref<1000xi32, #tpu.memory_space<hbm>>
      %dma_wait3A_22 = tpu.memref_slice %arg3[%add3A_10] : memref<160000xi32, #tpu.memory_space<hbm>> -> memref<1000xi32, #tpu.memory_space<hbm>>
      tpu.wait_dma2 semaphore(%run_scoped3A : memref<!tpu.dma_semaphore, #tpu.memory_space<semaphore_mem>>) src(%dma_wait3A_22 : memref<1000xi32, #tpu.memory_space<hbm>>) dst(%arg6 : memref<1000xi32, #tpu.memory_space<vmem>>)
      tpu.yield
    }) : () -> ()
    "tpu.region"() ({
      %run_scoped3A = tpu.sem_alloc : memref<!tpu.dma_semaphore, #tpu.memory_space<semaphore_mem>>
      %dma_start3A = arith.constant 0 : i32
      %dma_start3A_21 = tpu.memref_slice %arg2[%add3A_10, %dma_start3A] : memref<160000x32xf32, #tpu.memory_space<hbm>> -> memref<1000x32xf32, #tpu.memory_space<hbm>>
      %dma_start3A_22 = arith.constant 0 : i32
      %dma_start3A_23 = tpu.memref_slice %arg2[%add3A_10, %dma_start3A_22] : memref<160000x32xf32, #tpu.memory_space<hbm>> -> memref<1000x32xf32, #tpu.memory_space<hbm>>
      tpu.enqueue_dma source(%dma_start3A_23 : memref<1000x32xf32, #tpu.memory_space<hbm>>) target(%arg7 : memref<1000x32xf32, #tpu.memory_space<vmem>>) target_semaphore(%run_scoped3A : memref<!tpu.dma_semaphore, #tpu.memory_space<semaphore_mem>>)
      %dma_wait3A = arith.constant 0 : i32
      %dma_wait3A_24 = tpu.memref_slice %arg2[%add3A_10, %dma_wait3A] : memref<160000x32xf32, #tpu.memory_space<hbm>> -> memref<1000x32xf32, #tpu.memory_space<hbm>>
      %dma_wait3A_25 = arith.constant 0 : i32
      %dma_wait3A_26 = tpu.memref_slice %arg2[%add3A_10, %dma_wait3A_25] : memref<160000x32xf32, #tpu.memory_space<hbm>> -> memref<1000x32xf32, #tpu.memory_space<hbm>>
      tpu.wait_dma2 semaphore(%run_scoped3A : memref<!tpu.dma_semaphore, #tpu.memory_space<semaphore_mem>>) src(%dma_wait3A_26 : memref<1000x32xf32, #tpu.memory_space<hbm>>) dst(%arg7 : memref<1000x32xf32, #tpu.memory_space<vmem>>)
      tpu.yield
    }) : () -> ()
    "tpu.region"() ({
      %run_scoped3A = tpu.sem_alloc : memref<!tpu.dma_semaphore, #tpu.memory_space<semaphore_mem>>
      %dma_start3A = arith.constant 0 : i32
      %dma_start3A_21 = arith.constant 0 : i32
      %dma_start3A_22 = tpu.memref_slice %arg8[%dma_start3A, %dma_start3A_21] : memref<10000x32xf32, #tpu.memory_space<vmem_shared>> -> memref<10000x32xf32, #tpu.memory_space<vmem_shared>>
      tpu.enqueue_indirect_dma source(%arg7 : memref<1000x32xf32, #tpu.memory_space<vmem>>) target(%dma_start3A_22 : memref<10000x32xf32, #tpu.memory_space<vmem_shared>>) offsets(%arg6 : memref<1000xi32, #tpu.memory_space<vmem>>) semaphore(%run_scoped3A : memref<!tpu.dma_semaphore, #tpu.memory_space<semaphore_mem>>) {add = true}
      %dma_wait3A = arith.constant 0 : i32
      %dma_wait3A_23 = arith.constant 0 : i32
      %dma_wait3A_24 = tpu.memref_slice %arg8[%dma_wait3A, %dma_wait3A_23] : memref<10000x32xf32, #tpu.memory_space<vmem_shared>> -> memref<10000x32xf32, #tpu.memory_space<vmem_shared>>
      tpu.wait_indirect_dma semaphore(%run_scoped3A : memref<!tpu.dma_semaphore, #tpu.memory_space<semaphore_mem>>) src(%arg7 : memref<1000x32xf32, #tpu.memory_space<vmem>>) dst(%dma_wait3A_24 : memref<10000x32xf32, #tpu.memory_space<vmem_shared>>)
      tpu.yield
    }) : () -> ()
    %add3A_11 = arith.constant 3000 : i32
    %add3A_12 = arith.addi %mul3A_2, %add3A_11 : i32
    "tpu.region"() ({
      %run_scoped3A = tpu.sem_alloc : memref<!tpu.dma_semaphore, #tpu.memory_space<semaphore_mem>>
      %dma_start3A = tpu.memref_slice %arg3[%add3A_12] : memref<160000xi32, #tpu.memory_space<hbm>> -> memref<1000xi32, #tpu.memory_space<hbm>>
      %dma_start3A_21 = tpu.memref_slice %arg3[%add3A_12] : memref<160000xi32, #tpu.memory_space<hbm>> -> memref<1000xi32, #tpu.memory_space<hbm>>
      tpu.enqueue_dma source(%dma_start3A_21 : memref<1000xi32, #tpu.memory_space<hbm>>) target(%arg6 : memref<1000xi32, #tpu.memory_space<vmem>>) target_semaphore(%run_scoped3A : memref<!tpu.dma_semaphore, #tpu.memory_space<semaphore_mem>>)
      %dma_wait3A = tpu.memref_slice %arg3[%add3A_12] : memref<160000xi32, #tpu.memory_space<hbm>> -> memref<1000xi32, #tpu.memory_space<hbm>>
      %dma_wait3A_22 = tpu.memref_slice %arg3[%add3A_12] : memref<160000xi32, #tpu.memory_space<hbm>> -> memref<1000xi32, #tpu.memory_space<hbm>>
      tpu.wait_dma2 semaphore(%run_scoped3A : memref<!tpu.dma_semaphore, #tpu.memory_space<semaphore_mem>>) src(%dma_wait3A_22 : memref<1000xi32, #tpu.memory_space<hbm>>) dst(%arg6 : memref<1000xi32, #tpu.memory_space<vmem>>)
      tpu.yield
    }) : () -> ()
    "tpu.region"() ({
      %run_scoped3A = tpu.sem_alloc : memref<!tpu.dma_semaphore, #tpu.memory_space<semaphore_mem>>
      %dma_start3A = arith.constant 0 : i32
      %dma_start3A_21 = tpu.memref_slice %arg2[%add3A_12, %dma_start3A] : memref<160000x32xf32, #tpu.memory_space<hbm>> -> memref<1000x32xf32, #tpu.memory_space<hbm>>
      %dma_start3A_22 = arith.constant 0 : i32
      %dma_start3A_23 = tpu.memref_slice %arg2[%add3A_12, %dma_start3A_22] : memref<160000x32xf32, #tpu.memory_space<hbm>> -> memref<1000x32xf32, #tpu.memory_space<hbm>>
      tpu.enqueue_dma source(%dma_start3A_23 : memref<1000x32xf32, #tpu.memory_space<hbm>>) target(%arg7 : memref<1000x32xf32, #tpu.memory_space<vmem>>) target_semaphore(%run_scoped3A : memref<!tpu.dma_semaphore, #tpu.memory_space<semaphore_mem>>)
      %dma_wait3A = arith.constant 0 : i32
      %dma_wait3A_24 = tpu.memref_slice %arg2[%add3A_12, %dma_wait3A] : memref<160000x32xf32, #tpu.memory_space<hbm>> -> memref<1000x32xf32, #tpu.memory_space<hbm>>
      %dma_wait3A_25 = arith.constant 0 : i32
      %dma_wait3A_26 = tpu.memref_slice %arg2[%add3A_12, %dma_wait3A_25] : memref<160000x32xf32, #tpu.memory_space<hbm>> -> memref<1000x32xf32, #tpu.memory_space<hbm>>
      tpu.wait_dma2 semaphore(%run_scoped3A : memref<!tpu.dma_semaphore, #tpu.memory_space<semaphore_mem>>) src(%dma_wait3A_26 : memref<1000x32xf32, #tpu.memory_space<hbm>>) dst(%arg7 : memref<1000x32xf32, #tpu.memory_space<vmem>>)
      tpu.yield
    }) : () -> ()
    "tpu.region"() ({
      %run_scoped3A = tpu.sem_alloc : memref<!tpu.dma_semaphore, #tpu.memory_space<semaphore_mem>>
      %dma_start3A = arith.constant 0 : i32
      %dma_start3A_21 = arith.constant 0 : i32
      %dma_start3A_22 = tpu.memref_slice %arg8[%dma_start3A, %dma_start3A_21] : memref<10000x32xf32, #tpu.memory_space<vmem_shared>> -> memref<10000x32xf32, #tpu.memory_space<vmem_shared>>
      tpu.enqueue_indirect_dma source(%arg7 : memref<1000x32xf32, #tpu.memory_space<vmem>>) target(%dma_start3A_22 : memref<10000x32xf32, #tpu.memory_space<vmem_shared>>) offsets(%arg6 : memref<1000xi32, #tpu.memory_space<vmem>>) semaphore(%run_scoped3A : memref<!tpu.dma_semaphore, #tpu.memory_space<semaphore_mem>>) {add = true}
      %dma_wait3A = arith.constant 0 : i32
      %dma_wait3A_23 = arith.constant 0 : i32
      %dma_wait3A_24 = tpu.memref_slice %arg8[%dma_wait3A, %dma_wait3A_23] : memref<10000x32xf32, #tpu.memory_space<vmem_shared>> -> memref<10000x32xf32, #tpu.memory_space<vmem_shared>>
      tpu.wait_indirect_dma semaphore(%run_scoped3A : memref<!tpu.dma_semaphore, #tpu.memory_space<semaphore_mem>>) src(%arg7 : memref<1000x32xf32, #tpu.memory_space<vmem>>) dst(%dma_wait3A_24 : memref<10000x32xf32, #tpu.memory_space<vmem_shared>>)
      tpu.yield
    }) : () -> ()
    %add3A_13 = arith.constant 4000 : i32
    %add3A_14 = arith.addi %mul3A_2, %add3A_13 : i32
    "tpu.region"() ({
      %run_scoped3A = tpu.sem_alloc : memref<!tpu.dma_semaphore, #tpu.memory_space<semaphore_mem>>
      %dma_start3A = tpu.memref_slice %arg3[%add3A_14] : memref<160000xi32, #tpu.memory_space<hbm>> -> memref<1000xi32, #tpu.memory_space<hbm>>
      %dma_start3A_21 = tpu.memref_slice %arg3[%add3A_14] : memref<160000xi32, #tpu.memory_space<hbm>> -> memref<1000xi32, #tpu.memory_space<hbm>>
      tpu.enqueue_dma source(%dma_start3A_21 : memref<1000xi32, #tpu.memory_space<hbm>>) target(%arg6 : memref<1000xi32, #tpu.memory_space<vmem>>) target_semaphore(%run_scoped3A : memref<!tpu.dma_semaphore, #tpu.memory_space<semaphore_mem>>)
      %dma_wait3A = tpu.memref_slice %arg3[%add3A_14] : memref<160000xi32, #tpu.memory_space<hbm>> -> memref<1000xi32, #tpu.memory_space<hbm>>
      %dma_wait3A_22 = tpu.memref_slice %arg3[%add3A_14] : memref<160000xi32, #tpu.memory_space<hbm>> -> memref<1000xi32, #tpu.memory_space<hbm>>
      tpu.wait_dma2 semaphore(%run_scoped3A : memref<!tpu.dma_semaphore, #tpu.memory_space<semaphore_mem>>) src(%dma_wait3A_22 : memref<1000xi32, #tpu.memory_space<hbm>>) dst(%arg6 : memref<1000xi32, #tpu.memory_space<vmem>>)
      tpu.yield
    }) : () -> ()
    "tpu.region"() ({
      %run_scoped3A = tpu.sem_alloc : memref<!tpu.dma_semaphore, #tpu.memory_space<semaphore_mem>>
      %dma_start3A = arith.constant 0 : i32
      %dma_start3A_21 = tpu.memref_slice %arg2[%add3A_14, %dma_start3A] : memref<160000x32xf32, #tpu.memory_space<hbm>> -> memref<1000x32xf32, #tpu.memory_space<hbm>>
      %dma_start3A_22 = arith.constant 0 : i32
      %dma_start3A_23 = tpu.memref_slice %arg2[%add3A_14, %dma_start3A_22] : memref<160000x32xf32, #tpu.memory_space<hbm>> -> memref<1000x32xf32, #tpu.memory_space<hbm>>
      tpu.enqueue_dma source(%dma_start3A_23 : memref<1000x32xf32, #tpu.memory_space<hbm>>) target(%arg7 : memref<1000x32xf32, #tpu.memory_space<vmem>>) target_semaphore(%run_scoped3A : memref<!tpu.dma_semaphore, #tpu.memory_space<semaphore_mem>>)
      %dma_wait3A = arith.constant 0 : i32
      %dma_wait3A_24 = tpu.memref_slice %arg2[%add3A_14, %dma_wait3A] : memref<160000x32xf32, #tpu.memory_space<hbm>> -> memref<1000x32xf32, #tpu.memory_space<hbm>>
      %dma_wait3A_25 = arith.constant 0 : i32
      %dma_wait3A_26 = tpu.memref_slice %arg2[%add3A_14, %dma_wait3A_25] : memref<160000x32xf32, #tpu.memory_space<hbm>> -> memref<1000x32xf32, #tpu.memory_space<hbm>>
      tpu.wait_dma2 semaphore(%run_scoped3A : memref<!tpu.dma_semaphore, #tpu.memory_space<semaphore_mem>>) src(%dma_wait3A_26 : memref<1000x32xf32, #tpu.memory_space<hbm>>) dst(%arg7 : memref<1000x32xf32, #tpu.memory_space<vmem>>)
      tpu.yield
    }) : () -> ()
    "tpu.region"() ({
      %run_scoped3A = tpu.sem_alloc : memref<!tpu.dma_semaphore, #tpu.memory_space<semaphore_mem>>
      %dma_start3A = arith.constant 0 : i32
      %dma_start3A_21 = arith.constant 0 : i32
      %dma_start3A_22 = tpu.memref_slice %arg8[%dma_start3A, %dma_start3A_21] : memref<10000x32xf32, #tpu.memory_space<vmem_shared>> -> memref<10000x32xf32, #tpu.memory_space<vmem_shared>>
      tpu.enqueue_indirect_dma source(%arg7 : memref<1000x32xf32, #tpu.memory_space<vmem>>) target(%dma_start3A_22 : memref<10000x32xf32, #tpu.memory_space<vmem_shared>>) offsets(%arg6 : memref<1000xi32, #tpu.memory_space<vmem>>) semaphore(%run_scoped3A : memref<!tpu.dma_semaphore, #tpu.memory_space<semaphore_mem>>) {add = true}
      %dma_wait3A = arith.constant 0 : i32
      %dma_wait3A_23 = arith.constant 0 : i32
      %dma_wait3A_24 = tpu.memref_slice %arg8[%dma_wait3A, %dma_wait3A_23] : memref<10000x32xf32, #tpu.memory_space<vmem_shared>> -> memref<10000x32xf32, #tpu.memory_space<vmem_shared>>
      tpu.wait_indirect_dma semaphore(%run_scoped3A : memref<!tpu.dma_semaphore, #tpu.memory_space<semaphore_mem>>) src(%arg7 : memref<1000x32xf32, #tpu.memory_space<vmem>>) dst(%dma_wait3A_24 : memref<10000x32xf32, #tpu.memory_space<vmem_shared>>)
      tpu.yield
    }) : () -> ()
    %barrier3A_15 = arith.constant 0 : index
    tpu.barrier barrier_id(%barrier3A_15)
    %eq3A_16 = arith.constant 0 : i32
    %eq3A_17 = arith.cmpi eq, %arg1, %eq3A_16 : i32
    %convert_element_type3A_18 = arith.extui %eq3A_17 : i1 to i32
    %cond3A_19 = arith.constant 0 : i32
    %cond3A_20 = arith.cmpi ne, %convert_element_type3A_18, %cond3A_19 : i32
    scf.if %cond3A_20 {
      "tpu.region"() ({
        %run_scoped3A = tpu.sem_alloc : memref<!tpu.dma_semaphore, #tpu.memory_space<semaphore_mem>>
        %dma_start3A = arith.constant 0 : i32
        %dma_start3A_21 = arith.constant 0 : i32
        %dma_start3A_22 = tpu.memref_slice %arg5[%arg0, %dma_start3A, %dma_start3A_21] : memref<2x10000x32xf32, #tpu.memory_space<hbm>> -> memref<1x10000x32xf32, #tpu.memory_space<hbm>>
        %dma_start3A_23 = tpu.memref_squeeze %dma_start3A_22 : memref<1x10000x32xf32, #tpu.memory_space<hbm>> -> memref<10000x32xf32, #tpu.memory_space<hbm>>
        tpu.enqueue_dma source(%arg8 : memref<10000x32xf32, #tpu.memory_space<vmem_shared>>) target(%dma_start3A_23 : memref<10000x32xf32, #tpu.memory_space<hbm>>) target_semaphore(%run_scoped3A : memref<!tpu.dma_semaphore, #tpu.memory_space<semaphore_mem>>)
        %dma_wait3A = arith.constant 0 : i32
        %dma_wait3A_24 = arith.constant 0 : i32
        %dma_wait3A_25 = tpu.memref_slice %arg5[%arg0, %dma_wait3A, %dma_wait3A_24] : memref<2x10000x32xf32, #tpu.memory_space<hbm>> -> memref<1x10000x32xf32, #tpu.memory_space<hbm>>
        %dma_wait3A_26 = tpu.memref_squeeze %dma_wait3A_25 : memref<1x10000x32xf32, #tpu.memory_space<hbm>> -> memref<10000x32xf32, #tpu.memory_space<hbm>>
        tpu.wait_dma2 semaphore(%run_scoped3A : memref<!tpu.dma_semaphore, #tpu.memory_space<semaphore_mem>>) src(%arg8 : memref<10000x32xf32, #tpu.memory_space<vmem_shared>>) dst(%dma_wait3A_26 : memref<10000x32xf32, #tpu.memory_space<hbm>>)
        tpu.yield
      }) : () -> ()
    } else {
    }
    return
  }
}

module attributes {stable_mosaic.version = 14 : i64} {
  func.func @_proj_body(%arg0: memref<10000x128xf32, #tpu.memory_space<vmem>>, %arg1: memref<128x32xbf16, #tpu.memory_space<vmem>>, %arg2: memref<1x32xf32, #tpu.memory_space<vmem>>, %arg3: memref<32x32xbf16, #tpu.memory_space<vmem>>, %arg4: memref<1x32xf32, #tpu.memory_space<vmem>>, %arg5: memref<10000x32xf32, #tpu.memory_space<vmem>>) attributes {dimension_semantics = [], scalar_prefetch = 0 : i64, scratch_operands = 0 : i64, tpu.core_type = #tpu.core_type<tc>} {
    %get3A = arith.constant 0 : index
    %get3A_0 = arith.constant 0 : index
    %get3A_1 = vector.load %arg0[%get3A, %get3A_0] : memref<10000x128xf32, #tpu.memory_space<vmem>>, vector<10000x128xf32>
    %convert_element_type3A = arith.truncf %get3A_1 : vector<10000x128xf32> to vector<10000x128xbf16>
    %get3A_2 = arith.constant 0 : index
    %get3A_3 = arith.constant 0 : index
    %get3A_4 = vector.load %arg1[%get3A_2, %get3A_3] : memref<128x32xbf16, #tpu.memory_space<vmem>>, vector<128x32xbf16>
    %dot_general3A = arith.constant dense<0.000000e+00> : vector<10000x32xf32>
    %dot_general3A_5 = tpu.matmul %convert_element_type3A, %get3A_4, %dot_general3A {dimension_numbers = #tpu.dot_dimension_numbers<[1], [0], [0], [1], [0, 0, 1, 1], [], []>, transpose_lhs_hint = false} : vector<10000x128xbf16>, vector<128x32xbf16>, vector<10000x32xf32> -> vector<10000x32xf32>
    %get3A_6 = arith.constant 0 : index
    %get3A_7 = arith.constant 0 : index
    %get3A_8 = vector.load %arg2[%get3A_6, %get3A_7] : memref<1x32xf32, #tpu.memory_space<vmem>>, vector<1x32xf32>
    %add3A = vector.broadcast %get3A_8 : vector<1x32xf32> to vector<10000x32xf32>
    %add3A_9 = arith.addf %dot_general3A_5, %add3A : vector<10000x32xf32>
    %max3A = arith.constant 0.000000e+00 : f32
    %max3A_10 = vector.broadcast %max3A : f32 to vector<10000x32xf32>
    %max3A_11 = arith.maximumf %add3A_9, %max3A_10 : vector<10000x32xf32>
    %convert_element_type3A_12 = arith.truncf %max3A_11 : vector<10000x32xf32> to vector<10000x32xbf16>
    %get3A_13 = arith.constant 0 : index
    %get3A_14 = arith.constant 0 : index
    %get3A_15 = vector.load %arg3[%get3A_13, %get3A_14] : memref<32x32xbf16, #tpu.memory_space<vmem>>, vector<32x32xbf16>
    %dot_general3A_16 = arith.constant dense<0.000000e+00> : vector<10000x32xf32>
    %dot_general3A_17 = tpu.matmul %convert_element_type3A_12, %get3A_15, %dot_general3A_16 {dimension_numbers = #tpu.dot_dimension_numbers<[1], [0], [0], [1], [0, 0, 1, 1], [], []>, transpose_lhs_hint = false} : vector<10000x32xbf16>, vector<32x32xbf16>, vector<10000x32xf32> -> vector<10000x32xf32>
    %get3A_18 = arith.constant 0 : index
    %get3A_19 = arith.constant 0 : index
    %get3A_20 = vector.load %arg4[%get3A_18, %get3A_19] : memref<1x32xf32, #tpu.memory_space<vmem>>, vector<1x32xf32>
    %add3A_21 = vector.broadcast %get3A_20 : vector<1x32xf32> to vector<10000x32xf32>
    %add3A_22 = arith.addf %dot_general3A_17, %add3A_21 : vector<10000x32xf32>
    %swap3A = arith.constant 0 : index
    %swap3A_23 = arith.constant 0 : index
    %swap3A_24 = vector.load %arg5[%swap3A, %swap3A_23] : memref<10000x32xf32, #tpu.memory_space<vmem>>, vector<10000x32xf32>
    tpu.vector_store %arg5[%swap3A, %swap3A_23], %add3A_22 {strides = array<i32>} : memref<10000x32xf32, #tpu.memory_space<vmem>>, vector<10000x32xf32>,
    return
  }
}

module attributes {stable_mosaic.version = 14 : i64} {
  func.func @_edge1_body(%arg0: i32, %arg1: memref<8000x16xf32, #tpu.memory_space<vmem>>, %arg2: memref<16x128xbf16, #tpu.memory_space<vmem>>, %arg3: memref<1x128xf32, #tpu.memory_space<vmem>>, %arg4: memref<8000x128xf32, #tpu.memory_space<vmem>>) attributes {dimension_semantics = [#tpu.dimension_semantics<arbitrary>], iteration_bounds = array<i64: 20>, scalar_prefetch = 0 : i64, scratch_operands = 0 : i64, tpu.core_type = #tpu.core_type<tc>, window_params = [{transform_indices = @transform_0, window_bounds = array<i64: 8000, 16>}, {pipeline_mode = #tpu.pipeline_mode<synchronous>, transform_indices = @transform_1, window_bounds = array<i64: 16, 128>}, {pipeline_mode = #tpu.pipeline_mode<synchronous>, transform_indices = @transform_2, window_bounds = array<i64: 1, 128>}, {transform_indices = @transform_3, window_bounds = array<i64: 8000, 128>}]} {
    %get3A = arith.constant 0 : index
    %get3A_0 = arith.constant 0 : index
    %get3A_1 = vector.load %arg1[%get3A, %get3A_0] : memref<8000x16xf32, #tpu.memory_space<vmem>>, vector<8000x16xf32>
    %convert_element_type3A = arith.truncf %get3A_1 : vector<8000x16xf32> to vector<8000x16xbf16>
    %get3A_2 = arith.constant 0 : index
    %get3A_3 = arith.constant 0 : index
    %get3A_4 = vector.load %arg2[%get3A_2, %get3A_3] : memref<16x128xbf16, #tpu.memory_space<vmem>>, vector<16x128xbf16>
    %dot_general3A = arith.constant dense<0.000000e+00> : vector<8000x128xf32>
    %dot_general3A_5 = tpu.matmul %convert_element_type3A, %get3A_4, %dot_general3A {dimension_numbers = #tpu.dot_dimension_numbers<[1], [0], [0], [1], [0, 0, 1, 1], [], []>, transpose_lhs_hint = false} : vector<8000x16xbf16>, vector<16x128xbf16>, vector<8000x128xf32> -> vector<8000x128xf32>
    %get3A_6 = arith.constant 0 : index
    %get3A_7 = arith.constant 0 : index
    %get3A_8 = vector.load %arg3[%get3A_6, %get3A_7] : memref<1x128xf32, #tpu.memory_space<vmem>>, vector<1x128xf32>
    %add3A = vector.broadcast %get3A_8 : vector<1x128xf32> to vector<8000x128xf32>
    %add3A_9 = arith.addf %dot_general3A_5, %add3A : vector<8000x128xf32>
    %max3A = arith.constant 0.000000e+00 : f32
    %max3A_10 = vector.broadcast %max3A : f32 to vector<8000x128xf32>
    %max3A_11 = arith.maximumf %add3A_9, %max3A_10 : vector<8000x128xf32>
    %swap3A = arith.constant 0 : index
    %swap3A_12 = arith.constant 0 : index
    %swap3A_13 = vector.load %arg4[%swap3A, %swap3A_12] : memref<8000x128xf32, #tpu.memory_space<vmem>>, vector<8000x128xf32>
    tpu.vector_store %arg4[%swap3A, %swap3A_12], %max3A_11 {strides = array<i32>} : memref<8000x128xf32, #tpu.memory_space<vmem>>, vector<8000x128xf32>,
    return
  }
  func.func @transform_0(%arg0: i32) -> (i32, i32) {
    %c0_i32 = arith.constant 0 : i32
    %c0_i32_0 = arith.constant 0 : i32
    return %arg0, %c0_i32 : i32, i32
  }
  func.func @transform_1(%arg0: i32) -> (i32, i32) {
    %c0_i32 = arith.constant 0 : i32
    %c0_i32_0 = arith.constant 0 : i32
    %c0_i32_1 = arith.constant 0 : i32
    return %c0_i32, %c0_i32_0 : i32, i32
  }
  func.func @transform_2(%arg0: i32) -> (i32, i32) {
    %c0_i32 = arith.constant 0 : i32
    %c0_i32_0 = arith.constant 0 : i32
    %c0_i32_1 = arith.constant 0 : i32
    return %c0_i32, %c0_i32_0 : i32, i32
  }
  func.func @transform_3(%arg0: i32) -> (i32, i32) {
    %c0_i32 = arith.constant 0 : i32
    %c0_i32_0 = arith.constant 0 : i32
    return %arg0, %c0_i32 : i32, i32
  }
}

module attributes {stable_mosaic.version = 14 : i64} {
  func.func @_msg_body(%arg0: i32, %arg1: memref<2000x128xf32, #tpu.memory_space<vmem>>, %arg2: memref<2000x32xf32, #tpu.memory_space<vmem>>, %arg3: memref<128x1024xbf16, #tpu.memory_space<vmem>>, %arg4: memref<1x1024xf32, #tpu.memory_space<vmem>>, %arg5: memref<2000x32xf32, #tpu.memory_space<vmem>>) attributes {dimension_semantics = [#tpu.dimension_semantics<arbitrary>], iteration_bounds = array<i64: 80>, scalar_prefetch = 0 : i64, scratch_operands = 0 : i64, tpu.core_type = #tpu.core_type<tc>, window_params = [{transform_indices = @transform_0, window_bounds = array<i64: 2000, 128>}, {transform_indices = @transform_1, window_bounds = array<i64: 2000, 32>}, {pipeline_mode = #tpu.pipeline_mode<synchronous>, transform_indices = @transform_2, window_bounds = array<i64: 128, 1024>}, {pipeline_mode = #tpu.pipeline_mode<synchronous>, transform_indices = @transform_3, window_bounds = array<i64: 1, 1024>}, {transform_indices = @transform_4, window_bounds = array<i64: 2000, 32>}]} {
    %get3A = arith.constant 0 : index
    %get3A_0 = arith.constant 0 : index
    %get3A_1 = vector.load %arg1[%get3A, %get3A_0] : memref<2000x128xf32, #tpu.memory_space<vmem>>, vector<2000x128xf32>
    %convert_element_type3A = arith.truncf %get3A_1 : vector<2000x128xf32> to vector<2000x128xbf16>
    %get3A_2 = arith.constant 0 : index
    %get3A_3 = arith.constant 0 : index
    %get3A_4 = vector.load %arg3[%get3A_2, %get3A_3] : memref<128x1024xbf16, #tpu.memory_space<vmem>>, vector<128x1024xbf16>
    %dot_general3A = arith.constant dense<0.000000e+00> : vector<2000x1024xf32>
    %dot_general3A_5 = tpu.matmul %convert_element_type3A, %get3A_4, %dot_general3A {dimension_numbers = #tpu.dot_dimension_numbers<[1], [0], [0], [1], [0, 0, 1, 1], [], []>, transpose_lhs_hint = false} : vector<2000x128xbf16>, vector<128x1024xbf16>, vector<2000x1024xf32> -> vector<2000x1024xf32>
    %get3A_6 = arith.constant 0 : index
    %get3A_7 = arith.constant 0 : index
    %get3A_8 = vector.load %arg4[%get3A_6, %get3A_7] : memref<1x1024xf32, #tpu.memory_space<vmem>>, vector<1x1024xf32>
    %add3A = vector.broadcast %get3A_8 : vector<1x1024xf32> to vector<2000x1024xf32>
    %add3A_9 = arith.addf %dot_general3A_5, %add3A : vector<2000x1024xf32>
    %convert_element_type3A_10 = arith.truncf %add3A_9 : vector<2000x1024xf32> to vector<2000x1024xbf16>
    %convert_element_type3A_11 = arith.extf %convert_element_type3A_10 : vector<2000x1024xbf16> to vector<2000x1024xf32>
    %get3A_12 = arith.constant 0 : index
    %get3A_13 = arith.constant 0 : index
    %get3A_14 = vector.load %arg2[%get3A_12, %get3A_13] : memref<2000x32xf32, #tpu.memory_space<vmem>>, vector<2000x32xf32>
    %convert_element_type3A_15 = arith.truncf %get3A_14 : vector<2000x32xf32> to vector<2000x32xbf16>
    %convert_element_type3A_16 = arith.extf %convert_element_type3A_15 : vector<2000x32xbf16> to vector<2000x32xf32>
    %slice3A = vector.extract_strided_slice %convert_element_type3A_16 {offsets = [0, 0], sizes = [2000, 1], strides = [1, 1]} : vector<2000x32xf32> to vector<2000x1xf32>
    %slice3A_17 = vector.extract_strided_slice %convert_element_type3A_11 {offsets = [0, 0], sizes = [2000, 32], strides = [1, 1]} : vector<2000x1024xf32> to vector<2000x32xf32>
    %mul3A = vector.broadcast %slice3A : vector<2000x1xf32> to vector<2000x32xf32>
    %mul3A_18 = arith.mulf %mul3A, %slice3A_17 : vector<2000x32xf32>
    %slice3A_19 = vector.extract_strided_slice %convert_element_type3A_16 {offsets = [0, 1], sizes = [2000, 1], strides = [1, 1]} : vector<2000x32xf32> to vector<2000x1xf32>
    %slice3A_20 = vector.extract_strided_slice %convert_element_type3A_11 {offsets = [0, 32], sizes = [2000, 32], strides = [1, 1]} : vector<2000x1024xf32> to vector<2000x32xf32>
    %mul3A_21 = vector.broadcast %slice3A_19 : vector<2000x1xf32> to vector<2000x32xf32>
    %mul3A_22 = arith.mulf %mul3A_21, %slice3A_20 : vector<2000x32xf32>
    %slice3A_23 = vector.extract_strided_slice %convert_element_type3A_16 {offsets = [0, 2], sizes = [2000, 1], strides = [1, 1]} : vector<2000x32xf32> to vector<2000x1xf32>
    %slice3A_24 = vector.extract_strided_slice %convert_element_type3A_11 {offsets = [0, 64], sizes = [2000, 32], strides = [1, 1]} : vector<2000x1024xf32> to vector<2000x32xf32>
    %mul3A_25 = vector.broadcast %slice3A_23 : vector<2000x1xf32> to vector<2000x32xf32>
    %mul3A_26 = arith.mulf %mul3A_25, %slice3A_24 : vector<2000x32xf32>
    %slice3A_27 = vector.extract_strided_slice %convert_element_type3A_16 {offsets = [0, 3], sizes = [2000, 1], strides = [1, 1]} : vector<2000x32xf32> to vector<2000x1xf32>
    %slice3A_28 = vector.extract_strided_slice %convert_element_type3A_11 {offsets = [0, 96], sizes = [2000, 32], strides = [1, 1]} : vector<2000x1024xf32> to vector<2000x32xf32>
    %mul3A_29 = vector.broadcast %slice3A_27 : vector<2000x1xf32> to vector<2000x32xf32>
    %mul3A_30 = arith.mulf %mul3A_29, %slice3A_28 : vector<2000x32xf32>
    %slice3A_31 = vector.extract_strided_slice %convert_element_type3A_16 {offsets = [0, 4], sizes = [2000, 1], strides = [1, 1]} : vector<2000x32xf32> to vector<2000x1xf32>
    %slice3A_32 = vector.extract_strided_slice %convert_element_type3A_11 {offsets = [0, 128], sizes = [2000, 32], strides = [1, 1]} : vector<2000x1024xf32> to vector<2000x32xf32>
    %mul3A_33 = vector.broadcast %slice3A_31 : vector<2000x1xf32> to vector<2000x32xf32>
    %mul3A_34 = arith.mulf %mul3A_33, %slice3A_32 : vector<2000x32xf32>
    %add3A_35 = arith.addf %mul3A_18, %mul3A_34 : vector<2000x32xf32>
    %slice3A_36 = vector.extract_strided_slice %convert_element_type3A_16 {offsets = [0, 5], sizes = [2000, 1], strides = [1, 1]} : vector<2000x32xf32> to vector<2000x1xf32>
    %slice3A_37 = vector.extract_strided_slice %convert_element_type3A_11 {offsets = [0, 160], sizes = [2000, 32], strides = [1, 1]} : vector<2000x1024xf32> to vector<2000x32xf32>
    %mul3A_38 = vector.broadcast %slice3A_36 : vector<2000x1xf32> to vector<2000x32xf32>
    %mul3A_39 = arith.mulf %mul3A_38, %slice3A_37 : vector<2000x32xf32>
    %add3A_40 = arith.addf %mul3A_22, %mul3A_39 : vector<2000x32xf32>
    %slice3A_41 = vector.extract_strided_slice %convert_element_type3A_16 {offsets = [0, 6], sizes = [2000, 1], strides = [1, 1]} : vector<2000x32xf32> to vector<2000x1xf32>
    %slice3A_42 = vector.extract_strided_slice %convert_element_type3A_11 {offsets = [0, 192], sizes = [2000, 32], strides = [1, 1]} : vector<2000x1024xf32> to vector<2000x32xf32>
    %mul3A_43 = vector.broadcast %slice3A_41 : vector<2000x1xf32> to vector<2000x32xf32>
    %mul3A_44 = arith.mulf %mul3A_43, %slice3A_42 : vector<2000x32xf32>
    %add3A_45 = arith.addf %mul3A_26, %mul3A_44 : vector<2000x32xf32>
    %slice3A_46 = vector.extract_strided_slice %convert_element_type3A_16 {offsets = [0, 7], sizes = [2000, 1], strides = [1, 1]} : vector<2000x32xf32> to vector<2000x1xf32>
    %slice3A_47 = vector.extract_strided_slice %convert_element_type3A_11 {offsets = [0, 224], sizes = [2000, 32], strides = [1, 1]} : vector<2000x1024xf32> to vector<2000x32xf32>
    %mul3A_48 = vector.broadcast %slice3A_46 : vector<2000x1xf32> to vector<2000x32xf32>
    %mul3A_49 = arith.mulf %mul3A_48, %slice3A_47 : vector<2000x32xf32>
    %add3A_50 = arith.addf %mul3A_30, %mul3A_49 : vector<2000x32xf32>
    %slice3A_51 = vector.extract_strided_slice %convert_element_type3A_16 {offsets = [0, 8], sizes = [2000, 1], strides = [1, 1]} : vector<2000x32xf32> to vector<2000x1xf32>
    %slice3A_52 = vector.extract_strided_slice %convert_element_type3A_11 {offsets = [0, 256], sizes = [2000, 32], strides = [1, 1]} : vector<2000x1024xf32> to vector<2000x32xf32>
    %mul3A_53 = vector.broadcast %slice3A_51 : vector<2000x1xf32> to vector<2000x32xf32>
    %mul3A_54 = arith.mulf %mul3A_53, %slice3A_52 : vector<2000x32xf32>
    %add3A_55 = arith.addf %add3A_35, %mul3A_54 : vector<2000x32xf32>
    %slice3A_56 = vector.extract_strided_slice %convert_element_type3A_16 {offsets = [0, 9], sizes = [2000, 1], strides = [1, 1]} : vector<2000x32xf32> to vector<2000x1xf32>
    %slice3A_57 = vector.extract_strided_slice %convert_element_type3A_11 {offsets = [0, 288], sizes = [2000, 32], strides = [1, 1]} : vector<2000x1024xf32> to vector<2000x32xf32>
    %mul3A_58 = vector.broadcast %slice3A_56 : vector<2000x1xf32> to vector<2000x32xf32>
    %mul3A_59 = arith.mulf %mul3A_58, %slice3A_57 : vector<2000x32xf32>
    %add3A_60 = arith.addf %add3A_40, %mul3A_59 : vector<2000x32xf32>
    %slice3A_61 = vector.extract_strided_slice %convert_element_type3A_16 {offsets = [0, 10], sizes = [2000, 1], strides = [1, 1]} : vector<2000x32xf32> to vector<2000x1xf32>
    %slice3A_62 = vector.extract_strided_slice %convert_element_type3A_11 {offsets = [0, 320], sizes = [2000, 32], strides = [1, 1]} : vector<2000x1024xf32> to vector<2000x32xf32>
    %mul3A_63 = vector.broadcast %slice3A_61 : vector<2000x1xf32> to vector<2000x32xf32>
    %mul3A_64 = arith.mulf %mul3A_63, %slice3A_62 : vector<2000x32xf32>
    %add3A_65 = arith.addf %add3A_45, %mul3A_64 : vector<2000x32xf32>
    %slice3A_66 = vector.extract_strided_slice %convert_element_type3A_16 {offsets = [0, 11], sizes = [2000, 1], strides = [1, 1]} : vector<2000x32xf32> to vector<2000x1xf32>
    %slice3A_67 = vector.extract_strided_slice %convert_element_type3A_11 {offsets = [0, 352], sizes = [2000, 32], strides = [1, 1]} : vector<2000x1024xf32> to vector<2000x32xf32>
    %mul3A_68 = vector.broadcast %slice3A_66 : vector<2000x1xf32> to vector<2000x32xf32>
    %mul3A_69 = arith.mulf %mul3A_68, %slice3A_67 : vector<2000x32xf32>
    %add3A_70 = arith.addf %add3A_50, %mul3A_69 : vector<2000x32xf32>
    %slice3A_71 = vector.extract_strided_slice %convert_element_type3A_16 {offsets = [0, 12], sizes = [2000, 1], strides = [1, 1]} : vector<2000x32xf32> to vector<2000x1xf32>
    %slice3A_72 = vector.extract_strided_slice %convert_element_type3A_11 {offsets = [0, 384], sizes = [2000, 32], strides = [1, 1]} : vector<2000x1024xf32> to vector<2000x32xf32>
    %mul3A_73 = vector.broadcast %slice3A_71 : vector<2000x1xf32> to vector<2000x32xf32>
    %mul3A_74 = arith.mulf %mul3A_73, %slice3A_72 : vector<2000x32xf32>
    %add3A_75 = arith.addf %add3A_55, %mul3A_74 : vector<2000x32xf32>
    %slice3A_76 = vector.extract_strided_slice %convert_element_type3A_16 {offsets = [0, 13], sizes = [2000, 1], strides = [1, 1]} : vector<2000x32xf32> to vector<2000x1xf32>
    %slice3A_77 = vector.extract_strided_slice %convert_element_type3A_11 {offsets = [0, 416], sizes = [2000, 32], strides = [1, 1]} : vector<2000x1024xf32> to vector<2000x32xf32>
    %mul3A_78 = vector.broadcast %slice3A_76 : vector<2000x1xf32> to vector<2000x32xf32>
    %mul3A_79 = arith.mulf %mul3A_78, %slice3A_77 : vector<2000x32xf32>
    %add3A_80 = arith.addf %add3A_60, %mul3A_79 : vector<2000x32xf32>
    %slice3A_81 = vector.extract_strided_slice %convert_element_type3A_16 {offsets = [0, 14], sizes = [2000, 1], strides = [1, 1]} : vector<2000x32xf32> to vector<2000x1xf32>
    %slice3A_82 = vector.extract_strided_slice %convert_element_type3A_11 {offsets = [0, 448], sizes = [2000, 32], strides = [1, 1]} : vector<2000x1024xf32> to vector<2000x32xf32>
    %mul3A_83 = vector.broadcast %slice3A_81 : vector<2000x1xf32> to vector<2000x32xf32>
    %mul3A_84 = arith.mulf %mul3A_83, %slice3A_82 : vector<2000x32xf32>
    %add3A_85 = arith.addf %add3A_65, %mul3A_84 : vector<2000x32xf32>
    %slice3A_86 = vector.extract_strided_slice %convert_element_type3A_16 {offsets = [0, 15], sizes = [2000, 1], strides = [1, 1]} : vector<2000x32xf32> to vector<2000x1xf32>
    %slice3A_87 = vector.extract_strided_slice %convert_element_type3A_11 {offsets = [0, 480], sizes = [2000, 32], strides = [1, 1]} : vector<2000x1024xf32> to vector<2000x32xf32>
    %mul3A_88 = vector.broadcast %slice3A_86 : vector<2000x1xf32> to vector<2000x32xf32>
    %mul3A_89 = arith.mulf %mul3A_88, %slice3A_87 : vector<2000x32xf32>
    %add3A_90 = arith.addf %add3A_70, %mul3A_89 : vector<2000x32xf32>
    %slice3A_91 = vector.extract_strided_slice %convert_element_type3A_16 {offsets = [0, 16], sizes = [2000, 1], strides = [1, 1]} : vector<2000x32xf32> to vector<2000x1xf32>
    %slice3A_92 = vector.extract_strided_slice %convert_element_type3A_11 {offsets = [0, 512], sizes = [2000, 32], strides = [1, 1]} : vector<2000x1024xf32> to vector<2000x32xf32>
    %mul3A_93 = vector.broadcast %slice3A_91 : vector<2000x1xf32> to vector<2000x32xf32>
    %mul3A_94 = arith.mulf %mul3A_93, %slice3A_92 : vector<2000x32xf32>
    %add3A_95 = arith.addf %add3A_75, %mul3A_94 : vector<2000x32xf32>
    %slice3A_96 = vector.extract_strided_slice %convert_element_type3A_16 {offsets = [0, 17], sizes = [2000, 1], strides = [1, 1]} : vector<2000x32xf32> to vector<2000x1xf32>
    %slice3A_97 = vector.extract_strided_slice %convert_element_type3A_11 {offsets = [0, 544], sizes = [2000, 32], strides = [1, 1]} : vector<2000x1024xf32> to vector<2000x32xf32>
    %mul3A_98 = vector.broadcast %slice3A_96 : vector<2000x1xf32> to vector<2000x32xf32>
    %mul3A_99 = arith.mulf %mul3A_98, %slice3A_97 : vector<2000x32xf32>
    %add3A_100 = arith.addf %add3A_80, %mul3A_99 : vector<2000x32xf32>
    %slice3A_101 = vector.extract_strided_slice %convert_element_type3A_16 {offsets = [0, 18], sizes = [2000, 1], strides = [1, 1]} : vector<2000x32xf32> to vector<2000x1xf32>
    %slice3A_102 = vector.extract_strided_slice %convert_element_type3A_11 {offsets = [0, 576], sizes = [2000, 32], strides = [1, 1]} : vector<2000x1024xf32> to vector<2000x32xf32>
    %mul3A_103 = vector.broadcast %slice3A_101 : vector<2000x1xf32> to vector<2000x32xf32>
    %mul3A_104 = arith.mulf %mul3A_103, %slice3A_102 : vector<2000x32xf32>
    %add3A_105 = arith.addf %add3A_85, %mul3A_104 : vector<2000x32xf32>
    %slice3A_106 = vector.extract_strided_slice %convert_element_type3A_16 {offsets = [0, 19], sizes = [2000, 1], strides = [1, 1]} : vector<2000x32xf32> to vector<2000x1xf32>
    %slice3A_107 = vector.extract_strided_slice %convert_element_type3A_11 {offsets = [0, 608], sizes = [2000, 32], strides = [1, 1]} : vector<2000x1024xf32> to vector<2000x32xf32>
    %mul3A_108 = vector.broadcast %slice3A_106 : vector<2000x1xf32> to vector<2000x32xf32>
    %mul3A_109 = arith.mulf %mul3A_108, %slice3A_107 : vector<2000x32xf32>
    %add3A_110 = arith.addf %add3A_90, %mul3A_109 : vector<2000x32xf32>
    %slice3A_111 = vector.extract_strided_slice %convert_element_type3A_16 {offsets = [0, 20], sizes = [2000, 1], strides = [1, 1]} : vector<2000x32xf32> to vector<2000x1xf32>
    %slice3A_112 = vector.extract_strided_slice %convert_element_type3A_11 {offsets = [0, 640], sizes = [2000, 32], strides = [1, 1]} : vector<2000x1024xf32> to vector<2000x32xf32>
    %mul3A_113 = vector.broadcast %slice3A_111 : vector<2000x1xf32> to vector<2000x32xf32>
    %mul3A_114 = arith.mulf %mul3A_113, %slice3A_112 : vector<2000x32xf32>
    %add3A_115 = arith.addf %add3A_95, %mul3A_114 : vector<2000x32xf32>
    %slice3A_116 = vector.extract_strided_slice %convert_element_type3A_16 {offsets = [0, 21], sizes = [2000, 1], strides = [1, 1]} : vector<2000x32xf32> to vector<2000x1xf32>
    %slice3A_117 = vector.extract_strided_slice %convert_element_type3A_11 {offsets = [0, 672], sizes = [2000, 32], strides = [1, 1]} : vector<2000x1024xf32> to vector<2000x32xf32>
    %mul3A_118 = vector.broadcast %slice3A_116 : vector<2000x1xf32> to vector<2000x32xf32>
    %mul3A_119 = arith.mulf %mul3A_118, %slice3A_117 : vector<2000x32xf32>
    %add3A_120 = arith.addf %add3A_100, %mul3A_119 : vector<2000x32xf32>
    %slice3A_121 = vector.extract_strided_slice %convert_element_type3A_16 {offsets = [0, 22], sizes = [2000, 1], strides = [1, 1]} : vector<2000x32xf32> to vector<2000x1xf32>
    %slice3A_122 = vector.extract_strided_slice %convert_element_type3A_11 {offsets = [0, 704], sizes = [2000, 32], strides = [1, 1]} : vector<2000x1024xf32> to vector<2000x32xf32>
    %mul3A_123 = vector.broadcast %slice3A_121 : vector<2000x1xf32> to vector<2000x32xf32>
    %mul3A_124 = arith.mulf %mul3A_123, %slice3A_122 : vector<2000x32xf32>
    %add3A_125 = arith.addf %add3A_105, %mul3A_124 : vector<2000x32xf32>
    %slice3A_126 = vector.extract_strided_slice %convert_element_type3A_16 {offsets = [0, 23], sizes = [2000, 1], strides = [1, 1]} : vector<2000x32xf32> to vector<2000x1xf32>
    %slice3A_127 = vector.extract_strided_slice %convert_element_type3A_11 {offsets = [0, 736], sizes = [2000, 32], strides = [1, 1]} : vector<2000x1024xf32> to vector<2000x32xf32>
    %mul3A_128 = vector.broadcast %slice3A_126 : vector<2000x1xf32> to vector<2000x32xf32>
    %mul3A_129 = arith.mulf %mul3A_128, %slice3A_127 : vector<2000x32xf32>
    %add3A_130 = arith.addf %add3A_110, %mul3A_129 : vector<2000x32xf32>
    %slice3A_131 = vector.extract_strided_slice %convert_element_type3A_16 {offsets = [0, 24], sizes = [2000, 1], strides = [1, 1]} : vector<2000x32xf32> to vector<2000x1xf32>
    %slice3A_132 = vector.extract_strided_slice %convert_element_type3A_11 {offsets = [0, 768], sizes = [2000, 32], strides = [1, 1]} : vector<2000x1024xf32> to vector<2000x32xf32>
    %mul3A_133 = vector.broadcast %slice3A_131 : vector<2000x1xf32> to vector<2000x32xf32>
    %mul3A_134 = arith.mulf %mul3A_133, %slice3A_132 : vector<2000x32xf32>
    %add3A_135 = arith.addf %add3A_115, %mul3A_134 : vector<2000x32xf32>
    %slice3A_136 = vector.extract_strided_slice %convert_element_type3A_16 {offsets = [0, 25], sizes = [2000, 1], strides = [1, 1]} : vector<2000x32xf32> to vector<2000x1xf32>
    %slice3A_137 = vector.extract_strided_slice %convert_element_type3A_11 {offsets = [0, 800], sizes = [2000, 32], strides = [1, 1]} : vector<2000x1024xf32> to vector<2000x32xf32>
    %mul3A_138 = vector.broadcast %slice3A_136 : vector<2000x1xf32> to vector<2000x32xf32>
    %mul3A_139 = arith.mulf %mul3A_138, %slice3A_137 : vector<2000x32xf32>
    %add3A_140 = arith.addf %add3A_120, %mul3A_139 : vector<2000x32xf32>
    %slice3A_141 = vector.extract_strided_slice %convert_element_type3A_16 {offsets = [0, 26], sizes = [2000, 1], strides = [1, 1]} : vector<2000x32xf32> to vector<2000x1xf32>
    %slice3A_142 = vector.extract_strided_slice %convert_element_type3A_11 {offsets = [0, 832], sizes = [2000, 32], strides = [1, 1]} : vector<2000x1024xf32> to vector<2000x32xf32>
    %mul3A_143 = vector.broadcast %slice3A_141 : vector<2000x1xf32> to vector<2000x32xf32>
    %mul3A_144 = arith.mulf %mul3A_143, %slice3A_142 : vector<2000x32xf32>
    %add3A_145 = arith.addf %add3A_125, %mul3A_144 : vector<2000x32xf32>
    %slice3A_146 = vector.extract_strided_slice %convert_element_type3A_16 {offsets = [0, 27], sizes = [2000, 1], strides = [1, 1]} : vector<2000x32xf32> to vector<2000x1xf32>
    %slice3A_147 = vector.extract_strided_slice %convert_element_type3A_11 {offsets = [0, 864], sizes = [2000, 32], strides = [1, 1]} : vector<2000x1024xf32> to vector<2000x32xf32>
    %mul3A_148 = vector.broadcast %slice3A_146 : vector<2000x1xf32> to vector<2000x32xf32>
    %mul3A_149 = arith.mulf %mul3A_148, %slice3A_147 : vector<2000x32xf32>
    %add3A_150 = arith.addf %add3A_130, %mul3A_149 : vector<2000x32xf32>
    %slice3A_151 = vector.extract_strided_slice %convert_element_type3A_16 {offsets = [0, 28], sizes = [2000, 1], strides = [1, 1]} : vector<2000x32xf32> to vector<2000x1xf32>
    %slice3A_152 = vector.extract_strided_slice %convert_element_type3A_11 {offsets = [0, 896], sizes = [2000, 32], strides = [1, 1]} : vector<2000x1024xf32> to vector<2000x32xf32>
    %mul3A_153 = vector.broadcast %slice3A_151 : vector<2000x1xf32> to vector<2000x32xf32>
    %mul3A_154 = arith.mulf %mul3A_153, %slice3A_152 : vector<2000x32xf32>
    %add3A_155 = arith.addf %add3A_135, %mul3A_154 : vector<2000x32xf32>
    %slice3A_156 = vector.extract_strided_slice %convert_element_type3A_16 {offsets = [0, 29], sizes = [2000, 1], strides = [1, 1]} : vector<2000x32xf32> to vector<2000x1xf32>
    %slice3A_157 = vector.extract_strided_slice %convert_element_type3A_11 {offsets = [0, 928], sizes = [2000, 32], strides = [1, 1]} : vector<2000x1024xf32> to vector<2000x32xf32>
    %mul3A_158 = vector.broadcast %slice3A_156 : vector<2000x1xf32> to vector<2000x32xf32>
    %mul3A_159 = arith.mulf %mul3A_158, %slice3A_157 : vector<2000x32xf32>
    %add3A_160 = arith.addf %add3A_140, %mul3A_159 : vector<2000x32xf32>
    %slice3A_161 = vector.extract_strided_slice %convert_element_type3A_16 {offsets = [0, 30], sizes = [2000, 1], strides = [1, 1]} : vector<2000x32xf32> to vector<2000x1xf32>
    %slice3A_162 = vector.extract_strided_slice %convert_element_type3A_11 {offsets = [0, 960], sizes = [2000, 32], strides = [1, 1]} : vector<2000x1024xf32> to vector<2000x32xf32>
    %mul3A_163 = vector.broadcast %slice3A_161 : vector<2000x1xf32> to vector<2000x32xf32>
    %mul3A_164 = arith.mulf %mul3A_163, %slice3A_162 : vector<2000x32xf32>
    %add3A_165 = arith.addf %add3A_145, %mul3A_164 : vector<2000x32xf32>
    %slice3A_166 = vector.extract_strided_slice %convert_element_type3A_16 {offsets = [0, 31], sizes = [2000, 1], strides = [1, 1]} : vector<2000x32xf32> to vector<2000x1xf32>
    %slice3A_167 = vector.extract_strided_slice %convert_element_type3A_11 {offsets = [0, 992], sizes = [2000, 32], strides = [1, 1]} : vector<2000x1024xf32> to vector<2000x32xf32>
    %mul3A_168 = vector.broadcast %slice3A_166 : vector<2000x1xf32> to vector<2000x32xf32>
    %mul3A_169 = arith.mulf %mul3A_168, %slice3A_167 : vector<2000x32xf32>
    %add3A_170 = arith.addf %add3A_150, %mul3A_169 : vector<2000x32xf32>
    %add3A_171 = arith.addf %add3A_155, %add3A_160 : vector<2000x32xf32>
    %add3A_172 = arith.addf %add3A_165, %add3A_170 : vector<2000x32xf32>
    %add3A_173 = arith.addf %add3A_171, %add3A_172 : vector<2000x32xf32>
    %swap3A = arith.constant 0 : index
    %swap3A_174 = arith.constant 0 : index
    %swap3A_175 = vector.load %arg5[%swap3A, %swap3A_174] : memref<2000x32xf32, #tpu.memory_space<vmem>>, vector<2000x32xf32>
    tpu.vector_store %arg5[%swap3A, %swap3A_174], %add3A_173 {strides = array<i32>} : memref<2000x32xf32, #tpu.memory_space<vmem>>, vector<2000x32xf32>,
    return
  }
  func.func @transform_0(%arg0: i32) -> (i32, i32) {
    %c0_i32 = arith.constant 0 : i32
    %c0_i32_0 = arith.constant 0 : i32
    return %arg0, %c0_i32 : i32, i32
  }
  func.func @transform_1(%arg0: i32) -> (i32, i32) {
    %c0_i32 = arith.constant 0 : i32
    %c0_i32_0 = arith.constant 0 : i32
    return %arg0, %c0_i32 : i32, i32
  }
  func.func @transform_2(%arg0: i32) -> (i32, i32) {
    %c0_i32 = arith.constant 0 : i32
    %c0_i32_0 = arith.constant 0 : i32
    %c0_i32_1 = arith.constant 0 : i32
    return %c0_i32, %c0_i32_0 : i32, i32
  }
  func.func @transform_3(%arg0: i32) -> (i32, i32) {
    %c0_i32 = arith.constant 0 : i32
    %c0_i32_0 = arith.constant 0 : i32
    %c0_i32_1 = arith.constant 0 : i32
    return %c0_i32, %c0_i32_0 : i32, i32
  }
  func.func @transform_4(%arg0: i32) -> (i32, i32) {
    %c0_i32 = arith.constant 0 : i32
    %c0_i32_0 = arith.constant 0 : i32
    return %arg0, %c0_i32 : i32, i32
  }
}

module attributes {stable_mosaic.version = 14 : i64} {
  func.func @_gru_body(%arg0: memref<2x10000x32xf32, #tpu.memory_space<vmem>>, %arg1: memref<1x32xf32, #tpu.memory_space<vmem>>, %arg2: memref<10000x32xf32, #tpu.memory_space<vmem>>, %arg3: memref<3x32x32xbf16, #tpu.memory_space<vmem>>, %arg4: memref<3x1x32xf32, #tpu.memory_space<vmem>>, %arg5: memref<3x32x32xbf16, #tpu.memory_space<vmem>>, %arg6: memref<3x1x32xf32, #tpu.memory_space<vmem>>, %arg7: memref<10000x32xf32, #tpu.memory_space<vmem>>) attributes {dimension_semantics = [], scalar_prefetch = 0 : i64, scratch_operands = 0 : i64, tpu.core_type = #tpu.core_type<tc>} {
    %get3A = arith.constant 0 : index
    %get3A_0 = arith.constant 0 : index
    %get3A_1 = arith.constant 0 : index
    %get3A_2 = vector.load %arg0[%get3A, %get3A_0, %get3A_1] : memref<2x10000x32xf32, #tpu.memory_space<vmem>>, vector<1x10000x32xf32>
    %get3A_3 = vector.shape_cast %get3A_2 : vector<1x10000x32xf32> to vector<10000x32xf32>
    %get3A_4 = arith.constant 1 : index
    %get3A_5 = arith.constant 0 : index
    %get3A_6 = arith.constant 0 : index
    %get3A_7 = vector.load %arg0[%get3A_4, %get3A_5, %get3A_6] : memref<2x10000x32xf32, #tpu.memory_space<vmem>>, vector<1x10000x32xf32>
    %get3A_8 = vector.shape_cast %get3A_7 : vector<1x10000x32xf32> to vector<10000x32xf32>
    %add3A = arith.addf %get3A_3, %get3A_8 : vector<10000x32xf32>
    %get3A_9 = arith.constant 0 : index
    %get3A_10 = arith.constant 0 : index
    %get3A_11 = vector.load %arg1[%get3A_9, %get3A_10] : memref<1x32xf32, #tpu.memory_space<vmem>>, vector<1x32xf32>
    %add3A_12 = vector.broadcast %get3A_11 : vector<1x32xf32> to vector<10000x32xf32>
    %add3A_13 = arith.addf %add3A, %add3A_12 : vector<10000x32xf32>
    %max3A = arith.constant 0.000000e+00 : f32
    %max3A_14 = vector.broadcast %max3A : f32 to vector<10000x32xf32>
    %max3A_15 = arith.maximumf %add3A_13, %max3A_14 : vector<10000x32xf32>
    %get3A_16 = arith.constant 0 : index
    %get3A_17 = arith.constant 0 : index
    %get3A_18 = vector.load %arg2[%get3A_16, %get3A_17] : memref<10000x32xf32, #tpu.memory_space<vmem>>, vector<10000x32xf32>
    %convert_element_type3A = arith.truncf %max3A_15 : vector<10000x32xf32> to vector<10000x32xbf16>
    %convert_element_type3A_19 = arith.truncf %get3A_18 : vector<10000x32xf32> to vector<10000x32xbf16>
    %get3A_20 = arith.constant 0 : index
    %get3A_21 = arith.constant 0 : index
    %get3A_22 = arith.constant 0 : index
    %get3A_23 = vector.load %arg3[%get3A_20, %get3A_21, %get3A_22] : memref<3x32x32xbf16, #tpu.memory_space<vmem>>, vector<1x32x32xbf16>
    %get3A_24 = vector.shape_cast %get3A_23 : vector<1x32x32xbf16> to vector<32x32xbf16>
    %dot_general3A = arith.constant dense<0.000000e+00> : vector<10000x32xf32>
    %dot_general3A_25 = tpu.matmul %convert_element_type3A, %get3A_24, %dot_general3A {dimension_numbers = #tpu.dot_dimension_numbers<[1], [0], [0], [1], [0, 0, 1, 1], [], []>, transpose_lhs_hint = false} : vector<10000x32xbf16>, vector<32x32xbf16>, vector<10000x32xf32> -> vector<10000x32xf32>
    %get3A_26 = arith.constant 0 : index
    %get3A_27 = arith.constant 0 : index
    %get3A_28 = arith.constant 0 : index
    %get3A_29 = vector.load %arg4[%get3A_26, %get3A_27, %get3A_28] : memref<3x1x32xf32, #tpu.memory_space<vmem>>, vector<1x1x32xf32>
    %get3A_30 = vector.shape_cast %get3A_29 : vector<1x1x32xf32> to vector<1x32xf32>
    %add3A_31 = vector.broadcast %get3A_30 : vector<1x32xf32> to vector<10000x32xf32>
    %add3A_32 = arith.addf %dot_general3A_25, %add3A_31 : vector<10000x32xf32>
    %get3A_33 = arith.constant 1 : index
    %get3A_34 = arith.constant 0 : index
    %get3A_35 = arith.constant 0 : index
    %get3A_36 = vector.load %arg3[%get3A_33, %get3A_34, %get3A_35] : memref<3x32x32xbf16, #tpu.memory_space<vmem>>, vector<1x32x32xbf16>
    %get3A_37 = vector.shape_cast %get3A_36 : vector<1x32x32xbf16> to vector<32x32xbf16>
    %dot_general3A_38 = arith.constant dense<0.000000e+00> : vector<10000x32xf32>
    %dot_general3A_39 = tpu.matmul %convert_element_type3A, %get3A_37, %dot_general3A_38 {dimension_numbers = #tpu.dot_dimension_numbers<[1], [0], [0], [1], [0, 0, 1, 1], [], []>, transpose_lhs_hint = false} : vector<10000x32xbf16>, vector<32x32xbf16>, vector<10000x32xf32> -> vector<10000x32xf32>
    %get3A_40 = arith.constant 1 : index
    %get3A_41 = arith.constant 0 : index
    %get3A_42 = arith.constant 0 : index
    %get3A_43 = vector.load %arg4[%get3A_40, %get3A_41, %get3A_42] : memref<3x1x32xf32, #tpu.memory_space<vmem>>, vector<1x1x32xf32>
    %get3A_44 = vector.shape_cast %get3A_43 : vector<1x1x32xf32> to vector<1x32xf32>
    %add3A_45 = vector.broadcast %get3A_44 : vector<1x32xf32> to vector<10000x32xf32>
    %add3A_46 = arith.addf %dot_general3A_39, %add3A_45 : vector<10000x32xf32>
    %get3A_47 = arith.constant 2 : index
    %get3A_48 = arith.constant 0 : index
    %get3A_49 = arith.constant 0 : index
    %get3A_50 = vector.load %arg3[%get3A_47, %get3A_48, %get3A_49] : memref<3x32x32xbf16, #tpu.memory_space<vmem>>, vector<1x32x32xbf16>
    %get3A_51 = vector.shape_cast %get3A_50 : vector<1x32x32xbf16> to vector<32x32xbf16>
    %dot_general3A_52 = arith.constant dense<0.000000e+00> : vector<10000x32xf32>
    %dot_general3A_53 = tpu.matmul %convert_element_type3A, %get3A_51, %dot_general3A_52 {dimension_numbers = #tpu.dot_dimension_numbers<[1], [0], [0], [1], [0, 0, 1, 1], [], []>, transpose_lhs_hint = false} : vector<10000x32xbf16>, vector<32x32xbf16>, vector<10000x32xf32> -> vector<10000x32xf32>
    %get3A_54 = arith.constant 2 : index
    %get3A_55 = arith.constant 0 : index
    %get3A_56 = arith.constant 0 : index
    %get3A_57 = vector.load %arg4[%get3A_54, %get3A_55, %get3A_56] : memref<3x1x32xf32, #tpu.memory_space<vmem>>, vector<1x1x32xf32>
    %get3A_58 = vector.shape_cast %get3A_57 : vector<1x1x32xf32> to vector<1x32xf32>
    %add3A_59 = vector.broadcast %get3A_58 : vector<1x32xf32> to vector<10000x32xf32>
    %add3A_60 = arith.addf %dot_general3A_53, %add3A_59 : vector<10000x32xf32>
    %get3A_61 = arith.constant 0 : index
    %get3A_62 = arith.constant 0 : index
    %get3A_63 = arith.constant 0 : index
    %get3A_64 = vector.load %arg5[%get3A_61, %get3A_62, %get3A_63] : memref<3x32x32xbf16, #tpu.memory_space<vmem>>, vector<1x32x32xbf16>
    %get3A_65 = vector.shape_cast %get3A_64 : vector<1x32x32xbf16> to vector<32x32xbf16>
    %dot_general3A_66 = arith.constant dense<0.000000e+00> : vector<10000x32xf32>
    %dot_general3A_67 = tpu.matmul %convert_element_type3A_19, %get3A_65, %dot_general3A_66 {dimension_numbers = #tpu.dot_dimension_numbers<[1], [0], [0], [1], [0, 0, 1, 1], [], []>, transpose_lhs_hint = false} : vector<10000x32xbf16>, vector<32x32xbf16>, vector<10000x32xf32> -> vector<10000x32xf32>
    %get3A_68 = arith.constant 0 : index
    %get3A_69 = arith.constant 0 : index
    %get3A_70 = arith.constant 0 : index
    %get3A_71 = vector.load %arg6[%get3A_68, %get3A_69, %get3A_70] : memref<3x1x32xf32, #tpu.memory_space<vmem>>, vector<1x1x32xf32>
    %get3A_72 = vector.shape_cast %get3A_71 : vector<1x1x32xf32> to vector<1x32xf32>
    %add3A_73 = vector.broadcast %get3A_72 : vector<1x32xf32> to vector<10000x32xf32>
    %add3A_74 = arith.addf %dot_general3A_67, %add3A_73 : vector<10000x32xf32>
    %get3A_75 = arith.constant 1 : index
    %get3A_76 = arith.constant 0 : index
    %get3A_77 = arith.constant 0 : index
    %get3A_78 = vector.load %arg5[%get3A_75, %get3A_76, %get3A_77] : memref<3x32x32xbf16, #tpu.memory_space<vmem>>, vector<1x32x32xbf16>
    %get3A_79 = vector.shape_cast %get3A_78 : vector<1x32x32xbf16> to vector<32x32xbf16>
    %dot_general3A_80 = arith.constant dense<0.000000e+00> : vector<10000x32xf32>
    %dot_general3A_81 = tpu.matmul %convert_element_type3A_19, %get3A_79, %dot_general3A_80 {dimension_numbers = #tpu.dot_dimension_numbers<[1], [0], [0], [1], [0, 0, 1, 1], [], []>, transpose_lhs_hint = false} : vector<10000x32xbf16>, vector<32x32xbf16>, vector<10000x32xf32> -> vector<10000x32xf32>
    %get3A_82 = arith.constant 1 : index
    %get3A_83 = arith.constant 0 : index
    %get3A_84 = arith.constant 0 : index
    %get3A_85 = vector.load %arg6[%get3A_82, %get3A_83, %get3A_84] : memref<3x1x32xf32, #tpu.memory_space<vmem>>, vector<1x1x32xf32>
    %get3A_86 = vector.shape_cast %get3A_85 : vector<1x1x32xf32> to vector<1x32xf32>
    %add3A_87 = vector.broadcast %get3A_86 : vector<1x32xf32> to vector<10000x32xf32>
    %add3A_88 = arith.addf %dot_general3A_81, %add3A_87 : vector<10000x32xf32>
    %get3A_89 = arith.constant 2 : index
    %get3A_90 = arith.constant 0 : index
    %get3A_91 = arith.constant 0 : index
    %get3A_92 = vector.load %arg5[%get3A_89, %get3A_90, %get3A_91] : memref<3x32x32xbf16, #tpu.memory_space<vmem>>, vector<1x32x32xbf16>
    %get3A_93 = vector.shape_cast %get3A_92 : vector<1x32x32xbf16> to vector<32x32xbf16>
    %dot_general3A_94 = arith.constant dense<0.000000e+00> : vector<10000x32xf32>
    %dot_general3A_95 = tpu.matmul %convert_element_type3A_19, %get3A_93, %dot_general3A_94 {dimension_numbers = #tpu.dot_dimension_numbers<[1], [0], [0], [1], [0, 0, 1, 1], [], []>, transpose_lhs_hint = false} : vector<10000x32xbf16>, vector<32x32xbf16>, vector<10000x32xf32> -> vector<10000x32xf32>
    %get3A_96 = arith.constant 2 : index
    %get3A_97 = arith.constant 0 : index
    %get3A_98 = arith.constant 0 : index
    %get3A_99 = vector.load %arg6[%get3A_96, %get3A_97, %get3A_98] : memref<3x1x32xf32, #tpu.memory_space<vmem>>, vector<1x1x32xf32>
    %get3A_100 = vector.shape_cast %get3A_99 : vector<1x1x32xf32> to vector<1x32xf32>
    %add3A_101 = vector.broadcast %get3A_100 : vector<1x32xf32> to vector<10000x32xf32>
    %add3A_102 = arith.addf %dot_general3A_95, %add3A_101 : vector<10000x32xf32>
    %add3A_103 = arith.addf %add3A_32, %add3A_74 : vector<10000x32xf32>
    %logistic3A = arith.negf %add3A_103 : vector<10000x32xf32>
    %logistic3A_104 = math.exp %logistic3A : vector<10000x32xf32>
    %logistic3A_105 = arith.constant 1.000000e+00 : f32
    %logistic3A_106 = vector.broadcast %logistic3A_105 : f32 to vector<10000x32xf32>
    %logistic3A_107 = arith.addf %logistic3A_106, %logistic3A_104 : vector<10000x32xf32>
    %logistic3A_108 = arith.divf %logistic3A_106, %logistic3A_107 : vector<10000x32xf32>
    %add3A_109 = arith.addf %add3A_46, %add3A_88 : vector<10000x32xf32>
    %logistic3A_110 = arith.negf %add3A_109 : vector<10000x32xf32>
    %logistic3A_111 = math.exp %logistic3A_110 : vector<10000x32xf32>
    %logistic3A_112 = arith.constant 1.000000e+00 : f32
    %logistic3A_113 = vector.broadcast %logistic3A_112 : f32 to vector<10000x32xf32>
    %logistic3A_114 = arith.addf %logistic3A_113, %logistic3A_111 : vector<10000x32xf32>
    %logistic3A_115 = arith.divf %logistic3A_113, %logistic3A_114 : vector<10000x32xf32>
    %mul3A = arith.mulf %logistic3A_108, %add3A_102 : vector<10000x32xf32>
    %add3A_116 = arith.addf %add3A_60, %mul3A : vector<10000x32xf32>
    %tanh3A = math.tanh %add3A_116 : vector<10000x32xf32>
    %sub3A = arith.constant 1.000000e+00 : f32
    %sub3A_117 = vector.broadcast %sub3A : f32 to vector<10000x32xf32>
    %sub3A_118 = arith.subf %sub3A_117, %logistic3A_115 : vector<10000x32xf32>
    %mul3A_119 = arith.mulf %sub3A_118, %tanh3A : vector<10000x32xf32>
    %mul3A_120 = arith.mulf %logistic3A_115, %get3A_18 : vector<10000x32xf32>
    %add3A_121 = arith.addf %mul3A_119, %mul3A_120 : vector<10000x32xf32>
    %swap3A = arith.constant 0 : index
    %swap3A_122 = arith.constant 0 : index
    %swap3A_123 = vector.load %arg7[%swap3A, %swap3A_122] : memref<10000x32xf32, #tpu.memory_space<vmem>>, vector<10000x32xf32>
    tpu.vector_store %arg7[%swap3A, %swap3A_122], %add3A_121 {strides = array<i32>} : memref<10000x32xf32, #tpu.memory_space<vmem>>, vector<10000x32xf32>,
    return
  }
}

</mosaic_0001>

<sc_bundles>
// kernel: kernel.16.cloned.1.call-start
scs
__scs_entry_jumppad:
0x0: {  	(pc) =	sbr.rel $0x88, $3  }
0x1: {  	(tag) =	ssettag $0x0;
	lr =	simm.s32 $0x1  }
0x2: {  	[smem:$0x3F91] =	sst lr;
	_ =	strace $0xD0000000  }
0x3: {  	_ = 	snop  }
0x4: {  	_ = 	snop  }
0x5: {  	_ = 	snop  }
0x6: {  	_ = 	snop  }
0x7: {  	_ = 	snop  }
__scs_overlays_trampoline_lowered:
0x8: {  	[smem:$0x3FA0] =	sst s0  }
0x9: {  	[smem:$0x3FA1] =	sst s1  }
0xa: {  	[smem:$0x3FA2] =	sst s2  }
0xb: {  	[smem:$0x3FA3] =	sst s3  }
0xc: {  	[smem:$0x3FA4] =	sst s4  }
0xd: {  	[smem:$0x3FA5] =	sst s5  }
0xe: {  	[smem:$0x3FA6] =	sst s6  }
0xf: {  	[smem:$0x3FA7] =	sst s7  }
0x10: {  	[smem:$0x3FA8] =	sst s8  }
0x11: {  	[smem:$0x3FA9] =	sst s9;
	s0 =	simm.s32 @!p0 $0x0  }
0x12: {  	s1 =	sld [smem:$0x3F8F];
	s0 =	simm.s32 @p0 $0x1  }
0x13: {  	[smem:$0x3FAA] =	sst s0;
	s0 =	simm.s32 @!p1 $0x0  }
0x14: {  	s2 =	sld [smem:$0x3F8E];
	s0 =	simm.s32 @p1 $0x1  }
0x15: {  	[smem:$0x3FAB] =	sst s0;
	s0 =	simm.s32 @!p2 $0x0  }
0x16: {  	s3 =	sld [smem:$0x3FDB];
	s0 =	simm.s32 @p2 $0x1  }
0x17: {  	s4 =	simm.s32 $0x1BF5;
	[smem:$0x3FAD] =	sst s0  }
0x18: {  	s0 =	sld [smem:$0x3F90];
	_ =	swait.ge [sflag:s4], $0x0  }
0x19: {  	s7 =	sld [smem:$0x3F91]  }
0x1a: {  	s8 =	sadd.s32 $0xFFFFE003, lr  }
0x1b: {  	s9 =	sadd.s32 $0xFFFFFEF7, lr;
	s5 =	simm.s32 $0xFFFFFFFF;
	p2 =	slt.u32 s8, $0xFFFFF086  }
0x1c: {  	p1 =	slt.u32 s9, $0xF7A;
	s5 =	simm.s32 @!p2 $0x0  }
0x1d: {  	s5 =	simm.s32 @p1 $0x1;
	p0 =	seq.s32 s7, s2  }
0x1e: {  	s7 =	smul.u32 @!p0 $0xF7A, s2;
	p2 =	seq.s32 @!p0 s5, $0x0  }
0x1f: {  	s9 =	smul.u32 $0xF7A, s1;
	s8 =	simm.s32 @!p0 $0x1BF5;
	p2 =	por !p2, p0  }
0x20: {  	[sflag:s8] =	ssyncset.s32 @!p0 $0xFFFFF086;
	s6 =	sadd.s32 @!p0 s3, s7;
	s7 =	simm.s32 @!p0 $0x108  }
0x21: {  	s3 =	sadd.s32 s3, s9;
	s6 =	sadd.s32 @!p0 $0x88, s6;
	s7 =	simm.s32 @p2 $0x1082  }
0x22: {  	[simem:s7], [sflag:s8] =	dma.local @!p0 [hbm:s6], $0xF7A  }
0x23: {  	s9 =	sor.u32 $0xD0000000, s2;
	s6 =	simm.s32 $0x108;
	_ =	swait.ge @!p0 [sflag:s8], $0x0  }
0x24: {  	s3 =	sadd.s32 $0x88, s3;
	s6 =	simm.s32 @!p1 $0x1082;
	[sflag:s4] =	ssyncset.s32 $0xFFFFF086  }
0x25: {  	[simem:s6], [sflag:s4] =	dma.local [hbm:s3], $0xF7A  }
0x26: {  	[smem:$0x3F91] =	sst s1;
	(tag) =	ssettag s2;
	_ =	strace s9  }
0x27: {  	s1 =	sld [smem:$0x3FA1]  }
0x28: {  	s2 =	sld [smem:$0x3FA2]  }
0x29: {  	s4 =	sld [smem:$0x3FA4]  }
0x2a: {  	p0 =	seq.s32 s5, $0x0;
	s5 =	sld [smem:$0x3FA5]  }
0x2b: {  	s6 =	sld [smem:$0x3FA6]  }
0x2c: {  	s7 =	sld [smem:$0x3FA7]  }
0x2d: {  	s3 =	simm.s32 $0x108;
	s8 =	sld [smem:$0x3FA8]  }
0x2e: {  	s3 =	simm.s32 @!p0 $0x1082;
	s9 =	sld [smem:$0x3FA9]  }
0x2f: {  	lr =	sadd.s32 s0, s3;
	s0 =	sld [smem:$0x3FA0]  }
0x30: {  	s3 =	sld [smem:$0x3FA3]  }
0x31: {  	[smem:$0x3FAC] =	sst s10  }
0x32: {  	s10 =	sld [smem:$0x3FAA];
	_ =	sdelay $0x3  }
0x33: {  	p0 =	seq.s32 s10, $0x1;
	s10 =	sld [smem:$0x3FAC];
	_ =	sdelay $0x3  }
0x34: {  	[smem:$0x3FAC] =	sst s10  }
0x35: {  	s10 =	sld [smem:$0x3FAB];
	_ =	sdelay $0x3  }
0x36: {  	p1 =	seq.s32 s10, $0x1;
	s10 =	sld [smem:$0x3FAC];
	_ =	sdelay $0x3  }
0x37: {  	[smem:$0x3FAC] =	sst s10  }
0x38: {  	s10 =	sld [smem:$0x3FAD]  }
0x39: {  	_ = 	snop;
	(pc) =	sbr.ind lr, $3  }
0x3a: {  	_ = 	snop  }
0x3b: {  	_ = 	snop  }
0x3c: {  	p2 =	seq.s32 s10, $0x1;
	s10 =	sld [smem:$0x3FAC]  }
0x3d: {  	_ =	shalt  }
0x3e: {  	_ =	shalt  }
0x3f: {  	_ =	shalt  }
0x40: {  	_ =	shalt  }
0x41: {  	_ =	shalt  }
0x42: {  	_ =	shalt  }
0x43: {  	_ =	shalt  }
0x44: {  	_ =	shalt  }
0x45: {  	_ =	shalt  }
0x46: {  	_ =	shalt  }
0x47: {  	_ =	shalt  }
0x48: {  	_ =	shalt  }
0x49: {  	_ =	shalt  }
0x4a: {  	_ =	shalt  }
0x4b: {  	_ =	shalt  }
0x4c: {  	_ =	shalt  }
0x4d: {  	_ =	shalt  }
0x4e: {  	_ =	shalt  }
0x4f: {  	_ =	shalt  }
0x50: {  	_ =	shalt  }
0x51: {  	_ =	shalt  }
0x52: {  	_ =	shalt  }
0x53: {  	_ =	shalt  }
0x54: {  	_ =	shalt  }
0x55: {  	_ =	shalt  }
0x56: {  	_ =	shalt  }
0x57: {  	_ =	shalt  }
0x58: {  	_ =	shalt  }
0x59: {  	_ =	shalt  }
0x5a: {  	_ =	shalt  }
0x5b: {  	_ =	shalt  }
0x5c: {  	_ =	shalt  }
0x5d: {  	_ =	shalt  }
0x5e: {  	_ =	shalt  }
0x5f: {  	_ =	shalt  }
0x60: {  	_ =	shalt  }
0x61: {  	_ =	shalt  }
0x62: {  	_ =	shalt  }
0x63: {  	_ =	shalt  }
0x64: {  	_ =	shalt  }
0x65: {  	_ =	shalt  }
0x66: {  	_ =	shalt  }
0x67: {  	_ =	shalt  }
0x68: {  	_ =	shalt  }
0x69: {  	_ =	shalt  }
0x6a: {  	_ =	shalt  }
0x6b: {  	_ =	shalt  }
0x6c: {  	_ =	shalt  }
0x6d: {  	_ =	shalt  }
0x6e: {  	_ =	shalt  }
0x6f: {  	_ =	shalt  }
0x70: {  	_ =	shalt  }
0x71: {  	_ =	shalt  }
0x72: {  	_ =	shalt  }
0x73: {  	_ =	shalt  }
0x74: {  	_ =	shalt  }
0x75: {  	_ =	shalt  }
0x76: {  	_ =	shalt  }
0x77: {  	_ =	shalt  }
0x78: {  	_ =	shalt  }
0x79: {  	_ =	shalt  }
0x7a: {  	_ =	shalt  }
0x7b: {  	_ =	shalt  }
0x7c: {  	_ =	shalt  }
0x7d: {  	_ =	shalt  }
0x7e: {  	_ =	shalt  }
0x7f: {  	_ =	shalt  }
0x80: {  	_ =	shalt  }
0x81: {  	_ =	shalt  }
0x82: {  	_ =	shalt  }
0x83: {  	_ =	shalt  }
0x84: {  	_ =	shalt  }
0x85: {  	_ =	shalt  }
0x86: {  	_ =	shalt  }
0x87: {  	_ =	shalt  }
.Lfunc_end0:
.L_simem_size_0:
called_computation_lowered:
.L_overlay_start_0:
0x88: {  	s2 =	sld [smem:$0x3FD9]  }
0x89: {  	s3 =	sld [smem:$0x3FFE];
	_ =	sdelay $0x1  }
0x8a: {  	s1 =	srdreg.scid  }
0x8b: {  	s0 =	sand.u32 $0x1, s1  }
0x8c: {  	s17 =	sshll.u32 s0, $0xA;
	s2 =	sadd.s32 s3, s2  }
0x8d: {  	s2 =	sadd.s32 s2, s17  }
0x8e: {  	[smem:$0x3FB8] =	sst s2  }
0x8f: {  	_ = 	snop  }
0x90: {  	s2 =	sld [smem:$0x3FD0];
	(tm) =	ssettm $0x1  }
0x91: {  	s18 =	sld [smem:$0x3FFB];
	_ =	sdelay $0x3  }
0x92: {  	_ =	strace s18  }
0x93: {  	s3 =	sld [smem:$0x3FFC];
	_ =	sdelay $0x3  }
0x94: {  	_ =	strace s3  }
0x95: {  	s3 =	sld [smem:$0x3FFD];
	_ =	sdelay $0x3  }
0x96: {  	_ =	strace s3  }
0x97: {  	_ =	strace $0x8FFFFFFF  }
0x98: {  	s19 =	sld [smem:$0x3FDB];
	_ =	sdelay $0x1  }
0x99: {  	s4 =	simm.s32 $_scs_section_size  }
0x9a: {  	s5 =	simm.s32 $_size__tile_overlayer_lowered;
	s6 =	simm.s32 $_tile_overlayer_lowered  }
0x9b: {  	s22 =	simm.s32 $0x1BFF;
	s21 =	sshll.u32 s6, $0x1;
	s3 =	sadd.s32 s4, s19  }
0x9c: {  	s7 =	simm.s32 $0x0;
	s20 =	sshll.u32 s5, $0x1;
	s5 =	sadd.s32 s21, s3  }
0x9d: {  	[timem:s7], [sflag:s22] =	dma.local [hbm:s5], s20  }
0x9e: {  	_ =	swait.ge [sflag:s22], s20  }
0x9f: {  	s4 =	ssub.s32 $0x0, s20;
	[sflag:s22] =	ssyncset.done $0x0  }
0xa0: {  	[sflag:s22] =	ssyncadd.s32 s4;
	_ =	sdelay $0x1  }
0xa1: {  	s23 =	simm.s32 $0x1B8B  }
0xa2: {  	_ =	swait.ge [sflag:s23], $0x1  }
0xa3: {  	[sflag:s23] =	ssyncset.done $0x0  }
0xa4: {  	s25 =	simm.s32 $0x1B8E;
	s24 =	sld [smem:$0x3FFE];
	[sflag:s23] =	ssyncadd.s32 $0xFFFFFFFF  }
0xa5: {  	s26 =	simm.s32 $execute0_lowered;
	[smem:$0x3FD2] =	sst s25  }
0xa6: {  	s5 =	sshll.u32 s26, $0x1;
	_ =	strace $0x80000046;
	[dreg:$0x1] =	wrdreg $0xFFFFFFFF  }
0xa7: {  	s28 =	simm.s32 $_size_execute0_lowered;
	s3 =	sadd.s32 s3, s5;
	[dreg:$0x0] =	wrdreg $0x0  }
0xa8: {  	s5 =	sshll.u32 s28, $0x1;
	[dreg:$0x2] =	wrdreg s3  }
0xa9: {  	[dreg:$0x3] =	wrdreg s5  }
0xaa: {  	[dreg:$0x4] =	wrdreg $0xC0  }
0xab: {  	_ =	task [dreg:s7], $0x5FFFF  }
0xac: {  	[dreg:$0x1] =	wrdreg $0xFFFFFFFF  }
0xad: {  	[dreg:$0x0] =	wrdreg $0x60  }
0xae: {  	[dreg:$0x2] =	wrdreg s2  }
0xaf: {  	[dreg:$0x3] =	wrdreg s24  }
0xb0: {  	[dreg:$0x4] =	wrdreg $0x9  }
0xb1: {  	_ =	task.clear_ibuf [dreg:s7], $0x5FFFF;
	_ =	strace $0x90000046  }
0xb2: {  	s29 =	simm.s32 $0x9;
	_ =	strace $0x80000048  }
0xb3: {  	_ =	swait.ge [sflag:s29], $0x1  }
0xb4: {  	[sflag:s29] =	ssyncadd.s32 $0xFFFFFFFF  }
0xb5: {  	_ =	strace $0x90000048  }
0xb6: {  	_ =	sfence  }
0xb7: {  	s30 =	sld [smem:$0x0];
	_ =	sdelay $0x2  }
0xb8: {  	s31 =	sshll.u32 s1, $0xD;
	s1 =	sshrl.u32 s1, $0x2  }
0xb9: {  	s3 =	sand.u32 $0x4000, s31;
	s1 =	sadd.s32 s1, s30  }
0xba: {  	s0 =	sor.u32 s3, s0;
	s1 =	sshll.u32 s1, $0x11  }
0xbb: {  	s0 =	sor.u32 s1, s0  }
0xbc: {  	s0 =	sadd.s32 $0x8F2B, s0  }
0xbd: {  	[sflag:s0] =	ssyncadd.remote.s32 $0x1  }
0xbe: {  	_ =	sfence.sel $0xFFFF  }
0xbf: {  	[dreg:$0x0] =	wrdreg $0xFFFFFFFF;
	(pc) =	sbr.abs _section_cstart, $3  }
0xc0: {  	[dreg:$0x1] =	wrdreg $0xFFFFFFFF  }
0xc1: {  	_ =	task.clear_ibuf [dreg:s7], $0x2FFFF;
	_ =	strace $0x9FFFFFFF  }
0xc2: {  	(tm) =	ssettm $0x7FFFFFFF  }
0xc3: {  	_ =	shalt  }
tec
execute0_lowered:
.L_overlay_start_1:
0x0: {  	(tag) =	ssettag $0x1  }
0x1: {  	s1 =	srdreg.scid;
	s0 =	stileid.u32  }
0x2: {  	s16 =	sand.u32 $0x1, s1;
	s26 =	sshll.u32 s0, $0x1  }
0x3: {  	s2 =	rddreg [dreg:$0x0];
	s8 =	sor.u32 s16, s26  }
0x4: {  	s9 =	rddreg [dreg:$0x1];
	s17 =	smul.u32 $0x1388, s8  }
0x5: {  	s3 =	simm.s32 $0x0;
	s1 =	rddreg [dreg:$0x2]  }
0x6: {  	[smem:$0x7FF] =	sst s3;
	s15 =	sadd.s32 $0x7000, s9;
	s4 =	sshrl.u32 s17, $0x3  }
0x7: {  	_ =	strace $0x80000047;
	s5 =	sadd.s32 s15, s4;
	s4 =	simm.s32 $0x2  }
0x8: {  	[tilespmem:s3], [sflag:$0x2] =	stream.linear.gather [hbm4b:s5+s3], $0x3E8, $0x38;
	[tilespmem:$0x80E8] =	vst v63  }
0x9: {  	_ =	swait.ge [sflag:s4], $0x3E8  }
0xa: {  	[sflag:s4] =	ssyncset.done $0x0  }
0xb: {  	s6 =	simm.s32 $0x3E8;
	s7 =	simm.s32 $0x1;
	[sflag:s4] =	ssyncadd.s32 $0xFFFFFC18  }
0xc: {  	[tilespmem:s6], [sflag:$0x1] =	stream.indirect.gather [hbm4b:s2+s6], $0x20, s3, s6, $0xb8;
	[tilespmem:$0x80E8] =	vst v63  }
0xd: {  	s8 =	smul.u32 $0x4E20, s8;
	_ =	swait.ge [sflag:s7], $0x7D00  }
0xe: {  	s18 =	sadd.s32 $0x38200, s9;
	[sflag:s7] =	ssyncset.done $0x0  }
0xf: {  	s8 =	sadd.s32 s18, s8;
	[sflag:s7] =	ssyncadd.s32 $0xFFFF8300  }
0x10: {  	[hbm4b:s8+s3] =	stream.linear.scatter [tilespmem:s6], [sflag:$0x2], $0x7D00, $0x38;
	[tilespmem:$0x80E8] =	vst v63  }
0x11: {  	s10 =	sadd.s32 $0x3E8, s17;
	_ =	swait.ge [sflag:s4], $0x7D00  }
0x12: {  	s28 =	sshrl.u32 s10, $0x3;
	[sflag:s4] =	ssyncset.done $0x0  }
0x13: {  	s9 =	sadd.s32 s15, s28;
	[sflag:s4] =	ssyncadd.s32 $0xFFFF8300  }
0x14: {  	[tilespmem:s3], [sflag:$0x2] =	stream.linear.gather [hbm4b:s9+s3], $0x3E8, $0x38;
	[tilespmem:$0x80E8] =	vst v63  }
0x15: {  	_ =	swait.ge [sflag:s4], $0x3E8  }
0x16: {  	[sflag:s4] =	ssyncset.done $0x0  }
0x17: {  	[sflag:s4] =	ssyncadd.s32 $0xFFFFFC18  }
0x18: {  	[tilespmem:s6], [sflag:$0x1] =	stream.indirect.gather [hbm4b:s2+s6], $0x20, s3, s6, $0xb8;
	[tilespmem:$0x80E8] =	vst v63  }
0x19: {  	_ =	swait.ge [sflag:s7], $0x7D00  }
0x1a: {  	s10 =	sshll.u32 s10, $0x2;
	[sflag:s7] =	ssyncset.done $0x0  }
0x1b: {  	s10 =	sadd.s32 s18, s10;
	[sflag:s7] =	ssyncadd.s32 $0xFFFF8300  }
0x1c: {  	[hbm4b:s10+s3] =	stream.linear.scatter [tilespmem:s6], [sflag:$0x2], $0x7D00, $0x38;
	[tilespmem:$0x80E8] =	vst v63  }
0x1d: {  	s12 =	sadd.s32 $0x7D0, s17;
	_ =	swait.ge [sflag:s4], $0x7D00  }
0x1e: {  	s11 =	sshrl.u32 s12, $0x3;
	[sflag:s4] =	ssyncset.done $0x0  }
0x1f: {  	s11 =	sadd.s32 s15, s11;
	[sflag:s4] =	ssyncadd.s32 $0xFFFF8300  }
0x20: {  	[tilespmem:s3], [sflag:$0x2] =	stream.linear.gather [hbm4b:s11+s3], $0x3E8, $0x38;
	[tilespmem:$0x80E8] =	vst v63  }
0x21: {  	_ =	swait.ge [sflag:s4], $0x3E8  }
0x22: {  	[sflag:s4] =	ssyncset.done $0x0  }
0x23: {  	[sflag:s4] =	ssyncadd.s32 $0xFFFFFC18  }
0x24: {  	[tilespmem:s6], [sflag:$0x1] =	stream.indirect.gather [hbm4b:s2+s6], $0x20, s3, s6, $0xb8;
	[tilespmem:$0x80E8] =	vst v63  }
0x25: {  	_ =	swait.ge [sflag:s7], $0x7D00  }
0x26: {  	s12 =	sshll.u32 s12, $0x2;
	[sflag:s7] =	ssyncset.done $0x0  }
0x27: {  	s12 =	sadd.s32 s18, s12;
	[sflag:s7] =	ssyncadd.s32 $0xFFFF8300  }
0x28: {  	[hbm4b:s12+s3] =	stream.linear.scatter [tilespmem:s6], [sflag:$0x2], $0x7D00, $0x38;
	[tilespmem:$0x80E8] =	vst v63  }
0x29: {  	s14 =	sadd.s32 $0xBB8, s17;
	_ =	swait.ge [sflag:s4], $0x7D00  }
0x2a: {  	s13 =	sshrl.u32 s14, $0x3;
	[sflag:s4] =	ssyncset.done $0x0  }
0x2b: {  	s13 =	sadd.s32 s15, s13;
	[sflag:s4] =	ssyncadd.s32 $0xFFFF8300  }
0x2c: {  	[tilespmem:s3], [sflag:$0x2] =	stream.linear.gather [hbm4b:s13+s3], $0x3E8, $0x38;
	[tilespmem:$0x80E8] =	vst v63  }
0x2d: {  	_ =	swait.ge [sflag:s4], $0x3E8  }
0x2e: {  	[sflag:s4] =	ssyncset.done $0x0  }
0x2f: {  	[sflag:s4] =	ssyncadd.s32 $0xFFFFFC18  }
0x30: {  	[tilespmem:s6], [sflag:$0x1] =	stream.indirect.gather [hbm4b:s2+s6], $0x20, s3, s6, $0xb8;
	[tilespmem:$0x80E8] =	vst v63  }
0x31: {  	_ =	swait.ge [sflag:s7], $0x7D00  }
0x32: {  	s14 =	sshll.u32 s14, $0x2;
	[sflag:s7] =	ssyncset.done $0x0  }
0x33: {  	s14 =	sadd.s32 s18, s14;
	[sflag:s7] =	ssyncadd.s32 $0xFFFF8300  }
0x34: {  	[hbm4b:s14+s3] =	stream.linear.scatter [tilespmem:s6], [sflag:$0x2], $0x7D00, $0x38;
	[tilespmem:$0x80E8] =	vst v63  }
0x35: {  	s17 =	sadd.s32 $0xFA0, s17;
	_ =	swait.ge [sflag:s4], $0x7D00  }
0x36: {  	s19 =	sshrl.u32 s17, $0x3;
	[sflag:s4] =	ssyncset.done $0x0  }
0x37: {  	s16 =	ssub.s32 $0x2, s16;
	s15 =	sadd.s32 s15, s19;
	[sflag:s4] =	ssyncadd.s32 $0xFFFF8300  }
0x38: {  	[tilespmem:s3], [sflag:$0x2] =	stream.linear.gather [hbm4b:s15+s3], $0x3E8, $0x38;
	[tilespmem:$0x80E8] =	vst v63  }
0x39: {  	s29 =	sshrl.u32 s16, $0x1;
	_ =	swait.ge [sflag:s4], $0x3E8  }
0x3a: {  	s19 =	ssub.s32 s16, s29;
	[sflag:s4] =	ssyncset.done $0x0  }
0x3b: {  	s31 =	smax.u32 s19, $0x1;
	[sflag:s4] =	ssyncadd.s32 $0xFFFFFC18  }
0x3c: {  	[tilespmem:s6], [sflag:$0x1] =	stream.indirect.gather [hbm4b:s2+s6], $0x20, s3, s6, $0xb8;
	[tilespmem:$0x80E8] =	vst v63  }
0x3d: {  	p0 =	sne.s32 s31, $0x1;
	_ =	swait.ge [sflag:s7], $0x7D00  }
.Ltmp0:
0x3e: {  	s30 =	sshll.u32 s17, $0x2;
	[sflag:s7] =	ssyncset.done $0x0;
	(pc) =	sbr.rel @!p0 .LBB2_2-.Ltmp0, $4  }
0x3f: {  	s16 =	sadd.s32 s18, s30;
	[sflag:s7] =	ssyncadd.s32 $0xFFFF8300  }
0x40: {  	[hbm4b:s16+s3] =	stream.linear.scatter [tilespmem:s6], [sflag:$0x2], $0x7D00, $0x38;
	[tilespmem:$0x80E8] =	vst v63  }
0x41: {  	_ =	swait.ge [sflag:s4], $0x7D00  }
0x42: {  	s17 =	sadd.s32 $0xFFFFFFFF, s31;
	[sflag:s4] =	ssyncset.done $0x0  }
.LBB2_1:
0x43: {  	p0 =	sne.s32 s17, $0x1;
	s17 =	sadd.s32 $0xFFFFFFFF, s17;
	[sflag:s4] =	ssyncadd.s32 $0xFFFF8300  }
0x44: {  	[tilespmem:s3], [sflag:$0x2] =	stream.linear.gather [hbm4b:s5+s3], $0x3E8, $0x38;
	[tilespmem:$0x80E8] =	vst v63  }
0x45: {  	_ =	swait.ge [sflag:s4], $0x3E8  }
0x46: {  	[sflag:s4] =	ssyncset.done $0x0  }
0x47: {  	[sflag:s4] =	ssyncadd.s32 $0xFFFFFC18  }
0x48: {  	[tilespmem:s6], [sflag:$0x1] =	stream.indirect.gather [hbm4b:s2+s6], $0x20, s3, s6, $0xb8;
	[tilespmem:$0x80E8] =	vst v63  }
0x49: {  	_ =	swait.ge [sflag:s7], $0x7D00  }
0x4a: {  	[sflag:s7] =	ssyncset.done $0x0  }
0x4b: {  	[sflag:s7] =	ssyncadd.s32 $0xFFFF8300  }
0x4c: {  	[hbm4b:s8+s3] =	stream.linear.scatter [tilespmem:s6], [sflag:$0x2], $0x7D00, $0x38;
	[tilespmem:$0x80E8] =	vst v63  }
0x4d: {  	_ =	swait.ge [sflag:s4], $0x7D00  }
0x4e: {  	[sflag:s4] =	ssyncset.done $0x0  }
0x4f: {  	[sflag:s4] =	ssyncadd.s32 $0xFFFF8300  }
0x50: {  	[tilespmem:s3], [sflag:$0x2] =	stream.linear.gather [hbm4b:s9+s3], $0x3E8, $0x38;
	[tilespmem:$0x80E8] =	vst v63  }
0x51: {  	_ =	swait.ge [sflag:s4], $0x3E8  }
0x52: {  	[sflag:s4] =	ssyncset.done $0x0  }
0x53: {  	[sflag:s4] =	ssyncadd.s32 $0xFFFFFC18  }
0x54: {  	[tilespmem:s6], [sflag:$0x1] =	stream.indirect.gather [hbm4b:s2+s6], $0x20, s3, s6, $0xb8;
	[tilespmem:$0x80E8] =	vst v63  }
0x55: {  	_ =	swait.ge [sflag:s7], $0x7D00  }
0x56: {  	[sflag:s7] =	ssyncset.done $0x0  }
0x57: {  	[sflag:s7] =	ssyncadd.s32 $0xFFFF8300  }
0x58: {  	[hbm4b:s10+s3] =	stream.linear.scatter [tilespmem:s6], [sflag:$0x2], $0x7D00, $0x38;
	[tilespmem:$0x80E8] =	vst v63  }
0x59: {  	_ =	swait.ge [sflag:s4], $0x7D00  }
0x5a: {  	[sflag:s4] =	ssyncset.done $0x0  }
0x5b: {  	[sflag:s4] =	ssyncadd.s32 $0xFFFF8300  }
0x5c: {  	[tilespmem:s3], [sflag:$0x2] =	stream.linear.gather [hbm4b:s11+s3], $0x3E8, $0x38;
	[tilespmem:$0x80E8] =	vst v63  }
0x5d: {  	_ =	swait.ge [sflag:s4], $0x3E8  }
0x5e: {  	[sflag:s4] =	ssyncset.done $0x0  }
0x5f: {  	[sflag:s4] =	ssyncadd.s32 $0xFFFFFC18  }
0x60: {  	[tilespmem:s6], [sflag:$0x1] =	stream.indirect.gather [hbm4b:s2+s6], $0x20, s3, s6, $0xb8;
	[tilespmem:$0x80E8] =	vst v63  }
0x61: {  	_ =	swait.ge [sflag:s7], $0x7D00  }
0x62: {  	[sflag:s7] =	ssyncset.done $0x0  }
0x63: {  	[sflag:s7] =	ssyncadd.s32 $0xFFFF8300  }
0x64: {  	[hbm4b:s12+s3] =	stream.linear.scatter [tilespmem:s6], [sflag:$0x2], $0x7D00, $0x38;
	[tilespmem:$0x80E8] =	vst v63  }
0x65: {  	_ =	swait.ge [sflag:s4], $0x7D00  }
0x66: {  	[sflag:s4] =	ssyncset.done $0x0  }
0x67: {  	[sflag:s4] =	ssyncadd.s32 $0xFFFF8300  }
0x68: {  	[tilespmem:s3], [sflag:$0x2] =	stream.linear.gather [hbm4b:s13+s3], $0x3E8, $0x38;
	[tilespmem:$0x80E8] =	vst v63  }
0x69: {  	_ =	swait.ge [sflag:s4], $0x3E8  }
0x6a: {  	[sflag:s4] =	ssyncset.done $0x0  }
0x6b: {  	[sflag:s4] =	ssyncadd.s32 $0xFFFFFC18  }
0x6c: {  	[tilespmem:s6], [sflag:$0x1] =	stream.indirect.gather [hbm4b:s2+s6], $0x20, s3, s6, $0xb8;
	[tilespmem:$0x80E8] =	vst v63  }
0x6d: {  	_ =	swait.ge [sflag:s7], $0x7D00  }
0x6e: {  	[sflag:s7] =	ssyncset.done $0x0  }
0x6f: {  	[sflag:s7] =	ssyncadd.s32 $0xFFFF8300  }
0x70: {  	[hbm4b:s14+s3] =	stream.linear.scatter [tilespmem:s6], [sflag:$0x2], $0x7D00, $0x38;
	[tilespmem:$0x80E8] =	vst v63  }
0x71: {  	_ =	swait.ge [sflag:s4], $0x7D00  }
0x72: {  	[sflag:s4] =	ssyncset.done $0x0  }
0x73: {  	[sflag:s4] =	ssyncadd.s32 $0xFFFF8300  }
0x74: {  	[tilespmem:s3], [sflag:$0x2] =	stream.linear.gather [hbm4b:s15+s3], $0x3E8, $0x38;
	[tilespmem:$0x80E8] =	vst v63  }
0x75: {  	_ =	swait.ge [sflag:s4], $0x3E8  }
0x76: {  	[sflag:s4] =	ssyncset.done $0x0  }
0x77: {  	[sflag:s4] =	ssyncadd.s32 $0xFFFFFC18  }
0x78: {  	[tilespmem:s6], [sflag:$0x1] =	stream.indirect.gather [hbm4b:s2+s6], $0x20, s3, s6, $0xb8;
	[tilespmem:$0x80E8] =	vst v63  }
0x79: {  	_ =	swait.ge [sflag:s7], $0x7D00  }
.Ltmp1:
0x7a: {  	[sflag:s7] =	ssyncset.done $0x0;
	(pc) =	sbr.rel @p0 .LBB2_1-.Ltmp1, $4  }
0x7b: {  	[sflag:s7] =	ssyncadd.s32 $0xFFFF8300  }
0x7c: {  	[hbm4b:s16+s3] =	stream.linear.scatter [tilespmem:s6], [sflag:$0x2], $0x7D00, $0x38;
	[tilespmem:$0x80E8] =	vst v63  }
0x7d: {  	_ =	swait.ge [sflag:s4], $0x7D00  }
0x7e: {  	[sflag:s4] =	ssyncset.done $0x0  }
.LBB2_2:
0x7f: {  	[sflag:s4] =	ssyncadd.s32 $0xFFFF8300  }
0x80: {  	_ =	sfence.sel $0x180000  }
0x81: {  	[bflag:$0x0] =	sbarrier.arrive $0xFFFF  }
0x82: {  	p0 =	sne.s32 s0, $0x0;
	_ =	strace $0x90000047  }
0x83: {  	s0 =	sadd.s32 @!p0 $0x100000, s1;
	[bflag:$0x2] =	sbarrier.arrive $0xFFFF  }
0x84: {  	[sflag:s0] =	ssyncadd.tile.s32 @!p0 $0x1;
	_ =	shalt  }
.Lfunc_end2:
_tile_overlayer_lowered:
.L_overlay_start_2:
0x85: {  	(tag) =	ssettag $0x2  }
0x86: {  	s0 =	rddreg [dreg:$0x0];
	s2 =	stileid.u32  }
0x87: {  	s1 =	rddreg [dreg:$0x1];
	p0 =	sne.s32 s2, $0x0  }
0x88: {  	s3 =	rddreg [dreg:$0x2];
	[bflag:$0x3] =	sbarrier.arrive $0xFFFF;
	s2 =	simm.s32 @!p0 $0x1C02  }
0x89: {  	[timem:s3], [sflag:s2] =	dma.local @!p0 [hbm:s0], s1  }
0x8a: {  	s0 =	simm.s32 @!p0 $0x2  }
0x8b: {  	_ =	swait.ge @!p0 [sflag:s0], s1  }
0x8c: {  	s1 =	ssub.s32 @!p0 $0x0, s1;
	[sflag:s0] =	ssyncset.done @!p0 $0x0  }
0x8d: {  	[sflag:s0] =	ssyncadd.s32 @!p0 s1  }
0x8e: {  	[bflag:$0x3] =	sbarrier.arrive $0xFFFF  }
0x8f: {  	_ =	shalt  }

// kernel: kernel.19.cloned.1.call-start
scs
__scs_entry_jumppad:
0x0: {  	(pc) =	sbr.rel $0x88, $3  }
0x1: {  	(tag) =	ssettag $0x0;
	lr =	simm.s32 $0x1  }
0x2: {  	[smem:$0x3F91] =	sst lr;
	_ =	strace $0xD0000000  }
0x3: {  	_ = 	snop  }
0x4: {  	_ = 	snop  }
0x5: {  	_ = 	snop  }
0x6: {  	_ = 	snop  }
0x7: {  	_ = 	snop  }
__scs_overlays_trampoline_lowered:
0x8: {  	[smem:$0x3FA0] =	sst s0  }
0x9: {  	[smem:$0x3FA1] =	sst s1  }
0xa: {  	[smem:$0x3FA2] =	sst s2  }
0xb: {  	[smem:$0x3FA3] =	sst s3  }
0xc: {  	[smem:$0x3FA4] =	sst s4  }
0xd: {  	[smem:$0x3FA5] =	sst s5  }
0xe: {  	[smem:$0x3FA6] =	sst s6  }
0xf: {  	[smem:$0x3FA7] =	sst s7  }
0x10: {  	[smem:$0x3FA8] =	sst s8  }
0x11: {  	[smem:$0x3FA9] =	sst s9;
	s0 =	simm.s32 @!p0 $0x0  }
0x12: {  	s1 =	sld [smem:$0x3F8F];
	s0 =	simm.s32 @p0 $0x1  }
0x13: {  	[smem:$0x3FAA] =	sst s0;
	s0 =	simm.s32 @!p1 $0x0  }
0x14: {  	s2 =	sld [smem:$0x3F8E];
	s0 =	simm.s32 @p1 $0x1  }
0x15: {  	[smem:$0x3FAB] =	sst s0;
	s0 =	simm.s32 @!p2 $0x0  }
0x16: {  	s3 =	sld [smem:$0x3FDB];
	s0 =	simm.s32 @p2 $0x1  }
0x17: {  	s4 =	simm.s32 $0x1BF5;
	[smem:$0x3FAD] =	sst s0  }
0x18: {  	s0 =	sld [smem:$0x3F90];
	_ =	swait.ge [sflag:s4], $0x0  }
0x19: {  	s7 =	sld [smem:$0x3F91]  }
0x1a: {  	s8 =	sadd.s32 $0xFFFFE003, lr  }
0x1b: {  	s9 =	sadd.s32 $0xFFFFFEF7, lr;
	s5 =	simm.s32 $0xFFFFFFFF;
	p2 =	slt.u32 s8, $0xFFFFF086  }
0x1c: {  	p1 =	slt.u32 s9, $0xF7A;
	s5 =	simm.s32 @!p2 $0x0  }
0x1d: {  	s5 =	simm.s32 @p1 $0x1;
	p0 =	seq.s32 s7, s2  }
0x1e: {  	s7 =	smul.u32 @!p0 $0xF7A, s2;
	p2 =	seq.s32 @!p0 s5, $0x0  }
0x1f: {  	s9 =	smul.u32 $0xF7A, s1;
	s8 =	simm.s32 @!p0 $0x1BF5;
	p2 =	por !p2, p0  }
0x20: {  	[sflag:s8] =	ssyncset.s32 @!p0 $0xFFFFF086;
	s6 =	sadd.s32 @!p0 s3, s7;
	s7 =	simm.s32 @!p0 $0x108  }
0x21: {  	s3 =	sadd.s32 s3, s9;
	s6 =	sadd.s32 @!p0 $0x88, s6;
	s7 =	simm.s32 @p2 $0x1082  }
0x22: {  	[simem:s7], [sflag:s8] =	dma.local @!p0 [hbm:s6], $0xF7A  }
0x23: {  	s9 =	sor.u32 $0xD0000000, s2;
	s6 =	simm.s32 $0x108;
	_ =	swait.ge @!p0 [sflag:s8], $0x0  }
0x24: {  	s3 =	sadd.s32 $0x88, s3;
	s6 =	simm.s32 @!p1 $0x1082;
	[sflag:s4] =	ssyncset.s32 $0xFFFFF086  }
0x25: {  	[simem:s6], [sflag:s4] =	dma.local [hbm:s3], $0xF7A  }
0x26: {  	[smem:$0x3F91] =	sst s1;
	(tag) =	ssettag s2;
	_ =	strace s9  }
0x27: {  	s1 =	sld [smem:$0x3FA1]  }
0x28: {  	s2 =	sld [smem:$0x3FA2]  }
0x29: {  	s4 =	sld [smem:$0x3FA4]  }
0x2a: {  	p0 =	seq.s32 s5, $0x0;
	s5 =	sld [smem:$0x3FA5]  }
0x2b: {  	s6 =	sld [smem:$0x3FA6]  }
0x2c: {  	s7 =	sld [smem:$0x3FA7]  }
0x2d: {  	s3 =	simm.s32 $0x108;
	s8 =	sld [smem:$0x3FA8]  }
0x2e: {  	s3 =	simm.s32 @!p0 $0x1082;
	s9 =	sld [smem:$0x3FA9]  }
0x2f: {  	lr =	sadd.s32 s0, s3;
	s0 =	sld [smem:$0x3FA0]  }
0x30: {  	s3 =	sld [smem:$0x3FA3]  }
0x31: {  	[smem:$0x3FAC] =	sst s10  }
0x32: {  	s10 =	sld [smem:$0x3FAA];
	_ =	sdelay $0x3  }
0x33: {  	p0 =	seq.s32 s10, $0x1;
	s10 =	sld [smem:$0x3FAC];
	_ =	sdelay $0x3  }
0x34: {  	[smem:$0x3FAC] =	sst s10  }
0x35: {  	s10 =	sld [smem:$0x3FAB];
	_ =	sdelay $0x3  }
0x36: {  	p1 =	seq.s32 s10, $0x1;
	s10 =	sld [smem:$0x3FAC];
	_ =	sdelay $0x3  }
0x37: {  	[smem:$0x3FAC] =	sst s10  }
0x38: {  	s10 =	sld [smem:$0x3FAD]  }
0x39: {  	_ = 	snop;
	(pc) =	sbr.ind lr, $3  }
0x3a: {  	_ = 	snop  }
0x3b: {  	_ = 	snop  }
0x3c: {  	p2 =	seq.s32 s10, $0x1;
	s10 =	sld [smem:$0x3FAC]  }
0x3d: {  	_ =	shalt  }
0x3e: {  	_ =	shalt  }
0x3f: {  	_ =	shalt  }
0x40: {  	_ =	shalt  }
0x41: {  	_ =	shalt  }
0x42: {  	_ =	shalt  }
0x43: {  	_ =	shalt  }
0x44: {  	_ =	shalt  }
0x45: {  	_ =	shalt  }
0x46: {  	_ =	shalt  }
0x47: {  	_ =	shalt  }
0x48: {  	_ =	shalt  }
0x49: {  	_ =	shalt  }
0x4a: {  	_ =	shalt  }
0x4b: {  	_ =	shalt  }
0x4c: {  	_ =	shalt  }
0x4d: {  	_ =	shalt  }
0x4e: {  	_ =	shalt  }
0x4f: {  	_ =	shalt  }
0x50: {  	_ =	shalt  }
0x51: {  	_ =	shalt  }
0x52: {  	_ =	shalt  }
0x53: {  	_ =	shalt  }
0x54: {  	_ =	shalt  }
0x55: {  	_ =	shalt  }
0x56: {  	_ =	shalt  }
0x57: {  	_ =	shalt  }
0x58: {  	_ =	shalt  }
0x59: {  	_ =	shalt  }
0x5a: {  	_ =	shalt  }
0x5b: {  	_ =	shalt  }
0x5c: {  	_ =	shalt  }
0x5d: {  	_ =	shalt  }
0x5e: {  	_ =	shalt  }
0x5f: {  	_ =	shalt  }
0x60: {  	_ =	shalt  }
0x61: {  	_ =	shalt  }
0x62: {  	_ =	shalt  }
0x63: {  	_ =	shalt  }
0x64: {  	_ =	shalt  }
0x65: {  	_ =	shalt  }
0x66: {  	_ =	shalt  }
0x67: {  	_ =	shalt  }
0x68: {  	_ =	shalt  }
0x69: {  	_ =	shalt  }
0x6a: {  	_ =	shalt  }
0x6b: {  	_ =	shalt  }
0x6c: {  	_ =	shalt  }
0x6d: {  	_ =	shalt  }
0x6e: {  	_ =	shalt  }
0x6f: {  	_ =	shalt  }
0x70: {  	_ =	shalt  }
0x71: {  	_ =	shalt  }
0x72: {  	_ =	shalt  }
0x73: {  	_ =	shalt  }
0x74: {  	_ =	shalt  }
0x75: {  	_ =	shalt  }
0x76: {  	_ =	shalt  }
0x77: {  	_ =	shalt  }
0x78: {  	_ =	shalt  }
0x79: {  	_ =	shalt  }
0x7a: {  	_ =	shalt  }
0x7b: {  	_ =	shalt  }
0x7c: {  	_ =	shalt  }
0x7d: {  	_ =	shalt  }
0x7e: {  	_ =	shalt  }
0x7f: {  	_ =	shalt  }
0x80: {  	_ =	shalt  }
0x81: {  	_ =	shalt  }
0x82: {  	_ =	shalt  }
0x83: {  	_ =	shalt  }
0x84: {  	_ =	shalt  }
0x85: {  	_ =	shalt  }
0x86: {  	_ =	shalt  }
0x87: {  	_ =	shalt  }
.Lfunc_end0:
.L_simem_size_0:
called_computation.1_lowered:
.L_overlay_start_0:
0x88: {  	s2 =	sld [smem:$0x3FD9]  }
0x89: {  	s3 =	sld [smem:$0x3FFE];
	_ =	sdelay $0x1  }
0x8a: {  	s1 =	srdreg.scid  }
0x8b: {  	s0 =	sand.u32 $0x1, s1  }
0x8c: {  	s17 =	sshll.u32 s0, $0xA;
	s2 =	sadd.s32 s3, s2  }
0x8d: {  	s2 =	sadd.s32 s2, s17  }
0x8e: {  	[smem:$0x3FB8] =	sst s2  }
0x8f: {  	_ = 	snop  }
0x90: {  	s2 =	sld [smem:$0x3FD0];
	(tm) =	ssettm $0x1  }
0x91: {  	s18 =	sld [smem:$0x3FFB];
	_ =	sdelay $0x3  }
0x92: {  	_ =	strace s18  }
0x93: {  	s3 =	sld [smem:$0x3FFC];
	_ =	sdelay $0x3  }
0x94: {  	_ =	strace s3  }
0x95: {  	s3 =	sld [smem:$0x3FFD];
	_ =	sdelay $0x3  }
0x96: {  	_ =	strace s3  }
0x97: {  	_ =	strace $0x8FFFFFFF  }
0x98: {  	s19 =	sld [smem:$0x3FDB];
	_ =	sdelay $0x1  }
0x99: {  	s4 =	simm.s32 $_scs_section_size  }
0x9a: {  	s5 =	simm.s32 $_size__tile_overlayer_lowered;
	s6 =	simm.s32 $_tile_overlayer_lowered  }
0x9b: {  	s22 =	simm.s32 $0x1BFF;
	s21 =	sshll.u32 s6, $0x1;
	s3 =	sadd.s32 s4, s19  }
0x9c: {  	s7 =	simm.s32 $0x0;
	s20 =	sshll.u32 s5, $0x1;
	s5 =	sadd.s32 s21, s3  }
0x9d: {  	[timem:s7], [sflag:s22] =	dma.local [hbm:s5], s20  }
0x9e: {  	_ =	swait.ge [sflag:s22], s20  }
0x9f: {  	s4 =	ssub.s32 $0x0, s20;
	[sflag:s22] =	ssyncset.done $0x0  }
0xa0: {  	[sflag:s22] =	ssyncadd.s32 s4;
	_ =	sdelay $0x1  }
0xa1: {  	s23 =	simm.s32 $0x1B8B  }
0xa2: {  	_ =	swait.ge [sflag:s23], $0x1  }
0xa3: {  	[sflag:s23] =	ssyncset.done $0x0  }
0xa4: {  	s25 =	simm.s32 $0x1B8E;
	s24 =	sld [smem:$0x3FFE];
	[sflag:s23] =	ssyncadd.s32 $0xFFFFFFFF  }
0xa5: {  	s26 =	simm.s32 $execute0_lowered;
	[smem:$0x3FD2] =	sst s25  }
0xa6: {  	s5 =	sshll.u32 s26, $0x1;
	_ =	strace $0x80000049;
	[dreg:$0x1] =	wrdreg $0xFFFFFFFF  }
0xa7: {  	s28 =	simm.s32 $_size_execute0_lowered;
	s3 =	sadd.s32 s3, s5;
	[dreg:$0x0] =	wrdreg $0x0  }
0xa8: {  	s5 =	sshll.u32 s28, $0x1;
	[dreg:$0x2] =	wrdreg s3  }
0xa9: {  	[dreg:$0x3] =	wrdreg s5  }
0xaa: {  	[dreg:$0x4] =	wrdreg $0xC0  }
0xab: {  	_ =	task [dreg:s7], $0x5FFFF  }
0xac: {  	[dreg:$0x1] =	wrdreg $0xFFFFFFFF  }
0xad: {  	[dreg:$0x0] =	wrdreg $0x60  }
0xae: {  	[dreg:$0x2] =	wrdreg s24  }
0xaf: {  	[dreg:$0x3] =	wrdreg s2  }
0xb0: {  	[dreg:$0x4] =	wrdreg $0x80E80  }
0xb1: {  	[dreg:$0x5] =	wrdreg $0x9  }
0xb2: {  	_ =	task.clear_ibuf [dreg:s7], $0x6FFFF;
	_ =	strace $0x90000049  }
0xb3: {  	s29 =	simm.s32 $0x9;
	_ =	strace $0x8000004B  }
0xb4: {  	_ =	swait.ge [sflag:s29], $0x1  }
0xb5: {  	[sflag:s29] =	ssyncadd.s32 $0xFFFFFFFF  }
0xb6: {  	_ =	strace $0x9000004B  }
0xb7: {  	_ =	sfence  }
0xb8: {  	s30 =	sld [smem:$0x0];
	_ =	sdelay $0x2  }
0xb9: {  	s31 =	sshll.u32 s1, $0xD;
	s1 =	sshrl.u32 s1, $0x2  }
0xba: {  	s3 =	sand.u32 $0x4000, s31;
	s1 =	sadd.s32 s1, s30  }
0xbb: {  	s0 =	sor.u32 s3, s0;
	s1 =	sshll.u32 s1, $0x11  }
0xbc: {  	s0 =	sor.u32 s1, s0  }
0xbd: {  	s0 =	sadd.s32 $0x8F2B, s0  }
0xbe: {  	[sflag:s0] =	ssyncadd.remote.s32 $0x1  }
0xbf: {  	_ =	sfence.sel $0xFFFF  }
0xc0: {  	[dreg:$0x0] =	wrdreg $0xFFFFFFFF;
	(pc) =	sbr.abs _section_cstart, $3  }
0xc1: {  	[dreg:$0x1] =	wrdreg $0xFFFFFFFF  }
0xc2: {  	_ =	task.clear_ibuf [dreg:s7], $0x2FFFF;
	_ =	strace $0x9FFFFFFF  }
0xc3: {  	(tm) =	ssettm $0x7FFFFFFF  }
tec
execute0_lowered:
.L_overlay_start_1:
0x0: {  	(tag) =	ssettag $0x1  }
0x1: {  	s3 =	rddreg [dreg:$0x0]  }
0x2: {  	s12 =	rddreg [dreg:$0x1]  }
0x3: {  	s1 =	rddreg [dreg:$0x2]  }
0x4: {  	s0 =	rddreg [dreg:$0x3];
	s2 =	simm.s32 $0x0;
	s4 =	srdreg.scid  }
0x5: {  	s5 =	stileid.u32;
	p1 =	por $0x0, $0x0;
	[smem:$0x7FF] =	sst s2  }
0x6: {  	s4 =	sand.u32 $0x1, s4;
	s8 =	sadd.s32 $0x38200, s3;
	s18 =	sadd.s32 $0xC000, s3  }
0x7: {  	p0 =	sne.s32 s5, $0x0;
	_ =	strace $0x8000004A;
	s6 =	sshll.u32 s4, $0x4  }
0x8: {  	s7 =	smul.u32 $0x9C40, s4;
	s4 =	ssub.s32 $0x2, s4;
	s6 =	sor.u32 s5, s6  }
0x9: {  	s21 =	sshrl.u32 s4, $0x1;
	s5 =	simm.s32 $0x1;
	s9 =	smul.u32 $0x1388, s6  }
0xa: {  	s3 =	sadd.s32 s7, s3;
	s6 =	smul.u32 $0x4E20, s6;
	s4 =	ssub.s32 s4, s21  }
0xb: {  	s4 =	smax.u32 s4, $0x1;
	s3 =	sadd.s32 $0xD4600, s3;
	s22 =	sshrl.u32 s9, $0x3  }
0xc: {  	s10 =	sadd.s32 $0x3E8, s9;
	s16 =	sadd.s32 s8, s6;
	s25 =	sadd.s32 $0x7D0, s9  }
0xd: {  	s28 =	sadd.s32 $0xBB8, s9;
	s19 =	sadd.s32 $0xFA0, s9;
	s20 =	sadd.s32 $0xFFFFFFFF, s4  }
0xe: {  	s4 =	sshrl.u32 @!p0 s1, $0x3;
	s17 =	sadd.s32 s18, s22;
	s23 =	sshrl.u32 s10, $0x3  }
0xf: {  	s24 =	sshll.u32 s10, $0x2;
	s26 =	sshrl.u32 s25, $0x3;
	p2 =	sne.s32 s20, $0x0  }
.Ltmp0:
0x10: {  	s7 =	sshll.u32 s25, $0x2;
	s29 =	sshrl.u32 s28, $0x3;
	(pc) =	sbr.rel @!p2 .LBB2_3-.Ltmp0, $4  }
0x11: {  	s6 =	sshll.u32 s28, $0x2;
	s30 =	sshrl.u32 s19, $0x3;
	s31 =	sshll.u32 s19, $0x2  }
0x12: {  	s15 =	sadd.s32 s18, s23;
	s14 =	sadd.s32 s8, s24;
	s13 =	sadd.s32 s18, s26  }
0x13: {  	s11 =	sadd.s32 s8, s7;
	s10 =	sadd.s32 s18, s29;
	s9 =	sadd.s32 s8, s6  }
0x14: {  	s7 =	sadd.s32 s18, s30;
	s6 =	sadd.s32 s8, s31;
	s8 =	simm.s32 $0x3E8  }
0x15: {  	s19 =	simm.s32 @!p0 $0x1C01;
	s18 =	simm.s32 @!p0 $0x1  }
0x16: {  	[spmem:s4], [sflag:s19] =	dma.local @!p0 [hbm:s12], $0x9C40  }
0x17: {  	_ =	swait.ge @!p0 [sflag:s18], $0x9C40  }
0x18: {  	[sflag:s18] =	ssyncset.done @!p0 $0x0  }
0x19: {  	[sflag:s18] =	ssyncadd.s32 @!p0 $0xFFFF63C0  }
0x1a: {  	[bflag:$0x0] =	sbarrier.arrive $0xFFFF  }
0x1b: {  	[tilespmem:s2], [sflag:$0x1] =	stream.linear.gather [hbm4b:s17+s2], $0x3E8, $0x38;
	[tilespmem:$0xCF08] =	vst v63  }
0x1c: {  	_ =	swait.ge [sflag:s5], $0x3E8  }
0x1d: {  	[sflag:s5] =	ssyncset.done $0x0  }
0x1e: {  	[sflag:s5] =	ssyncadd.s32 $0xFFFFFC18  }
0x1f: {  	[tilespmem:s8], [sflag:$0x1] =	stream.linear.gather [hbm4b:s16+s2], $0x7D00, $0x38;
	[tilespmem:$0xCF08] =	vst v63  }
0x20: {  	_ =	swait.ge [sflag:s5], $0x7D00  }
0x21: {  	[sflag:s5] =	ssyncset.done $0x0  }
0x22: {  	[sflag:s5] =	ssyncadd.s32 $0xFFFF8300  }
0x23: {  	[spmem:s1] =	stream.indirect.scatter.add.f32 [tilespmem:s8], [sflag:$0x1], $0x20, s2, s8, $0xb8;
	[tilespmem:$0xCF08] =	vst v63  }
0x24: {  	_ =	swait.ge [sflag:s5], $0x7D00  }
0x25: {  	[sflag:s5] =	ssyncset.done $0x0  }
0x26: {  	[sflag:s5] =	ssyncadd.s32 $0xFFFF8300  }
0x27: {  	[tilespmem:s2], [sflag:$0x1] =	stream.linear.gather [hbm4b:s15+s2], $0x3E8, $0x38;
	[tilespmem:$0xCF08] =	vst v63  }
0x28: {  	_ =	swait.ge [sflag:s5], $0x3E8  }
0x29: {  	[sflag:s5] =	ssyncset.done $0x0  }
0x2a: {  	[sflag:s5] =	ssyncadd.s32 $0xFFFFFC18  }
0x2b: {  	[tilespmem:s8], [sflag:$0x1] =	stream.linear.gather [hbm4b:s14+s2], $0x7D00, $0x38;
	[tilespmem:$0xCF08] =	vst v63  }
0x2c: {  	_ =	swait.ge [sflag:s5], $0x7D00  }
0x2d: {  	[sflag:s5] =	ssyncset.done $0x0  }
0x2e: {  	[sflag:s5] =	ssyncadd.s32 $0xFFFF8300  }
0x2f: {  	[spmem:s1] =	stream.indirect.scatter.add.f32 [tilespmem:s8], [sflag:$0x1], $0x20, s2, s8, $0xb8;
	[tilespmem:$0xCF08] =	vst v63  }
0x30: {  	_ =	swait.ge [sflag:s5], $0x7D00  }
0x31: {  	[sflag:s5] =	ssyncset.done $0x0  }
0x32: {  	[sflag:s5] =	ssyncadd.s32 $0xFFFF8300  }
0x33: {  	[tilespmem:s2], [sflag:$0x1] =	stream.linear.gather [hbm4b:s13+s2], $0x3E8, $0x38;
	[tilespmem:$0xCF08] =	vst v63  }
0x34: {  	_ =	swait.ge [sflag:s5], $0x3E8  }
0x35: {  	[sflag:s5] =	ssyncset.done $0x0  }
0x36: {  	[sflag:s5] =	ssyncadd.s32 $0xFFFFFC18  }
0x37: {  	[tilespmem:s8], [sflag:$0x1] =	stream.linear.gather [hbm4b:s11+s2], $0x7D00, $0x38;
	[tilespmem:$0xCF08] =	vst v63  }
0x38: {  	_ =	swait.ge [sflag:s5], $0x7D00  }
0x39: {  	[sflag:s5] =	ssyncset.done $0x0  }
0x3a: {  	[sflag:s5] =	ssyncadd.s32 $0xFFFF8300  }
0x3b: {  	[spmem:s1] =	stream.indirect.scatter.add.f32 [tilespmem:s8], [sflag:$0x1], $0x20, s2, s8, $0xb8;
	[tilespmem:$0xCF08] =	vst v63  }
0x3c: {  	_ =	swait.ge [sflag:s5], $0x7D00  }
0x3d: {  	[sflag:s5] =	ssyncset.done $0x0  }
0x3e: {  	[sflag:s5] =	ssyncadd.s32 $0xFFFF8300  }
0x3f: {  	[tilespmem:s2], [sflag:$0x1] =	stream.linear.gather [hbm4b:s10+s2], $0x3E8, $0x38;
	[tilespmem:$0xCF08] =	vst v63  }
0x40: {  	_ =	swait.ge [sflag:s5], $0x3E8  }
0x41: {  	[sflag:s5] =	ssyncset.done $0x0  }
0x42: {  	[sflag:s5] =	ssyncadd.s32 $0xFFFFFC18  }
0x43: {  	[tilespmem:s8], [sflag:$0x1] =	stream.linear.gather [hbm4b:s9+s2], $0x7D00, $0x38;
	[tilespmem:$0xCF08] =	vst v63  }
0x44: {  	_ =	swait.ge [sflag:s5], $0x7D00  }
0x45: {  	[sflag:s5] =	ssyncset.done $0x0  }
0x46: {  	[sflag:s5] =	ssyncadd.s32 $0xFFFF8300  }
0x47: {  	[spmem:s1] =	stream.indirect.scatter.add.f32 [tilespmem:s8], [sflag:$0x1], $0x20, s2, s8, $0xb8;
	[tilespmem:$0xCF08] =	vst v63  }
0x48: {  	_ =	swait.ge [sflag:s5], $0x7D00  }
0x49: {  	[sflag:s5] =	ssyncset.done $0x0  }
0x4a: {  	[sflag:s5] =	ssyncadd.s32 $0xFFFF8300  }
0x4b: {  	[tilespmem:s2], [sflag:$0x1] =	stream.linear.gather [hbm4b:s7+s2], $0x3E8, $0x38;
	[tilespmem:$0xCF08] =	vst v63  }
0x4c: {  	_ =	swait.ge [sflag:s5], $0x3E8  }
0x4d: {  	[sflag:s5] =	ssyncset.done $0x0  }
0x4e: {  	[sflag:s5] =	ssyncadd.s32 $0xFFFFFC18  }
0x4f: {  	[tilespmem:s8], [sflag:$0x1] =	stream.linear.gather [hbm4b:s6+s2], $0x7D00, $0x38;
	[tilespmem:$0xCF08] =	vst v63  }
0x50: {  	_ =	swait.ge [sflag:s5], $0x7D00  }
0x51: {  	[sflag:s5] =	ssyncset.done $0x0  }
0x52: {  	[sflag:s5] =	ssyncadd.s32 $0xFFFF8300  }
0x53: {  	[spmem:s1] =	stream.indirect.scatter.add.f32 [tilespmem:s8], [sflag:$0x1], $0x20, s2, s8, $0xb8;
	[tilespmem:$0xCF08] =	vst v63  }
0x54: {  	s20 =	sadd.s32 $0xFFFFFFFF, s20;
	_ =	swait.ge [sflag:s5], $0x7D00  }
0x55: {  	p2 =	sne.s32 s20, $0x0;
	[sflag:s5] =	ssyncset.done $0x0  }
.Ltmp1:
0x56: {  	[sflag:s5] =	ssyncadd.s32 $0xFFFF8300;
	(pc) =	sbr.rel @!p2 .LBB2_3-.Ltmp1, $4  }
0x57: {  	[bflag:$0x0] =	sbarrier.arrive $0xFFFF  }
0x58: {  	[hbm:s3], [sflag:s19] =	dma.local @!p0 [spmem:s4], $0x9C40  }
0x59: {  	_ =	swait.ge @!p0 [sflag:s18], $0x9C40  }
0x5a: {  	p1 =	por $0x1, $0x1;
	[sflag:s18] =	ssyncset.done @!p0 $0x0  }
.LBB2_2:
0x5b: {  	[sflag:s18] =	ssyncadd.s32 @!p0 $0xFFFF63C0  }
0x5c: {  	[spmem:s4], [sflag:s19] =	dma.local @!p0 [hbm:s12], $0x9C40  }
0x5d: {  	s20 =	sadd.s32 $0xFFFFFFFF, s20;
	_ =	swait.ge @!p0 [sflag:s18], $0x9C40  }
0x5e: {  	p2 =	sne.s32 s20, $0x0;
	[sflag:s18] =	ssyncset.done @!p0 $0x0  }
0x5f: {  	[sflag:s18] =	ssyncadd.s32 @!p0 $0xFFFF63C0  }
0x60: {  	[bflag:$0x0] =	sbarrier.arrive $0xFFFF  }
0x61: {  	[tilespmem:s2], [sflag:$0x1] =	stream.linear.gather [hbm4b:s17+s2], $0x3E8, $0x38;
	[tilespmem:$0xCF08] =	vst v63  }
0x62: {  	_ =	swait.ge [sflag:s5], $0x3E8  }
0x63: {  	[sflag:s5] =	ssyncset.done $0x0  }
0x64: {  	[sflag:s5] =	ssyncadd.s32 $0xFFFFFC18  }
0x65: {  	[tilespmem:s8], [sflag:$0x1] =	stream.linear.gather [hbm4b:s16+s2], $0x7D00, $0x38;
	[tilespmem:$0xCF08] =	vst v63  }
0x66: {  	_ =	swait.ge [sflag:s5], $0x7D00  }
0x67: {  	[sflag:s5] =	ssyncset.done $0x0  }
0x68: {  	[sflag:s5] =	ssyncadd.s32 $0xFFFF8300  }
0x69: {  	[spmem:s1] =	stream.indirect.scatter.add.f32 [tilespmem:s8], [sflag:$0x1], $0x20, s2, s8, $0xb8;
	[tilespmem:$0xCF08] =	vst v63  }
0x6a: {  	_ =	swait.ge [sflag:s5], $0x7D00  }
0x6b: {  	[sflag:s5] =	ssyncset.done $0x0  }
0x6c: {  	[sflag:s5] =	ssyncadd.s32 $0xFFFF8300  }
0x6d: {  	[tilespmem:s2], [sflag:$0x1] =	stream.linear.gather [hbm4b:s15+s2], $0x3E8, $0x38;
	[tilespmem:$0xCF08] =	vst v63  }
0x6e: {  	_ =	swait.ge [sflag:s5], $0x3E8  }
0x6f: {  	[sflag:s5] =	ssyncset.done $0x0  }
0x70: {  	[sflag:s5] =	ssyncadd.s32 $0xFFFFFC18  }
0x71: {  	[tilespmem:s8], [sflag:$0x1] =	stream.linear.gather [hbm4b:s14+s2], $0x7D00, $0x38;
	[tilespmem:$0xCF08] =	vst v63  }
0x72: {  	_ =	swait.ge [sflag:s5], $0x7D00  }
0x73: {  	[sflag:s5] =	ssyncset.done $0x0  }
0x74: {  	[sflag:s5] =	ssyncadd.s32 $0xFFFF8300  }
0x75: {  	[spmem:s1] =	stream.indirect.scatter.add.f32 [tilespmem:s8], [sflag:$0x1], $0x20, s2, s8, $0xb8;
	[tilespmem:$0xCF08] =	vst v63  }
0x76: {  	_ =	swait.ge [sflag:s5], $0x7D00  }
0x77: {  	[sflag:s5] =	ssyncset.done $0x0  }
0x78: {  	[sflag:s5] =	ssyncadd.s32 $0xFFFF8300  }
0x79: {  	[tilespmem:s2], [sflag:$0x1] =	stream.linear.gather [hbm4b:s13+s2], $0x3E8, $0x38;
	[tilespmem:$0xCF08] =	vst v63  }
0x7a: {  	_ =	swait.ge [sflag:s5], $0x3E8  }
0x7b: {  	[sflag:s5] =	ssyncset.done $0x0  }
0x7c: {  	[sflag:s5] =	ssyncadd.s32 $0xFFFFFC18  }
0x7d: {  	[tilespmem:s8], [sflag:$0x1] =	stream.linear.gather [hbm4b:s11+s2], $0x7D00, $0x38;
	[tilespmem:$0xCF08] =	vst v63  }
0x7e: {  	_ =	swait.ge [sflag:s5], $0x7D00  }
0x7f: {  	[sflag:s5] =	ssyncset.done $0x0  }
0x80: {  	[sflag:s5] =	ssyncadd.s32 $0xFFFF8300  }
0x81: {  	[spmem:s1] =	stream.indirect.scatter.add.f32 [tilespmem:s8], [sflag:$0x1], $0x20, s2, s8, $0xb8;
	[tilespmem:$0xCF08] =	vst v63  }
0x82: {  	_ =	swait.ge [sflag:s5], $0x7D00  }
0x83: {  	[sflag:s5] =	ssyncset.done $0x0  }
0x84: {  	[sflag:s5] =	ssyncadd.s32 $0xFFFF8300  }
0x85: {  	[tilespmem:s2], [sflag:$0x1] =	stream.linear.gather [hbm4b:s10+s2], $0x3E8, $0x38;
	[tilespmem:$0xCF08] =	vst v63  }
0x86: {  	_ =	swait.ge [sflag:s5], $0x3E8  }
0x87: {  	[sflag:s5] =	ssyncset.done $0x0  }
0x88: {  	[sflag:s5] =	ssyncadd.s32 $0xFFFFFC18  }
0x89: {  	[tilespmem:s8], [sflag:$0x1] =	stream.linear.gather [hbm4b:s9+s2], $0x7D00, $0x38;
	[tilespmem:$0xCF08] =	vst v63  }
0x8a: {  	_ =	swait.ge [sflag:s5], $0x7D00  }
0x8b: {  	[sflag:s5] =	ssyncset.done $0x0  }
0x8c: {  	[sflag:s5] =	ssyncadd.s32 $0xFFFF8300  }
0x8d: {  	[spmem:s1] =	stream.indirect.scatter.add.f32 [tilespmem:s8], [sflag:$0x1], $0x20, s2, s8, $0xb8;
	[tilespmem:$0xCF08] =	vst v63  }
0x8e: {  	_ =	swait.ge [sflag:s5], $0x7D00  }
0x8f: {  	[sflag:s5] =	ssyncset.done $0x0  }
0x90: {  	[sflag:s5] =	ssyncadd.s32 $0xFFFF8300  }
0x91: {  	[tilespmem:s2], [sflag:$0x1] =	stream.linear.gather [hbm4b:s7+s2], $0x3E8, $0x38;
	[tilespmem:$0xCF08] =	vst v63  }
0x92: {  	_ =	swait.ge [sflag:s5], $0x3E8  }
0x93: {  	[sflag:s5] =	ssyncset.done $0x0  }
0x94: {  	[sflag:s5] =	ssyncadd.s32 $0xFFFFFC18  }
0x95: {  	[tilespmem:s8], [sflag:$0x1] =	stream.linear.gather [hbm4b:s6+s2], $0x7D00, $0x38;
	[tilespmem:$0xCF08] =	vst v63  }
0x96: {  	_ =	swait.ge [sflag:s5], $0x7D00  }
0x97: {  	[sflag:s5] =	ssyncset.done $0x0  }
0x98: {  	[sflag:s5] =	ssyncadd.s32 $0xFFFF8300  }
0x99: {  	[spmem:s1] =	stream.indirect.scatter.add.f32 [tilespmem:s8], [sflag:$0x1], $0x20, s2, s8, $0xb8;
	[tilespmem:$0xCF08] =	vst v63  }
0x9a: {  	_ =	swait.ge [sflag:s5], $0x7D00  }
0x9b: {  	[sflag:s5] =	ssyncset.done $0x0  }
.Ltmp2:
0x9c: {  	[sflag:s5] =	ssyncadd.s32 $0xFFFF8300;
	(pc) =	sbr.rel @p2 .LBB2_2-.Ltmp2, $4  }
0x9d: {  	[bflag:$0x0] =	sbarrier.arrive $0xFFFF  }
0x9e: {  	[hbm:s3], [sflag:s19] =	dma.local @!p0 [spmem:s4], $0x9C40  }
0x9f: {  	_ =	swait.ge @!p0 [sflag:s18], $0x9C40  }
0xa0: {  	[sflag:s18] =	ssyncset.done @!p0 $0x0  }
.LBB2_3:
0xa1: {  	p1 =	por p0, !p1  }
0xa2: {  	s20 =	simm.s32 @!p0 $0x1C01;
	s19 =	simm.s32 @!p0 $0x1;
	[sflag:s18] =	ssyncadd.s32 @!p1 $0xFFFF63C0  }
0xa3: {  	[spmem:s4], [sflag:s20] =	dma.local @!p0 [hbm:s12], $0x9C40  }
0xa4: {  	_ =	swait.ge @!p0 [sflag:s19], $0x9C40  }
0xa5: {  	[sflag:s19] =	ssyncset.done @!p0 $0x0  }
0xa6: {  	[sflag:s19] =	ssyncadd.s32 @!p0 $0xFFFF63C0  }
0xa7: {  	[bflag:$0x0] =	sbarrier.arrive $0xFFFF  }
0xa8: {  	[tilespmem:s2], [sflag:$0x1] =	stream.linear.gather [hbm4b:s17+s2], $0x3E8, $0x38;
	[tilespmem:$0xCF08] =	vst v63  }
0xa9: {  	_ =	swait.ge [sflag:s5], $0x3E8  }
0xaa: {  	[sflag:s5] =	ssyncset.done $0x0  }
0xab: {  	[sflag:s5] =	ssyncadd.s32 $0xFFFFFC18  }
0xac: {  	[tilespmem:s8], [sflag:$0x1] =	stream.linear.gather [hbm4b:s16+s2], $0x7D00, $0x38;
	[tilespmem:$0xCF08] =	vst v63  }
0xad: {  	_ =	swait.ge [sflag:s5], $0x7D00  }
0xae: {  	[sflag:s5] =	ssyncset.done $0x0  }
0xaf: {  	[sflag:s5] =	ssyncadd.s32 $0xFFFF8300  }
0xb0: {  	[spmem:s1] =	stream.indirect.scatter.add.f32 [tilespmem:s8], [sflag:$0x1], $0x20, s2, s8, $0xb8;
	[tilespmem:$0xCF08] =	vst v63  }
0xb1: {  	_ =	swait.ge [sflag:s5], $0x7D00  }
0xb2: {  	[sflag:s5] =	ssyncset.done $0x0  }
0xb3: {  	[sflag:s5] =	ssyncadd.s32 $0xFFFF8300  }
0xb4: {  	[tilespmem:s2], [sflag:$0x1] =	stream.linear.gather [hbm4b:s15+s2], $0x3E8, $0x38;
	[tilespmem:$0xCF08] =	vst v63  }
0xb5: {  	_ =	swait.ge [sflag:s5], $0x3E8  }
0xb6: {  	[sflag:s5] =	ssyncset.done $0x0  }
0xb7: {  	[sflag:s5] =	ssyncadd.s32 $0xFFFFFC18  }
0xb8: {  	[tilespmem:s8], [sflag:$0x1] =	stream.linear.gather [hbm4b:s14+s2], $0x7D00, $0x38;
	[tilespmem:$0xCF08] =	vst v63  }
0xb9: {  	_ =	swait.ge [sflag:s5], $0x7D00  }
0xba: {  	[sflag:s5] =	ssyncset.done $0x0  }
0xbb: {  	[sflag:s5] =	ssyncadd.s32 $0xFFFF8300  }
0xbc: {  	[spmem:s1] =	stream.indirect.scatter.add.f32 [tilespmem:s8], [sflag:$0x1], $0x20, s2, s8, $0xb8;
	[tilespmem:$0xCF08] =	vst v63  }
0xbd: {  	_ =	swait.ge [sflag:s5], $0x7D00  }
0xbe: {  	[sflag:s5] =	ssyncset.done $0x0  }
0xbf: {  	[sflag:s5] =	ssyncadd.s32 $0xFFFF8300  }
0xc0: {  	[tilespmem:s2], [sflag:$0x1] =	stream.linear.gather [hbm4b:s13+s2], $0x3E8, $0x38;
	[tilespmem:$0xCF08] =	vst v63  }
0xc1: {  	_ =	swait.ge [sflag:s5], $0x3E8  }
0xc2: {  	[sflag:s5] =	ssyncset.done $0x0  }
0xc3: {  	[sflag:s5] =	ssyncadd.s32 $0xFFFFFC18  }
0xc4: {  	[tilespmem:s8], [sflag:$0x1] =	stream.linear.gather [hbm4b:s11+s2], $0x7D00, $0x38;
	[tilespmem:$0xCF08] =	vst v63  }
0xc5: {  	_ =	swait.ge [sflag:s5], $0x7D00  }
0xc6: {  	[sflag:s5] =	ssyncset.done $0x0  }
0xc7: {  	[sflag:s5] =	ssyncadd.s32 $0xFFFF8300  }
0xc8: {  	[spmem:s1] =	stream.indirect.scatter.add.f32 [tilespmem:s8], [sflag:$0x1], $0x20, s2, s8, $0xb8;
	[tilespmem:$0xCF08] =	vst v63  }
0xc9: {  	_ =	swait.ge [sflag:s5], $0x7D00  }
0xca: {  	[sflag:s5] =	ssyncset.done $0x0  }
0xcb: {  	[sflag:s5] =	ssyncadd.s32 $0xFFFF8300  }
0xcc: {  	[tilespmem:s2], [sflag:$0x1] =	stream.linear.gather [hbm4b:s10+s2], $0x3E8, $0x38;
	[tilespmem:$0xCF08] =	vst v63  }
0xcd: {  	_ =	swait.ge [sflag:s5], $0x3E8  }
0xce: {  	[sflag:s5] =	ssyncset.done $0x0  }
0xcf: {  	[sflag:s5] =	ssyncadd.s32 $0xFFFFFC18  }
0xd0: {  	[tilespmem:s8], [sflag:$0x1] =	stream.linear.gather [hbm4b:s9+s2], $0x7D00, $0x38;
	[tilespmem:$0xCF08] =	vst v63  }
0xd1: {  	_ =	swait.ge [sflag:s5], $0x7D00  }
0xd2: {  	[sflag:s5] =	ssyncset.done $0x0  }
0xd3: {  	[sflag:s5] =	ssyncadd.s32 $0xFFFF8300  }
0xd4: {  	[spmem:s1] =	stream.indirect.scatter.add.f32 [tilespmem:s8], [sflag:$0x1], $0x20, s2, s8, $0xb8;
	[tilespmem:$0xCF08] =	vst v63  }
0xd5: {  	_ =	swait.ge [sflag:s5], $0x7D00  }
0xd6: {  	[sflag:s5] =	ssyncset.done $0x0  }
0xd7: {  	[sflag:s5] =	ssyncadd.s32 $0xFFFF8300  }
0xd8: {  	[tilespmem:s2], [sflag:$0x1] =	stream.linear.gather [hbm4b:s7+s2], $0x3E8, $0x38;
	[tilespmem:$0xCF08] =	vst v63  }
0xd9: {  	_ =	swait.ge [sflag:s5], $0x3E8  }
0xda: {  	[sflag:s5] =	ssyncset.done $0x0  }
0xdb: {  	[sflag:s5] =	ssyncadd.s32 $0xFFFFFC18  }
0xdc: {  	[tilespmem:s8], [sflag:$0x1] =	stream.linear.gather [hbm4b:s6+s2], $0x7D00, $0x38;
	[tilespmem:$0xCF08] =	vst v63  }
0xdd: {  	_ =	swait.ge [sflag:s5], $0x7D00  }
0xde: {  	[sflag:s5] =	ssyncset.done $0x0  }
0xdf: {  	[sflag:s5] =	ssyncadd.s32 $0xFFFF8300  }
0xe0: {  	[spmem:s1] =	stream.indirect.scatter.add.f32 [tilespmem:s8], [sflag:$0x1], $0x20, s2, s8, $0xb8;
	[tilespmem:$0xCF08] =	vst v63  }
0xe1: {  	_ =	swait.ge [sflag:s5], $0x7D00  }
0xe2: {  	[sflag:s5] =	ssyncset.done $0x0  }
0xe3: {  	[sflag:s5] =	ssyncadd.s32 $0xFFFF8300  }
0xe4: {  	[bflag:$0x0] =	sbarrier.arrive $0xFFFF  }
0xe5: {  	[hbm:s3], [sflag:s20] =	dma.local @!p0 [spmem:s4], $0x9C40  }
0xe6: {  	_ =	swait.ge @!p0 [sflag:s19], $0x9C40  }
0xe7: {  	[sflag:s19] =	ssyncset.done @!p0 $0x0  }
0xe8: {  	[sflag:s19] =	ssyncadd.s32 @!p0 $0xFFFF63C0  }
0xe9: {  	_ =	sfence.sel $0x180000  }
0xea: {  	[bflag:$0x0] =	sbarrier.arrive $0xFFFF  }
0xeb: {  	_ =	strace $0x9000004A  }
0xec: {  	s0 =	sadd.s32 @!p0 $0x100000, s0;
	[bflag:$0x2] =	sbarrier.arrive $0xFFFF  }
0xed: {  	[sflag:s0] =	ssyncadd.tile.s32 @!p0 $0x1;
	_ =	shalt  }
.Lfunc_end2:
_tile_overlayer_lowered:
.L_overlay_start_2:
0xee: {  	(tag) =	ssettag $0x2  }
0xef: {  	s0 =	rddreg [dreg:$0x0];
	s2 =	stileid.u32  }
0xf0: {  	s1 =	rddreg [dreg:$0x1];
	p0 =	sne.s32 s2, $0x0  }
0xf1: {  	s3 =	rddreg [dreg:$0x2];
	[bflag:$0x3] =	sbarrier.arrive $0xFFFF;
	s2 =	simm.s32 @!p0 $0x1C01  }
0xf2: {  	[timem:s3], [sflag:s2] =	dma.local @!p0 [hbm:s0], s1  }
0xf3: {  	s0 =	simm.s32 @!p0 $0x1  }
0xf4: {  	_ =	swait.ge @!p0 [sflag:s0], s1  }
0xf5: {  	s1 =	ssub.s32 @!p0 $0x0, s1;
	[sflag:s0] =	ssyncset.done @!p0 $0x0  }
0xf6: {  	[sflag:s0] =	ssyncadd.s32 @!p0 s1  }
0xf7: {  	[bflag:$0x3] =	sbarrier.arrive $0xFFFF  }
0xf8: {  	_ =	shalt  }

// kernel: kernel.22.cloned.1.call-start
scs
__scs_entry_jumppad:
0x0: {  	(pc) =	sbr.rel $0x88, $3  }
0x1: {  	(tag) =	ssettag $0x0;
	lr =	simm.s32 $0x1  }
0x2: {  	[smem:$0x3F91] =	sst lr;
	_ =	strace $0xD0000000  }
0x3: {  	_ = 	snop  }
0x4: {  	_ = 	snop  }
0x5: {  	_ = 	snop  }
0x6: {  	_ = 	snop  }
0x7: {  	_ = 	snop  }
__scs_overlays_trampoline_lowered:
0x8: {  	[smem:$0x3FA0] =	sst s0  }
0x9: {  	[smem:$0x3FA1] =	sst s1  }
0xa: {  	[smem:$0x3FA2] =	sst s2  }
0xb: {  	[smem:$0x3FA3] =	sst s3  }
0xc: {  	[smem:$0x3FA4] =	sst s4  }
0xd: {  	[smem:$0x3FA5] =	sst s5  }
0xe: {  	[smem:$0x3FA6] =	sst s6  }
0xf: {  	[smem:$0x3FA7] =	sst s7  }
0x10: {  	[smem:$0x3FA8] =	sst s8  }
0x11: {  	[smem:$0x3FA9] =	sst s9;
	s0 =	simm.s32 @!p0 $0x0  }
0x12: {  	s1 =	sld [smem:$0x3F8F];
	s0 =	simm.s32 @p0 $0x1  }
0x13: {  	[smem:$0x3FAA] =	sst s0;
	s0 =	simm.s32 @!p1 $0x0  }
0x14: {  	s2 =	sld [smem:$0x3F8E];
	s0 =	simm.s32 @p1 $0x1  }
0x15: {  	[smem:$0x3FAB] =	sst s0;
	s0 =	simm.s32 @!p2 $0x0  }
0x16: {  	s3 =	sld [smem:$0x3FDB];
	s0 =	simm.s32 @p2 $0x1  }
0x17: {  	s4 =	simm.s32 $0x1BF5;
	[smem:$0x3FAD] =	sst s0  }
0x18: {  	s0 =	sld [smem:$0x3F90];
	_ =	swait.ge [sflag:s4], $0x0  }
0x19: {  	s7 =	sld [smem:$0x3F91]  }
0x1a: {  	s8 =	sadd.s32 $0xFFFFE003, lr  }
0x1b: {  	s9 =	sadd.s32 $0xFFFFFEF7, lr;
	s5 =	simm.s32 $0xFFFFFFFF;
	p2 =	slt.u32 s8, $0xFFFFF086  }
0x1c: {  	p1 =	slt.u32 s9, $0xF7A;
	s5 =	simm.s32 @!p2 $0x0  }
0x1d: {  	s5 =	simm.s32 @p1 $0x1;
	p0 =	seq.s32 s7, s2  }
0x1e: {  	s7 =	smul.u32 @!p0 $0xF7A, s2;
	p2 =	seq.s32 @!p0 s5, $0x0  }
0x1f: {  	s9 =	smul.u32 $0xF7A, s1;
	s8 =	simm.s32 @!p0 $0x1BF5;
	p2 =	por !p2, p0  }
0x20: {  	[sflag:s8] =	ssyncset.s32 @!p0 $0xFFFFF086;
	s6 =	sadd.s32 @!p0 s3, s7;
	s7 =	simm.s32 @!p0 $0x108  }
0x21: {  	s3 =	sadd.s32 s3, s9;
	s6 =	sadd.s32 @!p0 $0x88, s6;
	s7 =	simm.s32 @p2 $0x1082  }
0x22: {  	[simem:s7], [sflag:s8] =	dma.local @!p0 [hbm:s6], $0xF7A  }
0x23: {  	s9 =	sor.u32 $0xD0000000, s2;
	s6 =	simm.s32 $0x108;
	_ =	swait.ge @!p0 [sflag:s8], $0x0  }
0x24: {  	s3 =	sadd.s32 $0x88, s3;
	s6 =	simm.s32 @!p1 $0x1082;
	[sflag:s4] =	ssyncset.s32 $0xFFFFF086  }
0x25: {  	[simem:s6], [sflag:s4] =	dma.local [hbm:s3], $0xF7A  }
0x26: {  	[smem:$0x3F91] =	sst s1;
	(tag) =	ssettag s2;
	_ =	strace s9  }
0x27: {  	s1 =	sld [smem:$0x3FA1]  }
0x28: {  	s2 =	sld [smem:$0x3FA2]  }
0x29: {  	s4 =	sld [smem:$0x3FA4]  }
0x2a: {  	p0 =	seq.s32 s5, $0x0;
	s5 =	sld [smem:$0x3FA5]  }
0x2b: {  	s6 =	sld [smem:$0x3FA6]  }
0x2c: {  	s7 =	sld [smem:$0x3FA7]  }
0x2d: {  	s3 =	simm.s32 $0x108;
	s8 =	sld [smem:$0x3FA8]  }
0x2e: {  	s3 =	simm.s32 @!p0 $0x1082;
	s9 =	sld [smem:$0x3FA9]  }
0x2f: {  	lr =	sadd.s32 s0, s3;
	s0 =	sld [smem:$0x3FA0]  }
0x30: {  	s3 =	sld [smem:$0x3FA3]  }
0x31: {  	[smem:$0x3FAC] =	sst s10  }
0x32: {  	s10 =	sld [smem:$0x3FAA];
	_ =	sdelay $0x3  }
0x33: {  	p0 =	seq.s32 s10, $0x1;
	s10 =	sld [smem:$0x3FAC];
	_ =	sdelay $0x3  }
0x34: {  	[smem:$0x3FAC] =	sst s10  }
0x35: {  	s10 =	sld [smem:$0x3FAB];
	_ =	sdelay $0x3  }
0x36: {  	p1 =	seq.s32 s10, $0x1;
	s10 =	sld [smem:$0x3FAC];
	_ =	sdelay $0x3  }
0x37: {  	[smem:$0x3FAC] =	sst s10  }
0x38: {  	s10 =	sld [smem:$0x3FAD]  }
0x39: {  	_ = 	snop;
	(pc) =	sbr.ind lr, $3  }
0x3a: {  	_ = 	snop  }
0x3b: {  	_ = 	snop  }
0x3c: {  	p2 =	seq.s32 s10, $0x1;
	s10 =	sld [smem:$0x3FAC]  }
0x3d: {  	_ =	shalt  }
0x3e: {  	_ =	shalt  }
0x3f: {  	_ =	shalt  }
0x40: {  	_ =	shalt  }
0x41: {  	_ =	shalt  }
0x42: {  	_ =	shalt  }
0x43: {  	_ =	shalt  }
0x44: {  	_ =	shalt  }
0x45: {  	_ =	shalt  }
0x46: {  	_ =	shalt  }
0x47: {  	_ =	shalt  }
0x48: {  	_ =	shalt  }
0x49: {  	_ =	shalt  }
0x4a: {  	_ =	shalt  }
0x4b: {  	_ =	shalt  }
0x4c: {  	_ =	shalt  }
0x4d: {  	_ =	shalt  }
0x4e: {  	_ =	shalt  }
0x4f: {  	_ =	shalt  }
0x50: {  	_ =	shalt  }
0x51: {  	_ =	shalt  }
0x52: {  	_ =	shalt  }
0x53: {  	_ =	shalt  }
0x54: {  	_ =	shalt  }
0x55: {  	_ =	shalt  }
0x56: {  	_ =	shalt  }
0x57: {  	_ =	shalt  }
0x58: {  	_ =	shalt  }
0x59: {  	_ =	shalt  }
0x5a: {  	_ =	shalt  }
0x5b: {  	_ =	shalt  }
0x5c: {  	_ =	shalt  }
0x5d: {  	_ =	shalt  }
0x5e: {  	_ =	shalt  }
0x5f: {  	_ =	shalt  }
0x60: {  	_ =	shalt  }
0x61: {  	_ =	shalt  }
0x62: {  	_ =	shalt  }
0x63: {  	_ =	shalt  }
0x64: {  	_ =	shalt  }
0x65: {  	_ =	shalt  }
0x66: {  	_ =	shalt  }
0x67: {  	_ =	shalt  }
0x68: {  	_ =	shalt  }
0x69: {  	_ =	shalt  }
0x6a: {  	_ =	shalt  }
0x6b: {  	_ =	shalt  }
0x6c: {  	_ =	shalt  }
0x6d: {  	_ =	shalt  }
0x6e: {  	_ =	shalt  }
0x6f: {  	_ =	shalt  }
0x70: {  	_ =	shalt  }
0x71: {  	_ =	shalt  }
0x72: {  	_ =	shalt  }
0x73: {  	_ =	shalt  }
0x74: {  	_ =	shalt  }
0x75: {  	_ =	shalt  }
0x76: {  	_ =	shalt  }
0x77: {  	_ =	shalt  }
0x78: {  	_ =	shalt  }
0x79: {  	_ =	shalt  }
0x7a: {  	_ =	shalt  }
0x7b: {  	_ =	shalt  }
0x7c: {  	_ =	shalt  }
0x7d: {  	_ =	shalt  }
0x7e: {  	_ =	shalt  }
0x7f: {  	_ =	shalt  }
0x80: {  	_ =	shalt  }
0x81: {  	_ =	shalt  }
0x82: {  	_ =	shalt  }
0x83: {  	_ =	shalt  }
0x84: {  	_ =	shalt  }
0x85: {  	_ =	shalt  }
0x86: {  	_ =	shalt  }
0x87: {  	_ =	shalt  }
.Lfunc_end0:
.L_simem_size_0:
called_computation.2_lowered:
.L_overlay_start_0:
0x88: {  	s2 =	sld [smem:$0x3FD9]  }
0x89: {  	s3 =	sld [smem:$0x3FFE];
	_ =	sdelay $0x1  }
0x8a: {  	s1 =	srdreg.scid  }
0x8b: {  	s0 =	sand.u32 $0x1, s1  }
0x8c: {  	s16 =	sshll.u32 s0, $0xA;
	s2 =	sadd.s32 s3, s2  }
0x8d: {  	s2 =	sadd.s32 s2, s16  }
0x8e: {  	[smem:$0x3FB8] =	sst s2  }
0x8f: {  	_ = 	snop  }
0x90: {  	(tm) =	ssettm $0x1  }
0x91: {  	s17 =	sld [smem:$0x3FFB];
	_ =	sdelay $0x3  }
0x92: {  	_ =	strace s17  }
0x93: {  	s2 =	sld [smem:$0x3FFC];
	_ =	sdelay $0x3  }
0x94: {  	_ =	strace s2  }
0x95: {  	s2 =	sld [smem:$0x3FFD];
	_ =	sdelay $0x3  }
0x96: {  	_ =	strace s2  }
0x97: {  	_ =	strace $0x8FFFFFFF  }
0x98: {  	s18 =	sld [smem:$0x3FDB];
	_ =	sdelay $0x1  }
0x99: {  	s19 =	simm.s32 $_scs_section_size  }
0x9a: {  	s4 =	simm.s32 $_size__tile_overlayer_lowered;
	s5 =	simm.s32 $_tile_overlayer_lowered  }
0x9b: {  	s22 =	simm.s32 $0x1BFF;
	s21 =	sshll.u32 s5, $0x1;
	s2 =	sadd.s32 s19, s18  }
0x9c: {  	s6 =	simm.s32 $0x0;
	s20 =	sshll.u32 s4, $0x1;
	s4 =	sadd.s32 s21, s2  }
0x9d: {  	[timem:s6], [sflag:s22] =	dma.local [hbm:s4], s20  }
0x9e: {  	_ =	swait.ge [sflag:s22], s20  }
0x9f: {  	s3 =	ssub.s32 $0x0, s20;
	[sflag:s22] =	ssyncset.done $0x0  }
0xa0: {  	[sflag:s22] =	ssyncadd.s32 s3;
	_ =	sdelay $0x1  }
0xa1: {  	s23 =	simm.s32 $0x1B8B  }
0xa2: {  	_ =	swait.ge [sflag:s23], $0x1  }
0xa3: {  	[sflag:s23] =	ssyncset.done $0x0  }
0xa4: {  	s25 =	simm.s32 $0x1B8E;
	s24 =	sld [smem:$0x3FFE];
	[sflag:s23] =	ssyncadd.s32 $0xFFFFFFFF  }
0xa5: {  	s26 =	simm.s32 $execute0_lowered;
	[smem:$0x3FD2] =	sst s25  }
0xa6: {  	s4 =	sshll.u32 s26, $0x1;
	_ =	strace $0x8000004C;
	[dreg:$0x1] =	wrdreg $0xFFFFFFFF  }
0xa7: {  	s28 =	simm.s32 $_size_execute0_lowered;
	s2 =	sadd.s32 s2, s4;
	[dreg:$0x0] =	wrdreg $0x0  }
0xa8: {  	s4 =	sshll.u32 s28, $0x1;
	[dreg:$0x2] =	wrdreg s2  }
0xa9: {  	[dreg:$0x3] =	wrdreg s4  }
0xaa: {  	[dreg:$0x4] =	wrdreg $0xC0  }
0xab: {  	_ =	task [dreg:s6], $0x5FFFF  }
0xac: {  	[dreg:$0x1] =	wrdreg $0xFFFFFFFF  }
0xad: {  	[dreg:$0x0] =	wrdreg $0x60  }
0xae: {  	[dreg:$0x2] =	wrdreg s24  }
0xaf: {  	[dreg:$0x3] =	wrdreg $0x9  }
0xb0: {  	_ =	task.clear_ibuf [dreg:s6], $0x4FFFF;
	_ =	strace $0x9000004C  }
0xb1: {  	s29 =	simm.s32 $0x9;
	_ =	strace $0x8000004E  }
0xb2: {  	_ =	swait.ge [sflag:s29], $0x1  }
0xb3: {  	[sflag:s29] =	ssyncadd.s32 $0xFFFFFFFF  }
0xb4: {  	_ =	strace $0x9000004E  }
0xb5: {  	_ =	sfence  }
0xb6: {  	s30 =	sld [smem:$0x0];
	_ =	sdelay $0x2  }
0xb7: {  	s31 =	sshll.u32 s1, $0xD;
	s1 =	sshrl.u32 s1, $0x2  }
0xb8: {  	s3 =	sand.u32 $0x4000, s31;
	s1 =	sadd.s32 s1, s30  }
0xb9: {  	s0 =	sor.u32 s3, s0;
	s1 =	sshll.u32 s1, $0x11  }
0xba: {  	s0 =	sor.u32 s1, s0  }
0xbb: {  	s0 =	sadd.s32 $0x8F2B, s0  }
0xbc: {  	[sflag:s0] =	ssyncadd.remote.s32 $0x1  }
0xbd: {  	_ =	sfence.sel $0xFFFF  }
0xbe: {  	[dreg:$0x0] =	wrdreg $0xFFFFFFFF;
	(pc) =	sbr.abs _section_cstart, $3  }
0xbf: {  	[dreg:$0x1] =	wrdreg $0xFFFFFFFF  }
0xc0: {  	_ =	task.clear_ibuf [dreg:s6], $0x2FFFF;
	_ =	strace $0x9FFFFFFF  }
0xc1: {  	(tm) =	ssettm $0x7FFFFFFF  }
tec
execute0_lowered:
.L_overlay_start_1:
0x0: {  	(tag) =	ssettag $0x1  }
0x1: {  	s1 =	srdreg.scid;
	s0 =	stileid.u32  }
0x2: {  	s16 =	sand.u32 $0x1, s1;
	s26 =	sshll.u32 s0, $0x1  }
0x3: {  	s8 =	sor.u32 s16, s26  }
0x4: {  	s9 =	rddreg [dreg:$0x0];
	s17 =	smul.u32 $0x1388, s8  }
0x5: {  	s2 =	simm.s32 $0x0;
	s1 =	rddreg [dreg:$0x1]  }
0x6: {  	[smem:$0x7FF] =	sst s2;
	s15 =	sadd.s32 $0x7000, s9;
	s3 =	sshrl.u32 s17, $0x3  }
0x7: {  	_ =	strace $0x8000004D;
	s4 =	sadd.s32 s15, s3;
	s3 =	simm.s32 $0x2  }
0x8: {  	[tilespmem:s2], [sflag:$0x2] =	stream.linear.gather [hbm4b:s4+s2], $0x3E8, $0x38;
	[tilespmem:$0x80E8] =	vst v63  }
0x9: {  	_ =	swait.ge [sflag:s3], $0x3E8  }
0xa: {  	s6 =	simm.s32 $0x3E8;
	[sflag:s3] =	ssyncset.done $0x0  }
0xb: {  	s7 =	simm.s32 $0x1;
	s5 =	sadd.s32 $0x38200, s9;
	[sflag:s3] =	ssyncadd.s32 $0xFFFFFC18  }
0xc: {  	[tilespmem:s6], [sflag:$0x1] =	stream.indirect.gather [hbm4b:s5+s6], $0x20, s2, s6, $0xb8;
	[tilespmem:$0x80E8] =	vst v63  }
0xd: {  	s8 =	smul.u32 $0x4E20, s8;
	_ =	swait.ge [sflag:s7], $0x7D00  }
0xe: {  	s18 =	sadd.s32 $0x42000, s9;
	[sflag:s7] =	ssyncset.done $0x0  }
0xf: {  	s8 =	sadd.s32 s18, s8;
	[sflag:s7] =	ssyncadd.s32 $0xFFFF8300  }
0x10: {  	[hbm4b:s8+s2] =	stream.linear.scatter [tilespmem:s6], [sflag:$0x2], $0x7D00, $0x38;
	[tilespmem:$0x80E8] =	vst v63  }
0x11: {  	s10 =	sadd.s32 $0x3E8, s17;
	_ =	swait.ge [sflag:s3], $0x7D00  }
0x12: {  	s28 =	sshrl.u32 s10, $0x3;
	[sflag:s3] =	ssyncset.done $0x0  }
0x13: {  	s9 =	sadd.s32 s15, s28;
	[sflag:s3] =	ssyncadd.s32 $0xFFFF8300  }
0x14: {  	[tilespmem:s2], [sflag:$0x2] =	stream.linear.gather [hbm4b:s9+s2], $0x3E8, $0x38;
	[tilespmem:$0x80E8] =	vst v63  }
0x15: {  	_ =	swait.ge [sflag:s3], $0x3E8  }
0x16: {  	[sflag:s3] =	ssyncset.done $0x0  }
0x17: {  	[sflag:s3] =	ssyncadd.s32 $0xFFFFFC18  }
0x18: {  	[tilespmem:s6], [sflag:$0x1] =	stream.indirect.gather [hbm4b:s5+s6], $0x20, s2, s6, $0xb8;
	[tilespmem:$0x80E8] =	vst v63  }
0x19: {  	_ =	swait.ge [sflag:s7], $0x7D00  }
0x1a: {  	s10 =	sshll.u32 s10, $0x2;
	[sflag:s7] =	ssyncset.done $0x0  }
0x1b: {  	s10 =	sadd.s32 s18, s10;
	[sflag:s7] =	ssyncadd.s32 $0xFFFF8300  }
0x1c: {  	[hbm4b:s10+s2] =	stream.linear.scatter [tilespmem:s6], [sflag:$0x2], $0x7D00, $0x38;
	[tilespmem:$0x80E8] =	vst v63  }
0x1d: {  	s12 =	sadd.s32 $0x7D0, s17;
	_ =	swait.ge [sflag:s3], $0x7D00  }
0x1e: {  	s11 =	sshrl.u32 s12, $0x3;
	[sflag:s3] =	ssyncset.done $0x0  }
0x1f: {  	s11 =	sadd.s32 s15, s11;
	[sflag:s3] =	ssyncadd.s32 $0xFFFF8300  }
0x20: {  	[tilespmem:s2], [sflag:$0x2] =	stream.linear.gather [hbm4b:s11+s2], $0x3E8, $0x38;
	[tilespmem:$0x80E8] =	vst v63  }
0x21: {  	_ =	swait.ge [sflag:s3], $0x3E8  }
0x22: {  	[sflag:s3] =	ssyncset.done $0x0  }
0x23: {  	[sflag:s3] =	ssyncadd.s32 $0xFFFFFC18  }
0x24: {  	[tilespmem:s6], [sflag:$0x1] =	stream.indirect.gather [hbm4b:s5+s6], $0x20, s2, s6, $0xb8;
	[tilespmem:$0x80E8] =	vst v63  }
0x25: {  	_ =	swait.ge [sflag:s7], $0x7D00  }
0x26: {  	s12 =	sshll.u32 s12, $0x2;
	[sflag:s7] =	ssyncset.done $0x0  }
0x27: {  	s12 =	sadd.s32 s18, s12;
	[sflag:s7] =	ssyncadd.s32 $0xFFFF8300  }
0x28: {  	[hbm4b:s12+s2] =	stream.linear.scatter [tilespmem:s6], [sflag:$0x2], $0x7D00, $0x38;
	[tilespmem:$0x80E8] =	vst v63  }
0x29: {  	s14 =	sadd.s32 $0xBB8, s17;
	_ =	swait.ge [sflag:s3], $0x7D00  }
0x2a: {  	s13 =	sshrl.u32 s14, $0x3;
	[sflag:s3] =	ssyncset.done $0x0  }
0x2b: {  	s13 =	sadd.s32 s15, s13;
	[sflag:s3] =	ssyncadd.s32 $0xFFFF8300  }
0x2c: {  	[tilespmem:s2], [sflag:$0x2] =	stream.linear.gather [hbm4b:s13+s2], $0x3E8, $0x38;
	[tilespmem:$0x80E8] =	vst v63  }
0x2d: {  	_ =	swait.ge [sflag:s3], $0x3E8  }
0x2e: {  	[sflag:s3] =	ssyncset.done $0x0  }
0x2f: {  	[sflag:s3] =	ssyncadd.s32 $0xFFFFFC18  }
0x30: {  	[tilespmem:s6], [sflag:$0x1] =	stream.indirect.gather [hbm4b:s5+s6], $0x20, s2, s6, $0xb8;
	[tilespmem:$0x80E8] =	vst v63  }
0x31: {  	_ =	swait.ge [sflag:s7], $0x7D00  }
0x32: {  	s14 =	sshll.u32 s14, $0x2;
	[sflag:s7] =	ssyncset.done $0x0  }
0x33: {  	s14 =	sadd.s32 s18, s14;
	[sflag:s7] =	ssyncadd.s32 $0xFFFF8300  }
0x34: {  	[hbm4b:s14+s2] =	stream.linear.scatter [tilespmem:s6], [sflag:$0x2], $0x7D00, $0x38;
	[tilespmem:$0x80E8] =	vst v63  }
0x35: {  	s17 =	sadd.s32 $0xFA0, s17;
	_ =	swait.ge [sflag:s3], $0x7D00  }
0x36: {  	s19 =	sshrl.u32 s17, $0x3;
	[sflag:s3] =	ssyncset.done $0x0  }
0x37: {  	s16 =	ssub.s32 $0x2, s16;
	s15 =	sadd.s32 s15, s19;
	[sflag:s3] =	ssyncadd.s32 $0xFFFF8300  }
0x38: {  	[tilespmem:s2], [sflag:$0x2] =	stream.linear.gather [hbm4b:s15+s2], $0x3E8, $0x38;
	[tilespmem:$0x80E8] =	vst v63  }
0x39: {  	s29 =	sshrl.u32 s16, $0x1;
	_ =	swait.ge [sflag:s3], $0x3E8  }
0x3a: {  	s19 =	ssub.s32 s16, s29;
	[sflag:s3] =	ssyncset.done $0x0  }
0x3b: {  	s31 =	smax.u32 s19, $0x1;
	[sflag:s3] =	ssyncadd.s32 $0xFFFFFC18  }
0x3c: {  	[tilespmem:s6], [sflag:$0x1] =	stream.indirect.gather [hbm4b:s5+s6], $0x20, s2, s6, $0xb8;
	[tilespmem:$0x80E8] =	vst v63  }
0x3d: {  	p0 =	sne.s32 s31, $0x1;
	_ =	swait.ge [sflag:s7], $0x7D00  }
.Ltmp0:
0x3e: {  	s30 =	sshll.u32 s17, $0x2;
	[sflag:s7] =	ssyncset.done $0x0;
	(pc) =	sbr.rel @!p0 .LBB2_2-.Ltmp0, $4  }
0x3f: {  	s16 =	sadd.s32 s18, s30;
	[sflag:s7] =	ssyncadd.s32 $0xFFFF8300  }
0x40: {  	[hbm4b:s16+s2] =	stream.linear.scatter [tilespmem:s6], [sflag:$0x2], $0x7D00, $0x38;
	[tilespmem:$0x80E8] =	vst v63  }
0x41: {  	_ =	swait.ge [sflag:s3], $0x7D00  }
0x42: {  	s17 =	sadd.s32 $0xFFFFFFFF, s31;
	[sflag:s3] =	ssyncset.done $0x0  }
.LBB2_1:
0x43: {  	p0 =	sne.s32 s17, $0x1;
	s17 =	sadd.s32 $0xFFFFFFFF, s17;
	[sflag:s3] =	ssyncadd.s32 $0xFFFF8300  }
0x44: {  	[tilespmem:s2], [sflag:$0x2] =	stream.linear.gather [hbm4b:s4+s2], $0x3E8, $0x38;
	[tilespmem:$0x80E8] =	vst v63  }
0x45: {  	_ =	swait.ge [sflag:s3], $0x3E8  }
0x46: {  	[sflag:s3] =	ssyncset.done $0x0  }
0x47: {  	[sflag:s3] =	ssyncadd.s32 $0xFFFFFC18  }
0x48: {  	[tilespmem:s6], [sflag:$0x1] =	stream.indirect.gather [hbm4b:s5+s6], $0x20, s2, s6, $0xb8;
	[tilespmem:$0x80E8] =	vst v63  }
0x49: {  	_ =	swait.ge [sflag:s7], $0x7D00  }
0x4a: {  	[sflag:s7] =	ssyncset.done $0x0  }
0x4b: {  	[sflag:s7] =	ssyncadd.s32 $0xFFFF8300  }
0x4c: {  	[hbm4b:s8+s2] =	stream.linear.scatter [tilespmem:s6], [sflag:$0x2], $0x7D00, $0x38;
	[tilespmem:$0x80E8] =	vst v63  }
0x4d: {  	_ =	swait.ge [sflag:s3], $0x7D00  }
0x4e: {  	[sflag:s3] =	ssyncset.done $0x0  }
0x4f: {  	[sflag:s3] =	ssyncadd.s32 $0xFFFF8300  }
0x50: {  	[tilespmem:s2], [sflag:$0x2] =	stream.linear.gather [hbm4b:s9+s2], $0x3E8, $0x38;
	[tilespmem:$0x80E8] =	vst v63  }
0x51: {  	_ =	swait.ge [sflag:s3], $0x3E8  }
0x52: {  	[sflag:s3] =	ssyncset.done $0x0  }
0x53: {  	[sflag:s3] =	ssyncadd.s32 $0xFFFFFC18  }
0x54: {  	[tilespmem:s6], [sflag:$0x1] =	stream.indirect.gather [hbm4b:s5+s6], $0x20, s2, s6, $0xb8;
	[tilespmem:$0x80E8] =	vst v63  }
0x55: {  	_ =	swait.ge [sflag:s7], $0x7D00  }
0x56: {  	[sflag:s7] =	ssyncset.done $0x0  }
0x57: {  	[sflag:s7] =	ssyncadd.s32 $0xFFFF8300  }
0x58: {  	[hbm4b:s10+s2] =	stream.linear.scatter [tilespmem:s6], [sflag:$0x2], $0x7D00, $0x38;
	[tilespmem:$0x80E8] =	vst v63  }
0x59: {  	_ =	swait.ge [sflag:s3], $0x7D00  }
0x5a: {  	[sflag:s3] =	ssyncset.done $0x0  }
0x5b: {  	[sflag:s3] =	ssyncadd.s32 $0xFFFF8300  }
0x5c: {  	[tilespmem:s2], [sflag:$0x2] =	stream.linear.gather [hbm4b:s11+s2], $0x3E8, $0x38;
	[tilespmem:$0x80E8] =	vst v63  }
0x5d: {  	_ =	swait.ge [sflag:s3], $0x3E8  }
0x5e: {  	[sflag:s3] =	ssyncset.done $0x0  }
0x5f: {  	[sflag:s3] =	ssyncadd.s32 $0xFFFFFC18  }
0x60: {  	[tilespmem:s6], [sflag:$0x1] =	stream.indirect.gather [hbm4b:s5+s6], $0x20, s2, s6, $0xb8;
	[tilespmem:$0x80E8] =	vst v63  }
0x61: {  	_ =	swait.ge [sflag:s7], $0x7D00  }
0x62: {  	[sflag:s7] =	ssyncset.done $0x0  }
0x63: {  	[sflag:s7] =	ssyncadd.s32 $0xFFFF8300  }
0x64: {  	[hbm4b:s12+s2] =	stream.linear.scatter [tilespmem:s6], [sflag:$0x2], $0x7D00, $0x38;
	[tilespmem:$0x80E8] =	vst v63  }
0x65: {  	_ =	swait.ge [sflag:s3], $0x7D00  }
0x66: {  	[sflag:s3] =	ssyncset.done $0x0  }
0x67: {  	[sflag:s3] =	ssyncadd.s32 $0xFFFF8300  }
0x68: {  	[tilespmem:s2], [sflag:$0x2] =	stream.linear.gather [hbm4b:s13+s2], $0x3E8, $0x38;
	[tilespmem:$0x80E8] =	vst v63  }
0x69: {  	_ =	swait.ge [sflag:s3], $0x3E8  }
0x6a: {  	[sflag:s3] =	ssyncset.done $0x0  }
0x6b: {  	[sflag:s3] =	ssyncadd.s32 $0xFFFFFC18  }
0x6c: {  	[tilespmem:s6], [sflag:$0x1] =	stream.indirect.gather [hbm4b:s5+s6], $0x20, s2, s6, $0xb8;
	[tilespmem:$0x80E8] =	vst v63  }
0x6d: {  	_ =	swait.ge [sflag:s7], $0x7D00  }
0x6e: {  	[sflag:s7] =	ssyncset.done $0x0  }
0x6f: {  	[sflag:s7] =	ssyncadd.s32 $0xFFFF8300  }
0x70: {  	[hbm4b:s14+s2] =	stream.linear.scatter [tilespmem:s6], [sflag:$0x2], $0x7D00, $0x38;
	[tilespmem:$0x80E8] =	vst v63  }
0x71: {  	_ =	swait.ge [sflag:s3], $0x7D00  }
0x72: {  	[sflag:s3] =	ssyncset.done $0x0  }
0x73: {  	[sflag:s3] =	ssyncadd.s32 $0xFFFF8300  }
0x74: {  	[tilespmem:s2], [sflag:$0x2] =	stream.linear.gather [hbm4b:s15+s2], $0x3E8, $0x38;
	[tilespmem:$0x80E8] =	vst v63  }
0x75: {  	_ =	swait.ge [sflag:s3], $0x3E8  }
0x76: {  	[sflag:s3] =	ssyncset.done $0x0  }
0x77: {  	[sflag:s3] =	ssyncadd.s32 $0xFFFFFC18  }
0x78: {  	[tilespmem:s6], [sflag:$0x1] =	stream.indirect.gather [hbm4b:s5+s6], $0x20, s2, s6, $0xb8;
	[tilespmem:$0x80E8] =	vst v63  }
0x79: {  	_ =	swait.ge [sflag:s7], $0x7D00  }
.Ltmp1:
0x7a: {  	[sflag:s7] =	ssyncset.done $0x0;
	(pc) =	sbr.rel @p0 .LBB2_1-.Ltmp1, $4  }
0x7b: {  	[sflag:s7] =	ssyncadd.s32 $0xFFFF8300  }
0x7c: {  	[hbm4b:s16+s2] =	stream.linear.scatter [tilespmem:s6], [sflag:$0x2], $0x7D00, $0x38;
	[tilespmem:$0x80E8] =	vst v63  }
0x7d: {  	_ =	swait.ge [sflag:s3], $0x7D00  }
0x7e: {  	[sflag:s3] =	ssyncset.done $0x0  }
.LBB2_2:
0x7f: {  	[sflag:s3] =	ssyncadd.s32 $0xFFFF8300  }
0x80: {  	_ =	sfence.sel $0x180000  }
0x81: {  	[bflag:$0x0] =	sbarrier.arrive $0xFFFF  }
0x82: {  	p0 =	sne.s32 s0, $0x0;
	_ =	strace $0x9000004D  }
0x83: {  	s0 =	sadd.s32 @!p0 $0x100000, s1;
	[bflag:$0x2] =	sbarrier.arrive $0xFFFF  }
0x84: {  	[sflag:s0] =	ssyncadd.tile.s32 @!p0 $0x1;
	_ =	shalt  }
.Lfunc_end2:
_tile_overlayer_lowered:
.L_overlay_start_2:
0x85: {  	(tag) =	ssettag $0x2  }
0x86: {  	s0 =	rddreg [dreg:$0x0];
	s2 =	stileid.u32  }
0x87: {  	s1 =	rddreg [dreg:$0x1];
	p0 =	sne.s32 s2, $0x0  }
0x88: {  	s3 =	rddreg [dreg:$0x2];
	[bflag:$0x3] =	sbarrier.arrive $0xFFFF;
	s2 =	simm.s32 @!p0 $0x1C02  }
0x89: {  	[timem:s3], [sflag:s2] =	dma.local @!p0 [hbm:s0], s1  }
0x8a: {  	s0 =	simm.s32 @!p0 $0x2  }
0x8b: {  	_ =	swait.ge @!p0 [sflag:s0], s1  }
0x8c: {  	s1 =	ssub.s32 @!p0 $0x0, s1;
	[sflag:s0] =	ssyncset.done @!p0 $0x0  }
0x8d: {  	[sflag:s0] =	ssyncadd.s32 @!p0 s1  }
0x8e: {  	[bflag:$0x3] =	sbarrier.arrive $0xFFFF  }
0x8f: {  	_ =	shalt  }

// kernel: kernel.25.cloned.1.call-start
scs
__scs_entry_jumppad:
0x0: {  	(pc) =	sbr.rel $0x88, $3  }
0x1: {  	(tag) =	ssettag $0x0;
	lr =	simm.s32 $0x1  }
0x2: {  	[smem:$0x3F91] =	sst lr;
	_ =	strace $0xD0000000  }
0x3: {  	_ = 	snop  }
0x4: {  	_ = 	snop  }
0x5: {  	_ = 	snop  }
0x6: {  	_ = 	snop  }
0x7: {  	_ = 	snop  }
__scs_overlays_trampoline_lowered:
0x8: {  	[smem:$0x3FA0] =	sst s0  }
0x9: {  	[smem:$0x3FA1] =	sst s1  }
0xa: {  	[smem:$0x3FA2] =	sst s2  }
0xb: {  	[smem:$0x3FA3] =	sst s3  }
0xc: {  	[smem:$0x3FA4] =	sst s4  }
0xd: {  	[smem:$0x3FA5] =	sst s5  }
0xe: {  	[smem:$0x3FA6] =	sst s6  }
0xf: {  	[smem:$0x3FA7] =	sst s7  }
0x10: {  	[smem:$0x3FA8] =	sst s8  }
0x11: {  	[smem:$0x3FA9] =	sst s9;
	s0 =	simm.s32 @!p0 $0x0  }
0x12: {  	s1 =	sld [smem:$0x3F8F];
	s0 =	simm.s32 @p0 $0x1  }
0x13: {  	[smem:$0x3FAA] =	sst s0;
	s0 =	simm.s32 @!p1 $0x0  }
0x14: {  	s2 =	sld [smem:$0x3F8E];
	s0 =	simm.s32 @p1 $0x1  }
0x15: {  	[smem:$0x3FAB] =	sst s0;
	s0 =	simm.s32 @!p2 $0x0  }
0x16: {  	s3 =	sld [smem:$0x3FDB];
	s0 =	simm.s32 @p2 $0x1  }
0x17: {  	s4 =	simm.s32 $0x1BF5;
	[smem:$0x3FAD] =	sst s0  }
0x18: {  	s0 =	sld [smem:$0x3F90];
	_ =	swait.ge [sflag:s4], $0x0  }
0x19: {  	s7 =	sld [smem:$0x3F91]  }
0x1a: {  	s8 =	sadd.s32 $0xFFFFE003, lr  }
0x1b: {  	s9 =	sadd.s32 $0xFFFFFEF7, lr;
	s5 =	simm.s32 $0xFFFFFFFF;
	p2 =	slt.u32 s8, $0xFFFFF086  }
0x1c: {  	p1 =	slt.u32 s9, $0xF7A;
	s5 =	simm.s32 @!p2 $0x0  }
0x1d: {  	s5 =	simm.s32 @p1 $0x1;
	p0 =	seq.s32 s7, s2  }
0x1e: {  	s7 =	smul.u32 @!p0 $0xF7A, s2;
	p2 =	seq.s32 @!p0 s5, $0x0  }
0x1f: {  	s9 =	smul.u32 $0xF7A, s1;
	s8 =	simm.s32 @!p0 $0x1BF5;
	p2 =	por !p2, p0  }
0x20: {  	[sflag:s8] =	ssyncset.s32 @!p0 $0xFFFFF086;
	s6 =	sadd.s32 @!p0 s3, s7;
	s7 =	simm.s32 @!p0 $0x108  }
0x21: {  	s3 =	sadd.s32 s3, s9;
	s6 =	sadd.s32 @!p0 $0x88, s6;
	s7 =	simm.s32 @p2 $0x1082  }
0x22: {  	[simem:s7], [sflag:s8] =	dma.local @!p0 [hbm:s6], $0xF7A  }
0x23: {  	s9 =	sor.u32 $0xD0000000, s2;
	s6 =	simm.s32 $0x108;
	_ =	swait.ge @!p0 [sflag:s8], $0x0  }
0x24: {  	s3 =	sadd.s32 $0x88, s3;
	s6 =	simm.s32 @!p1 $0x1082;
	[sflag:s4] =	ssyncset.s32 $0xFFFFF086  }
0x25: {  	[simem:s6], [sflag:s4] =	dma.local [hbm:s3], $0xF7A  }
0x26: {  	[smem:$0x3F91] =	sst s1;
	(tag) =	ssettag s2;
	_ =	strace s9  }
0x27: {  	s1 =	sld [smem:$0x3FA1]  }
0x28: {  	s2 =	sld [smem:$0x3FA2]  }
0x29: {  	s4 =	sld [smem:$0x3FA4]  }
0x2a: {  	p0 =	seq.s32 s5, $0x0;
	s5 =	sld [smem:$0x3FA5]  }
0x2b: {  	s6 =	sld [smem:$0x3FA6]  }
0x2c: {  	s7 =	sld [smem:$0x3FA7]  }
0x2d: {  	s3 =	simm.s32 $0x108;
	s8 =	sld [smem:$0x3FA8]  }
0x2e: {  	s3 =	simm.s32 @!p0 $0x1082;
	s9 =	sld [smem:$0x3FA9]  }
0x2f: {  	lr =	sadd.s32 s0, s3;
	s0 =	sld [smem:$0x3FA0]  }
0x30: {  	s3 =	sld [smem:$0x3FA3]  }
0x31: {  	[smem:$0x3FAC] =	sst s10  }
0x32: {  	s10 =	sld [smem:$0x3FAA];
	_ =	sdelay $0x3  }
0x33: {  	p0 =	seq.s32 s10, $0x1;
	s10 =	sld [smem:$0x3FAC];
	_ =	sdelay $0x3  }
0x34: {  	[smem:$0x3FAC] =	sst s10  }
0x35: {  	s10 =	sld [smem:$0x3FAB];
	_ =	sdelay $0x3  }
0x36: {  	p1 =	seq.s32 s10, $0x1;
	s10 =	sld [smem:$0x3FAC];
	_ =	sdelay $0x3  }
0x37: {  	[smem:$0x3FAC] =	sst s10  }
0x38: {  	s10 =	sld [smem:$0x3FAD]  }
0x39: {  	_ = 	snop;
	(pc) =	sbr.ind lr, $3  }
0x3a: {  	_ = 	snop  }
0x3b: {  	_ = 	snop  }
0x3c: {  	p2 =	seq.s32 s10, $0x1;
	s10 =	sld [smem:$0x3FAC]  }
0x3d: {  	_ =	shalt  }
0x3e: {  	_ =	shalt  }
0x3f: {  	_ =	shalt  }
0x40: {  	_ =	shalt  }
0x41: {  	_ =	shalt  }
0x42: {  	_ =	shalt  }
0x43: {  	_ =	shalt  }
0x44: {  	_ =	shalt  }
0x45: {  	_ =	shalt  }
0x46: {  	_ =	shalt  }
0x47: {  	_ =	shalt  }
0x48: {  	_ =	shalt  }
0x49: {  	_ =	shalt  }
0x4a: {  	_ =	shalt  }
0x4b: {  	_ =	shalt  }
0x4c: {  	_ =	shalt  }
0x4d: {  	_ =	shalt  }
0x4e: {  	_ =	shalt  }
0x4f: {  	_ =	shalt  }
0x50: {  	_ =	shalt  }
0x51: {  	_ =	shalt  }
0x52: {  	_ =	shalt  }
0x53: {  	_ =	shalt  }
0x54: {  	_ =	shalt  }
0x55: {  	_ =	shalt  }
0x56: {  	_ =	shalt  }
0x57: {  	_ =	shalt  }
0x58: {  	_ =	shalt  }
0x59: {  	_ =	shalt  }
0x5a: {  	_ =	shalt  }
0x5b: {  	_ =	shalt  }
0x5c: {  	_ =	shalt  }
0x5d: {  	_ =	shalt  }
0x5e: {  	_ =	shalt  }
0x5f: {  	_ =	shalt  }
0x60: {  	_ =	shalt  }
0x61: {  	_ =	shalt  }
0x62: {  	_ =	shalt  }
0x63: {  	_ =	shalt  }
0x64: {  	_ =	shalt  }
0x65: {  	_ =	shalt  }
0x66: {  	_ =	shalt  }
0x67: {  	_ =	shalt  }
0x68: {  	_ =	shalt  }
0x69: {  	_ =	shalt  }
0x6a: {  	_ =	shalt  }
0x6b: {  	_ =	shalt  }
0x6c: {  	_ =	shalt  }
0x6d: {  	_ =	shalt  }
0x6e: {  	_ =	shalt  }
0x6f: {  	_ =	shalt  }
0x70: {  	_ =	shalt  }
0x71: {  	_ =	shalt  }
0x72: {  	_ =	shalt  }
0x73: {  	_ =	shalt  }
0x74: {  	_ =	shalt  }
0x75: {  	_ =	shalt  }
0x76: {  	_ =	shalt  }
0x77: {  	_ =	shalt  }
0x78: {  	_ =	shalt  }
0x79: {  	_ =	shalt  }
0x7a: {  	_ =	shalt  }
0x7b: {  	_ =	shalt  }
0x7c: {  	_ =	shalt  }
0x7d: {  	_ =	shalt  }
0x7e: {  	_ =	shalt  }
0x7f: {  	_ =	shalt  }
0x80: {  	_ =	shalt  }
0x81: {  	_ =	shalt  }
0x82: {  	_ =	shalt  }
0x83: {  	_ =	shalt  }
0x84: {  	_ =	shalt  }
0x85: {  	_ =	shalt  }
0x86: {  	_ =	shalt  }
0x87: {  	_ =	shalt  }
.Lfunc_end0:
.L_simem_size_0:
called_computation.3_lowered:
.L_overlay_start_0:
0x88: {  	s2 =	sld [smem:$0x3FD9]  }
0x89: {  	s3 =	sld [smem:$0x3FFE];
	_ =	sdelay $0x1  }
0x8a: {  	s1 =	srdreg.scid  }
0x8b: {  	s0 =	sand.u32 $0x1, s1  }
0x8c: {  	s17 =	sshll.u32 s0, $0xA;
	s2 =	sadd.s32 s3, s2  }
0x8d: {  	s2 =	sadd.s32 s2, s17  }
0x8e: {  	[smem:$0x3FB8] =	sst s2  }
0x8f: {  	_ = 	snop  }
0x90: {  	s2 =	sld [smem:$0x3FD0];
	(tm) =	ssettm $0x1  }
0x91: {  	s18 =	sld [smem:$0x3FFB];
	_ =	sdelay $0x3  }
0x92: {  	_ =	strace s18  }
0x93: {  	s3 =	sld [smem:$0x3FFC];
	_ =	sdelay $0x3  }
0x94: {  	_ =	strace s3  }
0x95: {  	s3 =	sld [smem:$0x3FFD];
	_ =	sdelay $0x3  }
0x96: {  	_ =	strace s3  }
0x97: {  	_ =	strace $0x8FFFFFFF  }
0x98: {  	s19 =	sld [smem:$0x3FDB];
	_ =	sdelay $0x1  }
0x99: {  	s4 =	simm.s32 $_scs_section_size  }
0x9a: {  	s5 =	simm.s32 $_size__tile_overlayer_lowered;
	s6 =	simm.s32 $_tile_overlayer_lowered  }
0x9b: {  	s22 =	simm.s32 $0x1BFF;
	s21 =	sshll.u32 s6, $0x1;
	s3 =	sadd.s32 s4, s19  }
0x9c: {  	s7 =	simm.s32 $0x0;
	s20 =	sshll.u32 s5, $0x1;
	s5 =	sadd.s32 s21, s3  }
0x9d: {  	[timem:s7], [sflag:s22] =	dma.local [hbm:s5], s20  }
0x9e: {  	_ =	swait.ge [sflag:s22], s20  }
0x9f: {  	s4 =	ssub.s32 $0x0, s20;
	[sflag:s22] =	ssyncset.done $0x0  }
0xa0: {  	[sflag:s22] =	ssyncadd.s32 s4;
	_ =	sdelay $0x1  }
0xa1: {  	s23 =	simm.s32 $0x1B8B  }
0xa2: {  	_ =	swait.ge [sflag:s23], $0x1  }
0xa3: {  	[sflag:s23] =	ssyncset.done $0x0  }
0xa4: {  	s25 =	simm.s32 $0x1B8E;
	s24 =	sld [smem:$0x3FFE];
	[sflag:s23] =	ssyncadd.s32 $0xFFFFFFFF  }
0xa5: {  	s26 =	simm.s32 $execute0_lowered;
	[smem:$0x3FD2] =	sst s25  }
0xa6: {  	s5 =	sshll.u32 s26, $0x1;
	_ =	strace $0x8000004F;
	[dreg:$0x1] =	wrdreg $0xFFFFFFFF  }
0xa7: {  	s28 =	simm.s32 $_size_execute0_lowered;
	s3 =	sadd.s32 s3, s5;
	[dreg:$0x0] =	wrdreg $0x0  }
0xa8: {  	s5 =	sshll.u32 s28, $0x1;
	[dreg:$0x2] =	wrdreg s3  }
0xa9: {  	[dreg:$0x3] =	wrdreg s5  }
0xaa: {  	[dreg:$0x4] =	wrdreg $0xC0  }
0xab: {  	_ =	task [dreg:s7], $0x5FFFF  }
0xac: {  	[dreg:$0x1] =	wrdreg $0xFFFFFFFF  }
0xad: {  	[dreg:$0x0] =	wrdreg $0x60  }
0xae: {  	[dreg:$0x2] =	wrdreg s24  }
0xaf: {  	[dreg:$0x3] =	wrdreg s2  }
0xb0: {  	[dreg:$0x4] =	wrdreg $0x80E80  }
0xb1: {  	[dreg:$0x5] =	wrdreg $0x9  }
0xb2: {  	_ =	task.clear_ibuf [dreg:s7], $0x6FFFF;
	_ =	strace $0x9000004F  }
0xb3: {  	s29 =	simm.s32 $0x9;
	_ =	strace $0x80000051  }
0xb4: {  	_ =	swait.ge [sflag:s29], $0x1  }
0xb5: {  	[sflag:s29] =	ssyncadd.s32 $0xFFFFFFFF  }
0xb6: {  	_ =	strace $0x90000051  }
0xb7: {  	_ =	sfence  }
0xb8: {  	s30 =	sld [smem:$0x0];
	_ =	sdelay $0x2  }
0xb9: {  	s31 =	sshll.u32 s1, $0xD;
	s1 =	sshrl.u32 s1, $0x2  }
0xba: {  	s3 =	sand.u32 $0x4000, s31;
	s1 =	sadd.s32 s1, s30  }
0xbb: {  	s0 =	sor.u32 s3, s0;
	s1 =	sshll.u32 s1, $0x11  }
0xbc: {  	s0 =	sor.u32 s1, s0  }
0xbd: {  	s0 =	sadd.s32 $0x8F2B, s0  }
0xbe: {  	[sflag:s0] =	ssyncadd.remote.s32 $0x1  }
0xbf: {  	_ =	sfence.sel $0xFFFF  }
0xc0: {  	[dreg:$0x0] =	wrdreg $0xFFFFFFFF;
	(pc) =	sbr.abs _section_cstart, $3  }
0xc1: {  	[dreg:$0x1] =	wrdreg $0xFFFFFFFF  }
0xc2: {  	_ =	task.clear_ibuf [dreg:s7], $0x2FFFF;
	_ =	strace $0x9FFFFFFF  }
0xc3: {  	(tm) =	ssettm $0x7FFFFFFF  }
tec
execute0_lowered:
.L_overlay_start_1:
0x0: {  	(tag) =	ssettag $0x1  }
0x1: {  	s3 =	rddreg [dreg:$0x0]  }
0x2: {  	s12 =	rddreg [dreg:$0x1]  }
0x3: {  	s1 =	rddreg [dreg:$0x2]  }
0x4: {  	s0 =	rddreg [dreg:$0x3];
	s2 =	simm.s32 $0x0;
	s4 =	srdreg.scid  }
0x5: {  	s5 =	stileid.u32;
	p1 =	por $0x0, $0x0;
	[smem:$0x7FF] =	sst s2  }
0x6: {  	s4 =	sand.u32 $0x1, s4;
	s8 =	sadd.s32 $0x38200, s3;
	s18 =	sadd.s32 $0xC000, s3  }
0x7: {  	p0 =	sne.s32 s5, $0x0;
	_ =	strace $0x80000050;
	s6 =	sshll.u32 s4, $0x4  }
0x8: {  	s7 =	smul.u32 $0x9C40, s4;
	s4 =	ssub.s32 $0x2, s4;
	s6 =	sor.u32 s5, s6  }
0x9: {  	s21 =	sshrl.u32 s4, $0x1;
	s5 =	simm.s32 $0x1;
	s9 =	smul.u32 $0x1388, s6  }
0xa: {  	s3 =	sadd.s32 s7, s3;
	s6 =	smul.u32 $0x4E20, s6;
	s4 =	ssub.s32 s4, s21  }
0xb: {  	s4 =	smax.u32 s4, $0x1;
	s3 =	sadd.s32 $0xD4600, s3;
	s22 =	sshrl.u32 s9, $0x3  }
0xc: {  	s10 =	sadd.s32 $0x3E8, s9;
	s16 =	sadd.s32 s8, s6;
	s25 =	sadd.s32 $0x7D0, s9  }
0xd: {  	s28 =	sadd.s32 $0xBB8, s9;
	s19 =	sadd.s32 $0xFA0, s9;
	s20 =	sadd.s32 $0xFFFFFFFF, s4  }
0xe: {  	s4 =	sshrl.u32 @!p0 s1, $0x3;
	s17 =	sadd.s32 s18, s22;
	s23 =	sshrl.u32 s10, $0x3  }
0xf: {  	s24 =	sshll.u32 s10, $0x2;
	s26 =	sshrl.u32 s25, $0x3;
	p2 =	sne.s32 s20, $0x0  }
.Ltmp0:
0x10: {  	s7 =	sshll.u32 s25, $0x2;
	s29 =	sshrl.u32 s28, $0x3;
	(pc) =	sbr.rel @!p2 .LBB2_3-.Ltmp0, $4  }
0x11: {  	s6 =	sshll.u32 s28, $0x2;
	s30 =	sshrl.u32 s19, $0x3;
	s31 =	sshll.u32 s19, $0x2  }
0x12: {  	s15 =	sadd.s32 s18, s23;
	s14 =	sadd.s32 s8, s24;
	s13 =	sadd.s32 s18, s26  }
0x13: {  	s11 =	sadd.s32 s8, s7;
	s10 =	sadd.s32 s18, s29;
	s9 =	sadd.s32 s8, s6  }
0x14: {  	s7 =	sadd.s32 s18, s30;
	s6 =	sadd.s32 s8, s31;
	s8 =	simm.s32 $0x3E8  }
0x15: {  	s19 =	simm.s32 @!p0 $0x1C01;
	s18 =	simm.s32 @!p0 $0x1  }
0x16: {  	[spmem:s4], [sflag:s19] =	dma.local @!p0 [hbm:s12], $0x9C40  }
0x17: {  	_ =	swait.ge @!p0 [sflag:s18], $0x9C40  }
0x18: {  	[sflag:s18] =	ssyncset.done @!p0 $0x0  }
0x19: {  	[sflag:s18] =	ssyncadd.s32 @!p0 $0xFFFF63C0  }
0x1a: {  	[bflag:$0x0] =	sbarrier.arrive $0xFFFF  }
0x1b: {  	[tilespmem:s2], [sflag:$0x1] =	stream.linear.gather [hbm4b:s17+s2], $0x3E8, $0x38;
	[tilespmem:$0xCF08] =	vst v63  }
0x1c: {  	_ =	swait.ge [sflag:s5], $0x3E8  }
0x1d: {  	[sflag:s5] =	ssyncset.done $0x0  }
0x1e: {  	[sflag:s5] =	ssyncadd.s32 $0xFFFFFC18  }
0x1f: {  	[tilespmem:s8], [sflag:$0x1] =	stream.linear.gather [hbm4b:s16+s2], $0x7D00, $0x38;
	[tilespmem:$0xCF08] =	vst v63  }
0x20: {  	_ =	swait.ge [sflag:s5], $0x7D00  }
0x21: {  	[sflag:s5] =	ssyncset.done $0x0  }
0x22: {  	[sflag:s5] =	ssyncadd.s32 $0xFFFF8300  }
0x23: {  	[spmem:s1] =	stream.indirect.scatter.add.f32 [tilespmem:s8], [sflag:$0x1], $0x20, s2, s8, $0xb8;
	[tilespmem:$0xCF08] =	vst v63  }
0x24: {  	_ =	swait.ge [sflag:s5], $0x7D00  }
0x25: {  	[sflag:s5] =	ssyncset.done $0x0  }
0x26: {  	[sflag:s5] =	ssyncadd.s32 $0xFFFF8300  }
0x27: {  	[tilespmem:s2], [sflag:$0x1] =	stream.linear.gather [hbm4b:s15+s2], $0x3E8, $0x38;
	[tilespmem:$0xCF08] =	vst v63  }
0x28: {  	_ =	swait.ge [sflag:s5], $0x3E8  }
0x29: {  	[sflag:s5] =	ssyncset.done $0x0  }
0x2a: {  	[sflag:s5] =	ssyncadd.s32 $0xFFFFFC18  }
0x2b: {  	[tilespmem:s8], [sflag:$0x1] =	stream.linear.gather [hbm4b:s14+s2], $0x7D00, $0x38;
	[tilespmem:$0xCF08] =	vst v63  }
0x2c: {  	_ =	swait.ge [sflag:s5], $0x7D00  }
0x2d: {  	[sflag:s5] =	ssyncset.done $0x0  }
0x2e: {  	[sflag:s5] =	ssyncadd.s32 $0xFFFF8300  }
0x2f: {  	[spmem:s1] =	stream.indirect.scatter.add.f32 [tilespmem:s8], [sflag:$0x1], $0x20, s2, s8, $0xb8;
	[tilespmem:$0xCF08] =	vst v63  }
0x30: {  	_ =	swait.ge [sflag:s5], $0x7D00  }
0x31: {  	[sflag:s5] =	ssyncset.done $0x0  }
0x32: {  	[sflag:s5] =	ssyncadd.s32 $0xFFFF8300  }
0x33: {  	[tilespmem:s2], [sflag:$0x1] =	stream.linear.gather [hbm4b:s13+s2], $0x3E8, $0x38;
	[tilespmem:$0xCF08] =	vst v63  }
0x34: {  	_ =	swait.ge [sflag:s5], $0x3E8  }
0x35: {  	[sflag:s5] =	ssyncset.done $0x0  }
0x36: {  	[sflag:s5] =	ssyncadd.s32 $0xFFFFFC18  }
0x37: {  	[tilespmem:s8], [sflag:$0x1] =	stream.linear.gather [hbm4b:s11+s2], $0x7D00, $0x38;
	[tilespmem:$0xCF08] =	vst v63  }
0x38: {  	_ =	swait.ge [sflag:s5], $0x7D00  }
0x39: {  	[sflag:s5] =	ssyncset.done $0x0  }
0x3a: {  	[sflag:s5] =	ssyncadd.s32 $0xFFFF8300  }
0x3b: {  	[spmem:s1] =	stream.indirect.scatter.add.f32 [tilespmem:s8], [sflag:$0x1], $0x20, s2, s8, $0xb8;
	[tilespmem:$0xCF08] =	vst v63  }
0x3c: {  	_ =	swait.ge [sflag:s5], $0x7D00  }
0x3d: {  	[sflag:s5] =	ssyncset.done $0x0  }
0x3e: {  	[sflag:s5] =	ssyncadd.s32 $0xFFFF8300  }
0x3f: {  	[tilespmem:s2], [sflag:$0x1] =	stream.linear.gather [hbm4b:s10+s2], $0x3E8, $0x38;
	[tilespmem:$0xCF08] =	vst v63  }
0x40: {  	_ =	swait.ge [sflag:s5], $0x3E8  }
0x41: {  	[sflag:s5] =	ssyncset.done $0x0  }
0x42: {  	[sflag:s5] =	ssyncadd.s32 $0xFFFFFC18  }
0x43: {  	[tilespmem:s8], [sflag:$0x1] =	stream.linear.gather [hbm4b:s9+s2], $0x7D00, $0x38;
	[tilespmem:$0xCF08] =	vst v63  }
0x44: {  	_ =	swait.ge [sflag:s5], $0x7D00  }
0x45: {  	[sflag:s5] =	ssyncset.done $0x0  }
0x46: {  	[sflag:s5] =	ssyncadd.s32 $0xFFFF8300  }
0x47: {  	[spmem:s1] =	stream.indirect.scatter.add.f32 [tilespmem:s8], [sflag:$0x1], $0x20, s2, s8, $0xb8;
	[tilespmem:$0xCF08] =	vst v63  }
0x48: {  	_ =	swait.ge [sflag:s5], $0x7D00  }
0x49: {  	[sflag:s5] =	ssyncset.done $0x0  }
0x4a: {  	[sflag:s5] =	ssyncadd.s32 $0xFFFF8300  }
0x4b: {  	[tilespmem:s2], [sflag:$0x1] =	stream.linear.gather [hbm4b:s7+s2], $0x3E8, $0x38;
	[tilespmem:$0xCF08] =	vst v63  }
0x4c: {  	_ =	swait.ge [sflag:s5], $0x3E8  }
0x4d: {  	[sflag:s5] =	ssyncset.done $0x0  }
0x4e: {  	[sflag:s5] =	ssyncadd.s32 $0xFFFFFC18  }
0x4f: {  	[tilespmem:s8], [sflag:$0x1] =	stream.linear.gather [hbm4b:s6+s2], $0x7D00, $0x38;
	[tilespmem:$0xCF08] =	vst v63  }
0x50: {  	_ =	swait.ge [sflag:s5], $0x7D00  }
0x51: {  	[sflag:s5] =	ssyncset.done $0x0  }
0x52: {  	[sflag:s5] =	ssyncadd.s32 $0xFFFF8300  }
0x53: {  	[spmem:s1] =	stream.indirect.scatter.add.f32 [tilespmem:s8], [sflag:$0x1], $0x20, s2, s8, $0xb8;
	[tilespmem:$0xCF08] =	vst v63  }
0x54: {  	s20 =	sadd.s32 $0xFFFFFFFF, s20;
	_ =	swait.ge [sflag:s5], $0x7D00  }
0x55: {  	p2 =	sne.s32 s20, $0x0;
	[sflag:s5] =	ssyncset.done $0x0  }
.Ltmp1:
0x56: {  	[sflag:s5] =	ssyncadd.s32 $0xFFFF8300;
	(pc) =	sbr.rel @!p2 .LBB2_3-.Ltmp1, $4  }
0x57: {  	[bflag:$0x0] =	sbarrier.arrive $0xFFFF  }
0x58: {  	[hbm:s3], [sflag:s19] =	dma.local @!p0 [spmem:s4], $0x9C40  }
0x59: {  	_ =	swait.ge @!p0 [sflag:s18], $0x9C40  }
0x5a: {  	p1 =	por $0x1, $0x1;
	[sflag:s18] =	ssyncset.done @!p0 $0x0  }
.LBB2_2:
0x5b: {  	[sflag:s18] =	ssyncadd.s32 @!p0 $0xFFFF63C0  }
0x5c: {  	[spmem:s4], [sflag:s19] =	dma.local @!p0 [hbm:s12], $0x9C40  }
0x5d: {  	s20 =	sadd.s32 $0xFFFFFFFF, s20;
	_ =	swait.ge @!p0 [sflag:s18], $0x9C40  }
0x5e: {  	p2 =	sne.s32 s20, $0x0;
	[sflag:s18] =	ssyncset.done @!p0 $0x0  }
0x5f: {  	[sflag:s18] =	ssyncadd.s32 @!p0 $0xFFFF63C0  }
0x60: {  	[bflag:$0x0] =	sbarrier.arrive $0xFFFF  }
0x61: {  	[tilespmem:s2], [sflag:$0x1] =	stream.linear.gather [hbm4b:s17+s2], $0x3E8, $0x38;
	[tilespmem:$0xCF08] =	vst v63  }
0x62: {  	_ =	swait.ge [sflag:s5], $0x3E8  }
0x63: {  	[sflag:s5] =	ssyncset.done $0x0  }
0x64: {  	[sflag:s5] =	ssyncadd.s32 $0xFFFFFC18  }
0x65: {  	[tilespmem:s8], [sflag:$0x1] =	stream.linear.gather [hbm4b:s16+s2], $0x7D00, $0x38;
	[tilespmem:$0xCF08] =	vst v63  }
0x66: {  	_ =	swait.ge [sflag:s5], $0x7D00  }
0x67: {  	[sflag:s5] =	ssyncset.done $0x0  }
0x68: {  	[sflag:s5] =	ssyncadd.s32 $0xFFFF8300  }
0x69: {  	[spmem:s1] =	stream.indirect.scatter.add.f32 [tilespmem:s8], [sflag:$0x1], $0x20, s2, s8, $0xb8;
	[tilespmem:$0xCF08] =	vst v63  }
0x6a: {  	_ =	swait.ge [sflag:s5], $0x7D00  }
0x6b: {  	[sflag:s5] =	ssyncset.done $0x0  }
0x6c: {  	[sflag:s5] =	ssyncadd.s32 $0xFFFF8300  }
0x6d: {  	[tilespmem:s2], [sflag:$0x1] =	stream.linear.gather [hbm4b:s15+s2], $0x3E8, $0x38;
	[tilespmem:$0xCF08] =	vst v63  }
0x6e: {  	_ =	swait.ge [sflag:s5], $0x3E8  }
0x6f: {  	[sflag:s5] =	ssyncset.done $0x0  }
0x70: {  	[sflag:s5] =	ssyncadd.s32 $0xFFFFFC18  }
0x71: {  	[tilespmem:s8], [sflag:$0x1] =	stream.linear.gather [hbm4b:s14+s2], $0x7D00, $0x38;
	[tilespmem:$0xCF08] =	vst v63  }
0x72: {  	_ =	swait.ge [sflag:s5], $0x7D00  }
0x73: {  	[sflag:s5] =	ssyncset.done $0x0  }
0x74: {  	[sflag:s5] =	ssyncadd.s32 $0xFFFF8300  }
0x75: {  	[spmem:s1] =	stream.indirect.scatter.add.f32 [tilespmem:s8], [sflag:$0x1], $0x20, s2, s8, $0xb8;
	[tilespmem:$0xCF08] =	vst v63  }
0x76: {  	_ =	swait.ge [sflag:s5], $0x7D00  }
0x77: {  	[sflag:s5] =	ssyncset.done $0x0  }
0x78: {  	[sflag:s5] =	ssyncadd.s32 $0xFFFF8300  }
0x79: {  	[tilespmem:s2], [sflag:$0x1] =	stream.linear.gather [hbm4b:s13+s2], $0x3E8, $0x38;
	[tilespmem:$0xCF08] =	vst v63  }
0x7a: {  	_ =	swait.ge [sflag:s5], $0x3E8  }
0x7b: {  	[sflag:s5] =	ssyncset.done $0x0  }
0x7c: {  	[sflag:s5] =	ssyncadd.s32 $0xFFFFFC18  }
0x7d: {  	[tilespmem:s8], [sflag:$0x1] =	stream.linear.gather [hbm4b:s11+s2], $0x7D00, $0x38;
	[tilespmem:$0xCF08] =	vst v63  }
0x7e: {  	_ =	swait.ge [sflag:s5], $0x7D00  }
0x7f: {  	[sflag:s5] =	ssyncset.done $0x0  }
0x80: {  	[sflag:s5] =	ssyncadd.s32 $0xFFFF8300  }
0x81: {  	[spmem:s1] =	stream.indirect.scatter.add.f32 [tilespmem:s8], [sflag:$0x1], $0x20, s2, s8, $0xb8;
	[tilespmem:$0xCF08] =	vst v63  }
0x82: {  	_ =	swait.ge [sflag:s5], $0x7D00  }
0x83: {  	[sflag:s5] =	ssyncset.done $0x0  }
0x84: {  	[sflag:s5] =	ssyncadd.s32 $0xFFFF8300  }
0x85: {  	[tilespmem:s2], [sflag:$0x1] =	stream.linear.gather [hbm4b:s10+s2], $0x3E8, $0x38;
	[tilespmem:$0xCF08] =	vst v63  }
0x86: {  	_ =	swait.ge [sflag:s5], $0x3E8  }
0x87: {  	[sflag:s5] =	ssyncset.done $0x0  }
0x88: {  	[sflag:s5] =	ssyncadd.s32 $0xFFFFFC18  }
0x89: {  	[tilespmem:s8], [sflag:$0x1] =	stream.linear.gather [hbm4b:s9+s2], $0x7D00, $0x38;
	[tilespmem:$0xCF08] =	vst v63  }
0x8a: {  	_ =	swait.ge [sflag:s5], $0x7D00  }
0x8b: {  	[sflag:s5] =	ssyncset.done $0x0  }
0x8c: {  	[sflag:s5] =	ssyncadd.s32 $0xFFFF8300  }
0x8d: {  	[spmem:s1] =	stream.indirect.scatter.add.f32 [tilespmem:s8], [sflag:$0x1], $0x20, s2, s8, $0xb8;
	[tilespmem:$0xCF08] =	vst v63  }
0x8e: {  	_ =	swait.ge [sflag:s5], $0x7D00  }
0x8f: {  	[sflag:s5] =	ssyncset.done $0x0  }
0x90: {  	[sflag:s5] =	ssyncadd.s32 $0xFFFF8300  }
0x91: {  	[tilespmem:s2], [sflag:$0x1] =	stream.linear.gather [hbm4b:s7+s2], $0x3E8, $0x38;
	[tilespmem:$0xCF08] =	vst v63  }
0x92: {  	_ =	swait.ge [sflag:s5], $0x3E8  }
0x93: {  	[sflag:s5] =	ssyncset.done $0x0  }
0x94: {  	[sflag:s5] =	ssyncadd.s32 $0xFFFFFC18  }
0x95: {  	[tilespmem:s8], [sflag:$0x1] =	stream.linear.gather [hbm4b:s6+s2], $0x7D00, $0x38;
	[tilespmem:$0xCF08] =	vst v63  }
0x96: {  	_ =	swait.ge [sflag:s5], $0x7D00  }
0x97: {  	[sflag:s5] =	ssyncset.done $0x0  }
0x98: {  	[sflag:s5] =	ssyncadd.s32 $0xFFFF8300  }
0x99: {  	[spmem:s1] =	stream.indirect.scatter.add.f32 [tilespmem:s8], [sflag:$0x1], $0x20, s2, s8, $0xb8;
	[tilespmem:$0xCF08] =	vst v63  }
0x9a: {  	_ =	swait.ge [sflag:s5], $0x7D00  }
0x9b: {  	[sflag:s5] =	ssyncset.done $0x0  }
.Ltmp2:
0x9c: {  	[sflag:s5] =	ssyncadd.s32 $0xFFFF8300;
	(pc) =	sbr.rel @p2 .LBB2_2-.Ltmp2, $4  }
0x9d: {  	[bflag:$0x0] =	sbarrier.arrive $0xFFFF  }
0x9e: {  	[hbm:s3], [sflag:s19] =	dma.local @!p0 [spmem:s4], $0x9C40  }
0x9f: {  	_ =	swait.ge @!p0 [sflag:s18], $0x9C40  }
0xa0: {  	[sflag:s18] =	ssyncset.done @!p0 $0x0  }
.LBB2_3:
0xa1: {  	p1 =	por p0, !p1  }
0xa2: {  	s20 =	simm.s32 @!p0 $0x1C01;
	s19 =	simm.s32 @!p0 $0x1;
	[sflag:s18] =	ssyncadd.s32 @!p1 $0xFFFF63C0  }
0xa3: {  	[spmem:s4], [sflag:s20] =	dma.local @!p0 [hbm:s12], $0x9C40  }
0xa4: {  	_ =	swait.ge @!p0 [sflag:s19], $0x9C40  }
0xa5: {  	[sflag:s19] =	ssyncset.done @!p0 $0x0  }
0xa6: {  	[sflag:s19] =	ssyncadd.s32 @!p0 $0xFFFF63C0  }
0xa7: {  	[bflag:$0x0] =	sbarrier.arrive $0xFFFF  }
0xa8: {  	[tilespmem:s2], [sflag:$0x1] =	stream.linear.gather [hbm4b:s17+s2], $0x3E8, $0x38;
	[tilespmem:$0xCF08] =	vst v63  }
0xa9: {  	_ =	swait.ge [sflag:s5], $0x3E8  }
0xaa: {  	[sflag:s5] =	ssyncset.done $0x0  }
0xab: {  	[sflag:s5] =	ssyncadd.s32 $0xFFFFFC18  }
0xac: {  	[tilespmem:s8], [sflag:$0x1] =	stream.linear.gather [hbm4b:s16+s2], $0x7D00, $0x38;
	[tilespmem:$0xCF08] =	vst v63  }
0xad: {  	_ =	swait.ge [sflag:s5], $0x7D00  }
0xae: {  	[sflag:s5] =	ssyncset.done $0x0  }
0xaf: {  	[sflag:s5] =	ssyncadd.s32 $0xFFFF8300  }
0xb0: {  	[spmem:s1] =	stream.indirect.scatter.add.f32 [tilespmem:s8], [sflag:$0x1], $0x20, s2, s8, $0xb8;
	[tilespmem:$0xCF08] =	vst v63  }
0xb1: {  	_ =	swait.ge [sflag:s5], $0x7D00  }
0xb2: {  	[sflag:s5] =	ssyncset.done $0x0  }
0xb3: {  	[sflag:s5] =	ssyncadd.s32 $0xFFFF8300  }
0xb4: {  	[tilespmem:s2], [sflag:$0x1] =	stream.linear.gather [hbm4b:s15+s2], $0x3E8, $0x38;
	[tilespmem:$0xCF08] =	vst v63  }
0xb5: {  	_ =	swait.ge [sflag:s5], $0x3E8  }
0xb6: {  	[sflag:s5] =	ssyncset.done $0x0  }
0xb7: {  	[sflag:s5] =	ssyncadd.s32 $0xFFFFFC18  }
0xb8: {  	[tilespmem:s8], [sflag:$0x1] =	stream.linear.gather [hbm4b:s14+s2], $0x7D00, $0x38;
	[tilespmem:$0xCF08] =	vst v63  }
0xb9: {  	_ =	swait.ge [sflag:s5], $0x7D00  }
0xba: {  	[sflag:s5] =	ssyncset.done $0x0  }
0xbb: {  	[sflag:s5] =	ssyncadd.s32 $0xFFFF8300  }
0xbc: {  	[spmem:s1] =	stream.indirect.scatter.add.f32 [tilespmem:s8], [sflag:$0x1], $0x20, s2, s8, $0xb8;
	[tilespmem:$0xCF08] =	vst v63  }
0xbd: {  	_ =	swait.ge [sflag:s5], $0x7D00  }
0xbe: {  	[sflag:s5] =	ssyncset.done $0x0  }
0xbf: {  	[sflag:s5] =	ssyncadd.s32 $0xFFFF8300  }
0xc0: {  	[tilespmem:s2], [sflag:$0x1] =	stream.linear.gather [hbm4b:s13+s2], $0x3E8, $0x38;
	[tilespmem:$0xCF08] =	vst v63  }
0xc1: {  	_ =	swait.ge [sflag:s5], $0x3E8  }
0xc2: {  	[sflag:s5] =	ssyncset.done $0x0  }
0xc3: {  	[sflag:s5] =	ssyncadd.s32 $0xFFFFFC18  }
0xc4: {  	[tilespmem:s8], [sflag:$0x1] =	stream.linear.gather [hbm4b:s11+s2], $0x7D00, $0x38;
	[tilespmem:$0xCF08] =	vst v63  }
0xc5: {  	_ =	swait.ge [sflag:s5], $0x7D00  }
0xc6: {  	[sflag:s5] =	ssyncset.done $0x0  }
0xc7: {  	[sflag:s5] =	ssyncadd.s32 $0xFFFF8300  }
0xc8: {  	[spmem:s1] =	stream.indirect.scatter.add.f32 [tilespmem:s8], [sflag:$0x1], $0x20, s2, s8, $0xb8;
	[tilespmem:$0xCF08] =	vst v63  }
0xc9: {  	_ =	swait.ge [sflag:s5], $0x7D00  }
0xca: {  	[sflag:s5] =	ssyncset.done $0x0  }
0xcb: {  	[sflag:s5] =	ssyncadd.s32 $0xFFFF8300  }
0xcc: {  	[tilespmem:s2], [sflag:$0x1] =	stream.linear.gather [hbm4b:s10+s2], $0x3E8, $0x38;
	[tilespmem:$0xCF08] =	vst v63  }
0xcd: {  	_ =	swait.ge [sflag:s5], $0x3E8  }
0xce: {  	[sflag:s5] =	ssyncset.done $0x0  }
0xcf: {  	[sflag:s5] =	ssyncadd.s32 $0xFFFFFC18  }
0xd0: {  	[tilespmem:s8], [sflag:$0x1] =	stream.linear.gather [hbm4b:s9+s2], $0x7D00, $0x38;
	[tilespmem:$0xCF08] =	vst v63  }
0xd1: {  	_ =	swait.ge [sflag:s5], $0x7D00  }
0xd2: {  	[sflag:s5] =	ssyncset.done $0x0  }
0xd3: {  	[sflag:s5] =	ssyncadd.s32 $0xFFFF8300  }
0xd4: {  	[spmem:s1] =	stream.indirect.scatter.add.f32 [tilespmem:s8], [sflag:$0x1], $0x20, s2, s8, $0xb8;
	[tilespmem:$0xCF08] =	vst v63  }
0xd5: {  	_ =	swait.ge [sflag:s5], $0x7D00  }
0xd6: {  	[sflag:s5] =	ssyncset.done $0x0  }
0xd7: {  	[sflag:s5] =	ssyncadd.s32 $0xFFFF8300  }
0xd8: {  	[tilespmem:s2], [sflag:$0x1] =	stream.linear.gather [hbm4b:s7+s2], $0x3E8, $0x38;
	[tilespmem:$0xCF08] =	vst v63  }
0xd9: {  	_ =	swait.ge [sflag:s5], $0x3E8  }
0xda: {  	[sflag:s5] =	ssyncset.done $0x0  }
0xdb: {  	[sflag:s5] =	ssyncadd.s32 $0xFFFFFC18  }
0xdc: {  	[tilespmem:s8], [sflag:$0x1] =	stream.linear.gather [hbm4b:s6+s2], $0x7D00, $0x38;
	[tilespmem:$0xCF08] =	vst v63  }
0xdd: {  	_ =	swait.ge [sflag:s5], $0x7D00  }
0xde: {  	[sflag:s5] =	ssyncset.done $0x0  }
0xdf: {  	[sflag:s5] =	ssyncadd.s32 $0xFFFF8300  }
0xe0: {  	[spmem:s1] =	stream.indirect.scatter.add.f32 [tilespmem:s8], [sflag:$0x1], $0x20, s2, s8, $0xb8;
	[tilespmem:$0xCF08] =	vst v63  }
0xe1: {  	_ =	swait.ge [sflag:s5], $0x7D00  }
0xe2: {  	[sflag:s5] =	ssyncset.done $0x0  }
0xe3: {  	[sflag:s5] =	ssyncadd.s32 $0xFFFF8300  }
0xe4: {  	[bflag:$0x0] =	sbarrier.arrive $0xFFFF  }
0xe5: {  	[hbm:s3], [sflag:s20] =	dma.local @!p0 [spmem:s4], $0x9C40  }
0xe6: {  	_ =	swait.ge @!p0 [sflag:s19], $0x9C40  }
0xe7: {  	[sflag:s19] =	ssyncset.done @!p0 $0x0  }
0xe8: {  	[sflag:s19] =	ssyncadd.s32 @!p0 $0xFFFF63C0  }
0xe9: {  	_ =	sfence.sel $0x180000  }
0xea: {  	[bflag:$0x0] =	sbarrier.arrive $0xFFFF  }
0xeb: {  	_ =	strace $0x90000050  }
0xec: {  	s0 =	sadd.s32 @!p0 $0x100000, s0;
	[bflag:$0x2] =	sbarrier.arrive $0xFFFF  }
0xed: {  	[sflag:s0] =	ssyncadd.tile.s32 @!p0 $0x1;
	_ =	shalt  }
.Lfunc_end2:
_tile_overlayer_lowered:
.L_overlay_start_2:
0xee: {  	(tag) =	ssettag $0x2  }
0xef: {  	s0 =	rddreg [dreg:$0x0];
	s2 =	stileid.u32  }
0xf0: {  	s1 =	rddreg [dreg:$0x1];
	p0 =	sne.s32 s2, $0x0  }
0xf1: {  	s3 =	rddreg [dreg:$0x2];
	[bflag:$0x3] =	sbarrier.arrive $0xFFFF;
	s2 =	simm.s32 @!p0 $0x1C01  }
0xf2: {  	[timem:s3], [sflag:s2] =	dma.local @!p0 [hbm:s0], s1  }
0xf3: {  	s0 =	simm.s32 @!p0 $0x1  }
0xf4: {  	_ =	swait.ge @!p0 [sflag:s0], s1  }
0xf5: {  	s1 =	ssub.s32 @!p0 $0x0, s1;
	[sflag:s0] =	ssyncset.done @!p0 $0x0  }
0xf6: {  	[sflag:s0] =	ssyncadd.s32 @!p0 s1  }
0xf7: {  	[bflag:$0x3] =	sbarrier.arrive $0xFFFF  }
0xf8: {  	_ =	shalt  }

// kernel: kernel.28.cloned.1.call-start
scs
__scs_entry_jumppad:
0x0: {  	(pc) =	sbr.rel $0x88, $3  }
0x1: {  	(tag) =	ssettag $0x0;
	lr =	simm.s32 $0x1  }
0x2: {  	[smem:$0x3F91] =	sst lr;
	_ =	strace $0xD0000000  }
0x3: {  	_ = 	snop  }
0x4: {  	_ = 	snop  }
0x5: {  	_ = 	snop  }
0x6: {  	_ = 	snop  }
0x7: {  	_ = 	snop  }
__scs_overlays_trampoline_lowered:
0x8: {  	[smem:$0x3FA0] =	sst s0  }
0x9: {  	[smem:$0x3FA1] =	sst s1  }
0xa: {  	[smem:$0x3FA2] =	sst s2  }
0xb: {  	[smem:$0x3FA3] =	sst s3  }
0xc: {  	[smem:$0x3FA4] =	sst s4  }
0xd: {  	[smem:$0x3FA5] =	sst s5  }
0xe: {  	[smem:$0x3FA6] =	sst s6  }
0xf: {  	[smem:$0x3FA7] =	sst s7  }
0x10: {  	[smem:$0x3FA8] =	sst s8  }
0x11: {  	[smem:$0x3FA9] =	sst s9;
	s0 =	simm.s32 @!p0 $0x0  }
0x12: {  	s1 =	sld [smem:$0x3F8F];
	s0 =	simm.s32 @p0 $0x1  }
0x13: {  	[smem:$0x3FAA] =	sst s0;
	s0 =	simm.s32 @!p1 $0x0  }
0x14: {  	s2 =	sld [smem:$0x3F8E];
	s0 =	simm.s32 @p1 $0x1  }
0x15: {  	[smem:$0x3FAB] =	sst s0;
	s0 =	simm.s32 @!p2 $0x0  }
0x16: {  	s3 =	sld [smem:$0x3FDB];
	s0 =	simm.s32 @p2 $0x1  }
0x17: {  	s4 =	simm.s32 $0x1BF5;
	[smem:$0x3FAD] =	sst s0  }
0x18: {  	s0 =	sld [smem:$0x3F90];
	_ =	swait.ge [sflag:s4], $0x0  }
0x19: {  	s7 =	sld [smem:$0x3F91]  }
0x1a: {  	s8 =	sadd.s32 $0xFFFFE003, lr  }
0x1b: {  	s9 =	sadd.s32 $0xFFFFFEF7, lr;
	s5 =	simm.s32 $0xFFFFFFFF;
	p2 =	slt.u32 s8, $0xFFFFF086  }
0x1c: {  	p1 =	slt.u32 s9, $0xF7A;
	s5 =	simm.s32 @!p2 $0x0  }
0x1d: {  	s5 =	simm.s32 @p1 $0x1;
	p0 =	seq.s32 s7, s2  }
0x1e: {  	s7 =	smul.u32 @!p0 $0xF7A, s2;
	p2 =	seq.s32 @!p0 s5, $0x0  }
0x1f: {  	s9 =	smul.u32 $0xF7A, s1;
	s8 =	simm.s32 @!p0 $0x1BF5;
	p2 =	por !p2, p0  }
0x20: {  	[sflag:s8] =	ssyncset.s32 @!p0 $0xFFFFF086;
	s6 =	sadd.s32 @!p0 s3, s7;
	s7 =	simm.s32 @!p0 $0x108  }
0x21: {  	s3 =	sadd.s32 s3, s9;
	s6 =	sadd.s32 @!p0 $0x88, s6;
	s7 =	simm.s32 @p2 $0x1082  }
0x22: {  	[simem:s7], [sflag:s8] =	dma.local @!p0 [hbm:s6], $0xF7A  }
0x23: {  	s9 =	sor.u32 $0xD0000000, s2;
	s6 =	simm.s32 $0x108;
	_ =	swait.ge @!p0 [sflag:s8], $0x0  }
0x24: {  	s3 =	sadd.s32 $0x88, s3;
	s6 =	simm.s32 @!p1 $0x1082;
	[sflag:s4] =	ssyncset.s32 $0xFFFFF086  }
0x25: {  	[simem:s6], [sflag:s4] =	dma.local [hbm:s3], $0xF7A  }
0x26: {  	[smem:$0x3F91] =	sst s1;
	(tag) =	ssettag s2;
	_ =	strace s9  }
0x27: {  	s1 =	sld [smem:$0x3FA1]  }
0x28: {  	s2 =	sld [smem:$0x3FA2]  }
0x29: {  	s4 =	sld [smem:$0x3FA4]  }
0x2a: {  	p0 =	seq.s32 s5, $0x0;
	s5 =	sld [smem:$0x3FA5]  }
0x2b: {  	s6 =	sld [smem:$0x3FA6]  }
0x2c: {  	s7 =	sld [smem:$0x3FA7]  }
0x2d: {  	s3 =	simm.s32 $0x108;
	s8 =	sld [smem:$0x3FA8]  }
0x2e: {  	s3 =	simm.s32 @!p0 $0x1082;
	s9 =	sld [smem:$0x3FA9]  }
0x2f: {  	lr =	sadd.s32 s0, s3;
	s0 =	sld [smem:$0x3FA0]  }
0x30: {  	s3 =	sld [smem:$0x3FA3]  }
0x31: {  	[smem:$0x3FAC] =	sst s10  }
0x32: {  	s10 =	sld [smem:$0x3FAA];
	_ =	sdelay $0x3  }
0x33: {  	p0 =	seq.s32 s10, $0x1;
	s10 =	sld [smem:$0x3FAC];
	_ =	sdelay $0x3  }
0x34: {  	[smem:$0x3FAC] =	sst s10  }
0x35: {  	s10 =	sld [smem:$0x3FAB];
	_ =	sdelay $0x3  }
0x36: {  	p1 =	seq.s32 s10, $0x1;
	s10 =	sld [smem:$0x3FAC];
	_ =	sdelay $0x3  }
0x37: {  	[smem:$0x3FAC] =	sst s10  }
0x38: {  	s10 =	sld [smem:$0x3FAD]  }
0x39: {  	_ = 	snop;
	(pc) =	sbr.ind lr, $3  }
0x3a: {  	_ = 	snop  }
0x3b: {  	_ = 	snop  }
0x3c: {  	p2 =	seq.s32 s10, $0x1;
	s10 =	sld [smem:$0x3FAC]  }
0x3d: {  	_ =	shalt  }
0x3e: {  	_ =	shalt  }
0x3f: {  	_ =	shalt  }
0x40: {  	_ =	shalt  }
0x41: {  	_ =	shalt  }
0x42: {  	_ =	shalt  }
0x43: {  	_ =	shalt  }
0x44: {  	_ =	shalt  }
0x45: {  	_ =	shalt  }
0x46: {  	_ =	shalt  }
0x47: {  	_ =	shalt  }
0x48: {  	_ =	shalt  }
0x49: {  	_ =	shalt  }
0x4a: {  	_ =	shalt  }
0x4b: {  	_ =	shalt  }
0x4c: {  	_ =	shalt  }
0x4d: {  	_ =	shalt  }
0x4e: {  	_ =	shalt  }
0x4f: {  	_ =	shalt  }
0x50: {  	_ =	shalt  }
0x51: {  	_ =	shalt  }
0x52: {  	_ =	shalt  }
0x53: {  	_ =	shalt  }
0x54: {  	_ =	shalt  }
0x55: {  	_ =	shalt  }
0x56: {  	_ =	shalt  }
0x57: {  	_ =	shalt  }
0x58: {  	_ =	shalt  }
0x59: {  	_ =	shalt  }
0x5a: {  	_ =	shalt  }
0x5b: {  	_ =	shalt  }
0x5c: {  	_ =	shalt  }
0x5d: {  	_ =	shalt  }
0x5e: {  	_ =	shalt  }
0x5f: {  	_ =	shalt  }
0x60: {  	_ =	shalt  }
0x61: {  	_ =	shalt  }
0x62: {  	_ =	shalt  }
0x63: {  	_ =	shalt  }
0x64: {  	_ =	shalt  }
0x65: {  	_ =	shalt  }
0x66: {  	_ =	shalt  }
0x67: {  	_ =	shalt  }
0x68: {  	_ =	shalt  }
0x69: {  	_ =	shalt  }
0x6a: {  	_ =	shalt  }
0x6b: {  	_ =	shalt  }
0x6c: {  	_ =	shalt  }
0x6d: {  	_ =	shalt  }
0x6e: {  	_ =	shalt  }
0x6f: {  	_ =	shalt  }
0x70: {  	_ =	shalt  }
0x71: {  	_ =	shalt  }
0x72: {  	_ =	shalt  }
0x73: {  	_ =	shalt  }
0x74: {  	_ =	shalt  }
0x75: {  	_ =	shalt  }
0x76: {  	_ =	shalt  }
0x77: {  	_ =	shalt  }
0x78: {  	_ =	shalt  }
0x79: {  	_ =	shalt  }
0x7a: {  	_ =	shalt  }
0x7b: {  	_ =	shalt  }
0x7c: {  	_ =	shalt  }
0x7d: {  	_ =	shalt  }
0x7e: {  	_ =	shalt  }
0x7f: {  	_ =	shalt  }
0x80: {  	_ =	shalt  }
0x81: {  	_ =	shalt  }
0x82: {  	_ =	shalt  }
0x83: {  	_ =	shalt  }
0x84: {  	_ =	shalt  }
0x85: {  	_ =	shalt  }
0x86: {  	_ =	shalt  }
0x87: {  	_ =	shalt  }
.Lfunc_end0:
.L_simem_size_0:
called_computation.4_lowered:
.L_overlay_start_0:
0x88: {  	s2 =	sld [smem:$0x3FD9]  }
0x89: {  	s3 =	sld [smem:$0x3FFE];
	_ =	sdelay $0x1  }
0x8a: {  	s1 =	srdreg.scid  }
0x8b: {  	s0 =	sand.u32 $0x1, s1  }
0x8c: {  	s16 =	sshll.u32 s0, $0xA;
	s2 =	sadd.s32 s3, s2  }
0x8d: {  	s2 =	sadd.s32 s2, s16  }
0x8e: {  	[smem:$0x3FB8] =	sst s2  }
0x8f: {  	_ = 	snop  }
0x90: {  	(tm) =	ssettm $0x1  }
0x91: {  	s17 =	sld [smem:$0x3FFB];
	_ =	sdelay $0x3  }
0x92: {  	_ =	strace s17  }
0x93: {  	s2 =	sld [smem:$0x3FFC];
	_ =	sdelay $0x3  }
0x94: {  	_ =	strace s2  }
0x95: {  	s2 =	sld [smem:$0x3FFD];
	_ =	sdelay $0x3  }
0x96: {  	_ =	strace s2  }
0x97: {  	_ =	strace $0x8FFFFFFF  }
0x98: {  	s18 =	sld [smem:$0x3FDB];
	_ =	sdelay $0x1  }
0x99: {  	s19 =	simm.s32 $_scs_section_size  }
0x9a: {  	s4 =	simm.s32 $_size__tile_overlayer_lowered;
	s5 =	simm.s32 $_tile_overlayer_lowered  }
0x9b: {  	s22 =	simm.s32 $0x1BFF;
	s21 =	sshll.u32 s5, $0x1;
	s2 =	sadd.s32 s19, s18  }
0x9c: {  	s6 =	simm.s32 $0x0;
	s20 =	sshll.u32 s4, $0x1;
	s4 =	sadd.s32 s21, s2  }
0x9d: {  	[timem:s6], [sflag:s22] =	dma.local [hbm:s4], s20  }
0x9e: {  	_ =	swait.ge [sflag:s22], s20  }
0x9f: {  	s3 =	ssub.s32 $0x0, s20;
	[sflag:s22] =	ssyncset.done $0x0  }
0xa0: {  	[sflag:s22] =	ssyncadd.s32 s3;
	_ =	sdelay $0x1  }
0xa1: {  	s23 =	simm.s32 $0x1B8B  }
0xa2: {  	_ =	swait.ge [sflag:s23], $0x1  }
0xa3: {  	[sflag:s23] =	ssyncset.done $0x0  }
0xa4: {  	s25 =	simm.s32 $0x1B8E;
	s24 =	sld [smem:$0x3FFE];
	[sflag:s23] =	ssyncadd.s32 $0xFFFFFFFF  }
0xa5: {  	s26 =	simm.s32 $execute0_lowered;
	[smem:$0x3FD2] =	sst s25  }
0xa6: {  	s4 =	sshll.u32 s26, $0x1;
	_ =	strace $0x80000052;
	[dreg:$0x1] =	wrdreg $0xFFFFFFFF  }
0xa7: {  	s28 =	simm.s32 $_size_execute0_lowered;
	s2 =	sadd.s32 s2, s4;
	[dreg:$0x0] =	wrdreg $0x0  }
0xa8: {  	s4 =	sshll.u32 s28, $0x1;
	[dreg:$0x2] =	wrdreg s2  }
0xa9: {  	[dreg:$0x3] =	wrdreg s4  }
0xaa: {  	[dreg:$0x4] =	wrdreg $0xC0  }
0xab: {  	_ =	task [dreg:s6], $0x5FFFF  }
0xac: {  	[dreg:$0x1] =	wrdreg $0xFFFFFFFF  }
0xad: {  	[dreg:$0x0] =	wrdreg $0x60  }
0xae: {  	[dreg:$0x2] =	wrdreg s24  }
0xaf: {  	[dreg:$0x3] =	wrdreg $0x9  }
0xb0: {  	_ =	task.clear_ibuf [dreg:s6], $0x4FFFF;
	_ =	strace $0x90000052  }
0xb1: {  	s29 =	simm.s32 $0x9;
	_ =	strace $0x80000054  }
0xb2: {  	_ =	swait.ge [sflag:s29], $0x1  }
0xb3: {  	[sflag:s29] =	ssyncadd.s32 $0xFFFFFFFF  }
0xb4: {  	_ =	strace $0x90000054  }
0xb5: {  	_ =	sfence  }
0xb6: {  	s30 =	sld [smem:$0x0];
	_ =	sdelay $0x2  }
0xb7: {  	s31 =	sshll.u32 s1, $0xD;
	s1 =	sshrl.u32 s1, $0x2  }
0xb8: {  	s3 =	sand.u32 $0x4000, s31;
	s1 =	sadd.s32 s1, s30  }
0xb9: {  	s0 =	sor.u32 s3, s0;
	s1 =	sshll.u32 s1, $0x11  }
0xba: {  	s0 =	sor.u32 s1, s0  }
0xbb: {  	s0 =	sadd.s32 $0x8F2B, s0  }
0xbc: {  	[sflag:s0] =	ssyncadd.remote.s32 $0x1  }
0xbd: {  	_ =	sfence.sel $0xFFFF  }
0xbe: {  	[dreg:$0x0] =	wrdreg $0xFFFFFFFF;
	(pc) =	sbr.abs _section_cstart, $3  }
0xbf: {  	[dreg:$0x1] =	wrdreg $0xFFFFFFFF  }
0xc0: {  	_ =	task.clear_ibuf [dreg:s6], $0x2FFFF;
	_ =	strace $0x9FFFFFFF  }
0xc1: {  	(tm) =	ssettm $0x7FFFFFFF  }
tec
execute0_lowered:
.L_overlay_start_1:
0x0: {  	(tag) =	ssettag $0x1  }
0x1: {  	s1 =	srdreg.scid;
	s0 =	stileid.u32  }
0x2: {  	s16 =	sand.u32 $0x1, s1;
	s26 =	sshll.u32 s0, $0x1  }
0x3: {  	s8 =	sor.u32 s16, s26  }
0x4: {  	s9 =	rddreg [dreg:$0x0];
	s17 =	smul.u32 $0x1388, s8  }
0x5: {  	s2 =	simm.s32 $0x0;
	s1 =	rddreg [dreg:$0x1]  }
0x6: {  	[smem:$0x7FF] =	sst s2;
	s15 =	sadd.s32 $0x7000, s9;
	s3 =	sshrl.u32 s17, $0x3  }
0x7: {  	_ =	strace $0x80000053;
	s4 =	sadd.s32 s15, s3;
	s3 =	simm.s32 $0x2  }
0x8: {  	[tilespmem:s2], [sflag:$0x2] =	stream.linear.gather [hbm4b:s4+s2], $0x3E8, $0x38;
	[tilespmem:$0x80E8] =	vst v63  }
0x9: {  	_ =	swait.ge [sflag:s3], $0x3E8  }
0xa: {  	s6 =	simm.s32 $0x3E8;
	[sflag:s3] =	ssyncset.done $0x0  }
0xb: {  	s7 =	simm.s32 $0x1;
	s5 =	sadd.s32 $0x38200, s9;
	[sflag:s3] =	ssyncadd.s32 $0xFFFFFC18  }
0xc: {  	[tilespmem:s6], [sflag:$0x1] =	stream.indirect.gather [hbm4b:s5+s6], $0x20, s2, s6, $0xb8;
	[tilespmem:$0x80E8] =	vst v63  }
0xd: {  	s8 =	smul.u32 $0x4E20, s8;
	_ =	swait.ge [sflag:s7], $0x7D00  }
0xe: {  	s18 =	sadd.s32 $0x42000, s9;
	[sflag:s7] =	ssyncset.done $0x0  }
0xf: {  	s8 =	sadd.s32 s18, s8;
	[sflag:s7] =	ssyncadd.s32 $0xFFFF8300  }
0x10: {  	[hbm4b:s8+s2] =	stream.linear.scatter [tilespmem:s6], [sflag:$0x2], $0x7D00, $0x38;
	[tilespmem:$0x80E8] =	vst v63  }
0x11: {  	s10 =	sadd.s32 $0x3E8, s17;
	_ =	swait.ge [sflag:s3], $0x7D00  }
0x12: {  	s28 =	sshrl.u32 s10, $0x3;
	[sflag:s3] =	ssyncset.done $0x0  }
0x13: {  	s9 =	sadd.s32 s15, s28;
	[sflag:s3] =	ssyncadd.s32 $0xFFFF8300  }
0x14: {  	[tilespmem:s2], [sflag:$0x2] =	stream.linear.gather [hbm4b:s9+s2], $0x3E8, $0x38;
	[tilespmem:$0x80E8] =	vst v63  }
0x15: {  	_ =	swait.ge [sflag:s3], $0x3E8  }
0x16: {  	[sflag:s3] =	ssyncset.done $0x0  }
0x17: {  	[sflag:s3] =	ssyncadd.s32 $0xFFFFFC18  }
0x18: {  	[tilespmem:s6], [sflag:$0x1] =	stream.indirect.gather [hbm4b:s5+s6], $0x20, s2, s6, $0xb8;
	[tilespmem:$0x80E8] =	vst v63  }
0x19: {  	_ =	swait.ge [sflag:s7], $0x7D00  }
0x1a: {  	s10 =	sshll.u32 s10, $0x2;
	[sflag:s7] =	ssyncset.done $0x0  }
0x1b: {  	s10 =	sadd.s32 s18, s10;
	[sflag:s7] =	ssyncadd.s32 $0xFFFF8300  }
0x1c: {  	[hbm4b:s10+s2] =	stream.linear.scatter [tilespmem:s6], [sflag:$0x2], $0x7D00, $0x38;
	[tilespmem:$0x80E8] =	vst v63  }
0x1d: {  	s12 =	sadd.s32 $0x7D0, s17;
	_ =	swait.ge [sflag:s3], $0x7D00  }
0x1e: {  	s11 =	sshrl.u32 s12, $0x3;
	[sflag:s3] =	ssyncset.done $0x0  }
0x1f: {  	s11 =	sadd.s32 s15, s11;
	[sflag:s3] =	ssyncadd.s32 $0xFFFF8300  }
0x20: {  	[tilespmem:s2], [sflag:$0x2] =	stream.linear.gather [hbm4b:s11+s2], $0x3E8, $0x38;
	[tilespmem:$0x80E8] =	vst v63  }
0x21: {  	_ =	swait.ge [sflag:s3], $0x3E8  }
0x22: {  	[sflag:s3] =	ssyncset.done $0x0  }
0x23: {  	[sflag:s3] =	ssyncadd.s32 $0xFFFFFC18  }
0x24: {  	[tilespmem:s6], [sflag:$0x1] =	stream.indirect.gather [hbm4b:s5+s6], $0x20, s2, s6, $0xb8;
	[tilespmem:$0x80E8] =	vst v63  }
0x25: {  	_ =	swait.ge [sflag:s7], $0x7D00  }
0x26: {  	s12 =	sshll.u32 s12, $0x2;
	[sflag:s7] =	ssyncset.done $0x0  }
0x27: {  	s12 =	sadd.s32 s18, s12;
	[sflag:s7] =	ssyncadd.s32 $0xFFFF8300  }
0x28: {  	[hbm4b:s12+s2] =	stream.linear.scatter [tilespmem:s6], [sflag:$0x2], $0x7D00, $0x38;
	[tilespmem:$0x80E8] =	vst v63  }
0x29: {  	s14 =	sadd.s32 $0xBB8, s17;
	_ =	swait.ge [sflag:s3], $0x7D00  }
0x2a: {  	s13 =	sshrl.u32 s14, $0x3;
	[sflag:s3] =	ssyncset.done $0x0  }
0x2b: {  	s13 =	sadd.s32 s15, s13;
	[sflag:s3] =	ssyncadd.s32 $0xFFFF8300  }
0x2c: {  	[tilespmem:s2], [sflag:$0x2] =	stream.linear.gather [hbm4b:s13+s2], $0x3E8, $0x38;
	[tilespmem:$0x80E8] =	vst v63  }
0x2d: {  	_ =	swait.ge [sflag:s3], $0x3E8  }
0x2e: {  	[sflag:s3] =	ssyncset.done $0x0  }
0x2f: {  	[sflag:s3] =	ssyncadd.s32 $0xFFFFFC18  }
0x30: {  	[tilespmem:s6], [sflag:$0x1] =	stream.indirect.gather [hbm4b:s5+s6], $0x20, s2, s6, $0xb8;
	[tilespmem:$0x80E8] =	vst v63  }
0x31: {  	_ =	swait.ge [sflag:s7], $0x7D00  }
0x32: {  	s14 =	sshll.u32 s14, $0x2;
	[sflag:s7] =	ssyncset.done $0x0  }
0x33: {  	s14 =	sadd.s32 s18, s14;
	[sflag:s7] =	ssyncadd.s32 $0xFFFF8300  }
0x34: {  	[hbm4b:s14+s2] =	stream.linear.scatter [tilespmem:s6], [sflag:$0x2], $0x7D00, $0x38;
	[tilespmem:$0x80E8] =	vst v63  }
0x35: {  	s17 =	sadd.s32 $0xFA0, s17;
	_ =	swait.ge [sflag:s3], $0x7D00  }
0x36: {  	s19 =	sshrl.u32 s17, $0x3;
	[sflag:s3] =	ssyncset.done $0x0  }
0x37: {  	s16 =	ssub.s32 $0x2, s16;
	s15 =	sadd.s32 s15, s19;
	[sflag:s3] =	ssyncadd.s32 $0xFFFF8300  }
0x38: {  	[tilespmem:s2], [sflag:$0x2] =	stream.linear.gather [hbm4b:s15+s2], $0x3E8, $0x38;
	[tilespmem:$0x80E8] =	vst v63  }
0x39: {  	s29 =	sshrl.u32 s16, $0x1;
	_ =	swait.ge [sflag:s3], $0x3E8  }
0x3a: {  	s19 =	ssub.s32 s16, s29;
	[sflag:s3] =	ssyncset.done $0x0  }
0x3b: {  	s31 =	smax.u32 s19, $0x1;
	[sflag:s3] =	ssyncadd.s32 $0xFFFFFC18  }
0x3c: {  	[tilespmem:s6], [sflag:$0x1] =	stream.indirect.gather [hbm4b:s5+s6], $0x20, s2, s6, $0xb8;
	[tilespmem:$0x80E8] =	vst v63  }
0x3d: {  	p0 =	sne.s32 s31, $0x1;
	_ =	swait.ge [sflag:s7], $0x7D00  }
.Ltmp0:
0x3e: {  	s30 =	sshll.u32 s17, $0x2;
	[sflag:s7] =	ssyncset.done $0x0;
	(pc) =	sbr.rel @!p0 .LBB2_2-.Ltmp0, $4  }
0x3f: {  	s16 =	sadd.s32 s18, s30;
	[sflag:s7] =	ssyncadd.s32 $0xFFFF8300  }
0x40: {  	[hbm4b:s16+s2] =	stream.linear.scatter [tilespmem:s6], [sflag:$0x2], $0x7D00, $0x38;
	[tilespmem:$0x80E8] =	vst v63  }
0x41: {  	_ =	swait.ge [sflag:s3], $0x7D00  }
0x42: {  	s17 =	sadd.s32 $0xFFFFFFFF, s31;
	[sflag:s3] =	ssyncset.done $0x0  }
.LBB2_1:
0x43: {  	p0 =	sne.s32 s17, $0x1;
	s17 =	sadd.s32 $0xFFFFFFFF, s17;
	[sflag:s3] =	ssyncadd.s32 $0xFFFF8300  }
0x44: {  	[tilespmem:s2], [sflag:$0x2] =	stream.linear.gather [hbm4b:s4+s2], $0x3E8, $0x38;
	[tilespmem:$0x80E8] =	vst v63  }
0x45: {  	_ =	swait.ge [sflag:s3], $0x3E8  }
0x46: {  	[sflag:s3] =	ssyncset.done $0x0  }
0x47: {  	[sflag:s3] =	ssyncadd.s32 $0xFFFFFC18  }
0x48: {  	[tilespmem:s6], [sflag:$0x1] =	stream.indirect.gather [hbm4b:s5+s6], $0x20, s2, s6, $0xb8;
	[tilespmem:$0x80E8] =	vst v63  }
0x49: {  	_ =	swait.ge [sflag:s7], $0x7D00  }
0x4a: {  	[sflag:s7] =	ssyncset.done $0x0  }
0x4b: {  	[sflag:s7] =	ssyncadd.s32 $0xFFFF8300  }
0x4c: {  	[hbm4b:s8+s2] =	stream.linear.scatter [tilespmem:s6], [sflag:$0x2], $0x7D00, $0x38;
	[tilespmem:$0x80E8] =	vst v63  }
0x4d: {  	_ =	swait.ge [sflag:s3], $0x7D00  }
0x4e: {  	[sflag:s3] =	ssyncset.done $0x0  }
0x4f: {  	[sflag:s3] =	ssyncadd.s32 $0xFFFF8300  }
0x50: {  	[tilespmem:s2], [sflag:$0x2] =	stream.linear.gather [hbm4b:s9+s2], $0x3E8, $0x38;
	[tilespmem:$0x80E8] =	vst v63  }
0x51: {  	_ =	swait.ge [sflag:s3], $0x3E8  }
0x52: {  	[sflag:s3] =	ssyncset.done $0x0  }
0x53: {  	[sflag:s3] =	ssyncadd.s32 $0xFFFFFC18  }
0x54: {  	[tilespmem:s6], [sflag:$0x1] =	stream.indirect.gather [hbm4b:s5+s6], $0x20, s2, s6, $0xb8;
	[tilespmem:$0x80E8] =	vst v63  }
0x55: {  	_ =	swait.ge [sflag:s7], $0x7D00  }
0x56: {  	[sflag:s7] =	ssyncset.done $0x0  }
0x57: {  	[sflag:s7] =	ssyncadd.s32 $0xFFFF8300  }
0x58: {  	[hbm4b:s10+s2] =	stream.linear.scatter [tilespmem:s6], [sflag:$0x2], $0x7D00, $0x38;
	[tilespmem:$0x80E8] =	vst v63  }
0x59: {  	_ =	swait.ge [sflag:s3], $0x7D00  }
0x5a: {  	[sflag:s3] =	ssyncset.done $0x0  }
0x5b: {  	[sflag:s3] =	ssyncadd.s32 $0xFFFF8300  }
0x5c: {  	[tilespmem:s2], [sflag:$0x2] =	stream.linear.gather [hbm4b:s11+s2], $0x3E8, $0x38;
	[tilespmem:$0x80E8] =	vst v63  }
0x5d: {  	_ =	swait.ge [sflag:s3], $0x3E8  }
0x5e: {  	[sflag:s3] =	ssyncset.done $0x0  }
0x5f: {  	[sflag:s3] =	ssyncadd.s32 $0xFFFFFC18  }
0x60: {  	[tilespmem:s6], [sflag:$0x1] =	stream.indirect.gather [hbm4b:s5+s6], $0x20, s2, s6, $0xb8;
	[tilespmem:$0x80E8] =	vst v63  }
0x61: {  	_ =	swait.ge [sflag:s7], $0x7D00  }
0x62: {  	[sflag:s7] =	ssyncset.done $0x0  }
0x63: {  	[sflag:s7] =	ssyncadd.s32 $0xFFFF8300  }
0x64: {  	[hbm4b:s12+s2] =	stream.linear.scatter [tilespmem:s6], [sflag:$0x2], $0x7D00, $0x38;
	[tilespmem:$0x80E8] =	vst v63  }
0x65: {  	_ =	swait.ge [sflag:s3], $0x7D00  }
0x66: {  	[sflag:s3] =	ssyncset.done $0x0  }
0x67: {  	[sflag:s3] =	ssyncadd.s32 $0xFFFF8300  }
0x68: {  	[tilespmem:s2], [sflag:$0x2] =	stream.linear.gather [hbm4b:s13+s2], $0x3E8, $0x38;
	[tilespmem:$0x80E8] =	vst v63  }
0x69: {  	_ =	swait.ge [sflag:s3], $0x3E8  }
0x6a: {  	[sflag:s3] =	ssyncset.done $0x0  }
0x6b: {  	[sflag:s3] =	ssyncadd.s32 $0xFFFFFC18  }
0x6c: {  	[tilespmem:s6], [sflag:$0x1] =	stream.indirect.gather [hbm4b:s5+s6], $0x20, s2, s6, $0xb8;
	[tilespmem:$0x80E8] =	vst v63  }
0x6d: {  	_ =	swait.ge [sflag:s7], $0x7D00  }
0x6e: {  	[sflag:s7] =	ssyncset.done $0x0  }
0x6f: {  	[sflag:s7] =	ssyncadd.s32 $0xFFFF8300  }
0x70: {  	[hbm4b:s14+s2] =	stream.linear.scatter [tilespmem:s6], [sflag:$0x2], $0x7D00, $0x38;
	[tilespmem:$0x80E8] =	vst v63  }
0x71: {  	_ =	swait.ge [sflag:s3], $0x7D00  }
0x72: {  	[sflag:s3] =	ssyncset.done $0x0  }
0x73: {  	[sflag:s3] =	ssyncadd.s32 $0xFFFF8300  }
0x74: {  	[tilespmem:s2], [sflag:$0x2] =	stream.linear.gather [hbm4b:s15+s2], $0x3E8, $0x38;
	[tilespmem:$0x80E8] =	vst v63  }
0x75: {  	_ =	swait.ge [sflag:s3], $0x3E8  }
0x76: {  	[sflag:s3] =	ssyncset.done $0x0  }
0x77: {  	[sflag:s3] =	ssyncadd.s32 $0xFFFFFC18  }
0x78: {  	[tilespmem:s6], [sflag:$0x1] =	stream.indirect.gather [hbm4b:s5+s6], $0x20, s2, s6, $0xb8;
	[tilespmem:$0x80E8] =	vst v63  }
0x79: {  	_ =	swait.ge [sflag:s7], $0x7D00  }
.Ltmp1:
0x7a: {  	[sflag:s7] =	ssyncset.done $0x0;
	(pc) =	sbr.rel @p0 .LBB2_1-.Ltmp1, $4  }
0x7b: {  	[sflag:s7] =	ssyncadd.s32 $0xFFFF8300  }
0x7c: {  	[hbm4b:s16+s2] =	stream.linear.scatter [tilespmem:s6], [sflag:$0x2], $0x7D00, $0x38;
	[tilespmem:$0x80E8] =	vst v63  }
0x7d: {  	_ =	swait.ge [sflag:s3], $0x7D00  }
0x7e: {  	[sflag:s3] =	ssyncset.done $0x0  }
.LBB2_2:
0x7f: {  	[sflag:s3] =	ssyncadd.s32 $0xFFFF8300  }
0x80: {  	_ =	sfence.sel $0x180000  }
0x81: {  	[bflag:$0x0] =	sbarrier.arrive $0xFFFF  }
0x82: {  	p0 =	sne.s32 s0, $0x0;
	_ =	strace $0x90000053  }
0x83: {  	s0 =	sadd.s32 @!p0 $0x100000, s1;
	[bflag:$0x2] =	sbarrier.arrive $0xFFFF  }
0x84: {  	[sflag:s0] =	ssyncadd.tile.s32 @!p0 $0x1;
	_ =	shalt  }
.Lfunc_end2:
_tile_overlayer_lowered:
.L_overlay_start_2:
0x85: {  	(tag) =	ssettag $0x2  }
0x86: {  	s0 =	rddreg [dreg:$0x0];
	s2 =	stileid.u32  }
0x87: {  	s1 =	rddreg [dreg:$0x1];
	p0 =	sne.s32 s2, $0x0  }
0x88: {  	s3 =	rddreg [dreg:$0x2];
	[bflag:$0x3] =	sbarrier.arrive $0xFFFF;
	s2 =	simm.s32 @!p0 $0x1C02  }
0x89: {  	[timem:s3], [sflag:s2] =	dma.local @!p0 [hbm:s0], s1  }
0x8a: {  	s0 =	simm.s32 @!p0 $0x2  }
0x8b: {  	_ =	swait.ge @!p0 [sflag:s0], s1  }
0x8c: {  	s1 =	ssub.s32 @!p0 $0x0, s1;
	[sflag:s0] =	ssyncset.done @!p0 $0x0  }
0x8d: {  	[sflag:s0] =	ssyncadd.s32 @!p0 s1  }
0x8e: {  	[bflag:$0x3] =	sbarrier.arrive $0xFFFF  }
0x8f: {  	_ =	shalt  }

// kernel: kernel.31.cloned.1.call-start
scs
__scs_entry_jumppad:
0x0: {  	(pc) =	sbr.rel $0x88, $3  }
0x1: {  	(tag) =	ssettag $0x0;
	lr =	simm.s32 $0x1  }
0x2: {  	[smem:$0x3F91] =	sst lr;
	_ =	strace $0xD0000000  }
0x3: {  	_ = 	snop  }
0x4: {  	_ = 	snop  }
0x5: {  	_ = 	snop  }
0x6: {  	_ = 	snop  }
0x7: {  	_ = 	snop  }
__scs_overlays_trampoline_lowered:
0x8: {  	[smem:$0x3FA0] =	sst s0  }
0x9: {  	[smem:$0x3FA1] =	sst s1  }
0xa: {  	[smem:$0x3FA2] =	sst s2  }
0xb: {  	[smem:$0x3FA3] =	sst s3  }
0xc: {  	[smem:$0x3FA4] =	sst s4  }
0xd: {  	[smem:$0x3FA5] =	sst s5  }
0xe: {  	[smem:$0x3FA6] =	sst s6  }
0xf: {  	[smem:$0x3FA7] =	sst s7  }
0x10: {  	[smem:$0x3FA8] =	sst s8  }
0x11: {  	[smem:$0x3FA9] =	sst s9;
	s0 =	simm.s32 @!p0 $0x0  }
0x12: {  	s1 =	sld [smem:$0x3F8F];
	s0 =	simm.s32 @p0 $0x1  }
0x13: {  	[smem:$0x3FAA] =	sst s0;
	s0 =	simm.s32 @!p1 $0x0  }
0x14: {  	s2 =	sld [smem:$0x3F8E];
	s0 =	simm.s32 @p1 $0x1  }
0x15: {  	[smem:$0x3FAB] =	sst s0;
	s0 =	simm.s32 @!p2 $0x0  }
0x16: {  	s3 =	sld [smem:$0x3FDB];
	s0 =	simm.s32 @p2 $0x1  }
0x17: {  	s4 =	simm.s32 $0x1BF5;
	[smem:$0x3FAD] =	sst s0  }
0x18: {  	s0 =	sld [smem:$0x3F90];
	_ =	swait.ge [sflag:s4], $0x0  }
0x19: {  	s7 =	sld [smem:$0x3F91]  }
0x1a: {  	s8 =	sadd.s32 $0xFFFFE003, lr  }
0x1b: {  	s9 =	sadd.s32 $0xFFFFFEF7, lr;
	s5 =	simm.s32 $0xFFFFFFFF;
	p2 =	slt.u32 s8, $0xFFFFF086  }
0x1c: {  	p1 =	slt.u32 s9, $0xF7A;
	s5 =	simm.s32 @!p2 $0x0  }
0x1d: {  	s5 =	simm.s32 @p1 $0x1;
	p0 =	seq.s32 s7, s2  }
0x1e: {  	s7 =	smul.u32 @!p0 $0xF7A, s2;
	p2 =	seq.s32 @!p0 s5, $0x0  }
0x1f: {  	s9 =	smul.u32 $0xF7A, s1;
	s8 =	simm.s32 @!p0 $0x1BF5;
	p2 =	por !p2, p0  }
0x20: {  	[sflag:s8] =	ssyncset.s32 @!p0 $0xFFFFF086;
	s6 =	sadd.s32 @!p0 s3, s7;
	s7 =	simm.s32 @!p0 $0x108  }
0x21: {  	s3 =	sadd.s32 s3, s9;
	s6 =	sadd.s32 @!p0 $0x88, s6;
	s7 =	simm.s32 @p2 $0x1082  }
0x22: {  	[simem:s7], [sflag:s8] =	dma.local @!p0 [hbm:s6], $0xF7A  }
0x23: {  	s9 =	sor.u32 $0xD0000000, s2;
	s6 =	simm.s32 $0x108;
	_ =	swait.ge @!p0 [sflag:s8], $0x0  }
0x24: {  	s3 =	sadd.s32 $0x88, s3;
	s6 =	simm.s32 @!p1 $0x1082;
	[sflag:s4] =	ssyncset.s32 $0xFFFFF086  }
0x25: {  	[simem:s6], [sflag:s4] =	dma.local [hbm:s3], $0xF7A  }
0x26: {  	[smem:$0x3F91] =	sst s1;
	(tag) =	ssettag s2;
	_ =	strace s9  }
0x27: {  	s1 =	sld [smem:$0x3FA1]  }
0x28: {  	s2 =	sld [smem:$0x3FA2]  }
0x29: {  	s4 =	sld [smem:$0x3FA4]  }
0x2a: {  	p0 =	seq.s32 s5, $0x0;
	s5 =	sld [smem:$0x3FA5]  }
0x2b: {  	s6 =	sld [smem:$0x3FA6]  }
0x2c: {  	s7 =	sld [smem:$0x3FA7]  }
0x2d: {  	s3 =	simm.s32 $0x108;
	s8 =	sld [smem:$0x3FA8]  }
0x2e: {  	s3 =	simm.s32 @!p0 $0x1082;
	s9 =	sld [smem:$0x3FA9]  }
0x2f: {  	lr =	sadd.s32 s0, s3;
	s0 =	sld [smem:$0x3FA0]  }
0x30: {  	s3 =	sld [smem:$0x3FA3]  }
0x31: {  	[smem:$0x3FAC] =	sst s10  }
0x32: {  	s10 =	sld [smem:$0x3FAA];
	_ =	sdelay $0x3  }
0x33: {  	p0 =	seq.s32 s10, $0x1;
	s10 =	sld [smem:$0x3FAC];
	_ =	sdelay $0x3  }
0x34: {  	[smem:$0x3FAC] =	sst s10  }
0x35: {  	s10 =	sld [smem:$0x3FAB];
	_ =	sdelay $0x3  }
0x36: {  	p1 =	seq.s32 s10, $0x1;
	s10 =	sld [smem:$0x3FAC];
	_ =	sdelay $0x3  }
0x37: {  	[smem:$0x3FAC] =	sst s10  }
0x38: {  	s10 =	sld [smem:$0x3FAD]  }
0x39: {  	_ = 	snop;
	(pc) =	sbr.ind lr, $3  }
0x3a: {  	_ = 	snop  }
0x3b: {  	_ = 	snop  }
0x3c: {  	p2 =	seq.s32 s10, $0x1;
	s10 =	sld [smem:$0x3FAC]  }
0x3d: {  	_ =	shalt  }
0x3e: {  	_ =	shalt  }
0x3f: {  	_ =	shalt  }
0x40: {  	_ =	shalt  }
0x41: {  	_ =	shalt  }
0x42: {  	_ =	shalt  }
0x43: {  	_ =	shalt  }
0x44: {  	_ =	shalt  }
0x45: {  	_ =	shalt  }
0x46: {  	_ =	shalt  }
0x47: {  	_ =	shalt  }
0x48: {  	_ =	shalt  }
0x49: {  	_ =	shalt  }
0x4a: {  	_ =	shalt  }
0x4b: {  	_ =	shalt  }
0x4c: {  	_ =	shalt  }
0x4d: {  	_ =	shalt  }
0x4e: {  	_ =	shalt  }
0x4f: {  	_ =	shalt  }
0x50: {  	_ =	shalt  }
0x51: {  	_ =	shalt  }
0x52: {  	_ =	shalt  }
0x53: {  	_ =	shalt  }
0x54: {  	_ =	shalt  }
0x55: {  	_ =	shalt  }
0x56: {  	_ =	shalt  }
0x57: {  	_ =	shalt  }
0x58: {  	_ =	shalt  }
0x59: {  	_ =	shalt  }
0x5a: {  	_ =	shalt  }
0x5b: {  	_ =	shalt  }
0x5c: {  	_ =	shalt  }
0x5d: {  	_ =	shalt  }
0x5e: {  	_ =	shalt  }
0x5f: {  	_ =	shalt  }
0x60: {  	_ =	shalt  }
0x61: {  	_ =	shalt  }
0x62: {  	_ =	shalt  }
0x63: {  	_ =	shalt  }
0x64: {  	_ =	shalt  }
0x65: {  	_ =	shalt  }
0x66: {  	_ =	shalt  }
0x67: {  	_ =	shalt  }
0x68: {  	_ =	shalt  }
0x69: {  	_ =	shalt  }
0x6a: {  	_ =	shalt  }
0x6b: {  	_ =	shalt  }
0x6c: {  	_ =	shalt  }
0x6d: {  	_ =	shalt  }
0x6e: {  	_ =	shalt  }
0x6f: {  	_ =	shalt  }
0x70: {  	_ =	shalt  }
0x71: {  	_ =	shalt  }
0x72: {  	_ =	shalt  }
0x73: {  	_ =	shalt  }
0x74: {  	_ =	shalt  }
0x75: {  	_ =	shalt  }
0x76: {  	_ =	shalt  }
0x77: {  	_ =	shalt  }
0x78: {  	_ =	shalt  }
0x79: {  	_ =	shalt  }
0x7a: {  	_ =	shalt  }
0x7b: {  	_ =	shalt  }
0x7c: {  	_ =	shalt  }
0x7d: {  	_ =	shalt  }
0x7e: {  	_ =	shalt  }
0x7f: {  	_ =	shalt  }
0x80: {  	_ =	shalt  }
0x81: {  	_ =	shalt  }
0x82: {  	_ =	shalt  }
0x83: {  	_ =	shalt  }
0x84: {  	_ =	shalt  }
0x85: {  	_ =	shalt  }
0x86: {  	_ =	shalt  }
0x87: {  	_ =	shalt  }
.Lfunc_end0:
.L_simem_size_0:
called_computation.5_lowered:
.L_overlay_start_0:
0x88: {  	s2 =	sld [smem:$0x3FD9]  }
0x89: {  	s3 =	sld [smem:$0x3FFE];
	_ =	sdelay $0x1  }
0x8a: {  	s1 =	srdreg.scid  }
0x8b: {  	s0 =	sand.u32 $0x1, s1  }
0x8c: {  	s17 =	sshll.u32 s0, $0xA;
	s2 =	sadd.s32 s3, s2  }
0x8d: {  	s2 =	sadd.s32 s2, s17  }
0x8e: {  	[smem:$0x3FB8] =	sst s2  }
0x8f: {  	_ = 	snop  }
0x90: {  	s2 =	sld [smem:$0x3FD0];
	(tm) =	ssettm $0x1  }
0x91: {  	s18 =	sld [smem:$0x3FFB];
	_ =	sdelay $0x3  }
0x92: {  	_ =	strace s18  }
0x93: {  	s3 =	sld [smem:$0x3FFC];
	_ =	sdelay $0x3  }
0x94: {  	_ =	strace s3  }
0x95: {  	s3 =	sld [smem:$0x3FFD];
	_ =	sdelay $0x3  }
0x96: {  	_ =	strace s3  }
0x97: {  	_ =	strace $0x8FFFFFFF  }
0x98: {  	s19 =	sld [smem:$0x3FDB];
	_ =	sdelay $0x1  }
0x99: {  	s4 =	simm.s32 $_scs_section_size  }
0x9a: {  	s5 =	simm.s32 $_size__tile_overlayer_lowered;
	s6 =	simm.s32 $_tile_overlayer_lowered  }
0x9b: {  	s22 =	simm.s32 $0x1BFF;
	s21 =	sshll.u32 s6, $0x1;
	s3 =	sadd.s32 s4, s19  }
0x9c: {  	s7 =	simm.s32 $0x0;
	s20 =	sshll.u32 s5, $0x1;
	s5 =	sadd.s32 s21, s3  }
0x9d: {  	[timem:s7], [sflag:s22] =	dma.local [hbm:s5], s20  }
0x9e: {  	_ =	swait.ge [sflag:s22], s20  }
0x9f: {  	s4 =	ssub.s32 $0x0, s20;
	[sflag:s22] =	ssyncset.done $0x0  }
0xa0: {  	[sflag:s22] =	ssyncadd.s32 s4;
	_ =	sdelay $0x1  }
0xa1: {  	s23 =	simm.s32 $0x1B8B  }
0xa2: {  	_ =	swait.ge [sflag:s23], $0x1  }
0xa3: {  	[sflag:s23] =	ssyncset.done $0x0  }
0xa4: {  	s25 =	simm.s32 $0x1B8E;
	s24 =	sld [smem:$0x3FFE];
	[sflag:s23] =	ssyncadd.s32 $0xFFFFFFFF  }
0xa5: {  	s26 =	simm.s32 $execute0_lowered;
	[smem:$0x3FD2] =	sst s25  }
0xa6: {  	s5 =	sshll.u32 s26, $0x1;
	_ =	strace $0x80000055;
	[dreg:$0x1] =	wrdreg $0xFFFFFFFF  }
0xa7: {  	s28 =	simm.s32 $_size_execute0_lowered;
	s3 =	sadd.s32 s3, s5;
	[dreg:$0x0] =	wrdreg $0x0  }
0xa8: {  	s5 =	sshll.u32 s28, $0x1;
	[dreg:$0x2] =	wrdreg s3  }
0xa9: {  	[dreg:$0x3] =	wrdreg s5  }
0xaa: {  	[dreg:$0x4] =	wrdreg $0xC0  }
0xab: {  	_ =	task [dreg:s7], $0x5FFFF  }
0xac: {  	[dreg:$0x1] =	wrdreg $0xFFFFFFFF  }
0xad: {  	[dreg:$0x0] =	wrdreg $0x60  }
0xae: {  	[dreg:$0x2] =	wrdreg s24  }
0xaf: {  	[dreg:$0x3] =	wrdreg s2  }
0xb0: {  	[dreg:$0x4] =	wrdreg $0x80E80  }
0xb1: {  	[dreg:$0x5] =	wrdreg $0x9  }
0xb2: {  	_ =	task.clear_ibuf [dreg:s7], $0x6FFFF;
	_ =	strace $0x90000055  }
0xb3: {  	s29 =	simm.s32 $0x9;
	_ =	strace $0x80000057  }
0xb4: {  	_ =	swait.ge [sflag:s29], $0x1  }
0xb5: {  	[sflag:s29] =	ssyncadd.s32 $0xFFFFFFFF  }
0xb6: {  	_ =	strace $0x90000057  }
0xb7: {  	_ =	sfence  }
0xb8: {  	s30 =	sld [smem:$0x0];
	_ =	sdelay $0x2  }
0xb9: {  	s31 =	sshll.u32 s1, $0xD;
	s1 =	sshrl.u32 s1, $0x2  }
0xba: {  	s3 =	sand.u32 $0x4000, s31;
	s1 =	sadd.s32 s1, s30  }
0xbb: {  	s0 =	sor.u32 s3, s0;
	s1 =	sshll.u32 s1, $0x11  }
0xbc: {  	s0 =	sor.u32 s1, s0  }
0xbd: {  	s0 =	sadd.s32 $0x8F2B, s0  }
0xbe: {  	[sflag:s0] =	ssyncadd.remote.s32 $0x1  }
0xbf: {  	_ =	sfence.sel $0xFFFF  }
0xc0: {  	[dreg:$0x0] =	wrdreg $0xFFFFFFFF;
	(pc) =	sbr.abs _section_cstart, $3  }
0xc1: {  	[dreg:$0x1] =	wrdreg $0xFFFFFFFF  }
0xc2: {  	_ =	task.clear_ibuf [dreg:s7], $0x2FFFF;
	_ =	strace $0x9FFFFFFF  }
0xc3: {  	(tm) =	ssettm $0x7FFFFFFF  }
tec
execute0_lowered:
.L_overlay_start_1:
0x0: {  	(tag) =	ssettag $0x1  }
0x1: {  	s3 =	rddreg [dreg:$0x0]  }
0x2: {  	s12 =	rddreg [dreg:$0x1]  }
0x3: {  	s1 =	rddreg [dreg:$0x2]  }
0x4: {  	s0 =	rddreg [dreg:$0x3];
	s2 =	simm.s32 $0x0;
	s4 =	srdreg.scid  }
0x5: {  	s5 =	stileid.u32;
	p1 =	por $0x0, $0x0;
	[smem:$0x7FF] =	sst s2  }
0x6: {  	s4 =	sand.u32 $0x1, s4;
	s8 =	sadd.s32 $0x38200, s3;
	s18 =	sadd.s32 $0xC000, s3  }
0x7: {  	p0 =	sne.s32 s5, $0x0;
	_ =	strace $0x80000056;
	s6 =	sshll.u32 s4, $0x4  }
0x8: {  	s7 =	smul.u32 $0x9C40, s4;
	s4 =	ssub.s32 $0x2, s4;
	s6 =	sor.u32 s5, s6  }
0x9: {  	s21 =	sshrl.u32 s4, $0x1;
	s5 =	simm.s32 $0x1;
	s9 =	smul.u32 $0x1388, s6  }
0xa: {  	s3 =	sadd.s32 s7, s3;
	s6 =	smul.u32 $0x4E20, s6;
	s4 =	ssub.s32 s4, s21  }
0xb: {  	s4 =	smax.u32 s4, $0x1;
	s3 =	sadd.s32 $0xD4600, s3;
	s22 =	sshrl.u32 s9, $0x3  }
0xc: {  	s10 =	sadd.s32 $0x3E8, s9;
	s16 =	sadd.s32 s8, s6;
	s25 =	sadd.s32 $0x7D0, s9  }
0xd: {  	s28 =	sadd.s32 $0xBB8, s9;
	s19 =	sadd.s32 $0xFA0, s9;
	s20 =	sadd.s32 $0xFFFFFFFF, s4  }
0xe: {  	s4 =	sshrl.u32 @!p0 s1, $0x3;
	s17 =	sadd.s32 s18, s22;
	s23 =	sshrl.u32 s10, $0x3  }
0xf: {  	s24 =	sshll.u32 s10, $0x2;
	s26 =	sshrl.u32 s25, $0x3;
	p2 =	sne.s32 s20, $0x0  }
.Ltmp0:
0x10: {  	s7 =	sshll.u32 s25, $0x2;
	s29 =	sshrl.u32 s28, $0x3;
	(pc) =	sbr.rel @!p2 .LBB2_3-.Ltmp0, $4  }
0x11: {  	s6 =	sshll.u32 s28, $0x2;
	s30 =	sshrl.u32 s19, $0x3;
	s31 =	sshll.u32 s19, $0x2  }
0x12: {  	s15 =	sadd.s32 s18, s23;
	s14 =	sadd.s32 s8, s24;
	s13 =	sadd.s32 s18, s26  }
0x13: {  	s11 =	sadd.s32 s8, s7;
	s10 =	sadd.s32 s18, s29;
	s9 =	sadd.s32 s8, s6  }
0x14: {  	s7 =	sadd.s32 s18, s30;
	s6 =	sadd.s32 s8, s31;
	s8 =	simm.s32 $0x3E8  }
0x15: {  	s19 =	simm.s32 @!p0 $0x1C01;
	s18 =	simm.s32 @!p0 $0x1  }
0x16: {  	[spmem:s4], [sflag:s19] =	dma.local @!p0 [hbm:s12], $0x9C40  }
0x17: {  	_ =	swait.ge @!p0 [sflag:s18], $0x9C40  }
0x18: {  	[sflag:s18] =	ssyncset.done @!p0 $0x0  }
0x19: {  	[sflag:s18] =	ssyncadd.s32 @!p0 $0xFFFF63C0  }
0x1a: {  	[bflag:$0x0] =	sbarrier.arrive $0xFFFF  }
0x1b: {  	[tilespmem:s2], [sflag:$0x1] =	stream.linear.gather [hbm4b:s17+s2], $0x3E8, $0x38;
	[tilespmem:$0xCF08] =	vst v63  }
0x1c: {  	_ =	swait.ge [sflag:s5], $0x3E8  }
0x1d: {  	[sflag:s5] =	ssyncset.done $0x0  }
0x1e: {  	[sflag:s5] =	ssyncadd.s32 $0xFFFFFC18  }
0x1f: {  	[tilespmem:s8], [sflag:$0x1] =	stream.linear.gather [hbm4b:s16+s2], $0x7D00, $0x38;
	[tilespmem:$0xCF08] =	vst v63  }
0x20: {  	_ =	swait.ge [sflag:s5], $0x7D00  }
0x21: {  	[sflag:s5] =	ssyncset.done $0x0  }
0x22: {  	[sflag:s5] =	ssyncadd.s32 $0xFFFF8300  }
0x23: {  	[spmem:s1] =	stream.indirect.scatter.add.f32 [tilespmem:s8], [sflag:$0x1], $0x20, s2, s8, $0xb8;
	[tilespmem:$0xCF08] =	vst v63  }
0x24: {  	_ =	swait.ge [sflag:s5], $0x7D00  }
0x25: {  	[sflag:s5] =	ssyncset.done $0x0  }
0x26: {  	[sflag:s5] =	ssyncadd.s32 $0xFFFF8300  }
0x27: {  	[tilespmem:s2], [sflag:$0x1] =	stream.linear.gather [hbm4b:s15+s2], $0x3E8, $0x38;
	[tilespmem:$0xCF08] =	vst v63  }
0x28: {  	_ =	swait.ge [sflag:s5], $0x3E8  }
0x29: {  	[sflag:s5] =	ssyncset.done $0x0  }
0x2a: {  	[sflag:s5] =	ssyncadd.s32 $0xFFFFFC18  }
0x2b: {  	[tilespmem:s8], [sflag:$0x1] =	stream.linear.gather [hbm4b:s14+s2], $0x7D00, $0x38;
	[tilespmem:$0xCF08] =	vst v63  }
0x2c: {  	_ =	swait.ge [sflag:s5], $0x7D00  }
0x2d: {  	[sflag:s5] =	ssyncset.done $0x0  }
0x2e: {  	[sflag:s5] =	ssyncadd.s32 $0xFFFF8300  }
0x2f: {  	[spmem:s1] =	stream.indirect.scatter.add.f32 [tilespmem:s8], [sflag:$0x1], $0x20, s2, s8, $0xb8;
	[tilespmem:$0xCF08] =	vst v63  }
0x30: {  	_ =	swait.ge [sflag:s5], $0x7D00  }
0x31: {  	[sflag:s5] =	ssyncset.done $0x0  }
0x32: {  	[sflag:s5] =	ssyncadd.s32 $0xFFFF8300  }
0x33: {  	[tilespmem:s2], [sflag:$0x1] =	stream.linear.gather [hbm4b:s13+s2], $0x3E8, $0x38;
	[tilespmem:$0xCF08] =	vst v63  }
0x34: {  	_ =	swait.ge [sflag:s5], $0x3E8  }
0x35: {  	[sflag:s5] =	ssyncset.done $0x0  }
0x36: {  	[sflag:s5] =	ssyncadd.s32 $0xFFFFFC18  }
0x37: {  	[tilespmem:s8], [sflag:$0x1] =	stream.linear.gather [hbm4b:s11+s2], $0x7D00, $0x38;
	[tilespmem:$0xCF08] =	vst v63  }
0x38: {  	_ =	swait.ge [sflag:s5], $0x7D00  }
0x39: {  	[sflag:s5] =	ssyncset.done $0x0  }
0x3a: {  	[sflag:s5] =	ssyncadd.s32 $0xFFFF8300  }
0x3b: {  	[spmem:s1] =	stream.indirect.scatter.add.f32 [tilespmem:s8], [sflag:$0x1], $0x20, s2, s8, $0xb8;
	[tilespmem:$0xCF08] =	vst v63  }
0x3c: {  	_ =	swait.ge [sflag:s5], $0x7D00  }
0x3d: {  	[sflag:s5] =	ssyncset.done $0x0  }
0x3e: {  	[sflag:s5] =	ssyncadd.s32 $0xFFFF8300  }
0x3f: {  	[tilespmem:s2], [sflag:$0x1] =	stream.linear.gather [hbm4b:s10+s2], $0x3E8, $0x38;
	[tilespmem:$0xCF08] =	vst v63  }
0x40: {  	_ =	swait.ge [sflag:s5], $0x3E8  }
0x41: {  	[sflag:s5] =	ssyncset.done $0x0  }
0x42: {  	[sflag:s5] =	ssyncadd.s32 $0xFFFFFC18  }
0x43: {  	[tilespmem:s8], [sflag:$0x1] =	stream.linear.gather [hbm4b:s9+s2], $0x7D00, $0x38;
	[tilespmem:$0xCF08] =	vst v63  }
0x44: {  	_ =	swait.ge [sflag:s5], $0x7D00  }
0x45: {  	[sflag:s5] =	ssyncset.done $0x0  }
0x46: {  	[sflag:s5] =	ssyncadd.s32 $0xFFFF8300  }
0x47: {  	[spmem:s1] =	stream.indirect.scatter.add.f32 [tilespmem:s8], [sflag:$0x1], $0x20, s2, s8, $0xb8;
	[tilespmem:$0xCF08] =	vst v63  }
0x48: {  	_ =	swait.ge [sflag:s5], $0x7D00  }
0x49: {  	[sflag:s5] =	ssyncset.done $0x0  }
0x4a: {  	[sflag:s5] =	ssyncadd.s32 $0xFFFF8300  }
0x4b: {  	[tilespmem:s2], [sflag:$0x1] =	stream.linear.gather [hbm4b:s7+s2], $0x3E8, $0x38;
	[tilespmem:$0xCF08] =	vst v63  }
0x4c: {  	_ =	swait.ge [sflag:s5], $0x3E8  }
0x4d: {  	[sflag:s5] =	ssyncset.done $0x0  }
0x4e: {  	[sflag:s5] =	ssyncadd.s32 $0xFFFFFC18  }
0x4f: {  	[tilespmem:s8], [sflag:$0x1] =	stream.linear.gather [hbm4b:s6+s2], $0x7D00, $0x38;
	[tilespmem:$0xCF08] =	vst v63  }
0x50: {  	_ =	swait.ge [sflag:s5], $0x7D00  }
0x51: {  	[sflag:s5] =	ssyncset.done $0x0  }
0x52: {  	[sflag:s5] =	ssyncadd.s32 $0xFFFF8300  }
0x53: {  	[spmem:s1] =	stream.indirect.scatter.add.f32 [tilespmem:s8], [sflag:$0x1], $0x20, s2, s8, $0xb8;
	[tilespmem:$0xCF08] =	vst v63  }
0x54: {  	s20 =	sadd.s32 $0xFFFFFFFF, s20;
	_ =	swait.ge [sflag:s5], $0x7D00  }
0x55: {  	p2 =	sne.s32 s20, $0x0;
	[sflag:s5] =	ssyncset.done $0x0  }
.Ltmp1:
0x56: {  	[sflag:s5] =	ssyncadd.s32 $0xFFFF8300;
	(pc) =	sbr.rel @!p2 .LBB2_3-.Ltmp1, $4  }
0x57: {  	[bflag:$0x0] =	sbarrier.arrive $0xFFFF  }
0x58: {  	[hbm:s3], [sflag:s19] =	dma.local @!p0 [spmem:s4], $0x9C40  }
0x59: {  	_ =	swait.ge @!p0 [sflag:s18], $0x9C40  }
0x5a: {  	p1 =	por $0x1, $0x1;
	[sflag:s18] =	ssyncset.done @!p0 $0x0  }
.LBB2_2:
0x5b: {  	[sflag:s18] =	ssyncadd.s32 @!p0 $0xFFFF63C0  }
0x5c: {  	[spmem:s4], [sflag:s19] =	dma.local @!p0 [hbm:s12], $0x9C40  }
0x5d: {  	s20 =	sadd.s32 $0xFFFFFFFF, s20;
	_ =	swait.ge @!p0 [sflag:s18], $0x9C40  }
0x5e: {  	p2 =	sne.s32 s20, $0x0;
	[sflag:s18] =	ssyncset.done @!p0 $0x0  }
0x5f: {  	[sflag:s18] =	ssyncadd.s32 @!p0 $0xFFFF63C0  }
0x60: {  	[bflag:$0x0] =	sbarrier.arrive $0xFFFF  }
0x61: {  	[tilespmem:s2], [sflag:$0x1] =	stream.linear.gather [hbm4b:s17+s2], $0x3E8, $0x38;
	[tilespmem:$0xCF08] =	vst v63  }
0x62: {  	_ =	swait.ge [sflag:s5], $0x3E8  }
0x63: {  	[sflag:s5] =	ssyncset.done $0x0  }
0x64: {  	[sflag:s5] =	ssyncadd.s32 $0xFFFFFC18  }
0x65: {  	[tilespmem:s8], [sflag:$0x1] =	stream.linear.gather [hbm4b:s16+s2], $0x7D00, $0x38;
	[tilespmem:$0xCF08] =	vst v63  }
0x66: {  	_ =	swait.ge [sflag:s5], $0x7D00  }
0x67: {  	[sflag:s5] =	ssyncset.done $0x0  }
0x68: {  	[sflag:s5] =	ssyncadd.s32 $0xFFFF8300  }
0x69: {  	[spmem:s1] =	stream.indirect.scatter.add.f32 [tilespmem:s8], [sflag:$0x1], $0x20, s2, s8, $0xb8;
	[tilespmem:$0xCF08] =	vst v63  }
0x6a: {  	_ =	swait.ge [sflag:s5], $0x7D00  }
0x6b: {  	[sflag:s5] =	ssyncset.done $0x0  }
0x6c: {  	[sflag:s5] =	ssyncadd.s32 $0xFFFF8300  }
0x6d: {  	[tilespmem:s2], [sflag:$0x1] =	stream.linear.gather [hbm4b:s15+s2], $0x3E8, $0x38;
	[tilespmem:$0xCF08] =	vst v63  }
0x6e: {  	_ =	swait.ge [sflag:s5], $0x3E8  }
0x6f: {  	[sflag:s5] =	ssyncset.done $0x0  }
0x70: {  	[sflag:s5] =	ssyncadd.s32 $0xFFFFFC18  }
0x71: {  	[tilespmem:s8], [sflag:$0x1] =	stream.linear.gather [hbm4b:s14+s2], $0x7D00, $0x38;
	[tilespmem:$0xCF08] =	vst v63  }
0x72: {  	_ =	swait.ge [sflag:s5], $0x7D00  }
0x73: {  	[sflag:s5] =	ssyncset.done $0x0  }
0x74: {  	[sflag:s5] =	ssyncadd.s32 $0xFFFF8300  }
0x75: {  	[spmem:s1] =	stream.indirect.scatter.add.f32 [tilespmem:s8], [sflag:$0x1], $0x20, s2, s8, $0xb8;
	[tilespmem:$0xCF08] =	vst v63  }
0x76: {  	_ =	swait.ge [sflag:s5], $0x7D00  }
0x77: {  	[sflag:s5] =	ssyncset.done $0x0  }
0x78: {  	[sflag:s5] =	ssyncadd.s32 $0xFFFF8300  }
0x79: {  	[tilespmem:s2], [sflag:$0x1] =	stream.linear.gather [hbm4b:s13+s2], $0x3E8, $0x38;
	[tilespmem:$0xCF08] =	vst v63  }
0x7a: {  	_ =	swait.ge [sflag:s5], $0x3E8  }
0x7b: {  	[sflag:s5] =	ssyncset.done $0x0  }
0x7c: {  	[sflag:s5] =	ssyncadd.s32 $0xFFFFFC18  }
0x7d: {  	[tilespmem:s8], [sflag:$0x1] =	stream.linear.gather [hbm4b:s11+s2], $0x7D00, $0x38;
	[tilespmem:$0xCF08] =	vst v63  }
0x7e: {  	_ =	swait.ge [sflag:s5], $0x7D00  }
0x7f: {  	[sflag:s5] =	ssyncset.done $0x0  }
0x80: {  	[sflag:s5] =	ssyncadd.s32 $0xFFFF8300  }
0x81: {  	[spmem:s1] =	stream.indirect.scatter.add.f32 [tilespmem:s8], [sflag:$0x1], $0x20, s2, s8, $0xb8;
	[tilespmem:$0xCF08] =	vst v63  }
0x82: {  	_ =	swait.ge [sflag:s5], $0x7D00  }
0x83: {  	[sflag:s5] =	ssyncset.done $0x0  }
0x84: {  	[sflag:s5] =	ssyncadd.s32 $0xFFFF8300  }
0x85: {  	[tilespmem:s2], [sflag:$0x1] =	stream.linear.gather [hbm4b:s10+s2], $0x3E8, $0x38;
	[tilespmem:$0xCF08] =	vst v63  }
0x86: {  	_ =	swait.ge [sflag:s5], $0x3E8  }
0x87: {  	[sflag:s5] =	ssyncset.done $0x0  }
0x88: {  	[sflag:s5] =	ssyncadd.s32 $0xFFFFFC18  }
0x89: {  	[tilespmem:s8], [sflag:$0x1] =	stream.linear.gather [hbm4b:s9+s2], $0x7D00, $0x38;
	[tilespmem:$0xCF08] =	vst v63  }
0x8a: {  	_ =	swait.ge [sflag:s5], $0x7D00  }
0x8b: {  	[sflag:s5] =	ssyncset.done $0x0  }
0x8c: {  	[sflag:s5] =	ssyncadd.s32 $0xFFFF8300  }
0x8d: {  	[spmem:s1] =	stream.indirect.scatter.add.f32 [tilespmem:s8], [sflag:$0x1], $0x20, s2, s8, $0xb8;
	[tilespmem:$0xCF08] =	vst v63  }
0x8e: {  	_ =	swait.ge [sflag:s5], $0x7D00  }
0x8f: {  	[sflag:s5] =	ssyncset.done $0x0  }
0x90: {  	[sflag:s5] =	ssyncadd.s32 $0xFFFF8300  }
0x91: {  	[tilespmem:s2], [sflag:$0x1] =	stream.linear.gather [hbm4b:s7+s2], $0x3E8, $0x38;
	[tilespmem:$0xCF08] =	vst v63  }
0x92: {  	_ =	swait.ge [sflag:s5], $0x3E8  }
0x93: {  	[sflag:s5] =	ssyncset.done $0x0  }
0x94: {  	[sflag:s5] =	ssyncadd.s32 $0xFFFFFC18  }
0x95: {  	[tilespmem:s8], [sflag:$0x1] =	stream.linear.gather [hbm4b:s6+s2], $0x7D00, $0x38;
	[tilespmem:$0xCF08] =	vst v63  }
0x96: {  	_ =	swait.ge [sflag:s5], $0x7D00  }
0x97: {  	[sflag:s5] =	ssyncset.done $0x0  }
0x98: {  	[sflag:s5] =	ssyncadd.s32 $0xFFFF8300  }
0x99: {  	[spmem:s1] =	stream.indirect.scatter.add.f32 [tilespmem:s8], [sflag:$0x1], $0x20, s2, s8, $0xb8;
	[tilespmem:$0xCF08] =	vst v63  }
0x9a: {  	_ =	swait.ge [sflag:s5], $0x7D00  }
0x9b: {  	[sflag:s5] =	ssyncset.done $0x0  }
.Ltmp2:
0x9c: {  	[sflag:s5] =	ssyncadd.s32 $0xFFFF8300;
	(pc) =	sbr.rel @p2 .LBB2_2-.Ltmp2, $4  }
0x9d: {  	[bflag:$0x0] =	sbarrier.arrive $0xFFFF  }
0x9e: {  	[hbm:s3], [sflag:s19] =	dma.local @!p0 [spmem:s4], $0x9C40  }
0x9f: {  	_ =	swait.ge @!p0 [sflag:s18], $0x9C40  }
0xa0: {  	[sflag:s18] =	ssyncset.done @!p0 $0x0  }
.LBB2_3:
0xa1: {  	p1 =	por p0, !p1  }
0xa2: {  	s20 =	simm.s32 @!p0 $0x1C01;
	s19 =	simm.s32 @!p0 $0x1;
	[sflag:s18] =	ssyncadd.s32 @!p1 $0xFFFF63C0  }
0xa3: {  	[spmem:s4], [sflag:s20] =	dma.local @!p0 [hbm:s12], $0x9C40  }
0xa4: {  	_ =	swait.ge @!p0 [sflag:s19], $0x9C40  }
0xa5: {  	[sflag:s19] =	ssyncset.done @!p0 $0x0  }
0xa6: {  	[sflag:s19] =	ssyncadd.s32 @!p0 $0xFFFF63C0  }
0xa7: {  	[bflag:$0x0] =	sbarrier.arrive $0xFFFF  }
0xa8: {  	[tilespmem:s2], [sflag:$0x1] =	stream.linear.gather [hbm4b:s17+s2], $0x3E8, $0x38;
	[tilespmem:$0xCF08] =	vst v63  }
0xa9: {  	_ =	swait.ge [sflag:s5], $0x3E8  }
0xaa: {  	[sflag:s5] =	ssyncset.done $0x0  }
0xab: {  	[sflag:s5] =	ssyncadd.s32 $0xFFFFFC18  }
0xac: {  	[tilespmem:s8], [sflag:$0x1] =	stream.linear.gather [hbm4b:s16+s2], $0x7D00, $0x38;
	[tilespmem:$0xCF08] =	vst v63  }
0xad: {  	_ =	swait.ge [sflag:s5], $0x7D00  }
0xae: {  	[sflag:s5] =	ssyncset.done $0x0  }
0xaf: {  	[sflag:s5] =	ssyncadd.s32 $0xFFFF8300  }
0xb0: {  	[spmem:s1] =	stream.indirect.scatter.add.f32 [tilespmem:s8], [sflag:$0x1], $0x20, s2, s8, $0xb8;
	[tilespmem:$0xCF08] =	vst v63  }
0xb1: {  	_ =	swait.ge [sflag:s5], $0x7D00  }
0xb2: {  	[sflag:s5] =	ssyncset.done $0x0  }
0xb3: {  	[sflag:s5] =	ssyncadd.s32 $0xFFFF8300  }
0xb4: {  	[tilespmem:s2], [sflag:$0x1] =	stream.linear.gather [hbm4b:s15+s2], $0x3E8, $0x38;
	[tilespmem:$0xCF08] =	vst v63  }
0xb5: {  	_ =	swait.ge [sflag:s5], $0x3E8  }
0xb6: {  	[sflag:s5] =	ssyncset.done $0x0  }
0xb7: {  	[sflag:s5] =	ssyncadd.s32 $0xFFFFFC18  }
0xb8: {  	[tilespmem:s8], [sflag:$0x1] =	stream.linear.gather [hbm4b:s14+s2], $0x7D00, $0x38;
	[tilespmem:$0xCF08] =	vst v63  }
0xb9: {  	_ =	swait.ge [sflag:s5], $0x7D00  }
0xba: {  	[sflag:s5] =	ssyncset.done $0x0  }
0xbb: {  	[sflag:s5] =	ssyncadd.s32 $0xFFFF8300  }
0xbc: {  	[spmem:s1] =	stream.indirect.scatter.add.f32 [tilespmem:s8], [sflag:$0x1], $0x20, s2, s8, $0xb8;
	[tilespmem:$0xCF08] =	vst v63  }
0xbd: {  	_ =	swait.ge [sflag:s5], $0x7D00  }
0xbe: {  	[sflag:s5] =	ssyncset.done $0x0  }
0xbf: {  	[sflag:s5] =	ssyncadd.s32 $0xFFFF8300  }
0xc0: {  	[tilespmem:s2], [sflag:$0x1] =	stream.linear.gather [hbm4b:s13+s2], $0x3E8, $0x38;
	[tilespmem:$0xCF08] =	vst v63  }
0xc1: {  	_ =	swait.ge [sflag:s5], $0x3E8  }
0xc2: {  	[sflag:s5] =	ssyncset.done $0x0  }
0xc3: {  	[sflag:s5] =	ssyncadd.s32 $0xFFFFFC18  }
0xc4: {  	[tilespmem:s8], [sflag:$0x1] =	stream.linear.gather [hbm4b:s11+s2], $0x7D00, $0x38;
	[tilespmem:$0xCF08] =	vst v63  }
0xc5: {  	_ =	swait.ge [sflag:s5], $0x7D00  }
0xc6: {  	[sflag:s5] =	ssyncset.done $0x0  }
0xc7: {  	[sflag:s5] =	ssyncadd.s32 $0xFFFF8300  }
0xc8: {  	[spmem:s1] =	stream.indirect.scatter.add.f32 [tilespmem:s8], [sflag:$0x1], $0x20, s2, s8, $0xb8;
	[tilespmem:$0xCF08] =	vst v63  }
0xc9: {  	_ =	swait.ge [sflag:s5], $0x7D00  }
0xca: {  	[sflag:s5] =	ssyncset.done $0x0  }
0xcb: {  	[sflag:s5] =	ssyncadd.s32 $0xFFFF8300  }
0xcc: {  	[tilespmem:s2], [sflag:$0x1] =	stream.linear.gather [hbm4b:s10+s2], $0x3E8, $0x38;
	[tilespmem:$0xCF08] =	vst v63  }
0xcd: {  	_ =	swait.ge [sflag:s5], $0x3E8  }
0xce: {  	[sflag:s5] =	ssyncset.done $0x0  }
0xcf: {  	[sflag:s5] =	ssyncadd.s32 $0xFFFFFC18  }
0xd0: {  	[tilespmem:s8], [sflag:$0x1] =	stream.linear.gather [hbm4b:s9+s2], $0x7D00, $0x38;
	[tilespmem:$0xCF08] =	vst v63  }
0xd1: {  	_ =	swait.ge [sflag:s5], $0x7D00  }
0xd2: {  	[sflag:s5] =	ssyncset.done $0x0  }
0xd3: {  	[sflag:s5] =	ssyncadd.s32 $0xFFFF8300  }
0xd4: {  	[spmem:s1] =	stream.indirect.scatter.add.f32 [tilespmem:s8], [sflag:$0x1], $0x20, s2, s8, $0xb8;
	[tilespmem:$0xCF08] =	vst v63  }
0xd5: {  	_ =	swait.ge [sflag:s5], $0x7D00  }
0xd6: {  	[sflag:s5] =	ssyncset.done $0x0  }
0xd7: {  	[sflag:s5] =	ssyncadd.s32 $0xFFFF8300  }
0xd8: {  	[tilespmem:s2], [sflag:$0x1] =	stream.linear.gather [hbm4b:s7+s2], $0x3E8, $0x38;
	[tilespmem:$0xCF08] =	vst v63  }
0xd9: {  	_ =	swait.ge [sflag:s5], $0x3E8  }
0xda: {  	[sflag:s5] =	ssyncset.done $0x0  }
0xdb: {  	[sflag:s5] =	ssyncadd.s32 $0xFFFFFC18  }
0xdc: {  	[tilespmem:s8], [sflag:$0x1] =	stream.linear.gather [hbm4b:s6+s2], $0x7D00, $0x38;
	[tilespmem:$0xCF08] =	vst v63  }
0xdd: {  	_ =	swait.ge [sflag:s5], $0x7D00  }
0xde: {  	[sflag:s5] =	ssyncset.done $0x0  }
0xdf: {  	[sflag:s5] =	ssyncadd.s32 $0xFFFF8300  }
0xe0: {  	[spmem:s1] =	stream.indirect.scatter.add.f32 [tilespmem:s8], [sflag:$0x1], $0x20, s2, s8, $0xb8;
	[tilespmem:$0xCF08] =	vst v63  }
0xe1: {  	_ =	swait.ge [sflag:s5], $0x7D00  }
0xe2: {  	[sflag:s5] =	ssyncset.done $0x0  }
0xe3: {  	[sflag:s5] =	ssyncadd.s32 $0xFFFF8300  }
0xe4: {  	[bflag:$0x0] =	sbarrier.arrive $0xFFFF  }
0xe5: {  	[hbm:s3], [sflag:s20] =	dma.local @!p0 [spmem:s4], $0x9C40  }
0xe6: {  	_ =	swait.ge @!p0 [sflag:s19], $0x9C40  }
0xe7: {  	[sflag:s19] =	ssyncset.done @!p0 $0x0  }
0xe8: {  	[sflag:s19] =	ssyncadd.s32 @!p0 $0xFFFF63C0  }
0xe9: {  	_ =	sfence.sel $0x180000  }
0xea: {  	[bflag:$0x0] =	sbarrier.arrive $0xFFFF  }
0xeb: {  	_ =	strace $0x90000056  }
0xec: {  	s0 =	sadd.s32 @!p0 $0x100000, s0;
	[bflag:$0x2] =	sbarrier.arrive $0xFFFF  }
0xed: {  	[sflag:s0] =	ssyncadd.tile.s32 @!p0 $0x1;
	_ =	shalt  }
.Lfunc_end2:
_tile_overlayer_lowered:
.L_overlay_start_2:
0xee: {  	(tag) =	ssettag $0x2  }
0xef: {  	s0 =	rddreg [dreg:$0x0];
	s2 =	stileid.u32  }
0xf0: {  	s1 =	rddreg [dreg:$0x1];
	p0 =	sne.s32 s2, $0x0  }
0xf1: {  	s3 =	rddreg [dreg:$0x2];
	[bflag:$0x3] =	sbarrier.arrive $0xFFFF;
	s2 =	simm.s32 @!p0 $0x1C01  }
0xf2: {  	[timem:s3], [sflag:s2] =	dma.local @!p0 [hbm:s0], s1  }
0xf3: {  	s0 =	simm.s32 @!p0 $0x1  }
0xf4: {  	_ =	swait.ge @!p0 [sflag:s0], s1  }
0xf5: {  	s1 =	ssub.s32 @!p0 $0x0, s1;
	[sflag:s0] =	ssyncset.done @!p0 $0x0  }
0xf6: {  	[sflag:s0] =	ssyncadd.s32 @!p0 s1  }
0xf7: {  	[bflag:$0x3] =	sbarrier.arrive $0xFFFF  }
0xf8: {  	_ =	shalt  }

</sc_bundles>
